<compile_context>
chip_gen: v7x
topology: tpu7x:2x2x1
jax: 0.10.2.dev20260603
libtpu: 0.0.44.dev20260713+nightly
codegen_flags: <defaults>
</compile_context>

<pallas_src>
import functools

import jax
import jax.numpy as jnp
from jax import lax
from jax.experimental import pallas as pl
from jax.experimental.pallas import tpu as pltpu
from jax.experimental.pallas import tpu_sc as plsc

N_NODES = 10000
N_PAD = 10240
N_CORES = 2
N_SUBCORES = 16
N_WORKERS = N_CORES * N_SUBCORES
LANES = 16
CH = 128

_GDN = lax.GatherDimensionNumbers(
    offset_dims=(), collapsed_slice_dims=(0,), start_index_map=(0,))


def _lane_perm(x, idx):
    return lax.gather(x, idx[:, None], _GDN, (1,),
                      mode=lax.GatherScatterMode.PROMISE_IN_BOUNDS)


def _lane_allsum(x, lane):
    for k in (8, 4, 2, 1):
        x = x + _lane_perm(x, lane ^ k)
    return x



def _edge_messages(bt, ef_t, W_time, b_time, W_ef, W_tf, b_edge, tile_e, e_pad):
    E = bt.shape[0]
    F = ef_t.shape[0]
    H = W_tf.shape[1]
    last = (E - 1) // tile_e

    def body(bt_ref, ef_ref, wt_ref, btm_ref, wef_ref, wtf_ref, be_ref, out_ref):
        tf = jnp.maximum(bt_ref[...][:, None] * wt_ref[...] + btm_ref[...], 0.0)
        acc = lax.dot_general(ef_ref[...], wef_ref[...],
                              (((0,), (0,)), ((), ())),
                              preferred_element_type=jnp.float32)
        acc = acc + jnp.dot(tf, wtf_ref[...], preferred_element_type=jnp.float32)
        out_ref[...] = jnp.maximum(acc + be_ref[...], 0.0)

    clamp = lambda i: jnp.minimum(i, last)
    return pl.pallas_call(
        body,
        grid=(e_pad // tile_e,),
        in_specs=[
            pl.BlockSpec((tile_e,), lambda i: (clamp(i),)),
            pl.BlockSpec((F, tile_e), lambda i: (0, clamp(i))),
            pl.BlockSpec((1, H), lambda i: (0, 0)),
            pl.BlockSpec((1, H), lambda i: (0, 0)),
            pl.BlockSpec((F, H), lambda i: (0, 0)),
            pl.BlockSpec((H, H), lambda i: (0, 0)),
            pl.BlockSpec((1, H), lambda i: (0, 0)),
        ],
        out_specs=pl.BlockSpec((tile_e, H), lambda i: (clamp(i), 0)),
        out_shape=jax.ShapeDtypeStruct((e_pad, H), jnp.float32),
    )(bt, ef_t, W_time, b_time, W_ef, W_tf, b_edge)



def _segment_sum_sc(cf, dst, zeros):
    E, H = cf.shape
    N = zeros.shape[0]
    n_chunks = E // CH
    chunks_per_w = n_chunks // N_WORKERS
    assert chunks_per_w * N_WORKERS == n_chunks and chunks_per_w % 2 == 0
    n_pairs = chunks_per_w // 2
    rows_per_sub = N // N_SUBCORES

    mesh = plsc.VectorSubcoreMesh(core_axis_name="c", subcore_axis_name="s")

    @functools.partial(
        pl.kernel,
        out_type=jax.ShapeDtypeStruct((N_CORES * N, H), jnp.float32),
        mesh=mesh,
        scratch_types=[
            pltpu.VMEM((2, CH), jnp.int32),
            pltpu.VMEM((2, CH, H), jnp.float32),
            pltpu.VMEM_SHARED((N, H), jnp.float32),
            pltpu.SemaphoreType.DMA,
            pltpu.SemaphoreType.DMA,
        ],
    )
    def k(cf_hbm, dst_hbm, z_hbm, out_hbm, idx_v, rows_v, h_sh, sem0, sem1):
        c = lax.axis_index("c")
        s = lax.axis_index("s")
        w = s * N_CORES + c
        sems = (sem0, sem1)

        sub_lo = s * rows_per_sub
        pltpu.sync_copy(z_hbm.at[pl.ds(sub_lo, rows_per_sub)],
                        h_sh.at[pl.ds(sub_lo, rows_per_sub)])
        plsc.subcore_barrier()

        def load_issue(ci, b):
            base = (w + ci * N_WORKERS) * CH
            pltpu.async_copy(dst_hbm.at[pl.ds(base, CH)], idx_v.at[b], sems[b])
            pltpu.async_copy(cf_hbm.at[pl.ds(base, CH)], rows_v.at[b], sems[b])

        def load_wait(b):
            pltpu.make_async_copy(dst_hbm.at[pl.ds(0, CH)], idx_v.at[b], sems[b]).wait()
            pltpu.make_async_copy(cf_hbm.at[pl.ds(0, CH)], rows_v.at[b], sems[b]).wait()

        def scatter(b):
            pltpu.sync_copy(rows_v.at[b], h_sh.at[idx_v.at[b]], add=True)

        load_issue(0, 0)

        def body(j, carry):
            k0 = 2 * j
            load_wait(0)
            load_issue(k0 + 1, 1)
            scatter(0)
            load_wait(1)

            @pl.when(k0 + 2 < chunks_per_w)
            def _():
                load_issue(k0 + 2, 0)

            scatter(1)
            return carry

        lax.fori_loop(0, n_pairs, body, 0)
        plsc.subcore_barrier()
        pltpu.sync_copy(h_sh.at[pl.ds(sub_lo, rows_per_sub)],
                        out_hbm.at[pl.ds(c * N + sub_lo, rows_per_sub)])

    return k(cf, dst, zeros)



def _node_embeddings(hp, W_src, b_src, W_dst, b_dst, tile_n):
    _, N, H = hp.shape

    def body(hp_ref, ws_ref, bs_ref, wd_ref, bd_ref, a_ref, b_ref):
        h = hp_ref[0] + hp_ref[1]
        a = jnp.dot(h, ws_ref[...], preferred_element_type=jnp.float32) + bs_ref[...]
        b = jnp.dot(h, wd_ref[...], preferred_element_type=jnp.float32) + bd_ref[...]
        a_ref[...] = a
        b_ref[...] = b

    return pl.pallas_call(
        body,
        grid=(N // tile_n,),
        in_specs=[
            pl.BlockSpec((2, tile_n, H), lambda i: (0, i, 0)),
            pl.BlockSpec((H, H), lambda i: (0, 0)),
            pl.BlockSpec((1, H), lambda i: (0, 0)),
            pl.BlockSpec((H, H), lambda i: (0, 0)),
            pl.BlockSpec((1, H), lambda i: (0, 0)),
        ],
        out_specs=[
            pl.BlockSpec((tile_n, H), lambda i: (i, 0)),
            pl.BlockSpec((tile_n, H), lambda i: (i, 0)),
        ],
        out_shape=[
            jax.ShapeDtypeStruct((N, H), jnp.float32),
            jax.ShapeDtypeStruct((N, H), jnp.float32),
        ],
    )(hp, W_src, b_src, W_dst, b_dst)



def _predict_sc(A, Bm, s_idx, p_idx, n_idx, w_vec, bout):
    N, H = A.shape
    Bpad = s_idx.shape[0]
    n_chunks = Bpad // CH
    NG = H // LANES
    per_pair = n_chunks // N_SUBCORES
    nc0 = (per_pair * 42 // 50) // 2 * 2
    nc1 = per_pair - nc0
    assert nc0 >= 2 and nc1 >= 2 and nc1 % 2 == 0
    assert (nc0 + nc1) * N_SUBCORES == n_chunks

    mesh = plsc.VectorSubcoreMesh(core_axis_name="c", subcore_axis_name="s")

    @functools.partial(
        pl.kernel,
        out_type=(
            jax.ShapeDtypeStruct((Bpad,), jnp.float32),
            jax.ShapeDtypeStruct((Bpad,), jnp.float32),
        ),
        mesh=mesh,
        scratch_types=[
            pltpu.VMEM((2, CH), jnp.int32),
            pltpu.VMEM((2, CH), jnp.int32),
            pltpu.VMEM((2, CH), jnp.int32),
            pltpu.VMEM((2, CH, H), jnp.float32),
            pltpu.VMEM((2, CH, H), jnp.float32),
            pltpu.VMEM((2, CH, H), jnp.float32),
            pltpu.VMEM((2, CH), jnp.float32),
            pltpu.VMEM((2, CH), jnp.float32),
            pltpu.VMEM((H,), jnp.float32),
            pltpu.VMEM((LANES,), jnp.float32),
            pltpu.SemaphoreType.DMA,
            pltpu.SemaphoreType.DMA,
            pltpu.SemaphoreType.DMA,
            pltpu.SemaphoreType.DMA,
            pltpu.SemaphoreType.DMA,
            pltpu.SemaphoreType.DMA,
        ],
    )
    def k(a_hbm, b_hbm, s_hbm, p_hbm, n_hbm, w_hbm, bo_hbm,
          pos_hbm, neg_hbm,
          si_v, pi_v, ni_v, as_v, bp_v, bn_v, po_v, ne_v, w_v, bo_v,
          smi0, smi1, smg0, smg1, sms0, sms1):
        c = lax.axis_index("c")
        sc = lax.axis_index("s")
        sem_i = (smi0, smi1)
        sem_g = (smg0, smg1)
        sem_s = (sms0, sms1)
        pltpu.sync_copy(w_hbm, w_v)
        pltpu.sync_copy(bo_hbm, bo_v)
        wregs = [w_v[pl.ds(g * LANES, LANES)] for g in range(NG)]
        bo = bo_v[...]
        lane = lax.iota(jnp.int32, LANES)

        n_my = jnp.where(c == 0, nc0, nc1)
        first_chunk = jnp.where(c == 0, sc * nc0, N_SUBCORES * nc0 + sc * nc1)

        def chunk_base(ci):
            return (first_chunk + ci) * CH

        def idx_issue(ci, b):
            base = chunk_base(ci)
            pltpu.async_copy(s_hbm.at[pl.ds(base, CH)], si_v.at[b], sem_i[b])
            pltpu.async_copy(p_hbm.at[pl.ds(base, CH)], pi_v.at[b], sem_i[b])
            pltpu.async_copy(n_hbm.at[pl.ds(base, CH)], ni_v.at[b], sem_i[b])

        def idx_wait(b):
            pltpu.make_async_copy(s_hbm.at[pl.ds(0, CH)], si_v.at[b], sem_i[b]).wait()
            pltpu.make_async_copy(p_hbm.at[pl.ds(0, CH)], pi_v.at[b], sem_i[b]).wait()
            pltpu.make_async_copy(n_hbm.at[pl.ds(0, CH)], ni_v.at[b], sem_i[b]).wait()

        def gat_issue(b):
            pltpu.async_copy(a_hbm.at[si_v.at[b]], as_v.at[b], sem_g[b])
            pltpu.async_copy(b_hbm.at[pi_v.at[b]], bp_v.at[b], sem_g[b])
            pltpu.async_copy(b_hbm.at[ni_v.at[b]], bn_v.at[b], sem_g[b])

        def gat_wait(b):
            pltpu.make_async_copy(a_hbm.at[si_v.at[b]], as_v.at[b], sem_g[b]).wait()
            pltpu.make_async_copy(b_hbm.at[pi_v.at[b]], bp_v.at[b], sem_g[b]).wait()
            pltpu.make_async_copy(b_hbm.at[ni_v.at[b]], bn_v.at[b], sem_g[b]).wait()

        def out_wait(b):
            pltpu.make_async_copy(po_v.at[b], pos_hbm.at[pl.ds(0, CH)], sem_s[b]).wait()
            pltpu.make_async_copy(ne_v.at[b], neg_hbm.at[pl.ds(0, CH)], sem_s[b]).wait()

        def compute(ci, b):
            @pl.when(ci >= 2)
            def _():
                out_wait(b)

            def grp_body(g, carry):
                def row_body(r, acc):
                    pacc, nacc = acc
                    row = g * LANES + r
                    pa = jnp.zeros((LANES,), jnp.float32)
                    na = jnp.zeros((LANES,), jnp.float32)
                    for fg in range(NG):
                        sl = pl.ds(fg * LANES, LANES)
                        av = as_v[b, row, sl]
                        pa = pa + jnp.maximum(av + bp_v[b, row, sl], 0.0) * wregs[fg]
                        na = na + jnp.maximum(av + bn_v[b, row, sl], 0.0) * wregs[fg]
                    pacc = jnp.where(lane == r, _lane_allsum(pa, lane), pacc)
                    nacc = jnp.where(lane == r, _lane_allsum(na, lane), nacc)
                    return pacc, nacc

                z = jnp.zeros((LANES,), jnp.float32)
                pacc, nacc = lax.fori_loop(0, LANES, row_body, (z, z))
                po_v[b, pl.ds(g * LANES, LANES)] = pacc + bo
                ne_v[b, pl.ds(g * LANES, LANES)] = nacc + bo
                return carry

            lax.fori_loop(0, CH // LANES, grp_body, 0)
            base = chunk_base(ci)
            pltpu.async_copy(po_v.at[b], pos_hbm.at[pl.ds(base, CH)], sem_s[b])
            pltpu.async_copy(ne_v.at[b], neg_hbm.at[pl.ds(base, CH)], sem_s[b])

        def step(ci, b, nb):
            gat_wait(b)

            @pl.when(ci + 1 < n_my)
            def _():
                idx_wait(nb)
                gat_issue(nb)

            @pl.when(ci + 2 < n_my)
            def _():
                idx_issue(ci + 2, b)

            compute(ci, b)

        base0 = chunk_base(0)
        pltpu.sync_copy(s_hbm.at[pl.ds(base0, CH)], si_v.at[0])
        pltpu.sync_copy(p_hbm.at[pl.ds(base0, CH)], pi_v.at[0])
        pltpu.sync_copy(n_hbm.at[pl.ds(base0, CH)], ni_v.at[0])
        gat_issue(0)
        idx_issue(1, 1)

        def body(j, carry):
            step(2 * j, 0, 1)
            step(2 * j + 1, 1, 0)
            return carry

        lax.fori_loop(0, n_my // 2, body, 0)
        out_wait(0)
        out_wait(1)

    return k(A, Bm, s_idx, p_idx, n_idx, w_vec, bout)



def kernel(edge_index, ef, bt, s, p, n,
           W_time, b_time, W_edge, b_edge,
           W_src, b_src, W_dst, b_dst, W_out, b_out,
           neg_samples=1):
    H = W_src.shape[0]
    F = ef.shape[1]
    B = s.shape[0]
    E = bt.shape[0]

    dst = edge_index[1]
    W_ef = W_edge[:F]
    W_tf = W_edge[F:]

    e_quantum = N_WORKERS * 2 * CH
    E_pad = ((E + e_quantum - 1) // e_quantum) * e_quantum
    dst_p = jnp.pad(dst, (0, E_pad - E), constant_values=N_NODES)

    cf = _edge_messages(bt, ef.T, W_time, b_time.reshape(1, H),
                        W_ef, W_tf, b_edge.reshape(1, H),
                        tile_e=2048, e_pad=E_pad)

    zeros = jnp.zeros((N_PAD, H), jnp.float32)
    hp = _segment_sum_sc(cf, dst_p, zeros)

    A, Bm = _node_embeddings(hp.reshape(2, N_PAD, H),
                             W_src, b_src.reshape(1, H),
                             W_dst, b_dst.reshape(1, H), tile_n=2048)

    quantum = N_WORKERS * CH
    Bpad = ((B + quantum - 1) // quantum) * quantum
    pad = Bpad - B
    sp = jnp.pad(s, (0, pad))
    pp = jnp.pad(p, (0, pad))
    np_ = jnp.pad(n, (0, pad))

    posf, negf = _predict_sc(A, Bm, sp, pp, np_,
                             W_out.reshape(H), jnp.broadcast_to(b_out, (LANES,)))
    return posf[:B, None], negf[:B, None]

# --- scband reference (transcript-rebuilt; emitter-appended) ---
"""Pipeline reference for scband-tgnn-87866440942001 (READ-ONLY COPY).

The authoritative reference and input builder live on the scoring server;
editing this copy changes nothing except your own understanding.
"""

import jax, jax.numpy as jnp
import numpy as np

N_NODES = 10000
N_EDGES = 320000
EF_DIM = 16
HIDDEN = 128
BATCH = 100000


def _xavier(k, shape, gain=1.4142135623730951):
    fan_in, fan_out = shape[0], shape[1]
    std = gain * (2.0 / (fan_in + fan_out)) ** 0.5
    return std * jax.random.normal(k, shape, dtype=jnp.float32)


def _linear_init(k, shape):
    bound = 1.0 / np.sqrt(shape[0])
    return jax.random.uniform(k, shape, dtype=jnp.float32, minval=-bound, maxval=bound)


def setup_inputs(seed: int = 0) -> dict:
    key = jax.random.key(seed)
    ks = jax.random.split(key, 16)
    edge_index = jax.random.randint(ks[0], (2, N_EDGES), 0, N_NODES, dtype=jnp.int32)
    ef = jax.random.normal(ks[1], (N_EDGES, EF_DIM), dtype=jnp.float32)
    bt = jax.random.uniform(ks[2], (N_EDGES,), dtype=jnp.float32)
    s = jax.random.randint(ks[3], (BATCH,), 0, N_NODES, dtype=jnp.int32)
    p = jax.random.randint(ks[4], (BATCH,), 0, N_NODES, dtype=jnp.int32)
    n = jax.random.randint(ks[5], (BATCH,), 0, N_NODES, dtype=jnp.int32)
    W_time = _xavier(ks[6], (1, HIDDEN))
    b_time = jnp.zeros((HIDDEN,), dtype=jnp.float32)
    W_edge = _xavier(ks[7], (EF_DIM + HIDDEN, HIDDEN))
    b_edge = jnp.zeros((HIDDEN,), dtype=jnp.float32)
    W_src = _linear_init(ks[8], (HIDDEN, HIDDEN))
    b_src = _linear_init(ks[9], (HIDDEN,))
    W_dst = _linear_init(ks[10], (HIDDEN, HIDDEN))
    b_dst = _linear_init(ks[11], (HIDDEN,))
    W_out = _linear_init(ks[12], (HIDDEN, 1))
    b_out = _linear_init(ks[13], (1,))
    return {
        'edge_index': edge_index, 'ef': ef, 'bt': bt,
        's': s, 'p': p, 'n': n,
        'W_time': W_time, 'b_time': b_time,
        'W_edge': W_edge, 'b_edge': b_edge,
        'W_src': W_src, 'b_src': b_src,
        'W_dst': W_dst, 'b_dst': b_dst,
        'W_out': W_out, 'b_out': b_out,
        'neg_samples': 1,
    }


def reference(edge_index, ef, bt, s, p, n,
              W_time, b_time, W_edge, b_edge,
              W_src, b_src, W_dst, b_dst, W_out, b_out,
              neg_samples=1):
    # timeEncode: Linear(1, hidden) + ReLU on per-edge timestamps
    tf = jax.nn.relu(bt[:, None] @ W_time + b_time)            # [E, H]
    # timedEdge: Linear(ef_dim + hidden, hidden) + ReLU -> edge messages 'cf'
    cf = jax.nn.relu(jnp.concatenate([ef, tf], axis=1) @ W_edge + b_edge)  # [E, H]
    # update_all(copy_e('cf','msg'), sum('msg','h')): scatter-add messages to dst nodes
    h = jax.ops.segment_sum(cf, edge_index[1], num_segments=N_NODES)       # [N, H]
    # gather embeddings for src / pos-dst / neg-dst roots
    s_emb = jnp.take(h, s, axis=0)
    p_emb = jnp.take(h, p, axis=0)
    n_emb = jnp.take(h, n, axis=0)
    # EdgePredictor
    hs = s_emb @ W_src + b_src
    hp = p_emb @ W_dst + b_dst
    hn = n_emb @ W_dst + b_dst
    pos = jax.nn.relu(hs + hp) @ W_out + b_out
    reps = jnp.asarray(neg_samples, jnp.int32)
    unit = (reps // reps).astype(hs.dtype)
    neg = jax.nn.relu(jnp.tile(hs, (1, 1)) * unit + hn) @ W_out + b_out
    return (pos, neg)

if __name__ == "__main__":
    import jax
    _d = setup_inputs()
    print(jax.jit(kernel)(*tuple(_d.values())))

</pallas_src>

<mosaic_0001>
#map = affine_map<(d0, d1) -> (0, 0)>
#map1 = affine_map<(d0, d1) -> (0)>
module attributes {stable_mosaic.version = 14 : i64} {
  func.func @k(%arg0: i32, %arg1: i32, %arg2: memref<327680x128xf32, #tpu.memory_space<hbm>>, %arg3: memref<327680xi32, #tpu.memory_space<hbm>>, %arg4: memref<10240x128xf32, #tpu.memory_space<hbm>>, %arg5: memref<20480x128xf32, #tpu.memory_space<hbm>>, %arg6: memref<2x128xi32, #tpu.memory_space<vmem>>, %arg7: memref<2x128x128xf32, #tpu.memory_space<vmem>>, %arg8: memref<10240x128xf32, #tpu.memory_space<vmem_shared>>, %arg9: memref<!tpu.dma_semaphore, #tpu.memory_space<semaphore_mem>>, %arg10: memref<!tpu.dma_semaphore, #tpu.memory_space<semaphore_mem>>) attributes {dimension_semantics = [#tpu.dimension_semantics<core_parallel>, #tpu.dimension_semantics<subcore_parallel>], iteration_bounds = array<i64: 2, 16>, scalar_prefetch = 0 : i64, scratch_operands = 5 : i64, tpu.core_type = #tpu.core_type<sc_vector_subcore>, window_params = [{transform_indices = #map}, {transform_indices = #map1}, {transform_indices = #map}, {transform_indices = #map}]} {
    %mul3A = arith.constant 2 : i32
    %mul3A_0 = arith.muli %arg1, %mul3A : i32
    %add3A = arith.addi %mul3A_0, %arg0 : i32
    %mul3A_1 = arith.constant 640 : i32
    %mul3A_2 = arith.muli %arg1, %mul3A_1 : i32
    "tpu.region"() ({
      %run_scoped3A = tpu.sem_alloc : memref<!tpu.dma_semaphore, #tpu.memory_space<semaphore_mem>>
      %dma_start3A_37 = arith.constant 0 : i32
      %dma_start3A_38 = tpu.memref_slice %arg8[%mul3A_2, %dma_start3A_37] : memref<10240x128xf32, #tpu.memory_space<vmem_shared>> -> memref<640x128xf32, #tpu.memory_space<vmem_shared>>
      %dma_start3A_39 = arith.constant 0 : i32
      %dma_start3A_40 = tpu.memref_slice %arg4[%mul3A_2, %dma_start3A_39] : memref<10240x128xf32, #tpu.memory_space<hbm>> -> memref<640x128xf32, #tpu.memory_space<hbm>>
      tpu.enqueue_dma source(%dma_start3A_40 : memref<640x128xf32, #tpu.memory_space<hbm>>) target(%dma_start3A_38 : memref<640x128xf32, #tpu.memory_space<vmem_shared>>) target_semaphore(%run_scoped3A : memref<!tpu.dma_semaphore, #tpu.memory_space<semaphore_mem>>)
      %dma_wait3A = arith.constant 0 : i32
      %dma_wait3A_41 = tpu.memref_slice %arg8[%mul3A_2, %dma_wait3A] : memref<10240x128xf32, #tpu.memory_space<vmem_shared>> -> memref<640x128xf32, #tpu.memory_space<vmem_shared>>
      %dma_wait3A_42 = arith.constant 0 : i32
      %dma_wait3A_43 = tpu.memref_slice %arg4[%mul3A_2, %dma_wait3A_42] : memref<10240x128xf32, #tpu.memory_space<hbm>> -> memref<640x128xf32, #tpu.memory_space<hbm>>
      tpu.wait_dma2 semaphore(%run_scoped3A : memref<!tpu.dma_semaphore, #tpu.memory_space<semaphore_mem>>) src(%dma_wait3A_43 : memref<640x128xf32, #tpu.memory_space<hbm>>) dst(%dma_wait3A_41 : memref<640x128xf32, #tpu.memory_space<vmem_shared>>)
      tpu.yield
    }) : () -> ()
    %barrier3A = arith.constant 0 : index
    tpu.barrier barrier_id(%barrier3A)
    %add3A_3 = arith.constant 0 : i32
    %add3A_4 = arith.addi %add3A, %add3A_3 : i32
    %mul3A_5 = arith.constant 128 : i32
    %mul3A_6 = arith.muli %add3A_4, %mul3A_5 : i32
    %dma_start3A = arith.constant 0 : i32
    %dma_start3A_7 = arith.constant 0 : i32
    %dma_start3A_8 = tpu.memref_slice %arg6[%dma_start3A, %dma_start3A_7] : memref<2x128xi32, #tpu.memory_space<vmem>> -> memref<1x128xi32, #tpu.memory_space<vmem>>
    %dma_start3A_9 = tpu.memref_squeeze %dma_start3A_8 : memref<1x128xi32, #tpu.memory_space<vmem>> -> memref<128xi32, #tpu.memory_space<vmem>>
    %dma_start3A_10 = tpu.memref_slice %arg3[%mul3A_6] : memref<327680xi32, #tpu.memory_space<hbm>> -> memref<128xi32, #tpu.memory_space<hbm>>
    %dma_start3A_11 = arith.constant 0 : i32
    %dma_start3A_12 = tpu.memref_slice %arg6[%dma_start3A, %dma_start3A_11] : memref<2x128xi32, #tpu.memory_space<vmem>> -> memref<1x128xi32, #tpu.memory_space<vmem>>
    %dma_start3A_13 = tpu.memref_squeeze %dma_start3A_12 : memref<1x128xi32, #tpu.memory_space<vmem>> -> memref<128xi32, #tpu.memory_space<vmem>>
    %dma_start3A_14 = tpu.memref_slice %arg3[%mul3A_6] : memref<327680xi32, #tpu.memory_space<hbm>> -> memref<128xi32, #tpu.memory_space<hbm>>
    tpu.enqueue_dma source(%dma_start3A_14 : memref<128xi32, #tpu.memory_space<hbm>>) target(%dma_start3A_13 : memref<128xi32, #tpu.memory_space<vmem>>) target_semaphore(%arg9 : memref<!tpu.dma_semaphore, #tpu.memory_space<semaphore_mem>>)
    %dma_start3A_15 = arith.constant 0 : i32
    %dma_start3A_16 = arith.constant 0 : i32
    %dma_start3A_17 = arith.constant 0 : i32
    %dma_start3A_18 = tpu.memref_slice %arg7[%dma_start3A_15, %dma_start3A_16, %dma_start3A_17] : memref<2x128x128xf32, #tpu.memory_space<vmem>> -> memref<1x128x128xf32, #tpu.memory_space<vmem>>
    %dma_start3A_19 = tpu.memref_squeeze %dma_start3A_18 : memref<1x128x128xf32, #tpu.memory_space<vmem>> -> memref<128x128xf32, #tpu.memory_space<vmem>>
    %dma_start3A_20 = arith.constant 0 : i32
    %dma_start3A_21 = tpu.memref_slice %arg2[%mul3A_6, %dma_start3A_20] : memref<327680x128xf32, #tpu.memory_space<hbm>> -> memref<128x128xf32, #tpu.memory_space<hbm>>
    %dma_start3A_22 = arith.constant 0 : i32
    %dma_start3A_23 = arith.constant 0 : i32
    %dma_start3A_24 = tpu.memref_slice %arg7[%dma_start3A_15, %dma_start3A_22, %dma_start3A_23] : memref<2x128x128xf32, #tpu.memory_space<vmem>> -> memref<1x128x128xf32, #tpu.memory_space<vmem>>
    %dma_start3A_25 = tpu.memref_squeeze %dma_start3A_24 : memref<1x128x128xf32, #tpu.memory_space<vmem>> -> memref<128x128xf32, #tpu.memory_space<vmem>>
    %dma_start3A_26 = arith.constant 0 : i32
    %dma_start3A_27 = tpu.memref_slice %arg2[%mul3A_6, %dma_start3A_26] : memref<327680x128xf32, #tpu.memory_space<hbm>> -> memref<128x128xf32, #tpu.memory_space<hbm>>
    tpu.enqueue_dma source(%dma_start3A_27 : memref<128x128xf32, #tpu.memory_space<hbm>>) target(%dma_start3A_25 : memref<128x128xf32, #tpu.memory_space<vmem>>) target_semaphore(%arg9 : memref<!tpu.dma_semaphore, #tpu.memory_space<semaphore_mem>>)
    %scan3A = arith.constant 0 : i32
    %scan3A_28 = arith.constant 0 : i32
    %scan3A_29 = arith.constant 40 : i32
    %scan3A_30 = arith.addi %scan3A_28, %scan3A_29 : i32
    %scan3A_31 = arith.constant 1 : i32
    scf.for %scan3A_37 = %scan3A_28 to %scan3A_30 step %scan3A_31  : i32 {
      %mul3A_38 = arith.constant 2 : i32
      %mul3A_39 = arith.muli %mul3A_38, %scan3A_37 : i32
      %dma_wait3A = arith.constant 0 : i32
      %dma_wait3A_40 = arith.constant 0 : i32
      %dma_wait3A_41 = tpu.memref_slice %arg6[%dma_wait3A, %dma_wait3A_40] : memref<2x128xi32, #tpu.memory_space<vmem>> -> memref<1x128xi32, #tpu.memory_space<vmem>>
      %dma_wait3A_42 = tpu.memref_squeeze %dma_wait3A_41 : memref<1x128xi32, #tpu.memory_space<vmem>> -> memref<128xi32, #tpu.memory_space<vmem>>
      %dma_wait3A_43 = arith.constant 0 : i32
      %dma_wait3A_44 = tpu.memref_slice %arg3[%dma_wait3A_43] : memref<327680xi32, #tpu.memory_space<hbm>> -> memref<128xi32, #tpu.memory_space<hbm>>
      %dma_wait3A_45 = arith.constant 0 : i32
      %dma_wait3A_46 = tpu.memref_slice %arg6[%dma_wait3A, %dma_wait3A_45] : memref<2x128xi32, #tpu.memory_space<vmem>> -> memref<1x128xi32, #tpu.memory_space<vmem>>
      %dma_wait3A_47 = tpu.memref_squeeze %dma_wait3A_46 : memref<1x128xi32, #tpu.memory_space<vmem>> -> memref<128xi32, #tpu.memory_space<vmem>>
      %dma_wait3A_48 = arith.constant 0 : i32
      %dma_wait3A_49 = tpu.memref_slice %arg3[%dma_wait3A_48] : memref<327680xi32, #tpu.memory_space<hbm>> -> memref<128xi32, #tpu.memory_space<hbm>>
      tpu.wait_dma2 semaphore(%arg9 : memref<!tpu.dma_semaphore, #tpu.memory_space<semaphore_mem>>) src(%dma_wait3A_49 : memref<128xi32, #tpu.memory_space<hbm>>) dst(%dma_wait3A_47 : memref<128xi32, #tpu.memory_space<vmem>>)
      %dma_wait3A_50 = arith.constant 0 : i32
      %dma_wait3A_51 = arith.constant 0 : i32
      %dma_wait3A_52 = arith.constant 0 : i32
      %dma_wait3A_53 = tpu.memref_slice %arg7[%dma_wait3A_50, %dma_wait3A_51, %dma_wait3A_52] : memref<2x128x128xf32, #tpu.memory_space<vmem>> -> memref<1x128x128xf32, #tpu.memory_space<vmem>>
      %dma_wait3A_54 = tpu.memref_squeeze %dma_wait3A_53 : memref<1x128x128xf32, #tpu.memory_space<vmem>> -> memref<128x128xf32, #tpu.memory_space<vmem>>
      %dma_wait3A_55 = arith.constant 0 : i32
      %dma_wait3A_56 = arith.constant 0 : i32
      %dma_wait3A_57 = tpu.memref_slice %arg2[%dma_wait3A_55, %dma_wait3A_56] : memref<327680x128xf32, #tpu.memory_space<hbm>> -> memref<128x128xf32, #tpu.memory_space<hbm>>
      %dma_wait3A_58 = arith.constant 0 : i32
      %dma_wait3A_59 = arith.constant 0 : i32
      %dma_wait3A_60 = tpu.memref_slice %arg7[%dma_wait3A_50, %dma_wait3A_58, %dma_wait3A_59] : memref<2x128x128xf32, #tpu.memory_space<vmem>> -> memref<1x128x128xf32, #tpu.memory_space<vmem>>
      %dma_wait3A_61 = tpu.memref_squeeze %dma_wait3A_60 : memref<1x128x128xf32, #tpu.memory_space<vmem>> -> memref<128x128xf32, #tpu.memory_space<vmem>>
      %dma_wait3A_62 = arith.constant 0 : i32
      %dma_wait3A_63 = arith.constant 0 : i32
      %dma_wait3A_64 = tpu.memref_slice %arg2[%dma_wait3A_62, %dma_wait3A_63] : memref<327680x128xf32, #tpu.memory_space<hbm>> -> memref<128x128xf32, #tpu.memory_space<hbm>>
      tpu.wait_dma2 semaphore(%arg9 : memref<!tpu.dma_semaphore, #tpu.memory_space<semaphore_mem>>) src(%dma_wait3A_64 : memref<128x128xf32, #tpu.memory_space<hbm>>) dst(%dma_wait3A_61 : memref<128x128xf32, #tpu.memory_space<vmem>>)
      %add3A_65 = arith.constant 1 : i32
      %add3A_66 = arith.addi %mul3A_39, %add3A_65 : i32
      %mul3A_67 = arith.constant 32 : i32
      %mul3A_68 = arith.muli %add3A_66, %mul3A_67 : i32
      %add3A_69 = arith.addi %add3A, %mul3A_68 : i32
      %mul3A_70 = arith.constant 128 : i32
      %mul3A_71 = arith.muli %add3A_69, %mul3A_70 : i32
      %dma_start3A_72 = arith.constant 1 : i32
      %dma_start3A_73 = arith.constant 0 : i32
      %dma_start3A_74 = tpu.memref_slice %arg6[%dma_start3A_72, %dma_start3A_73] : memref<2x128xi32, #tpu.memory_space<vmem>> -> memref<1x128xi32, #tpu.memory_space<vmem>>
      %dma_start3A_75 = tpu.memref_squeeze %dma_start3A_74 : memref<1x128xi32, #tpu.memory_space<vmem>> -> memref<128xi32, #tpu.memory_space<vmem>>
      %dma_start3A_76 = tpu.memref_slice %arg3[%mul3A_71] : memref<327680xi32, #tpu.memory_space<hbm>> -> memref<128xi32, #tpu.memory_space<hbm>>
      %dma_start3A_77 = arith.constant 0 : i32
      %dma_start3A_78 = tpu.memref_slice %arg6[%dma_start3A_72, %dma_start3A_77] : memref<2x128xi32, #tpu.memory_space<vmem>> -> memref<1x128xi32, #tpu.memory_space<vmem>>
      %dma_start3A_79 = tpu.memref_squeeze %dma_start3A_78 : memref<1x128xi32, #tpu.memory_space<vmem>> -> memref<128xi32, #tpu.memory_space<vmem>>
      %dma_start3A_80 = tpu.memref_slice %arg3[%mul3A_71] : memref<327680xi32, #tpu.memory_space<hbm>> -> memref<128xi32, #tpu.memory_space<hbm>>
      tpu.enqueue_dma source(%dma_start3A_80 : memref<128xi32, #tpu.memory_space<hbm>>) target(%dma_start3A_79 : memref<128xi32, #tpu.memory_space<vmem>>) target_semaphore(%arg10 : memref<!tpu.dma_semaphore, #tpu.memory_space<semaphore_mem>>)
      %dma_start3A_81 = arith.constant 1 : i32
      %dma_start3A_82 = arith.constant 0 : i32
      %dma_start3A_83 = arith.constant 0 : i32
      %dma_start3A_84 = tpu.memref_slice %arg7[%dma_start3A_81, %dma_start3A_82, %dma_start3A_83] : memref<2x128x128xf32, #tpu.memory_space<vmem>> -> memref<1x128x128xf32, #tpu.memory_space<vmem>>
      %dma_start3A_85 = tpu.memref_squeeze %dma_start3A_84 : memref<1x128x128xf32, #tpu.memory_space<vmem>> -> memref<128x128xf32, #tpu.memory_space<vmem>>
      %dma_start3A_86 = arith.constant 0 : i32
      %dma_start3A_87 = tpu.memref_slice %arg2[%mul3A_71, %dma_start3A_86] : memref<327680x128xf32, #tpu.memory_space<hbm>> -> memref<128x128xf32, #tpu.memory_space<hbm>>
      %dma_start3A_88 = arith.constant 0 : i32
      %dma_start3A_89 = arith.constant 0 : i32
      %dma_start3A_90 = tpu.memref_slice %arg7[%dma_start3A_81, %dma_start3A_88, %dma_start3A_89] : memref<2x128x128xf32, #tpu.memory_space<vmem>> -> memref<1x128x128xf32, #tpu.memory_space<vmem>>
      %dma_start3A_91 = tpu.memref_squeeze %dma_start3A_90 : memref<1x128x128xf32, #tpu.memory_space<vmem>> -> memref<128x128xf32, #tpu.memory_space<vmem>>
      %dma_start3A_92 = arith.constant 0 : i32
      %dma_start3A_93 = tpu.memref_slice %arg2[%mul3A_71, %dma_start3A_92] : memref<327680x128xf32, #tpu.memory_space<hbm>> -> memref<128x128xf32, #tpu.memory_space<hbm>>
      tpu.enqueue_dma source(%dma_start3A_93 : memref<128x128xf32, #tpu.memory_space<hbm>>) target(%dma_start3A_91 : memref<128x128xf32, #tpu.memory_space<vmem>>) target_semaphore(%arg10 : memref<!tpu.dma_semaphore, #tpu.memory_space<semaphore_mem>>)
      %run_scoped3A = arith.constant 0 : i32
      %run_scoped3A_94 = arith.constant 0 : i32
      "tpu.region"() ({
        %run_scoped3A_127 = tpu.sem_alloc : memref<!tpu.dma_semaphore, #tpu.memory_space<semaphore_mem>>
        %dma_start3A_128 = arith.constant 0 : i32
        %dma_start3A_129 = arith.constant 0 : i32
        %dma_start3A_130 = tpu.memref_slice %arg7[%run_scoped3A, %dma_start3A_128, %dma_start3A_129] : memref<2x128x128xf32, #tpu.memory_space<vmem>> -> memref<1x128x128xf32, #tpu.memory_space<vmem>>
        %dma_start3A_131 = tpu.memref_squeeze %dma_start3A_130 : memref<1x128x128xf32, #tpu.memory_space<vmem>> -> memref<128x128xf32, #tpu.memory_space<vmem>>
        %dma_start3A_132 = arith.constant 0 : i32
        %dma_start3A_133 = tpu.memref_slice %arg6[%run_scoped3A_94, %dma_start3A_132] : memref<2x128xi32, #tpu.memory_space<vmem>> -> memref<1x128xi32, #tpu.memory_space<vmem>>
        %dma_start3A_134 = tpu.memref_squeeze %dma_start3A_133 : memref<1x128xi32, #tpu.memory_space<vmem>> -> memref<128xi32, #tpu.memory_space<vmem>>
        %dma_start3A_135 = arith.constant 0 : i32
        %dma_start3A_136 = arith.constant 0 : i32
        %dma_start3A_137 = tpu.memref_slice %arg8[%dma_start3A_135, %dma_start3A_136] : memref<10240x128xf32, #tpu.memory_space<vmem_shared>> -> memref<10240x128xf32, #tpu.memory_space<vmem_shared>>
        tpu.enqueue_indirect_dma source(%dma_start3A_131 : memref<128x128xf32, #tpu.memory_space<vmem>>) target(%dma_start3A_137 : memref<10240x128xf32, #tpu.memory_space<vmem_shared>>) offsets(%dma_start3A_134 : memref<128xi32, #tpu.memory_space<vmem>>) semaphore(%run_scoped3A_127 : memref<!tpu.dma_semaphore, #tpu.memory_space<semaphore_mem>>) {add = true}
        %dma_wait3A_138 = arith.constant 0 : i32
        %dma_wait3A_139 = arith.constant 0 : i32
        %dma_wait3A_140 = tpu.memref_slice %arg7[%run_scoped3A, %dma_wait3A_138, %dma_wait3A_139] : memref<2x128x128xf32, #tpu.memory_space<vmem>> -> memref<1x128x128xf32, #tpu.memory_space<vmem>>
        %dma_wait3A_141 = tpu.memref_squeeze %dma_wait3A_140 : memref<1x128x128xf32, #tpu.memory_space<vmem>> -> memref<128x128xf32, #tpu.memory_space<vmem>>
        %dma_wait3A_142 = arith.constant 0 : i32
        %dma_wait3A_143 = tpu.memref_slice %arg6[%run_scoped3A_94, %dma_wait3A_142] : memref<2x128xi32, #tpu.memory_space<vmem>> -> memref<1x128xi32, #tpu.memory_space<vmem>>
        %dma_wait3A_144 = tpu.memref_squeeze %dma_wait3A_143 : memref<1x128xi32, #tpu.memory_space<vmem>> -> memref<128xi32, #tpu.memory_space<vmem>>
        %dma_wait3A_145 = arith.constant 0 : i32
        %dma_wait3A_146 = arith.constant 0 : i32
        %dma_wait3A_147 = tpu.memref_slice %arg8[%dma_wait3A_145, %dma_wait3A_146] : memref<10240x128xf32, #tpu.memory_space<vmem_shared>> -> memref<10240x128xf32, #tpu.memory_space<vmem_shared>>
        tpu.wait_indirect_dma semaphore(%run_scoped3A_127 : memref<!tpu.dma_semaphore, #tpu.memory_space<semaphore_mem>>) src(%dma_wait3A_141 : memref<128x128xf32, #tpu.memory_space<vmem>>) dst(%dma_wait3A_147 : memref<10240x128xf32, #tpu.memory_space<vmem_shared>>)
        tpu.yield
      }) : () -> ()
      %dma_wait3A_95 = arith.constant 1 : i32
      %dma_wait3A_96 = arith.constant 0 : i32
      %dma_wait3A_97 = tpu.memref_slice %arg6[%dma_wait3A_95, %dma_wait3A_96] : memref<2x128xi32, #tpu.memory_space<vmem>> -> memref<1x128xi32, #tpu.memory_space<vmem>>
      %dma_wait3A_98 = tpu.memref_squeeze %dma_wait3A_97 : memref<1x128xi32, #tpu.memory_space<vmem>> -> memref<128xi32, #tpu.memory_space<vmem>>
      %dma_wait3A_99 = arith.constant 0 : i32
      %dma_wait3A_100 = tpu.memref_slice %arg3[%dma_wait3A_99] : memref<327680xi32, #tpu.memory_space<hbm>> -> memref<128xi32, #tpu.memory_space<hbm>>
      %dma_wait3A_101 = arith.constant 0 : i32
      %dma_wait3A_102 = tpu.memref_slice %arg6[%dma_wait3A_95, %dma_wait3A_101] : memref<2x128xi32, #tpu.memory_space<vmem>> -> memref<1x128xi32, #tpu.memory_space<vmem>>
      %dma_wait3A_103 = tpu.memref_squeeze %dma_wait3A_102 : memref<1x128xi32, #tpu.memory_space<vmem>> -> memref<128xi32, #tpu.memory_space<vmem>>
      %dma_wait3A_104 = arith.constant 0 : i32
      %dma_wait3A_105 = tpu.memref_slice %arg3[%dma_wait3A_104] : memref<327680xi32, #tpu.memory_space<hbm>> -> memref<128xi32, #tpu.memory_space<hbm>>
      tpu.wait_dma2 semaphore(%arg10 : memref<!tpu.dma_semaphore, #tpu.memory_space<semaphore_mem>>) src(%dma_wait3A_105 : memref<128xi32, #tpu.memory_space<hbm>>) dst(%dma_wait3A_103 : memref<128xi32, #tpu.memory_space<vmem>>)
      %dma_wait3A_106 = arith.constant 1 : i32
      %dma_wait3A_107 = arith.constant 0 : i32
      %dma_wait3A_108 = arith.constant 0 : i32
      %dma_wait3A_109 = tpu.memref_slice %arg7[%dma_wait3A_106, %dma_wait3A_107, %dma_wait3A_108] : memref<2x128x128xf32, #tpu.memory_space<vmem>> -> memref<1x128x128xf32, #tpu.memory_space<vmem>>
      %dma_wait3A_110 = tpu.memref_squeeze %dma_wait3A_109 : memref<1x128x128xf32, #tpu.memory_space<vmem>> -> memref<128x128xf32, #tpu.memory_space<vmem>>
      %dma_wait3A_111 = arith.constant 0 : i32
      %dma_wait3A_112 = arith.constant 0 : i32
      %dma_wait3A_113 = tpu.memref_slice %arg2[%dma_wait3A_111, %dma_wait3A_112] : memref<327680x128xf32, #tpu.memory_space<hbm>> -> memref<128x128xf32, #tpu.memory_space<hbm>>
      %dma_wait3A_114 = arith.constant 0 : i32
      %dma_wait3A_115 = arith.constant 0 : i32
      %dma_wait3A_116 = tpu.memref_slice %arg7[%dma_wait3A_106, %dma_wait3A_114, %dma_wait3A_115] : memref<2x128x128xf32, #tpu.memory_space<vmem>> -> memref<1x128x128xf32, #tpu.memory_space<vmem>>
      %dma_wait3A_117 = tpu.memref_squeeze %dma_wait3A_116 : memref<1x128x128xf32, #tpu.memory_space<vmem>> -> memref<128x128xf32, #tpu.memory_space<vmem>>
      %dma_wait3A_118 = arith.constant 0 : i32
      %dma_wait3A_119 = arith.constant 0 : i32
      %dma_wait3A_120 = tpu.memref_slice %arg2[%dma_wait3A_118, %dma_wait3A_119] : memref<327680x128xf32, #tpu.memory_space<hbm>> -> memref<128x128xf32, #tpu.memory_space<hbm>>
      tpu.wait_dma2 semaphore(%arg10 : memref<!tpu.dma_semaphore, #tpu.memory_space<semaphore_mem>>) src(%dma_wait3A_120 : memref<128x128xf32, #tpu.memory_space<hbm>>) dst(%dma_wait3A_117 : memref<128x128xf32, #tpu.memory_space<vmem>>)
      %add3A_121 = arith.constant 2 : i32
      %add3A_122 = arith.addi %mul3A_39, %add3A_121 : i32
      %lt3A = arith.constant 80 : i32
      %lt3A_123 = arith.cmpi slt, %add3A_122, %lt3A : i32
      %convert_element_type3A = arith.extui %lt3A_123 : i1 to i32
      %cond3A = arith.constant 0 : i32
      %cond3A_124 = arith.cmpi ne, %convert_element_type3A, %cond3A : i32
      scf.if %cond3A_124 {
        %add3A_127 = arith.constant 2 : i32
        %add3A_128 = arith.addi %mul3A_39, %add3A_127 : i32
        %mul3A_129 = arith.constant 32 : i32
        %mul3A_130 = arith.muli %add3A_128, %mul3A_129 : i32
        %add3A_131 = arith.addi %add3A, %mul3A_130 : i32
        %mul3A_132 = arith.constant 128 : i32
        %mul3A_133 = arith.muli %add3A_131, %mul3A_132 : i32
        %dma_start3A_134 = arith.constant 0 : i32
        %dma_start3A_135 = arith.constant 0 : i32
        %dma_start3A_136 = tpu.memref_slice %arg6[%dma_start3A_134, %dma_start3A_135] : memref<2x128xi32, #tpu.memory_space<vmem>> -> memref<1x128xi32, #tpu.memory_space<vmem>>
        %dma_start3A_137 = tpu.memref_squeeze %dma_start3A_136 : memref<1x128xi32, #tpu.memory_space<vmem>> -> memref<128xi32, #tpu.memory_space<vmem>>
        %dma_start3A_138 = tpu.memref_slice %arg3[%mul3A_133] : memref<327680xi32, #tpu.memory_space<hbm>> -> memref<128xi32, #tpu.memory_space<hbm>>
        %dma_start3A_139 = arith.constant 0 : i32
        %dma_start3A_140 = tpu.memref_slice %arg6[%dma_start3A_134, %dma_start3A_139] : memref<2x128xi32, #tpu.memory_space<vmem>> -> memref<1x128xi32, #tpu.memory_space<vmem>>
        %dma_start3A_141 = tpu.memref_squeeze %dma_start3A_140 : memref<1x128xi32, #tpu.memory_space<vmem>> -> memref<128xi32, #tpu.memory_space<vmem>>
        %dma_start3A_142 = tpu.memref_slice %arg3[%mul3A_133] : memref<327680xi32, #tpu.memory_space<hbm>> -> memref<128xi32, #tpu.memory_space<hbm>>
        tpu.enqueue_dma source(%dma_start3A_142 : memref<128xi32, #tpu.memory_space<hbm>>) target(%dma_start3A_141 : memref<128xi32, #tpu.memory_space<vmem>>) target_semaphore(%arg9 : memref<!tpu.dma_semaphore, #tpu.memory_space<semaphore_mem>>)
        %dma_start3A_143 = arith.constant 0 : i32
        %dma_start3A_144 = arith.constant 0 : i32
        %dma_start3A_145 = arith.constant 0 : i32
        %dma_start3A_146 = tpu.memref_slice %arg7[%dma_start3A_143, %dma_start3A_144, %dma_start3A_145] : memref<2x128x128xf32, #tpu.memory_space<vmem>> -> memref<1x128x128xf32, #tpu.memory_space<vmem>>
        %dma_start3A_147 = tpu.memref_squeeze %dma_start3A_146 : memref<1x128x128xf32, #tpu.memory_space<vmem>> -> memref<128x128xf32, #tpu.memory_space<vmem>>
        %dma_start3A_148 = arith.constant 0 : i32
        %dma_start3A_149 = tpu.memref_slice %arg2[%mul3A_133, %dma_start3A_148] : memref<327680x128xf32, #tpu.memory_space<hbm>> -> memref<128x128xf32, #tpu.memory_space<hbm>>
        %dma_start3A_150 = arith.constant 0 : i32
        %dma_start3A_151 = arith.constant 0 : i32
        %dma_start3A_152 = tpu.memref_slice %arg7[%dma_start3A_143, %dma_start3A_150, %dma_start3A_151] : memref<2x128x128xf32, #tpu.memory_space<vmem>> -> memref<1x128x128xf32, #tpu.memory_space<vmem>>
        %dma_start3A_153 = tpu.memref_squeeze %dma_start3A_152 : memref<1x128x128xf32, #tpu.memory_space<vmem>> -> memref<128x128xf32, #tpu.memory_space<vmem>>
        %dma_start3A_154 = arith.constant 0 : i32
        %dma_start3A_155 = tpu.memref_slice %arg2[%mul3A_133, %dma_start3A_154] : memref<327680x128xf32, #tpu.memory_space<hbm>> -> memref<128x128xf32, #tpu.memory_space<hbm>>
        tpu.enqueue_dma source(%dma_start3A_155 : memref<128x128xf32, #tpu.memory_space<hbm>>) target(%dma_start3A_153 : memref<128x128xf32, #tpu.memory_space<vmem>>) target_semaphore(%arg9 : memref<!tpu.dma_semaphore, #tpu.memory_space<semaphore_mem>>)
      } else {
      }
      %run_scoped3A_125 = arith.constant 1 : i32
      %run_scoped3A_126 = arith.constant 1 : i32
      "tpu.region"() ({
        %run_scoped3A_127 = tpu.sem_alloc : memref<!tpu.dma_semaphore, #tpu.memory_space<semaphore_mem>>
        %dma_start3A_128 = arith.constant 0 : i32
        %dma_start3A_129 = arith.constant 0 : i32
        %dma_start3A_130 = tpu.memref_slice %arg7[%run_scoped3A_125, %dma_start3A_128, %dma_start3A_129] : memref<2x128x128xf32, #tpu.memory_space<vmem>> -> memref<1x128x128xf32, #tpu.memory_space<vmem>>
        %dma_start3A_131 = tpu.memref_squeeze %dma_start3A_130 : memref<1x128x128xf32, #tpu.memory_space<vmem>> -> memref<128x128xf32, #tpu.memory_space<vmem>>
        %dma_start3A_132 = arith.constant 0 : i32
        %dma_start3A_133 = tpu.memref_slice %arg6[%run_scoped3A_126, %dma_start3A_132] : memref<2x128xi32, #tpu.memory_space<vmem>> -> memref<1x128xi32, #tpu.memory_space<vmem>>
        %dma_start3A_134 = tpu.memref_squeeze %dma_start3A_133 : memref<1x128xi32, #tpu.memory_space<vmem>> -> memref<128xi32, #tpu.memory_space<vmem>>
        %dma_start3A_135 = arith.constant 0 : i32
        %dma_start3A_136 = arith.constant 0 : i32
        %dma_start3A_137 = tpu.memref_slice %arg8[%dma_start3A_135, %dma_start3A_136] : memref<10240x128xf32, #tpu.memory_space<vmem_shared>> -> memref<10240x128xf32, #tpu.memory_space<vmem_shared>>
        tpu.enqueue_indirect_dma source(%dma_start3A_131 : memref<128x128xf32, #tpu.memory_space<vmem>>) target(%dma_start3A_137 : memref<10240x128xf32, #tpu.memory_space<vmem_shared>>) offsets(%dma_start3A_134 : memref<128xi32, #tpu.memory_space<vmem>>) semaphore(%run_scoped3A_127 : memref<!tpu.dma_semaphore, #tpu.memory_space<semaphore_mem>>) {add = true}
        %dma_wait3A_138 = arith.constant 0 : i32
        %dma_wait3A_139 = arith.constant 0 : i32
        %dma_wait3A_140 = tpu.memref_slice %arg7[%run_scoped3A_125, %dma_wait3A_138, %dma_wait3A_139] : memref<2x128x128xf32, #tpu.memory_space<vmem>> -> memref<1x128x128xf32, #tpu.memory_space<vmem>>
        %dma_wait3A_141 = tpu.memref_squeeze %dma_wait3A_140 : memref<1x128x128xf32, #tpu.memory_space<vmem>> -> memref<128x128xf32, #tpu.memory_space<vmem>>
        %dma_wait3A_142 = arith.constant 0 : i32
        %dma_wait3A_143 = tpu.memref_slice %arg6[%run_scoped3A_126, %dma_wait3A_142] : memref<2x128xi32, #tpu.memory_space<vmem>> -> memref<1x128xi32, #tpu.memory_space<vmem>>
        %dma_wait3A_144 = tpu.memref_squeeze %dma_wait3A_143 : memref<1x128xi32, #tpu.memory_space<vmem>> -> memref<128xi32, #tpu.memory_space<vmem>>
        %dma_wait3A_145 = arith.constant 0 : i32
        %dma_wait3A_146 = arith.constant 0 : i32
        %dma_wait3A_147 = tpu.memref_slice %arg8[%dma_wait3A_145, %dma_wait3A_146] : memref<10240x128xf32, #tpu.memory_space<vmem_shared>> -> memref<10240x128xf32, #tpu.memory_space<vmem_shared>>
        tpu.wait_indirect_dma semaphore(%run_scoped3A_127 : memref<!tpu.dma_semaphore, #tpu.memory_space<semaphore_mem>>) src(%dma_wait3A_141 : memref<128x128xf32, #tpu.memory_space<vmem>>) dst(%dma_wait3A_147 : memref<10240x128xf32, #tpu.memory_space<vmem_shared>>)
        tpu.yield
      }) : () -> ()
    }
    %scan3A_32 = arith.constant 40 : i32
    %barrier3A_33 = arith.constant 0 : index
    tpu.barrier barrier_id(%barrier3A_33)
    %mul3A_34 = arith.constant 10240 : i32
    %mul3A_35 = arith.muli %arg0, %mul3A_34 : i32
    %add3A_36 = arith.addi %mul3A_35, %mul3A_2 : i32
    "tpu.region"() ({
      %run_scoped3A = tpu.sem_alloc : memref<!tpu.dma_semaphore, #tpu.memory_space<semaphore_mem>>
      %dma_start3A_37 = arith.constant 0 : i32
      %dma_start3A_38 = tpu.memref_slice %arg5[%add3A_36, %dma_start3A_37] : memref<20480x128xf32, #tpu.memory_space<hbm>> -> memref<640x128xf32, #tpu.memory_space<hbm>>
      %dma_start3A_39 = arith.constant 0 : i32
      %dma_start3A_40 = tpu.memref_slice %arg8[%mul3A_2, %dma_start3A_39] : memref<10240x128xf32, #tpu.memory_space<vmem_shared>> -> memref<640x128xf32, #tpu.memory_space<vmem_shared>>
      tpu.enqueue_dma source(%dma_start3A_40 : memref<640x128xf32, #tpu.memory_space<vmem_shared>>) target(%dma_start3A_38 : memref<640x128xf32, #tpu.memory_space<hbm>>) target_semaphore(%run_scoped3A : memref<!tpu.dma_semaphore, #tpu.memory_space<semaphore_mem>>)
      %dma_wait3A = arith.constant 0 : i32
      %dma_wait3A_41 = tpu.memref_slice %arg5[%add3A_36, %dma_wait3A] : memref<20480x128xf32, #tpu.memory_space<hbm>> -> memref<640x128xf32, #tpu.memory_space<hbm>>
      %dma_wait3A_42 = arith.constant 0 : i32
      %dma_wait3A_43 = tpu.memref_slice %arg8[%mul3A_2, %dma_wait3A_42] : memref<10240x128xf32, #tpu.memory_space<vmem_shared>> -> memref<640x128xf32, #tpu.memory_space<vmem_shared>>
      tpu.wait_dma2 semaphore(%run_scoped3A : memref<!tpu.dma_semaphore, #tpu.memory_space<semaphore_mem>>) src(%dma_wait3A_43 : memref<640x128xf32, #tpu.memory_space<vmem_shared>>) dst(%dma_wait3A_41 : memref<640x128xf32, #tpu.memory_space<hbm>>)
      tpu.yield
    }) : () -> ()
    return
  }
}

#map = affine_map<(d0, d1) -> (0, 0)>
#map1 = affine_map<(d0, d1) -> (0)>
module attributes {stable_mosaic.version = 14 : i64} {
  func.func @k(%arg0: i32, %arg1: i32, %arg2: memref<10240x128xf32, #tpu.memory_space<hbm>>, %arg3: memref<10240x128xf32, #tpu.memory_space<hbm>>, %arg4: memref<102400xi32, #tpu.memory_space<hbm>>, %arg5: memref<102400xi32, #tpu.memory_space<hbm>>, %arg6: memref<102400xi32, #tpu.memory_space<hbm>>, %arg7: memref<128xf32, #tpu.memory_space<hbm>>, %arg8: memref<16xf32, #tpu.memory_space<hbm>>, %arg9: memref<102400xf32, #tpu.memory_space<hbm>>, %arg10: memref<102400xf32, #tpu.memory_space<hbm>>, %arg11: memref<2x128xi32, #tpu.memory_space<vmem>>, %arg12: memref<2x128xi32, #tpu.memory_space<vmem>>, %arg13: memref<2x128xi32, #tpu.memory_space<vmem>>, %arg14: memref<2x128x128xf32, #tpu.memory_space<vmem>>, %arg15: memref<2x128x128xf32, #tpu.memory_space<vmem>>, %arg16: memref<2x128x128xf32, #tpu.memory_space<vmem>>, %arg17: memref<2x128xf32, #tpu.memory_space<vmem>>, %arg18: memref<2x128xf32, #tpu.memory_space<vmem>>, %arg19: memref<128xf32, #tpu.memory_space<vmem>>, %arg20: memref<16xf32, #tpu.memory_space<vmem>>, %arg21: memref<!tpu.dma_semaphore, #tpu.memory_space<semaphore_mem>>, %arg22: memref<!tpu.dma_semaphore, #tpu.memory_space<semaphore_mem>>, %arg23: memref<!tpu.dma_semaphore, #tpu.memory_space<semaphore_mem>>, %arg24: memref<!tpu.dma_semaphore, #tpu.memory_space<semaphore_mem>>, %arg25: memref<!tpu.dma_semaphore, #tpu.memory_space<semaphore_mem>>, %arg26: memref<!tpu.dma_semaphore, #tpu.memory_space<semaphore_mem>>) attributes {dimension_semantics = [#tpu.dimension_semantics<core_parallel>, #tpu.dimension_semantics<subcore_parallel>], iteration_bounds = array<i64: 2, 16>, scalar_prefetch = 0 : i64, scratch_operands = 16 : i64, tpu.core_type = #tpu.core_type<sc_vector_subcore>, window_params = [{transform_indices = #map}, {transform_indices = #map}, {transform_indices = #map1}, {transform_indices = #map1}, {transform_indices = #map1}, {transform_indices = #map1}, {transform_indices = #map1}, {transform_indices = #map1}, {transform_indices = #map1}]} {
    "tpu.region"() ({
      %run_scoped3A_177 = tpu.sem_alloc : memref<!tpu.dma_semaphore, #tpu.memory_space<semaphore_mem>>
      tpu.enqueue_dma source(%arg7 : memref<128xf32, #tpu.memory_space<hbm>>) target(%arg19 : memref<128xf32, #tpu.memory_space<vmem>>) target_semaphore(%run_scoped3A_177 : memref<!tpu.dma_semaphore, #tpu.memory_space<semaphore_mem>>)
      tpu.wait_dma2 semaphore(%run_scoped3A_177 : memref<!tpu.dma_semaphore, #tpu.memory_space<semaphore_mem>>) src(%arg7 : memref<128xf32, #tpu.memory_space<hbm>>) dst(%arg19 : memref<128xf32, #tpu.memory_space<vmem>>)
      tpu.yield
    }) : () -> ()
    "tpu.region"() ({
      %run_scoped3A_177 = tpu.sem_alloc : memref<!tpu.dma_semaphore, #tpu.memory_space<semaphore_mem>>
      tpu.enqueue_dma source(%arg8 : memref<16xf32, #tpu.memory_space<hbm>>) target(%arg20 : memref<16xf32, #tpu.memory_space<vmem>>) target_semaphore(%run_scoped3A_177 : memref<!tpu.dma_semaphore, #tpu.memory_space<semaphore_mem>>)
      tpu.wait_dma2 semaphore(%run_scoped3A_177 : memref<!tpu.dma_semaphore, #tpu.memory_space<semaphore_mem>>) src(%arg8 : memref<16xf32, #tpu.memory_space<hbm>>) dst(%arg20 : memref<16xf32, #tpu.memory_space<vmem>>)
      tpu.yield
    }) : () -> ()
    %get3A = arith.constant 0 : index
    %get3A_0 = tpu.vector_load %arg19[%get3A] {strides = array<i32>} : memref<128xf32, #tpu.memory_space<vmem>>, vector<16xf32>,
    %get3A_1 = vector.shape_cast %get3A_0 : vector<16xf32> to vector<16xf32>
    %get3A_2 = arith.constant 16 : index
    %get3A_3 = tpu.vector_load %arg19[%get3A_2] {strides = array<i32>} : memref<128xf32, #tpu.memory_space<vmem>>, vector<16xf32>,
    %get3A_4 = vector.shape_cast %get3A_3 : vector<16xf32> to vector<16xf32>
    %get3A_5 = arith.constant 32 : index
    %get3A_6 = tpu.vector_load %arg19[%get3A_5] {strides = array<i32>} : memref<128xf32, #tpu.memory_space<vmem>>, vector<16xf32>,
    %get3A_7 = vector.shape_cast %get3A_6 : vector<16xf32> to vector<16xf32>
    %get3A_8 = arith.constant 48 : index
    %get3A_9 = tpu.vector_load %arg19[%get3A_8] {strides = array<i32>} : memref<128xf32, #tpu.memory_space<vmem>>, vector<16xf32>,
    %get3A_10 = vector.shape_cast %get3A_9 : vector<16xf32> to vector<16xf32>
    %get3A_11 = arith.constant 64 : index
    %get3A_12 = tpu.vector_load %arg19[%get3A_11] {strides = array<i32>} : memref<128xf32, #tpu.memory_space<vmem>>, vector<16xf32>,
    %get3A_13 = vector.shape_cast %get3A_12 : vector<16xf32> to vector<16xf32>
    %get3A_14 = arith.constant 80 : index
    %get3A_15 = tpu.vector_load %arg19[%get3A_14] {strides = array<i32>} : memref<128xf32, #tpu.memory_space<vmem>>, vector<16xf32>,
    %get3A_16 = vector.shape_cast %get3A_15 : vector<16xf32> to vector<16xf32>
    %get3A_17 = arith.constant 96 : index
    %get3A_18 = tpu.vector_load %arg19[%get3A_17] {strides = array<i32>} : memref<128xf32, #tpu.memory_space<vmem>>, vector<16xf32>,
    %get3A_19 = vector.shape_cast %get3A_18 : vector<16xf32> to vector<16xf32>
    %get3A_20 = arith.constant 112 : index
    %get3A_21 = tpu.vector_load %arg19[%get3A_20] {strides = array<i32>} : memref<128xf32, #tpu.memory_space<vmem>>, vector<16xf32>,
    %get3A_22 = vector.shape_cast %get3A_21 : vector<16xf32> to vector<16xf32>
    %get3A_23 = arith.constant 0 : index
    %get3A_24 = tpu.vector_load %arg20[%get3A_23] {strides = array<i32>} : memref<16xf32, #tpu.memory_space<vmem>>, vector<16xf32>,
    %get3A_25 = vector.shape_cast %get3A_24 : vector<16xf32> to vector<16xf32>
    %iota3A = tpu.iota {dimensions = array<i32: 0>} : vector<16xi32>
    %eq3A = arith.constant 0 : i32
    %eq3A_26 = arith.cmpi eq, %arg0, %eq3A : i32
    %jit3A = arith.constant 42 : i32
    %jit3A_27 = arith.constant 8 : i32
    %select_n3A = arith.select %eq3A_26, %jit3A, %jit3A_27 : i32
    %eq3A_28 = arith.constant 0 : i32
    %eq3A_29 = arith.cmpi eq, %arg0, %eq3A_28 : i32
    %mul3A = arith.constant 42 : i32
    %mul3A_30 = arith.muli %arg1, %mul3A : i32
    %mul3A_31 = arith.constant 8 : i32
    %mul3A_32 = arith.muli %arg1, %mul3A_31 : i32
    %add3A = arith.constant 672 : i32
    %add3A_33 = arith.addi %add3A, %mul3A_32 : i32
    %select_n3A_34 = arith.select %eq3A_29, %mul3A_30, %add3A_33 : i32
    %add3A_35 = arith.constant 0 : i32
    %add3A_36 = arith.addi %select_n3A_34, %add3A_35 : i32
    %mul3A_37 = arith.constant 128 : i32
    %mul3A_38 = arith.muli %add3A_36, %mul3A_37 : i32
    %run_scoped3A = arith.constant 0 : i32
    "tpu.region"() ({
      %run_scoped3A_177 = tpu.sem_alloc : memref<!tpu.dma_semaphore, #tpu.memory_space<semaphore_mem>>
      %dma_start3A_178 = arith.constant 0 : i32
      %dma_start3A_179 = tpu.memref_slice %arg11[%run_scoped3A, %dma_start3A_178] : memref<2x128xi32, #tpu.memory_space<vmem>> -> memref<1x128xi32, #tpu.memory_space<vmem>>
      %dma_start3A_180 = tpu.memref_squeeze %dma_start3A_179 : memref<1x128xi32, #tpu.memory_space<vmem>> -> memref<128xi32, #tpu.memory_space<vmem>>
      %dma_start3A_181 = tpu.memref_slice %arg4[%mul3A_38] : memref<102400xi32, #tpu.memory_space<hbm>> -> memref<128xi32, #tpu.memory_space<hbm>>
      %dma_start3A_182 = arith.constant 0 : i32
      %dma_start3A_183 = tpu.memref_slice %arg11[%run_scoped3A, %dma_start3A_182] : memref<2x128xi32, #tpu.memory_space<vmem>> -> memref<1x128xi32, #tpu.memory_space<vmem>>
      %dma_start3A_184 = tpu.memref_squeeze %dma_start3A_183 : memref<1x128xi32, #tpu.memory_space<vmem>> -> memref<128xi32, #tpu.memory_space<vmem>>
      %dma_start3A_185 = tpu.memref_slice %arg4[%mul3A_38] : memref<102400xi32, #tpu.memory_space<hbm>> -> memref<128xi32, #tpu.memory_space<hbm>>
      tpu.enqueue_dma source(%dma_start3A_185 : memref<128xi32, #tpu.memory_space<hbm>>) target(%dma_start3A_184 : memref<128xi32, #tpu.memory_space<vmem>>) target_semaphore(%run_scoped3A_177 : memref<!tpu.dma_semaphore, #tpu.memory_space<semaphore_mem>>)
      %dma_wait3A_186 = arith.constant 0 : i32
      %dma_wait3A_187 = tpu.memref_slice %arg11[%run_scoped3A, %dma_wait3A_186] : memref<2x128xi32, #tpu.memory_space<vmem>> -> memref<1x128xi32, #tpu.memory_space<vmem>>
      %dma_wait3A_188 = tpu.memref_squeeze %dma_wait3A_187 : memref<1x128xi32, #tpu.memory_space<vmem>> -> memref<128xi32, #tpu.memory_space<vmem>>
      %dma_wait3A_189 = tpu.memref_slice %arg4[%mul3A_38] : memref<102400xi32, #tpu.memory_space<hbm>> -> memref<128xi32, #tpu.memory_space<hbm>>
      %dma_wait3A_190 = arith.constant 0 : i32
      %dma_wait3A_191 = tpu.memref_slice %arg11[%run_scoped3A, %dma_wait3A_190] : memref<2x128xi32, #tpu.memory_space<vmem>> -> memref<1x128xi32, #tpu.memory_space<vmem>>
      %dma_wait3A_192 = tpu.memref_squeeze %dma_wait3A_191 : memref<1x128xi32, #tpu.memory_space<vmem>> -> memref<128xi32, #tpu.memory_space<vmem>>
      %dma_wait3A_193 = tpu.memref_slice %arg4[%mul3A_38] : memref<102400xi32, #tpu.memory_space<hbm>> -> memref<128xi32, #tpu.memory_space<hbm>>
      tpu.wait_dma2 semaphore(%run_scoped3A_177 : memref<!tpu.dma_semaphore, #tpu.memory_space<semaphore_mem>>) src(%dma_wait3A_193 : memref<128xi32, #tpu.memory_space<hbm>>) dst(%dma_wait3A_192 : memref<128xi32, #tpu.memory_space<vmem>>)
      tpu.yield
    }) : () -> ()
    %run_scoped3A_39 = arith.constant 0 : i32
    "tpu.region"() ({
      %run_scoped3A_177 = tpu.sem_alloc : memref<!tpu.dma_semaphore, #tpu.memory_space<semaphore_mem>>
      %dma_start3A_178 = arith.constant 0 : i32
      %dma_start3A_179 = tpu.memref_slice %arg12[%run_scoped3A_39, %dma_start3A_178] : memref<2x128xi32, #tpu.memory_space<vmem>> -> memref<1x128xi32, #tpu.memory_space<vmem>>
      %dma_start3A_180 = tpu.memref_squeeze %dma_start3A_179 : memref<1x128xi32, #tpu.memory_space<vmem>> -> memref<128xi32, #tpu.memory_space<vmem>>
      %dma_start3A_181 = tpu.memref_slice %arg5[%mul3A_38] : memref<102400xi32, #tpu.memory_space<hbm>> -> memref<128xi32, #tpu.memory_space<hbm>>
      %dma_start3A_182 = arith.constant 0 : i32
      %dma_start3A_183 = tpu.memref_slice %arg12[%run_scoped3A_39, %dma_start3A_182] : memref<2x128xi32, #tpu.memory_space<vmem>> -> memref<1x128xi32, #tpu.memory_space<vmem>>
      %dma_start3A_184 = tpu.memref_squeeze %dma_start3A_183 : memref<1x128xi32, #tpu.memory_space<vmem>> -> memref<128xi32, #tpu.memory_space<vmem>>
      %dma_start3A_185 = tpu.memref_slice %arg5[%mul3A_38] : memref<102400xi32, #tpu.memory_space<hbm>> -> memref<128xi32, #tpu.memory_space<hbm>>
      tpu.enqueue_dma source(%dma_start3A_185 : memref<128xi32, #tpu.memory_space<hbm>>) target(%dma_start3A_184 : memref<128xi32, #tpu.memory_space<vmem>>) target_semaphore(%run_scoped3A_177 : memref<!tpu.dma_semaphore, #tpu.memory_space<semaphore_mem>>)
      %dma_wait3A_186 = arith.constant 0 : i32
      %dma_wait3A_187 = tpu.memref_slice %arg12[%run_scoped3A_39, %dma_wait3A_186] : memref<2x128xi32, #tpu.memory_space<vmem>> -> memref<1x128xi32, #tpu.memory_space<vmem>>
      %dma_wait3A_188 = tpu.memref_squeeze %dma_wait3A_187 : memref<1x128xi32, #tpu.memory_space<vmem>> -> memref<128xi32, #tpu.memory_space<vmem>>
      %dma_wait3A_189 = tpu.memref_slice %arg5[%mul3A_38] : memref<102400xi32, #tpu.memory_space<hbm>> -> memref<128xi32, #tpu.memory_space<hbm>>
      %dma_wait3A_190 = arith.constant 0 : i32
      %dma_wait3A_191 = tpu.memref_slice %arg12[%run_scoped3A_39, %dma_wait3A_190] : memref<2x128xi32, #tpu.memory_space<vmem>> -> memref<1x128xi32, #tpu.memory_space<vmem>>
      %dma_wait3A_192 = tpu.memref_squeeze %dma_wait3A_191 : memref<1x128xi32, #tpu.memory_space<vmem>> -> memref<128xi32, #tpu.memory_space<vmem>>
      %dma_wait3A_193 = tpu.memref_slice %arg5[%mul3A_38] : memref<102400xi32, #tpu.memory_space<hbm>> -> memref<128xi32, #tpu.memory_space<hbm>>
      tpu.wait_dma2 semaphore(%run_scoped3A_177 : memref<!tpu.dma_semaphore, #tpu.memory_space<semaphore_mem>>) src(%dma_wait3A_193 : memref<128xi32, #tpu.memory_space<hbm>>) dst(%dma_wait3A_192 : memref<128xi32, #tpu.memory_space<vmem>>)
      tpu.yield
    }) : () -> ()
    %run_scoped3A_40 = arith.constant 0 : i32
    "tpu.region"() ({
      %run_scoped3A_177 = tpu.sem_alloc : memref<!tpu.dma_semaphore, #tpu.memory_space<semaphore_mem>>
      %dma_start3A_178 = arith.constant 0 : i32
      %dma_start3A_179 = tpu.memref_slice %arg13[%run_scoped3A_40, %dma_start3A_178] : memref<2x128xi32, #tpu.memory_space<vmem>> -> memref<1x128xi32, #tpu.memory_space<vmem>>
      %dma_start3A_180 = tpu.memref_squeeze %dma_start3A_179 : memref<1x128xi32, #tpu.memory_space<vmem>> -> memref<128xi32, #tpu.memory_space<vmem>>
      %dma_start3A_181 = tpu.memref_slice %arg6[%mul3A_38] : memref<102400xi32, #tpu.memory_space<hbm>> -> memref<128xi32, #tpu.memory_space<hbm>>
      %dma_start3A_182 = arith.constant 0 : i32
      %dma_start3A_183 = tpu.memref_slice %arg13[%run_scoped3A_40, %dma_start3A_182] : memref<2x128xi32, #tpu.memory_space<vmem>> -> memref<1x128xi32, #tpu.memory_space<vmem>>
      %dma_start3A_184 = tpu.memref_squeeze %dma_start3A_183 : memref<1x128xi32, #tpu.memory_space<vmem>> -> memref<128xi32, #tpu.memory_space<vmem>>
      %dma_start3A_185 = tpu.memref_slice %arg6[%mul3A_38] : memref<102400xi32, #tpu.memory_space<hbm>> -> memref<128xi32, #tpu.memory_space<hbm>>
      tpu.enqueue_dma source(%dma_start3A_185 : memref<128xi32, #tpu.memory_space<hbm>>) target(%dma_start3A_184 : memref<128xi32, #tpu.memory_space<vmem>>) target_semaphore(%run_scoped3A_177 : memref<!tpu.dma_semaphore, #tpu.memory_space<semaphore_mem>>)
      %dma_wait3A_186 = arith.constant 0 : i32
      %dma_wait3A_187 = tpu.memref_slice %arg13[%run_scoped3A_40, %dma_wait3A_186] : memref<2x128xi32, #tpu.memory_space<vmem>> -> memref<1x128xi32, #tpu.memory_space<vmem>>
      %dma_wait3A_188 = tpu.memref_squeeze %dma_wait3A_187 : memref<1x128xi32, #tpu.memory_space<vmem>> -> memref<128xi32, #tpu.memory_space<vmem>>
      %dma_wait3A_189 = tpu.memref_slice %arg6[%mul3A_38] : memref<102400xi32, #tpu.memory_space<hbm>> -> memref<128xi32, #tpu.memory_space<hbm>>
      %dma_wait3A_190 = arith.constant 0 : i32
      %dma_wait3A_191 = tpu.memref_slice %arg13[%run_scoped3A_40, %dma_wait3A_190] : memref<2x128xi32, #tpu.memory_space<vmem>> -> memref<1x128xi32, #tpu.memory_space<vmem>>
      %dma_wait3A_192 = tpu.memref_squeeze %dma_wait3A_191 : memref<1x128xi32, #tpu.memory_space<vmem>> -> memref<128xi32, #tpu.memory_space<vmem>>
      %dma_wait3A_193 = tpu.memref_slice %arg6[%mul3A_38] : memref<102400xi32, #tpu.memory_space<hbm>> -> memref<128xi32, #tpu.memory_space<hbm>>
      tpu.wait_dma2 semaphore(%run_scoped3A_177 : memref<!tpu.dma_semaphore, #tpu.memory_space<semaphore_mem>>) src(%dma_wait3A_193 : memref<128xi32, #tpu.memory_space<hbm>>) dst(%dma_wait3A_192 : memref<128xi32, #tpu.memory_space<vmem>>)
      tpu.yield
    }) : () -> ()
    %dma_start3A = arith.constant 0 : i32
    %dma_start3A_41 = arith.constant 0 : i32
    %dma_start3A_42 = arith.constant 0 : i32
    %dma_start3A_43 = arith.constant 0 : i32
    %dma_start3A_44 = tpu.memref_slice %arg14[%dma_start3A_41, %dma_start3A_42, %dma_start3A_43] : memref<2x128x128xf32, #tpu.memory_space<vmem>> -> memref<1x128x128xf32, #tpu.memory_space<vmem>>
    %dma_start3A_45 = tpu.memref_squeeze %dma_start3A_44 : memref<1x128x128xf32, #tpu.memory_space<vmem>> -> memref<128x128xf32, #tpu.memory_space<vmem>>
    %dma_start3A_46 = arith.constant 0 : i32
    %dma_start3A_47 = tpu.memref_slice %arg11[%dma_start3A, %dma_start3A_46] : memref<2x128xi32, #tpu.memory_space<vmem>> -> memref<1x128xi32, #tpu.memory_space<vmem>>
    %dma_start3A_48 = tpu.memref_squeeze %dma_start3A_47 : memref<1x128xi32, #tpu.memory_space<vmem>> -> memref<128xi32, #tpu.memory_space<vmem>>
    %dma_start3A_49 = arith.constant 0 : i32
    %dma_start3A_50 = arith.constant 0 : i32
    %dma_start3A_51 = tpu.memref_slice %arg2[%dma_start3A_49, %dma_start3A_50] : memref<10240x128xf32, #tpu.memory_space<hbm>> -> memref<10240x128xf32, #tpu.memory_space<hbm>>
    tpu.enqueue_indirect_dma source(%dma_start3A_51 : memref<10240x128xf32, #tpu.memory_space<hbm>>) target(%dma_start3A_45 : memref<128x128xf32, #tpu.memory_space<vmem>>) offsets(%dma_start3A_48 : memref<128xi32, #tpu.memory_space<vmem>>) semaphore(%arg23 : memref<!tpu.dma_semaphore, #tpu.memory_space<semaphore_mem>>)
    %dma_start3A_52 = arith.constant 0 : i32
    %dma_start3A_53 = arith.constant 0 : i32
    %dma_start3A_54 = arith.constant 0 : i32
    %dma_start3A_55 = arith.constant 0 : i32
    %dma_start3A_56 = tpu.memref_slice %arg15[%dma_start3A_53, %dma_start3A_54, %dma_start3A_55] : memref<2x128x128xf32, #tpu.memory_space<vmem>> -> memref<1x128x128xf32, #tpu.memory_space<vmem>>
    %dma_start3A_57 = tpu.memref_squeeze %dma_start3A_56 : memref<1x128x128xf32, #tpu.memory_space<vmem>> -> memref<128x128xf32, #tpu.memory_space<vmem>>
    %dma_start3A_58 = arith.constant 0 : i32
    %dma_start3A_59 = tpu.memref_slice %arg12[%dma_start3A_52, %dma_start3A_58] : memref<2x128xi32, #tpu.memory_space<vmem>> -> memref<1x128xi32, #tpu.memory_space<vmem>>
    %dma_start3A_60 = tpu.memref_squeeze %dma_start3A_59 : memref<1x128xi32, #tpu.memory_space<vmem>> -> memref<128xi32, #tpu.memory_space<vmem>>
    %dma_start3A_61 = arith.constant 0 : i32
    %dma_start3A_62 = arith.constant 0 : i32
    %dma_start3A_63 = tpu.memref_slice %arg3[%dma_start3A_61, %dma_start3A_62] : memref<10240x128xf32, #tpu.memory_space<hbm>> -> memref<10240x128xf32, #tpu.memory_space<hbm>>
    tpu.enqueue_indirect_dma source(%dma_start3A_63 : memref<10240x128xf32, #tpu.memory_space<hbm>>) target(%dma_start3A_57 : memref<128x128xf32, #tpu.memory_space<vmem>>) offsets(%dma_start3A_60 : memref<128xi32, #tpu.memory_space<vmem>>) semaphore(%arg23 : memref<!tpu.dma_semaphore, #tpu.memory_space<semaphore_mem>>)
    %dma_start3A_64 = arith.constant 0 : i32
    %dma_start3A_65 = arith.constant 0 : i32
    %dma_start3A_66 = arith.constant 0 : i32
    %dma_start3A_67 = arith.constant 0 : i32
    %dma_start3A_68 = tpu.memref_slice %arg16[%dma_start3A_65, %dma_start3A_66, %dma_start3A_67] : memref<2x128x128xf32, #tpu.memory_space<vmem>> -> memref<1x128x128xf32, #tpu.memory_space<vmem>>
    %dma_start3A_69 = tpu.memref_squeeze %dma_start3A_68 : memref<1x128x128xf32, #tpu.memory_space<vmem>> -> memref<128x128xf32, #tpu.memory_space<vmem>>
    %dma_start3A_70 = arith.constant 0 : i32
    %dma_start3A_71 = tpu.memref_slice %arg13[%dma_start3A_64, %dma_start3A_70] : memref<2x128xi32, #tpu.memory_space<vmem>> -> memref<1x128xi32, #tpu.memory_space<vmem>>
    %dma_start3A_72 = tpu.memref_squeeze %dma_start3A_71 : memref<1x128xi32, #tpu.memory_space<vmem>> -> memref<128xi32, #tpu.memory_space<vmem>>
    %dma_start3A_73 = arith.constant 0 : i32
    %dma_start3A_74 = arith.constant 0 : i32
    %dma_start3A_75 = tpu.memref_slice %arg3[%dma_start3A_73, %dma_start3A_74] : memref<10240x128xf32, #tpu.memory_space<hbm>> -> memref<10240x128xf32, #tpu.memory_space<hbm>>
    tpu.enqueue_indirect_dma source(%dma_start3A_75 : memref<10240x128xf32, #tpu.memory_space<hbm>>) target(%dma_start3A_69 : memref<128x128xf32, #tpu.memory_space<vmem>>) offsets(%dma_start3A_72 : memref<128xi32, #tpu.memory_space<vmem>>) semaphore(%arg23 : memref<!tpu.dma_semaphore, #tpu.memory_space<semaphore_mem>>)
    %add3A_76 = arith.constant 1 : i32
    %add3A_77 = arith.addi %select_n3A_34, %add3A_76 : i32
    %mul3A_78 = arith.constant 128 : i32
    %mul3A_79 = arith.muli %add3A_77, %mul3A_78 : i32
    %dma_start3A_80 = arith.constant 1 : i32
    %dma_start3A_81 = arith.constant 0 : i32
    %dma_start3A_82 = tpu.memref_slice %arg11[%dma_start3A_80, %dma_start3A_81] : memref<2x128xi32, #tpu.memory_space<vmem>> -> memref<1x128xi32, #tpu.memory_space<vmem>>
    %dma_start3A_83 = tpu.memref_squeeze %dma_start3A_82 : memref<1x128xi32, #tpu.memory_space<vmem>> -> memref<128xi32, #tpu.memory_space<vmem>>
    %dma_start3A_84 = tpu.memref_slice %arg4[%mul3A_79] : memref<102400xi32, #tpu.memory_space<hbm>> -> memref<128xi32, #tpu.memory_space<hbm>>
    %dma_start3A_85 = arith.constant 0 : i32
    %dma_start3A_86 = tpu.memref_slice %arg11[%dma_start3A_80, %dma_start3A_85] : memref<2x128xi32, #tpu.memory_space<vmem>> -> memref<1x128xi32, #tpu.memory_space<vmem>>
    %dma_start3A_87 = tpu.memref_squeeze %dma_start3A_86 : memref<1x128xi32, #tpu.memory_space<vmem>> -> memref<128xi32, #tpu.memory_space<vmem>>
    %dma_start3A_88 = tpu.memref_slice %arg4[%mul3A_79] : memref<102400xi32, #tpu.memory_space<hbm>> -> memref<128xi32, #tpu.memory_space<hbm>>
    tpu.enqueue_dma source(%dma_start3A_88 : memref<128xi32, #tpu.memory_space<hbm>>) target(%dma_start3A_87 : memref<128xi32, #tpu.memory_space<vmem>>) target_semaphore(%arg22 : memref<!tpu.dma_semaphore, #tpu.memory_space<semaphore_mem>>)
    %dma_start3A_89 = arith.constant 1 : i32
    %dma_start3A_90 = arith.constant 0 : i32
    %dma_start3A_91 = tpu.memref_slice %arg12[%dma_start3A_89, %dma_start3A_90] : memref<2x128xi32, #tpu.memory_space<vmem>> -> memref<1x128xi32, #tpu.memory_space<vmem>>
    %dma_start3A_92 = tpu.memref_squeeze %dma_start3A_91 : memref<1x128xi32, #tpu.memory_space<vmem>> -> memref<128xi32, #tpu.memory_space<vmem>>
    %dma_start3A_93 = tpu.memref_slice %arg5[%mul3A_79] : memref<102400xi32, #tpu.memory_space<hbm>> -> memref<128xi32, #tpu.memory_space<hbm>>
    %dma_start3A_94 = arith.constant 0 : i32
    %dma_start3A_95 = tpu.memref_slice %arg12[%dma_start3A_89, %dma_start3A_94] : memref<2x128xi32, #tpu.memory_space<vmem>> -> memref<1x128xi32, #tpu.memory_space<vmem>>
    %dma_start3A_96 = tpu.memref_squeeze %dma_start3A_95 : memref<1x128xi32, #tpu.memory_space<vmem>> -> memref<128xi32, #tpu.memory_space<vmem>>
    %dma_start3A_97 = tpu.memref_slice %arg5[%mul3A_79] : memref<102400xi32, #tpu.memory_space<hbm>> -> memref<128xi32, #tpu.memory_space<hbm>>
    tpu.enqueue_dma source(%dma_start3A_97 : memref<128xi32, #tpu.memory_space<hbm>>) target(%dma_start3A_96 : memref<128xi32, #tpu.memory_space<vmem>>) target_semaphore(%arg22 : memref<!tpu.dma_semaphore, #tpu.memory_space<semaphore_mem>>)
    %dma_start3A_98 = arith.constant 1 : i32
    %dma_start3A_99 = arith.constant 0 : i32
    %dma_start3A_100 = tpu.memref_slice %arg13[%dma_start3A_98, %dma_start3A_99] : memref<2x128xi32, #tpu.memory_space<vmem>> -> memref<1x128xi32, #tpu.memory_space<vmem>>
    %dma_start3A_101 = tpu.memref_squeeze %dma_start3A_100 : memref<1x128xi32, #tpu.memory_space<vmem>> -> memref<128xi32, #tpu.memory_space<vmem>>
    %dma_start3A_102 = tpu.memref_slice %arg6[%mul3A_79] : memref<102400xi32, #tpu.memory_space<hbm>> -> memref<128xi32, #tpu.memory_space<hbm>>
    %dma_start3A_103 = arith.constant 0 : i32
    %dma_start3A_104 = tpu.memref_slice %arg13[%dma_start3A_98, %dma_start3A_103] : memref<2x128xi32, #tpu.memory_space<vmem>> -> memref<1x128xi32, #tpu.memory_space<vmem>>
    %dma_start3A_105 = tpu.memref_squeeze %dma_start3A_104 : memref<1x128xi32, #tpu.memory_space<vmem>> -> memref<128xi32, #tpu.memory_space<vmem>>
    %dma_start3A_106 = tpu.memref_slice %arg6[%mul3A_79] : memref<102400xi32, #tpu.memory_space<hbm>> -> memref<128xi32, #tpu.memory_space<hbm>>
    tpu.enqueue_dma source(%dma_start3A_106 : memref<128xi32, #tpu.memory_space<hbm>>) target(%dma_start3A_105 : memref<128xi32, #tpu.memory_space<vmem>>) target_semaphore(%arg22 : memref<!tpu.dma_semaphore, #tpu.memory_space<semaphore_mem>>)
    %jit3A_107 = arith.constant 2 : i32
    %div3A = arith.divsi %select_n3A, %jit3A_107 : i32
    %sign3A = arith.constant 0 : i32
    %sign3A_108 = arith.cmpi sgt, %select_n3A, %sign3A : i32
    %sign3A_109 = arith.extui %sign3A_108 : i1 to i32
    %sign3A_110 = arith.constant 0 : i32
    %sign3A_111 = arith.cmpi slt, %select_n3A, %sign3A_110 : i32
    %sign3A_112 = arith.extui %sign3A_111 : i1 to i32
    %sign3A_113 = arith.subi %sign3A_109, %sign3A_112 : i32
    %sign3A_114 = arith.constant 0 : i32
    %sign3A_115 = arith.cmpi sgt, %jit3A_107, %sign3A_114 : i32
    %sign3A_116 = arith.extui %sign3A_115 : i1 to i32
    %sign3A_117 = arith.constant 0 : i32
    %sign3A_118 = arith.cmpi slt, %jit3A_107, %sign3A_117 : i32
    %sign3A_119 = arith.extui %sign3A_118 : i1 to i32
    %sign3A_120 = arith.subi %sign3A_116, %sign3A_119 : i32
    %ne3A = arith.cmpi ne, %sign3A_113, %sign3A_120 : i32
    %rem3A = arith.remsi %select_n3A, %jit3A_107 : i32
    %ne3A_121 = arith.constant 0 : i32
    %ne3A_122 = arith.cmpi ne, %rem3A, %ne3A_121 : i32
    %and3A = arith.andi %ne3A, %ne3A_122 : i1
    %sub3A = arith.constant 1 : i32
    %sub3A_123 = arith.subi %div3A, %sub3A : i32
    %select_n3A_124 = arith.select %and3A, %sub3A_123, %div3A : i32
    %while3A = arith.constant 0 : i32
    %while3A_125 = arith.constant 0 : i32
    %while3A_126 = arith.subi %select_n3A_124, %while3A_125 : i32
    %while3A_127 = arith.addi %while3A_125, %while3A_126 : i32
    %while3A_128 = arith.constant 1 : i32
    %while3A_129 = arith.divsi %while3A_126, %while3A_128 : i32
    %while3A_130 = arith.muli %while3A_129, %while3A_128 : i32
    %while3A_131 = arith.addi %while3A_125, %while3A_130 : i32
    %while3A_132 = arith.constant 1 : i32
    scf.for %while3A_177 = %while3A_125 to %while3A_131 step %while3A_132  : i32 {
      %mul3A_178 = arith.constant 2 : i32
      %mul3A_179 = arith.muli %mul3A_178, %while3A_177 : i32
      %dma_wait3A_180 = arith.constant 0 : i32
      %dma_wait3A_181 = arith.constant 0 : i32
      %dma_wait3A_182 = arith.constant 0 : i32
      %dma_wait3A_183 = arith.constant 0 : i32
      %dma_wait3A_184 = tpu.memref_slice %arg14[%dma_wait3A_181, %dma_wait3A_182, %dma_wait3A_183] : memref<2x128x128xf32, #tpu.memory_space<vmem>> -> memref<1x128x128xf32, #tpu.memory_space<vmem>>
      %dma_wait3A_185 = tpu.memref_squeeze %dma_wait3A_184 : memref<1x128x128xf32, #tpu.memory_space<vmem>> -> memref<128x128xf32, #tpu.memory_space<vmem>>
      %dma_wait3A_186 = arith.constant 0 : i32
      %dma_wait3A_187 = tpu.memref_slice %arg11[%dma_wait3A_180, %dma_wait3A_186] : memref<2x128xi32, #tpu.memory_space<vmem>> -> memref<1x128xi32, #tpu.memory_space<vmem>>
      %dma_wait3A_188 = tpu.memref_squeeze %dma_wait3A_187 : memref<1x128xi32, #tpu.memory_space<vmem>> -> memref<128xi32, #tpu.memory_space<vmem>>
      %dma_wait3A_189 = arith.constant 0 : i32
      %dma_wait3A_190 = arith.constant 0 : i32
      %dma_wait3A_191 = tpu.memref_slice %arg2[%dma_wait3A_189, %dma_wait3A_190] : memref<10240x128xf32, #tpu.memory_space<hbm>> -> memref<10240x128xf32, #tpu.memory_space<hbm>>
      tpu.wait_indirect_dma semaphore(%arg23 : memref<!tpu.dma_semaphore, #tpu.memory_space<semaphore_mem>>) src(%dma_wait3A_191 : memref<10240x128xf32, #tpu.memory_space<hbm>>) dst(%dma_wait3A_185 : memref<128x128xf32, #tpu.memory_space<vmem>>)
      %dma_wait3A_192 = arith.constant 0 : i32
      %dma_wait3A_193 = arith.constant 0 : i32
      %dma_wait3A_194 = arith.constant 0 : i32
      %dma_wait3A_195 = arith.constant 0 : i32
      %dma_wait3A_196 = tpu.memref_slice %arg15[%dma_wait3A_193, %dma_wait3A_194, %dma_wait3A_195] : memref<2x128x128xf32, #tpu.memory_space<vmem>> -> memref<1x128x128xf32, #tpu.memory_space<vmem>>
      %dma_wait3A_197 = tpu.memref_squeeze %dma_wait3A_196 : memref<1x128x128xf32, #tpu.memory_space<vmem>> -> memref<128x128xf32, #tpu.memory_space<vmem>>
      %dma_wait3A_198 = arith.constant 0 : i32
      %dma_wait3A_199 = tpu.memref_slice %arg12[%dma_wait3A_192, %dma_wait3A_198] : memref<2x128xi32, #tpu.memory_space<vmem>> -> memref<1x128xi32, #tpu.memory_space<vmem>>
      %dma_wait3A_200 = tpu.memref_squeeze %dma_wait3A_199 : memref<1x128xi32, #tpu.memory_space<vmem>> -> memref<128xi32, #tpu.memory_space<vmem>>
      %dma_wait3A_201 = arith.constant 0 : i32
      %dma_wait3A_202 = arith.constant 0 : i32
      %dma_wait3A_203 = tpu.memref_slice %arg3[%dma_wait3A_201, %dma_wait3A_202] : memref<10240x128xf32, #tpu.memory_space<hbm>> -> memref<10240x128xf32, #tpu.memory_space<hbm>>
      tpu.wait_indirect_dma semaphore(%arg23 : memref<!tpu.dma_semaphore, #tpu.memory_space<semaphore_mem>>) src(%dma_wait3A_203 : memref<10240x128xf32, #tpu.memory_space<hbm>>) dst(%dma_wait3A_197 : memref<128x128xf32, #tpu.memory_space<vmem>>)
      %dma_wait3A_204 = arith.constant 0 : i32
      %dma_wait3A_205 = arith.constant 0 : i32
      %dma_wait3A_206 = arith.constant 0 : i32
      %dma_wait3A_207 = arith.constant 0 : i32
      %dma_wait3A_208 = tpu.memref_slice %arg16[%dma_wait3A_205, %dma_wait3A_206, %dma_wait3A_207] : memref<2x128x128xf32, #tpu.memory_space<vmem>> -> memref<1x128x128xf32, #tpu.memory_space<vmem>>
      %dma_wait3A_209 = tpu.memref_squeeze %dma_wait3A_208 : memref<1x128x128xf32, #tpu.memory_space<vmem>> -> memref<128x128xf32, #tpu.memory_space<vmem>>
      %dma_wait3A_210 = arith.constant 0 : i32
      %dma_wait3A_211 = tpu.memref_slice %arg13[%dma_wait3A_204, %dma_wait3A_210] : memref<2x128xi32, #tpu.memory_space<vmem>> -> memref<1x128xi32, #tpu.memory_space<vmem>>
      %dma_wait3A_212 = tpu.memref_squeeze %dma_wait3A_211 : memref<1x128xi32, #tpu.memory_space<vmem>> -> memref<128xi32, #tpu.memory_space<vmem>>
      %dma_wait3A_213 = arith.constant 0 : i32
      %dma_wait3A_214 = arith.constant 0 : i32
      %dma_wait3A_215 = tpu.memref_slice %arg3[%dma_wait3A_213, %dma_wait3A_214] : memref<10240x128xf32, #tpu.memory_space<hbm>> -> memref<10240x128xf32, #tpu.memory_space<hbm>>
      tpu.wait_indirect_dma semaphore(%arg23 : memref<!tpu.dma_semaphore, #tpu.memory_space<semaphore_mem>>) src(%dma_wait3A_215 : memref<10240x128xf32, #tpu.memory_space<hbm>>) dst(%dma_wait3A_209 : memref<128x128xf32, #tpu.memory_space<vmem>>)
      %add3A_216 = arith.constant 1 : i32
      %add3A_217 = arith.addi %mul3A_179, %add3A_216 : i32
      %lt3A = arith.cmpi slt, %add3A_217, %select_n3A : i32
      %convert_element_type3A = arith.extui %lt3A : i1 to i32
      %cond3A = arith.constant 0 : i32
      %cond3A_218 = arith.cmpi ne, %convert_element_type3A, %cond3A : i32
      scf.if %cond3A_218 {
        %dma_wait3A_339 = arith.constant 1 : i32
        %dma_wait3A_340 = arith.constant 0 : i32
        %dma_wait3A_341 = tpu.memref_slice %arg11[%dma_wait3A_339, %dma_wait3A_340] : memref<2x128xi32, #tpu.memory_space<vmem>> -> memref<1x128xi32, #tpu.memory_space<vmem>>
        %dma_wait3A_342 = tpu.memref_squeeze %dma_wait3A_341 : memref<1x128xi32, #tpu.memory_space<vmem>> -> memref<128xi32, #tpu.memory_space<vmem>>
        %dma_wait3A_343 = arith.constant 0 : i32
        %dma_wait3A_344 = tpu.memref_slice %arg4[%dma_wait3A_343] : memref<102400xi32, #tpu.memory_space<hbm>> -> memref<128xi32, #tpu.memory_space<hbm>>
        %dma_wait3A_345 = arith.constant 0 : i32
        %dma_wait3A_346 = tpu.memref_slice %arg11[%dma_wait3A_339, %dma_wait3A_345] : memref<2x128xi32, #tpu.memory_space<vmem>> -> memref<1x128xi32, #tpu.memory_space<vmem>>
        %dma_wait3A_347 = tpu.memref_squeeze %dma_wait3A_346 : memref<1x128xi32, #tpu.memory_space<vmem>> -> memref<128xi32, #tpu.memory_space<vmem>>
        %dma_wait3A_348 = arith.constant 0 : i32
        %dma_wait3A_349 = tpu.memref_slice %arg4[%dma_wait3A_348] : memref<102400xi32, #tpu.memory_space<hbm>> -> memref<128xi32, #tpu.memory_space<hbm>>
        tpu.wait_dma2 semaphore(%arg22 : memref<!tpu.dma_semaphore, #tpu.memory_space<semaphore_mem>>) src(%dma_wait3A_349 : memref<128xi32, #tpu.memory_space<hbm>>) dst(%dma_wait3A_347 : memref<128xi32, #tpu.memory_space<vmem>>)
        %dma_wait3A_350 = arith.constant 1 : i32
        %dma_wait3A_351 = arith.constant 0 : i32
        %dma_wait3A_352 = tpu.memref_slice %arg12[%dma_wait3A_350, %dma_wait3A_351] : memref<2x128xi32, #tpu.memory_space<vmem>> -> memref<1x128xi32, #tpu.memory_space<vmem>>
        %dma_wait3A_353 = tpu.memref_squeeze %dma_wait3A_352 : memref<1x128xi32, #tpu.memory_space<vmem>> -> memref<128xi32, #tpu.memory_space<vmem>>
        %dma_wait3A_354 = arith.constant 0 : i32
        %dma_wait3A_355 = tpu.memref_slice %arg5[%dma_wait3A_354] : memref<102400xi32, #tpu.memory_space<hbm>> -> memref<128xi32, #tpu.memory_space<hbm>>
        %dma_wait3A_356 = arith.constant 0 : i32
        %dma_wait3A_357 = tpu.memref_slice %arg12[%dma_wait3A_350, %dma_wait3A_356] : memref<2x128xi32, #tpu.memory_space<vmem>> -> memref<1x128xi32, #tpu.memory_space<vmem>>
        %dma_wait3A_358 = tpu.memref_squeeze %dma_wait3A_357 : memref<1x128xi32, #tpu.memory_space<vmem>> -> memref<128xi32, #tpu.memory_space<vmem>>
        %dma_wait3A_359 = arith.constant 0 : i32
        %dma_wait3A_360 = tpu.memref_slice %arg5[%dma_wait3A_359] : memref<102400xi32, #tpu.memory_space<hbm>> -> memref<128xi32, #tpu.memory_space<hbm>>
        tpu.wait_dma2 semaphore(%arg22 : memref<!tpu.dma_semaphore, #tpu.memory_space<semaphore_mem>>) src(%dma_wait3A_360 : memref<128xi32, #tpu.memory_space<hbm>>) dst(%dma_wait3A_358 : memref<128xi32, #tpu.memory_space<vmem>>)
        %dma_wait3A_361 = arith.constant 1 : i32
        %dma_wait3A_362 = arith.constant 0 : i32
        %dma_wait3A_363 = tpu.memref_slice %arg13[%dma_wait3A_361, %dma_wait3A_362] : memref<2x128xi32, #tpu.memory_space<vmem>> -> memref<1x128xi32, #tpu.memory_space<vmem>>
        %dma_wait3A_364 = tpu.memref_squeeze %dma_wait3A_363 : memref<1x128xi32, #tpu.memory_space<vmem>> -> memref<128xi32, #tpu.memory_space<vmem>>
        %dma_wait3A_365 = arith.constant 0 : i32
        %dma_wait3A_366 = tpu.memref_slice %arg6[%dma_wait3A_365] : memref<102400xi32, #tpu.memory_space<hbm>> -> memref<128xi32, #tpu.memory_space<hbm>>
        %dma_wait3A_367 = arith.constant 0 : i32
        %dma_wait3A_368 = tpu.memref_slice %arg13[%dma_wait3A_361, %dma_wait3A_367] : memref<2x128xi32, #tpu.memory_space<vmem>> -> memref<1x128xi32, #tpu.memory_space<vmem>>
        %dma_wait3A_369 = tpu.memref_squeeze %dma_wait3A_368 : memref<1x128xi32, #tpu.memory_space<vmem>> -> memref<128xi32, #tpu.memory_space<vmem>>
        %dma_wait3A_370 = arith.constant 0 : i32
        %dma_wait3A_371 = tpu.memref_slice %arg6[%dma_wait3A_370] : memref<102400xi32, #tpu.memory_space<hbm>> -> memref<128xi32, #tpu.memory_space<hbm>>
        tpu.wait_dma2 semaphore(%arg22 : memref<!tpu.dma_semaphore, #tpu.memory_space<semaphore_mem>>) src(%dma_wait3A_371 : memref<128xi32, #tpu.memory_space<hbm>>) dst(%dma_wait3A_369 : memref<128xi32, #tpu.memory_space<vmem>>)
        %dma_start3A_372 = arith.constant 1 : i32
        %dma_start3A_373 = arith.constant 1 : i32
        %dma_start3A_374 = arith.constant 0 : i32
        %dma_start3A_375 = arith.constant 0 : i32
        %dma_start3A_376 = tpu.memref_slice %arg14[%dma_start3A_373, %dma_start3A_374, %dma_start3A_375] : memref<2x128x128xf32, #tpu.memory_space<vmem>> -> memref<1x128x128xf32, #tpu.memory_space<vmem>>
        %dma_start3A_377 = tpu.memref_squeeze %dma_start3A_376 : memref<1x128x128xf32, #tpu.memory_space<vmem>> -> memref<128x128xf32, #tpu.memory_space<vmem>>
        %dma_start3A_378 = arith.constant 0 : i32
        %dma_start3A_379 = tpu.memref_slice %arg11[%dma_start3A_372, %dma_start3A_378] : memref<2x128xi32, #tpu.memory_space<vmem>> -> memref<1x128xi32, #tpu.memory_space<vmem>>
        %dma_start3A_380 = tpu.memref_squeeze %dma_start3A_379 : memref<1x128xi32, #tpu.memory_space<vmem>> -> memref<128xi32, #tpu.memory_space<vmem>>
        %dma_start3A_381 = arith.constant 0 : i32
        %dma_start3A_382 = arith.constant 0 : i32
        %dma_start3A_383 = tpu.memref_slice %arg2[%dma_start3A_381, %dma_start3A_382] : memref<10240x128xf32, #tpu.memory_space<hbm>> -> memref<10240x128xf32, #tpu.memory_space<hbm>>
        tpu.enqueue_indirect_dma source(%dma_start3A_383 : memref<10240x128xf32, #tpu.memory_space<hbm>>) target(%dma_start3A_377 : memref<128x128xf32, #tpu.memory_space<vmem>>) offsets(%dma_start3A_380 : memref<128xi32, #tpu.memory_space<vmem>>) semaphore(%arg24 : memref<!tpu.dma_semaphore, #tpu.memory_space<semaphore_mem>>)
        %dma_start3A_384 = arith.constant 1 : i32
        %dma_start3A_385 = arith.constant 1 : i32
        %dma_start3A_386 = arith.constant 0 : i32
        %dma_start3A_387 = arith.constant 0 : i32
        %dma_start3A_388 = tpu.memref_slice %arg15[%dma_start3A_385, %dma_start3A_386, %dma_start3A_387] : memref<2x128x128xf32, #tpu.memory_space<vmem>> -> memref<1x128x128xf32, #tpu.memory_space<vmem>>
        %dma_start3A_389 = tpu.memref_squeeze %dma_start3A_388 : memref<1x128x128xf32, #tpu.memory_space<vmem>> -> memref<128x128xf32, #tpu.memory_space<vmem>>
        %dma_start3A_390 = arith.constant 0 : i32
        %dma_start3A_391 = tpu.memref_slice %arg12[%dma_start3A_384, %dma_start3A_390] : memref<2x128xi32, #tpu.memory_space<vmem>> -> memref<1x128xi32, #tpu.memory_space<vmem>>
        %dma_start3A_392 = tpu.memref_squeeze %dma_start3A_391 : memref<1x128xi32, #tpu.memory_space<vmem>> -> memref<128xi32, #tpu.memory_space<vmem>>
        %dma_start3A_393 = arith.constant 0 : i32
        %dma_start3A_394 = arith.constant 0 : i32
        %dma_start3A_395 = tpu.memref_slice %arg3[%dma_start3A_393, %dma_start3A_394] : memref<10240x128xf32, #tpu.memory_space<hbm>> -> memref<10240x128xf32, #tpu.memory_space<hbm>>
        tpu.enqueue_indirect_dma source(%dma_start3A_395 : memref<10240x128xf32, #tpu.memory_space<hbm>>) target(%dma_start3A_389 : memref<128x128xf32, #tpu.memory_space<vmem>>) offsets(%dma_start3A_392 : memref<128xi32, #tpu.memory_space<vmem>>) semaphore(%arg24 : memref<!tpu.dma_semaphore, #tpu.memory_space<semaphore_mem>>)
        %dma_start3A_396 = arith.constant 1 : i32
        %dma_start3A_397 = arith.constant 1 : i32
        %dma_start3A_398 = arith.constant 0 : i32
        %dma_start3A_399 = arith.constant 0 : i32
        %dma_start3A_400 = tpu.memref_slice %arg16[%dma_start3A_397, %dma_start3A_398, %dma_start3A_399] : memref<2x128x128xf32, #tpu.memory_space<vmem>> -> memref<1x128x128xf32, #tpu.memory_space<vmem>>
        %dma_start3A_401 = tpu.memref_squeeze %dma_start3A_400 : memref<1x128x128xf32, #tpu.memory_space<vmem>> -> memref<128x128xf32, #tpu.memory_space<vmem>>
        %dma_start3A_402 = arith.constant 0 : i32
        %dma_start3A_403 = tpu.memref_slice %arg13[%dma_start3A_396, %dma_start3A_402] : memref<2x128xi32, #tpu.memory_space<vmem>> -> memref<1x128xi32, #tpu.memory_space<vmem>>
        %dma_start3A_404 = tpu.memref_squeeze %dma_start3A_403 : memref<1x128xi32, #tpu.memory_space<vmem>> -> memref<128xi32, #tpu.memory_space<vmem>>
        %dma_start3A_405 = arith.constant 0 : i32
        %dma_start3A_406 = arith.constant 0 : i32
        %dma_start3A_407 = tpu.memref_slice %arg3[%dma_start3A_405, %dma_start3A_406] : memref<10240x128xf32, #tpu.memory_space<hbm>> -> memref<10240x128xf32, #tpu.memory_space<hbm>>
        tpu.enqueue_indirect_dma source(%dma_start3A_407 : memref<10240x128xf32, #tpu.memory_space<hbm>>) target(%dma_start3A_401 : memref<128x128xf32, #tpu.memory_space<vmem>>) offsets(%dma_start3A_404 : memref<128xi32, #tpu.memory_space<vmem>>) semaphore(%arg24 : memref<!tpu.dma_semaphore, #tpu.memory_space<semaphore_mem>>)
      } else {
      }
      %add3A_219 = arith.constant 2 : i32
      %add3A_220 = arith.addi %mul3A_179, %add3A_219 : i32
      %lt3A_221 = arith.cmpi slt, %add3A_220, %select_n3A : i32
      %convert_element_type3A_222 = arith.extui %lt3A_221 : i1 to i32
      %cond3A_223 = arith.constant 0 : i32
      %cond3A_224 = arith.cmpi ne, %convert_element_type3A_222, %cond3A_223 : i32
      scf.if %cond3A_224 {
        %add3A_339 = arith.constant 2 : i32
        %add3A_340 = arith.addi %mul3A_179, %add3A_339 : i32
        %add3A_341 = arith.addi %select_n3A_34, %add3A_340 : i32
        %mul3A_342 = arith.constant 128 : i32
        %mul3A_343 = arith.muli %add3A_341, %mul3A_342 : i32
        %dma_start3A_344 = arith.constant 0 : i32
        %dma_start3A_345 = arith.constant 0 : i32
        %dma_start3A_346 = tpu.memref_slice %arg11[%dma_start3A_344, %dma_start3A_345] : memref<2x128xi32, #tpu.memory_space<vmem>> -> memref<1x128xi32, #tpu.memory_space<vmem>>
        %dma_start3A_347 = tpu.memref_squeeze %dma_start3A_346 : memref<1x128xi32, #tpu.memory_space<vmem>> -> memref<128xi32, #tpu.memory_space<vmem>>
        %dma_start3A_348 = tpu.memref_slice %arg4[%mul3A_343] : memref<102400xi32, #tpu.memory_space<hbm>> -> memref<128xi32, #tpu.memory_space<hbm>>
        %dma_start3A_349 = arith.constant 0 : i32
        %dma_start3A_350 = tpu.memref_slice %arg11[%dma_start3A_344, %dma_start3A_349] : memref<2x128xi32, #tpu.memory_space<vmem>> -> memref<1x128xi32, #tpu.memory_space<vmem>>
        %dma_start3A_351 = tpu.memref_squeeze %dma_start3A_350 : memref<1x128xi32, #tpu.memory_space<vmem>> -> memref<128xi32, #tpu.memory_space<vmem>>
        %dma_start3A_352 = tpu.memref_slice %arg4[%mul3A_343] : memref<102400xi32, #tpu.memory_space<hbm>> -> memref<128xi32, #tpu.memory_space<hbm>>
        tpu.enqueue_dma source(%dma_start3A_352 : memref<128xi32, #tpu.memory_space<hbm>>) target(%dma_start3A_351 : memref<128xi32, #tpu.memory_space<vmem>>) target_semaphore(%arg21 : memref<!tpu.dma_semaphore, #tpu.memory_space<semaphore_mem>>)
        %dma_start3A_353 = arith.constant 0 : i32
        %dma_start3A_354 = arith.constant 0 : i32
        %dma_start3A_355 = tpu.memref_slice %arg12[%dma_start3A_353, %dma_start3A_354] : memref<2x128xi32, #tpu.memory_space<vmem>> -> memref<1x128xi32, #tpu.memory_space<vmem>>
        %dma_start3A_356 = tpu.memref_squeeze %dma_start3A_355 : memref<1x128xi32, #tpu.memory_space<vmem>> -> memref<128xi32, #tpu.memory_space<vmem>>
        %dma_start3A_357 = tpu.memref_slice %arg5[%mul3A_343] : memref<102400xi32, #tpu.memory_space<hbm>> -> memref<128xi32, #tpu.memory_space<hbm>>
        %dma_start3A_358 = arith.constant 0 : i32
        %dma_start3A_359 = tpu.memref_slice %arg12[%dma_start3A_353, %dma_start3A_358] : memref<2x128xi32, #tpu.memory_space<vmem>> -> memref<1x128xi32, #tpu.memory_space<vmem>>
        %dma_start3A_360 = tpu.memref_squeeze %dma_start3A_359 : memref<1x128xi32, #tpu.memory_space<vmem>> -> memref<128xi32, #tpu.memory_space<vmem>>
        %dma_start3A_361 = tpu.memref_slice %arg5[%mul3A_343] : memref<102400xi32, #tpu.memory_space<hbm>> -> memref<128xi32, #tpu.memory_space<hbm>>
        tpu.enqueue_dma source(%dma_start3A_361 : memref<128xi32, #tpu.memory_space<hbm>>) target(%dma_start3A_360 : memref<128xi32, #tpu.memory_space<vmem>>) target_semaphore(%arg21 : memref<!tpu.dma_semaphore, #tpu.memory_space<semaphore_mem>>)
        %dma_start3A_362 = arith.constant 0 : i32
        %dma_start3A_363 = arith.constant 0 : i32
        %dma_start3A_364 = tpu.memref_slice %arg13[%dma_start3A_362, %dma_start3A_363] : memref<2x128xi32, #tpu.memory_space<vmem>> -> memref<1x128xi32, #tpu.memory_space<vmem>>
        %dma_start3A_365 = tpu.memref_squeeze %dma_start3A_364 : memref<1x128xi32, #tpu.memory_space<vmem>> -> memref<128xi32, #tpu.memory_space<vmem>>
        %dma_start3A_366 = tpu.memref_slice %arg6[%mul3A_343] : memref<102400xi32, #tpu.memory_space<hbm>> -> memref<128xi32, #tpu.memory_space<hbm>>
        %dma_start3A_367 = arith.constant 0 : i32
        %dma_start3A_368 = tpu.memref_slice %arg13[%dma_start3A_362, %dma_start3A_367] : memref<2x128xi32, #tpu.memory_space<vmem>> -> memref<1x128xi32, #tpu.memory_space<vmem>>
        %dma_start3A_369 = tpu.memref_squeeze %dma_start3A_368 : memref<1x128xi32, #tpu.memory_space<vmem>> -> memref<128xi32, #tpu.memory_space<vmem>>
        %dma_start3A_370 = tpu.memref_slice %arg6[%mul3A_343] : memref<102400xi32, #tpu.memory_space<hbm>> -> memref<128xi32, #tpu.memory_space<hbm>>
        tpu.enqueue_dma source(%dma_start3A_370 : memref<128xi32, #tpu.memory_space<hbm>>) target(%dma_start3A_369 : memref<128xi32, #tpu.memory_space<vmem>>) target_semaphore(%arg21 : memref<!tpu.dma_semaphore, #tpu.memory_space<semaphore_mem>>)
      } else {
      }
      %ge3A = arith.constant 2 : i32
      %ge3A_225 = arith.cmpi sge, %mul3A_179, %ge3A : i32
      %convert_element_type3A_226 = arith.extui %ge3A_225 : i1 to i32
      %cond3A_227 = arith.constant 0 : i32
      %cond3A_228 = arith.cmpi ne, %convert_element_type3A_226, %cond3A_227 : i32
      scf.if %cond3A_228 {
        %dma_wait3A_339 = arith.constant 0 : i32
        %dma_wait3A_340 = arith.constant 0 : i32
        %dma_wait3A_341 = tpu.memref_slice %arg17[%dma_wait3A_339, %dma_wait3A_340] : memref<2x128xf32, #tpu.memory_space<vmem>> -> memref<1x128xf32, #tpu.memory_space<vmem>>
        %dma_wait3A_342 = tpu.memref_squeeze %dma_wait3A_341 : memref<1x128xf32, #tpu.memory_space<vmem>> -> memref<128xf32, #tpu.memory_space<vmem>>
        %dma_wait3A_343 = arith.constant 0 : i32
        %dma_wait3A_344 = tpu.memref_slice %arg9[%dma_wait3A_343] : memref<102400xf32, #tpu.memory_space<hbm>> -> memref<128xf32, #tpu.memory_space<hbm>>
        %dma_wait3A_345 = arith.constant 0 : i32
        %dma_wait3A_346 = tpu.memref_slice %arg9[%dma_wait3A_345] : memref<102400xf32, #tpu.memory_space<hbm>> -> memref<128xf32, #tpu.memory_space<hbm>>
        %dma_wait3A_347 = arith.constant 0 : i32
        %dma_wait3A_348 = tpu.memref_slice %arg17[%dma_wait3A_339, %dma_wait3A_347] : memref<2x128xf32, #tpu.memory_space<vmem>> -> memref<1x128xf32, #tpu.memory_space<vmem>>
        %dma_wait3A_349 = tpu.memref_squeeze %dma_wait3A_348 : memref<1x128xf32, #tpu.memory_space<vmem>> -> memref<128xf32, #tpu.memory_space<vmem>>
        tpu.wait_dma2 semaphore(%arg25 : memref<!tpu.dma_semaphore, #tpu.memory_space<semaphore_mem>>) src(%dma_wait3A_349 : memref<128xf32, #tpu.memory_space<vmem>>) dst(%dma_wait3A_346 : memref<128xf32, #tpu.memory_space<hbm>>)
        %dma_wait3A_350 = arith.constant 0 : i32
        %dma_wait3A_351 = arith.constant 0 : i32
        %dma_wait3A_352 = tpu.memref_slice %arg18[%dma_wait3A_350, %dma_wait3A_351] : memref<2x128xf32, #tpu.memory_space<vmem>> -> memref<1x128xf32, #tpu.memory_space<vmem>>
        %dma_wait3A_353 = tpu.memref_squeeze %dma_wait3A_352 : memref<1x128xf32, #tpu.memory_space<vmem>> -> memref<128xf32, #tpu.memory_space<vmem>>
        %dma_wait3A_354 = arith.constant 0 : i32
        %dma_wait3A_355 = tpu.memref_slice %arg10[%dma_wait3A_354] : memref<102400xf32, #tpu.memory_space<hbm>> -> memref<128xf32, #tpu.memory_space<hbm>>
        %dma_wait3A_356 = arith.constant 0 : i32
        %dma_wait3A_357 = tpu.memref_slice %arg10[%dma_wait3A_356] : memref<102400xf32, #tpu.memory_space<hbm>> -> memref<128xf32, #tpu.memory_space<hbm>>
        %dma_wait3A_358 = arith.constant 0 : i32
        %dma_wait3A_359 = tpu.memref_slice %arg18[%dma_wait3A_350, %dma_wait3A_358] : memref<2x128xf32, #tpu.memory_space<vmem>> -> memref<1x128xf32, #tpu.memory_space<vmem>>
        %dma_wait3A_360 = tpu.memref_squeeze %dma_wait3A_359 : memref<1x128xf32, #tpu.memory_space<vmem>> -> memref<128xf32, #tpu.memory_space<vmem>>
        tpu.wait_dma2 semaphore(%arg25 : memref<!tpu.dma_semaphore, #tpu.memory_space<semaphore_mem>>) src(%dma_wait3A_360 : memref<128xf32, #tpu.memory_space<vmem>>) dst(%dma_wait3A_357 : memref<128xf32, #tpu.memory_space<hbm>>)
      } else {
      }
      %scan3A = arith.constant 0 : i32
      %scan3A_229 = arith.constant 0 : i32
      %scan3A_230 = arith.constant 8 : i32
      %scan3A_231 = arith.addi %scan3A_229, %scan3A_230 : i32
      %scan3A_232 = arith.constant 1 : i32
      scf.for %scan3A_339 = %scan3A_229 to %scan3A_231 step %scan3A_232  : i32 {
        %broadcast_in_dim3A = arith.constant 0.000000e+00 : f32
        %broadcast_in_dim3A_340 = vector.broadcast %broadcast_in_dim3A : f32 to vector<16xf32>
        %scan3A_341 = arith.constant 0 : i32
        %scan3A_342 = arith.constant 16 : i32
        %scan3A_343 = arith.addi %scan3A_341, %scan3A_342 : i32
        %scan3A_344 = arith.constant 1 : i32
        %scan3A_345:2 = scf.for %scan3A_364 = %scan3A_341 to %scan3A_343 step %scan3A_344 iter_args(%scan3A_365 = %broadcast_in_dim3A_340, %scan3A_366 = %broadcast_in_dim3A_340) -> (vector<16xf32>, vector<16xf32>)  : i32 {
          %mul3A_367 = arith.constant 16 : i32
          %mul3A_368 = arith.muli %scan3A_339, %mul3A_367 : i32
          %add3A_369 = arith.addi %mul3A_368, %scan3A_364 : i32
          %broadcast_in_dim3A_370 = arith.constant 0.000000e+00 : f32
          %broadcast_in_dim3A_371 = vector.broadcast %broadcast_in_dim3A_370 : f32 to vector<16xf32>
          %broadcast_in_dim3A_372 = arith.constant 0.000000e+00 : f32
          %broadcast_in_dim3A_373 = vector.broadcast %broadcast_in_dim3A_372 : f32 to vector<16xf32>
          %get3A_374 = arith.constant 0 : i32
          %get3A_375 = arith.index_cast %get3A_374 : i32 to index
          %get3A_376 = arith.index_cast %add3A_369 : i32 to index
          %get3A_377 = arith.constant 0 : index
          %get3A_378 = tpu.vector_load %arg14[%get3A_375, %get3A_376, %get3A_377] {strides = array<i32>} : memref<2x128x128xf32, #tpu.memory_space<vmem>>, vector<1x1x16xf32>,
          %get3A_379 = vector.shape_cast %get3A_378 : vector<1x1x16xf32> to vector<16xf32>
          %get3A_380 = arith.constant 0 : i32
          %get3A_381 = arith.index_cast %get3A_380 : i32 to index
          %get3A_382 = arith.index_cast %add3A_369 : i32 to index
          %get3A_383 = arith.constant 0 : index
          %get3A_384 = tpu.vector_load %arg15[%get3A_381, %get3A_382, %get3A_383] {strides = array<i32>} : memref<2x128x128xf32, #tpu.memory_space<vmem>>, vector<1x1x16xf32>,
          %get3A_385 = vector.shape_cast %get3A_384 : vector<1x1x16xf32> to vector<16xf32>
          %add3A_386 = arith.addf %get3A_379, %get3A_385 : vector<16xf32>
          %max3A = arith.constant 0.000000e+00 : f32
          %max3A_387 = vector.broadcast %max3A : f32 to vector<16xf32>
          %max3A_388 = arith.maximumf %add3A_386, %max3A_387 : vector<16xf32>
          %mul3A_389 = arith.mulf %max3A_388, %get3A_1 : vector<16xf32>
          %add3A_390 = arith.addf %broadcast_in_dim3A_371, %mul3A_389 : vector<16xf32>
          %get3A_391 = arith.constant 0 : i32
          %get3A_392 = arith.index_cast %get3A_391 : i32 to index
          %get3A_393 = arith.index_cast %add3A_369 : i32 to index
          %get3A_394 = arith.constant 0 : index
          %get3A_395 = tpu.vector_load %arg16[%get3A_392, %get3A_393, %get3A_394] {strides = array<i32>} : memref<2x128x128xf32, #tpu.memory_space<vmem>>, vector<1x1x16xf32>,
          %get3A_396 = vector.shape_cast %get3A_395 : vector<1x1x16xf32> to vector<16xf32>
          %add3A_397 = arith.addf %get3A_379, %get3A_396 : vector<16xf32>
          %max3A_398 = arith.constant 0.000000e+00 : f32
          %max3A_399 = vector.broadcast %max3A_398 : f32 to vector<16xf32>
          %max3A_400 = arith.maximumf %add3A_397, %max3A_399 : vector<16xf32>
          %mul3A_401 = arith.mulf %max3A_400, %get3A_1 : vector<16xf32>
          %add3A_402 = arith.addf %broadcast_in_dim3A_373, %mul3A_401 : vector<16xf32>
          %get3A_403 = arith.constant 0 : i32
          %get3A_404 = arith.index_cast %get3A_403 : i32 to index
          %get3A_405 = arith.index_cast %add3A_369 : i32 to index
          %get3A_406 = arith.constant 16 : index
          %get3A_407 = tpu.vector_load %arg14[%get3A_404, %get3A_405, %get3A_406] {strides = array<i32>} : memref<2x128x128xf32, #tpu.memory_space<vmem>>, vector<1x1x16xf32>,
          %get3A_408 = vector.shape_cast %get3A_407 : vector<1x1x16xf32> to vector<16xf32>
          %get3A_409 = arith.constant 0 : i32
          %get3A_410 = arith.index_cast %get3A_409 : i32 to index
          %get3A_411 = arith.index_cast %add3A_369 : i32 to index
          %get3A_412 = arith.constant 16 : index
          %get3A_413 = tpu.vector_load %arg15[%get3A_410, %get3A_411, %get3A_412] {strides = array<i32>} : memref<2x128x128xf32, #tpu.memory_space<vmem>>, vector<1x1x16xf32>,
          %get3A_414 = vector.shape_cast %get3A_413 : vector<1x1x16xf32> to vector<16xf32>
          %add3A_415 = arith.addf %get3A_408, %get3A_414 : vector<16xf32>
          %max3A_416 = arith.constant 0.000000e+00 : f32
          %max3A_417 = vector.broadcast %max3A_416 : f32 to vector<16xf32>
          %max3A_418 = arith.maximumf %add3A_415, %max3A_417 : vector<16xf32>
          %mul3A_419 = arith.mulf %max3A_418, %get3A_4 : vector<16xf32>
          %add3A_420 = arith.addf %add3A_390, %mul3A_419 : vector<16xf32>
          %get3A_421 = arith.constant 0 : i32
          %get3A_422 = arith.index_cast %get3A_421 : i32 to index
          %get3A_423 = arith.index_cast %add3A_369 : i32 to index
          %get3A_424 = arith.constant 16 : index
          %get3A_425 = tpu.vector_load %arg16[%get3A_422, %get3A_423, %get3A_424] {strides = array<i32>} : memref<2x128x128xf32, #tpu.memory_space<vmem>>, vector<1x1x16xf32>,
          %get3A_426 = vector.shape_cast %get3A_425 : vector<1x1x16xf32> to vector<16xf32>
          %add3A_427 = arith.addf %get3A_408, %get3A_426 : vector<16xf32>
          %max3A_428 = arith.constant 0.000000e+00 : f32
          %max3A_429 = vector.broadcast %max3A_428 : f32 to vector<16xf32>
          %max3A_430 = arith.maximumf %add3A_427, %max3A_429 : vector<16xf32>
          %mul3A_431 = arith.mulf %max3A_430, %get3A_4 : vector<16xf32>
          %add3A_432 = arith.addf %add3A_402, %mul3A_431 : vector<16xf32>
          %get3A_433 = arith.constant 0 : i32
          %get3A_434 = arith.index_cast %get3A_433 : i32 to index
          %get3A_435 = arith.index_cast %add3A_369 : i32 to index
          %get3A_436 = arith.constant 32 : index
          %get3A_437 = tpu.vector_load %arg14[%get3A_434, %get3A_435, %get3A_436] {strides = array<i32>} : memref<2x128x128xf32, #tpu.memory_space<vmem>>, vector<1x1x16xf32>,
          %get3A_438 = vector.shape_cast %get3A_437 : vector<1x1x16xf32> to vector<16xf32>
          %get3A_439 = arith.constant 0 : i32
          %get3A_440 = arith.index_cast %get3A_439 : i32 to index
          %get3A_441 = arith.index_cast %add3A_369 : i32 to index
          %get3A_442 = arith.constant 32 : index
          %get3A_443 = tpu.vector_load %arg15[%get3A_440, %get3A_441, %get3A_442] {strides = array<i32>} : memref<2x128x128xf32, #tpu.memory_space<vmem>>, vector<1x1x16xf32>,
          %get3A_444 = vector.shape_cast %get3A_443 : vector<1x1x16xf32> to vector<16xf32>
          %add3A_445 = arith.addf %get3A_438, %get3A_444 : vector<16xf32>
          %max3A_446 = arith.constant 0.000000e+00 : f32
          %max3A_447 = vector.broadcast %max3A_446 : f32 to vector<16xf32>
          %max3A_448 = arith.maximumf %add3A_445, %max3A_447 : vector<16xf32>
          %mul3A_449 = arith.mulf %max3A_448, %get3A_7 : vector<16xf32>
          %add3A_450 = arith.addf %add3A_420, %mul3A_449 : vector<16xf32>
          %get3A_451 = arith.constant 0 : i32
          %get3A_452 = arith.index_cast %get3A_451 : i32 to index
          %get3A_453 = arith.index_cast %add3A_369 : i32 to index
          %get3A_454 = arith.constant 32 : index
          %get3A_455 = tpu.vector_load %arg16[%get3A_452, %get3A_453, %get3A_454] {strides = array<i32>} : memref<2x128x128xf32, #tpu.memory_space<vmem>>, vector<1x1x16xf32>,
          %get3A_456 = vector.shape_cast %get3A_455 : vector<1x1x16xf32> to vector<16xf32>
          %add3A_457 = arith.addf %get3A_438, %get3A_456 : vector<16xf32>
          %max3A_458 = arith.constant 0.000000e+00 : f32
          %max3A_459 = vector.broadcast %max3A_458 : f32 to vector<16xf32>
          %max3A_460 = arith.maximumf %add3A_457, %max3A_459 : vector<16xf32>
          %mul3A_461 = arith.mulf %max3A_460, %get3A_7 : vector<16xf32>
          %add3A_462 = arith.addf %add3A_432, %mul3A_461 : vector<16xf32>
          %get3A_463 = arith.constant 0 : i32
          %get3A_464 = arith.index_cast %get3A_463 : i32 to index
          %get3A_465 = arith.index_cast %add3A_369 : i32 to index
          %get3A_466 = arith.constant 48 : index
          %get3A_467 = tpu.vector_load %arg14[%get3A_464, %get3A_465, %get3A_466] {strides = array<i32>} : memref<2x128x128xf32, #tpu.memory_space<vmem>>, vector<1x1x16xf32>,
          %get3A_468 = vector.shape_cast %get3A_467 : vector<1x1x16xf32> to vector<16xf32>
          %get3A_469 = arith.constant 0 : i32
          %get3A_470 = arith.index_cast %get3A_469 : i32 to index
          %get3A_471 = arith.index_cast %add3A_369 : i32 to index
          %get3A_472 = arith.constant 48 : index
          %get3A_473 = tpu.vector_load %arg15[%get3A_470, %get3A_471, %get3A_472] {strides = array<i32>} : memref<2x128x128xf32, #tpu.memory_space<vmem>>, vector<1x1x16xf32>,
          %get3A_474 = vector.shape_cast %get3A_473 : vector<1x1x16xf32> to vector<16xf32>
          %add3A_475 = arith.addf %get3A_468, %get3A_474 : vector<16xf32>
          %max3A_476 = arith.constant 0.000000e+00 : f32
          %max3A_477 = vector.broadcast %max3A_476 : f32 to vector<16xf32>
          %max3A_478 = arith.maximumf %add3A_475, %max3A_477 : vector<16xf32>
          %mul3A_479 = arith.mulf %max3A_478, %get3A_10 : vector<16xf32>
          %add3A_480 = arith.addf %add3A_450, %mul3A_479 : vector<16xf32>
          %get3A_481 = arith.constant 0 : i32
          %get3A_482 = arith.index_cast %get3A_481 : i32 to index
          %get3A_483 = arith.index_cast %add3A_369 : i32 to index
          %get3A_484 = arith.constant 48 : index
          %get3A_485 = tpu.vector_load %arg16[%get3A_482, %get3A_483, %get3A_484] {strides = array<i32>} : memref<2x128x128xf32, #tpu.memory_space<vmem>>, vector<1x1x16xf32>,
          %get3A_486 = vector.shape_cast %get3A_485 : vector<1x1x16xf32> to vector<16xf32>
          %add3A_487 = arith.addf %get3A_468, %get3A_486 : vector<16xf32>
          %max3A_488 = arith.constant 0.000000e+00 : f32
          %max3A_489 = vector.broadcast %max3A_488 : f32 to vector<16xf32>
          %max3A_490 = arith.maximumf %add3A_487, %max3A_489 : vector<16xf32>
          %mul3A_491 = arith.mulf %max3A_490, %get3A_10 : vector<16xf32>
          %add3A_492 = arith.addf %add3A_462, %mul3A_491 : vector<16xf32>
          %get3A_493 = arith.constant 0 : i32
          %get3A_494 = arith.index_cast %get3A_493 : i32 to index
          %get3A_495 = arith.index_cast %add3A_369 : i32 to index
          %get3A_496 = arith.constant 64 : index
          %get3A_497 = tpu.vector_load %arg14[%get3A_494, %get3A_495, %get3A_496] {strides = array<i32>} : memref<2x128x128xf32, #tpu.memory_space<vmem>>, vector<1x1x16xf32>,
          %get3A_498 = vector.shape_cast %get3A_497 : vector<1x1x16xf32> to vector<16xf32>
          %get3A_499 = arith.constant 0 : i32
          %get3A_500 = arith.index_cast %get3A_499 : i32 to index
          %get3A_501 = arith.index_cast %add3A_369 : i32 to index
          %get3A_502 = arith.constant 64 : index
          %get3A_503 = tpu.vector_load %arg15[%get3A_500, %get3A_501, %get3A_502] {strides = array<i32>} : memref<2x128x128xf32, #tpu.memory_space<vmem>>, vector<1x1x16xf32>,
          %get3A_504 = vector.shape_cast %get3A_503 : vector<1x1x16xf32> to vector<16xf32>
          %add3A_505 = arith.addf %get3A_498, %get3A_504 : vector<16xf32>
          %max3A_506 = arith.constant 0.000000e+00 : f32
          %max3A_507 = vector.broadcast %max3A_506 : f32 to vector<16xf32>
          %max3A_508 = arith.maximumf %add3A_505, %max3A_507 : vector<16xf32>
          %mul3A_509 = arith.mulf %max3A_508, %get3A_13 : vector<16xf32>
          %add3A_510 = arith.addf %add3A_480, %mul3A_509 : vector<16xf32>
          %get3A_511 = arith.constant 0 : i32
          %get3A_512 = arith.index_cast %get3A_511 : i32 to index
          %get3A_513 = arith.index_cast %add3A_369 : i32 to index
          %get3A_514 = arith.constant 64 : index
          %get3A_515 = tpu.vector_load %arg16[%get3A_512, %get3A_513, %get3A_514] {strides = array<i32>} : memref<2x128x128xf32, #tpu.memory_space<vmem>>, vector<1x1x16xf32>,
          %get3A_516 = vector.shape_cast %get3A_515 : vector<1x1x16xf32> to vector<16xf32>
          %add3A_517 = arith.addf %get3A_498, %get3A_516 : vector<16xf32>
          %max3A_518 = arith.constant 0.000000e+00 : f32
          %max3A_519 = vector.broadcast %max3A_518 : f32 to vector<16xf32>
          %max3A_520 = arith.maximumf %add3A_517, %max3A_519 : vector<16xf32>
          %mul3A_521 = arith.mulf %max3A_520, %get3A_13 : vector<16xf32>
          %add3A_522 = arith.addf %add3A_492, %mul3A_521 : vector<16xf32>
          %get3A_523 = arith.constant 0 : i32
          %get3A_524 = arith.index_cast %get3A_523 : i32 to index
          %get3A_525 = arith.index_cast %add3A_369 : i32 to index
          %get3A_526 = arith.constant 80 : index
          %get3A_527 = tpu.vector_load %arg14[%get3A_524, %get3A_525, %get3A_526] {strides = array<i32>} : memref<2x128x128xf32, #tpu.memory_space<vmem>>, vector<1x1x16xf32>,
          %get3A_528 = vector.shape_cast %get3A_527 : vector<1x1x16xf32> to vector<16xf32>
          %get3A_529 = arith.constant 0 : i32
          %get3A_530 = arith.index_cast %get3A_529 : i32 to index
          %get3A_531 = arith.index_cast %add3A_369 : i32 to index
          %get3A_532 = arith.constant 80 : index
          %get3A_533 = tpu.vector_load %arg15[%get3A_530, %get3A_531, %get3A_532] {strides = array<i32>} : memref<2x128x128xf32, #tpu.memory_space<vmem>>, vector<1x1x16xf32>,
          %get3A_534 = vector.shape_cast %get3A_533 : vector<1x1x16xf32> to vector<16xf32>
          %add3A_535 = arith.addf %get3A_528, %get3A_534 : vector<16xf32>
          %max3A_536 = arith.constant 0.000000e+00 : f32
          %max3A_537 = vector.broadcast %max3A_536 : f32 to vector<16xf32>
          %max3A_538 = arith.maximumf %add3A_535, %max3A_537 : vector<16xf32>
          %mul3A_539 = arith.mulf %max3A_538, %get3A_16 : vector<16xf32>
          %add3A_540 = arith.addf %add3A_510, %mul3A_539 : vector<16xf32>
          %get3A_541 = arith.constant 0 : i32
          %get3A_542 = arith.index_cast %get3A_541 : i32 to index
          %get3A_543 = arith.index_cast %add3A_369 : i32 to index
          %get3A_544 = arith.constant 80 : index
          %get3A_545 = tpu.vector_load %arg16[%get3A_542, %get3A_543, %get3A_544] {strides = array<i32>} : memref<2x128x128xf32, #tpu.memory_space<vmem>>, vector<1x1x16xf32>,
          %get3A_546 = vector.shape_cast %get3A_545 : vector<1x1x16xf32> to vector<16xf32>
          %add3A_547 = arith.addf %get3A_528, %get3A_546 : vector<16xf32>
          %max3A_548 = arith.constant 0.000000e+00 : f32
          %max3A_549 = vector.broadcast %max3A_548 : f32 to vector<16xf32>
          %max3A_550 = arith.maximumf %add3A_547, %max3A_549 : vector<16xf32>
          %mul3A_551 = arith.mulf %max3A_550, %get3A_16 : vector<16xf32>
          %add3A_552 = arith.addf %add3A_522, %mul3A_551 : vector<16xf32>
          %get3A_553 = arith.constant 0 : i32
          %get3A_554 = arith.index_cast %get3A_553 : i32 to index
          %get3A_555 = arith.index_cast %add3A_369 : i32 to index
          %get3A_556 = arith.constant 96 : index
          %get3A_557 = tpu.vector_load %arg14[%get3A_554, %get3A_555, %get3A_556] {strides = array<i32>} : memref<2x128x128xf32, #tpu.memory_space<vmem>>, vector<1x1x16xf32>,
          %get3A_558 = vector.shape_cast %get3A_557 : vector<1x1x16xf32> to vector<16xf32>
          %get3A_559 = arith.constant 0 : i32
          %get3A_560 = arith.index_cast %get3A_559 : i32 to index
          %get3A_561 = arith.index_cast %add3A_369 : i32 to index
          %get3A_562 = arith.constant 96 : index
          %get3A_563 = tpu.vector_load %arg15[%get3A_560, %get3A_561, %get3A_562] {strides = array<i32>} : memref<2x128x128xf32, #tpu.memory_space<vmem>>, vector<1x1x16xf32>,
          %get3A_564 = vector.shape_cast %get3A_563 : vector<1x1x16xf32> to vector<16xf32>
          %add3A_565 = arith.addf %get3A_558, %get3A_564 : vector<16xf32>
          %max3A_566 = arith.constant 0.000000e+00 : f32
          %max3A_567 = vector.broadcast %max3A_566 : f32 to vector<16xf32>
          %max3A_568 = arith.maximumf %add3A_565, %max3A_567 : vector<16xf32>
          %mul3A_569 = arith.mulf %max3A_568, %get3A_19 : vector<16xf32>
          %add3A_570 = arith.addf %add3A_540, %mul3A_569 : vector<16xf32>
          %get3A_571 = arith.constant 0 : i32
          %get3A_572 = arith.index_cast %get3A_571 : i32 to index
          %get3A_573 = arith.index_cast %add3A_369 : i32 to index
          %get3A_574 = arith.constant 96 : index
          %get3A_575 = tpu.vector_load %arg16[%get3A_572, %get3A_573, %get3A_574] {strides = array<i32>} : memref<2x128x128xf32, #tpu.memory_space<vmem>>, vector<1x1x16xf32>,
          %get3A_576 = vector.shape_cast %get3A_575 : vector<1x1x16xf32> to vector<16xf32>
          %add3A_577 = arith.addf %get3A_558, %get3A_576 : vector<16xf32>
          %max3A_578 = arith.constant 0.000000e+00 : f32
          %max3A_579 = vector.broadcast %max3A_578 : f32 to vector<16xf32>
          %max3A_580 = arith.maximumf %add3A_577, %max3A_579 : vector<16xf32>
          %mul3A_581 = arith.mulf %max3A_580, %get3A_19 : vector<16xf32>
          %add3A_582 = arith.addf %add3A_552, %mul3A_581 : vector<16xf32>
          %get3A_583 = arith.constant 0 : i32
          %get3A_584 = arith.index_cast %get3A_583 : i32 to index
          %get3A_585 = arith.index_cast %add3A_369 : i32 to index
          %get3A_586 = arith.constant 112 : index
          %get3A_587 = tpu.vector_load %arg14[%get3A_584, %get3A_585, %get3A_586] {strides = array<i32>} : memref<2x128x128xf32, #tpu.memory_space<vmem>>, vector<1x1x16xf32>,
          %get3A_588 = vector.shape_cast %get3A_587 : vector<1x1x16xf32> to vector<16xf32>
          %get3A_589 = arith.constant 0 : i32
          %get3A_590 = arith.index_cast %get3A_589 : i32 to index
          %get3A_591 = arith.index_cast %add3A_369 : i32 to index
          %get3A_592 = arith.constant 112 : index
          %get3A_593 = tpu.vector_load %arg15[%get3A_590, %get3A_591, %get3A_592] {strides = array<i32>} : memref<2x128x128xf32, #tpu.memory_space<vmem>>, vector<1x1x16xf32>,
          %get3A_594 = vector.shape_cast %get3A_593 : vector<1x1x16xf32> to vector<16xf32>
          %add3A_595 = arith.addf %get3A_588, %get3A_594 : vector<16xf32>
          %max3A_596 = arith.constant 0.000000e+00 : f32
          %max3A_597 = vector.broadcast %max3A_596 : f32 to vector<16xf32>
          %max3A_598 = arith.maximumf %add3A_595, %max3A_597 : vector<16xf32>
          %mul3A_599 = arith.mulf %max3A_598, %get3A_22 : vector<16xf32>
          %add3A_600 = arith.addf %add3A_570, %mul3A_599 : vector<16xf32>
          %get3A_601 = arith.constant 0 : i32
          %get3A_602 = arith.index_cast %get3A_601 : i32 to index
          %get3A_603 = arith.index_cast %add3A_369 : i32 to index
          %get3A_604 = arith.constant 112 : index
          %get3A_605 = tpu.vector_load %arg16[%get3A_602, %get3A_603, %get3A_604] {strides = array<i32>} : memref<2x128x128xf32, #tpu.memory_space<vmem>>, vector<1x1x16xf32>,
          %get3A_606 = vector.shape_cast %get3A_605 : vector<1x1x16xf32> to vector<16xf32>
          %add3A_607 = arith.addf %get3A_588, %get3A_606 : vector<16xf32>
          %max3A_608 = arith.constant 0.000000e+00 : f32
          %max3A_609 = vector.broadcast %max3A_608 : f32 to vector<16xf32>
          %max3A_610 = arith.maximumf %add3A_607, %max3A_609 : vector<16xf32>
          %mul3A_611 = arith.mulf %max3A_610, %get3A_22 : vector<16xf32>
          %add3A_612 = arith.addf %add3A_582, %mul3A_611 : vector<16xf32>
          %eq3A_613 = vector.broadcast %scan3A_364 : i32 to vector<16xi32>
          %eq3A_614 = arith.cmpi eq, %iota3A, %eq3A_613 : vector<16xi32>
          %xor3A = arith.constant 8 : i32
          %xor3A_615 = vector.broadcast %xor3A : i32 to vector<16xi32>
          %xor3A_616 = arith.xori %iota3A, %xor3A_615 : vector<16xi32>
          %broadcast_in_dim3A_617 = vector.shape_cast %xor3A_616 : vector<16xi32> to vector<16x1xi32>
          %gather3A = vector.shape_cast %broadcast_in_dim3A_617 : vector<16x1xi32> to vector<16xi32>
          %gather3A_618 = tpu.dynamic_gather %add3A_600[%gather3A] in [0] : vector<16xf32>, vector<16xi32> -> vector<16xf32>
          %add3A_619 = arith.addf %add3A_600, %gather3A_618 : vector<16xf32>
          %xor3A_620 = arith.constant 4 : i32
          %xor3A_621 = vector.broadcast %xor3A_620 : i32 to vector<16xi32>
          %xor3A_622 = arith.xori %iota3A, %xor3A_621 : vector<16xi32>
          %broadcast_in_dim3A_623 = vector.shape_cast %xor3A_622 : vector<16xi32> to vector<16x1xi32>
          %gather3A_624 = vector.shape_cast %broadcast_in_dim3A_623 : vector<16x1xi32> to vector<16xi32>
          %gather3A_625 = tpu.dynamic_gather %add3A_619[%gather3A_624] in [0] : vector<16xf32>, vector<16xi32> -> vector<16xf32>
          %add3A_626 = arith.addf %add3A_619, %gather3A_625 : vector<16xf32>
          %xor3A_627 = arith.constant 2 : i32
          %xor3A_628 = vector.broadcast %xor3A_627 : i32 to vector<16xi32>
          %xor3A_629 = arith.xori %iota3A, %xor3A_628 : vector<16xi32>
          %broadcast_in_dim3A_630 = vector.shape_cast %xor3A_629 : vector<16xi32> to vector<16x1xi32>
          %gather3A_631 = vector.shape_cast %broadcast_in_dim3A_630 : vector<16x1xi32> to vector<16xi32>
          %gather3A_632 = tpu.dynamic_gather %add3A_626[%gather3A_631] in [0] : vector<16xf32>, vector<16xi32> -> vector<16xf32>
          %add3A_633 = arith.addf %add3A_626, %gather3A_632 : vector<16xf32>
          %xor3A_634 = arith.constant 1 : i32
          %xor3A_635 = vector.broadcast %xor3A_634 : i32 to vector<16xi32>
          %xor3A_636 = arith.xori %iota3A, %xor3A_635 : vector<16xi32>
          %broadcast_in_dim3A_637 = vector.shape_cast %xor3A_636 : vector<16xi32> to vector<16x1xi32>
          %gather3A_638 = vector.shape_cast %broadcast_in_dim3A_637 : vector<16x1xi32> to vector<16xi32>
          %gather3A_639 = tpu.dynamic_gather %add3A_633[%gather3A_638] in [0] : vector<16xf32>, vector<16xi32> -> vector<16xf32>
          %add3A_640 = arith.addf %add3A_633, %gather3A_639 : vector<16xf32>
          %select_n3A_641 = arith.select %eq3A_614, %add3A_640, %scan3A_365 : vector<16xi1>, vector<16xf32>
          %eq3A_642 = vector.broadcast %scan3A_364 : i32 to vector<16xi32>
          %eq3A_643 = arith.cmpi eq, %iota3A, %eq3A_642 : vector<16xi32>
          %xor3A_644 = arith.constant 8 : i32
          %xor3A_645 = vector.broadcast %xor3A_644 : i32 to vector<16xi32>
          %xor3A_646 = arith.xori %iota3A, %xor3A_645 : vector<16xi32>
          %broadcast_in_dim3A_647 = vector.shape_cast %xor3A_646 : vector<16xi32> to vector<16x1xi32>
          %gather3A_648 = vector.shape_cast %broadcast_in_dim3A_647 : vector<16x1xi32> to vector<16xi32>
          %gather3A_649 = tpu.dynamic_gather %add3A_612[%gather3A_648] in [0] : vector<16xf32>, vector<16xi32> -> vector<16xf32>
          %add3A_650 = arith.addf %add3A_612, %gather3A_649 : vector<16xf32>
          %xor3A_651 = arith.constant 4 : i32
          %xor3A_652 = vector.broadcast %xor3A_651 : i32 to vector<16xi32>
          %xor3A_653 = arith.xori %iota3A, %xor3A_652 : vector<16xi32>
          %broadcast_in_dim3A_654 = vector.shape_cast %xor3A_653 : vector<16xi32> to vector<16x1xi32>
          %gather3A_655 = vector.shape_cast %broadcast_in_dim3A_654 : vector<16x1xi32> to vector<16xi32>
          %gather3A_656 = tpu.dynamic_gather %add3A_650[%gather3A_655] in [0] : vector<16xf32>, vector<16xi32> -> vector<16xf32>
          %add3A_657 = arith.addf %add3A_650, %gather3A_656 : vector<16xf32>
          %xor3A_658 = arith.constant 2 : i32
          %xor3A_659 = vector.broadcast %xor3A_658 : i32 to vector<16xi32>
          %xor3A_660 = arith.xori %iota3A, %xor3A_659 : vector<16xi32>
          %broadcast_in_dim3A_661 = vector.shape_cast %xor3A_660 : vector<16xi32> to vector<16x1xi32>
          %gather3A_662 = vector.shape_cast %broadcast_in_dim3A_661 : vector<16x1xi32> to vector<16xi32>
          %gather3A_663 = tpu.dynamic_gather %add3A_657[%gather3A_662] in [0] : vector<16xf32>, vector<16xi32> -> vector<16xf32>
          %add3A_664 = arith.addf %add3A_657, %gather3A_663 : vector<16xf32>
          %xor3A_665 = arith.constant 1 : i32
          %xor3A_666 = vector.broadcast %xor3A_665 : i32 to vector<16xi32>
          %xor3A_667 = arith.xori %iota3A, %xor3A_666 : vector<16xi32>
          %broadcast_in_dim3A_668 = vector.shape_cast %xor3A_667 : vector<16xi32> to vector<16x1xi32>
          %gather3A_669 = vector.shape_cast %broadcast_in_dim3A_668 : vector<16x1xi32> to vector<16xi32>
          %gather3A_670 = tpu.dynamic_gather %add3A_664[%gather3A_669] in [0] : vector<16xf32>, vector<16xi32> -> vector<16xf32>
          %add3A_671 = arith.addf %add3A_664, %gather3A_670 : vector<16xf32>
          %select_n3A_672 = arith.select %eq3A_643, %add3A_671, %scan3A_366 : vector<16xi1>, vector<16xf32>
          scf.yield %select_n3A_641, %select_n3A_672 : vector<16xf32>, vector<16xf32>
        }
        %scan3A_346 = arith.constant 16 : i32
        %add3A_347 = arith.addf %scan3A_345#0, %get3A_25 : vector<16xf32>
        %mul3A_348 = arith.constant 16 : i32
        %mul3A_349 = arith.muli %scan3A_339, %mul3A_348 : i32
        %swap3A = arith.constant 0 : i32
        %swap3A_350 = arith.index_cast %swap3A : i32 to index
        %swap3A_351 = arith.index_cast %mul3A_349 : i32 to index
        %swap3A_352 = tpu.vector_load %arg17[%swap3A_350, %swap3A_351] {strides = array<i32>} : memref<2x128xf32, #tpu.memory_space<vmem>>, vector<1x16xf32>,
        %swap3A_353 = vector.shape_cast %swap3A_352 : vector<1x16xf32> to vector<16xf32>
        %swap3A_354 = vector.shape_cast %add3A_347 : vector<16xf32> to vector<1x16xf32>
        tpu.vector_store %arg17[%swap3A_350, %swap3A_351], %swap3A_354 {strides = array<i32>} : memref<2x128xf32, #tpu.memory_space<vmem>>, vector<1x16xf32>,
        %add3A_355 = arith.addf %scan3A_345#1, %get3A_25 : vector<16xf32>
        %mul3A_356 = arith.constant 16 : i32
        %mul3A_357 = arith.muli %scan3A_339, %mul3A_356 : i32
        %swap3A_358 = arith.constant 0 : i32
        %swap3A_359 = arith.index_cast %swap3A_358 : i32 to index
        %swap3A_360 = arith.index_cast %mul3A_357 : i32 to index
        %swap3A_361 = tpu.vector_load %arg18[%swap3A_359, %swap3A_360] {strides = array<i32>} : memref<2x128xf32, #tpu.memory_space<vmem>>, vector<1x16xf32>,
        %swap3A_362 = vector.shape_cast %swap3A_361 : vector<1x16xf32> to vector<16xf32>
        %swap3A_363 = vector.shape_cast %add3A_355 : vector<16xf32> to vector<1x16xf32>
        tpu.vector_store %arg18[%swap3A_359, %swap3A_360], %swap3A_363 {strides = array<i32>} : memref<2x128xf32, #tpu.memory_space<vmem>>, vector<1x16xf32>,
      }
      %scan3A_233 = arith.constant 8 : i32
      %add3A_234 = arith.addi %select_n3A_34, %mul3A_179 : i32
      %mul3A_235 = arith.constant 128 : i32
      %mul3A_236 = arith.muli %add3A_234, %mul3A_235 : i32
      %dma_start3A_237 = arith.constant 0 : i32
      %dma_start3A_238 = arith.constant 0 : i32
      %dma_start3A_239 = tpu.memref_slice %arg17[%dma_start3A_237, %dma_start3A_238] : memref<2x128xf32, #tpu.memory_space<vmem>> -> memref<1x128xf32, #tpu.memory_space<vmem>>
      %dma_start3A_240 = tpu.memref_squeeze %dma_start3A_239 : memref<1x128xf32, #tpu.memory_space<vmem>> -> memref<128xf32, #tpu.memory_space<vmem>>
      %dma_start3A_241 = tpu.memref_slice %arg9[%mul3A_236] : memref<102400xf32, #tpu.memory_space<hbm>> -> memref<128xf32, #tpu.memory_space<hbm>>
      %dma_start3A_242 = tpu.memref_slice %arg9[%mul3A_236] : memref<102400xf32, #tpu.memory_space<hbm>> -> memref<128xf32, #tpu.memory_space<hbm>>
      %dma_start3A_243 = arith.constant 0 : i32
      %dma_start3A_244 = tpu.memref_slice %arg17[%dma_start3A_237, %dma_start3A_243] : memref<2x128xf32, #tpu.memory_space<vmem>> -> memref<1x128xf32, #tpu.memory_space<vmem>>
      %dma_start3A_245 = tpu.memref_squeeze %dma_start3A_244 : memref<1x128xf32, #tpu.memory_space<vmem>> -> memref<128xf32, #tpu.memory_space<vmem>>
      tpu.enqueue_dma source(%dma_start3A_245 : memref<128xf32, #tpu.memory_space<vmem>>) target(%dma_start3A_242 : memref<128xf32, #tpu.memory_space<hbm>>) target_semaphore(%arg25 : memref<!tpu.dma_semaphore, #tpu.memory_space<semaphore_mem>>)
      %dma_start3A_246 = arith.constant 0 : i32
      %dma_start3A_247 = arith.constant 0 : i32
      %dma_start3A_248 = tpu.memref_slice %arg18[%dma_start3A_246, %dma_start3A_247] : memref<2x128xf32, #tpu.memory_space<vmem>> -> memref<1x128xf32, #tpu.memory_space<vmem>>
      %dma_start3A_249 = tpu.memref_squeeze %dma_start3A_248 : memref<1x128xf32, #tpu.memory_space<vmem>> -> memref<128xf32, #tpu.memory_space<vmem>>
      %dma_start3A_250 = tpu.memref_slice %arg10[%mul3A_236] : memref<102400xf32, #tpu.memory_space<hbm>> -> memref<128xf32, #tpu.memory_space<hbm>>
      %dma_start3A_251 = tpu.memref_slice %arg10[%mul3A_236] : memref<102400xf32, #tpu.memory_space<hbm>> -> memref<128xf32, #tpu.memory_space<hbm>>
      %dma_start3A_252 = arith.constant 0 : i32
      %dma_start3A_253 = tpu.memref_slice %arg18[%dma_start3A_246, %dma_start3A_252] : memref<2x128xf32, #tpu.memory_space<vmem>> -> memref<1x128xf32, #tpu.memory_space<vmem>>
      %dma_start3A_254 = tpu.memref_squeeze %dma_start3A_253 : memref<1x128xf32, #tpu.memory_space<vmem>> -> memref<128xf32, #tpu.memory_space<vmem>>
      tpu.enqueue_dma source(%dma_start3A_254 : memref<128xf32, #tpu.memory_space<vmem>>) target(%dma_start3A_251 : memref<128xf32, #tpu.memory_space<hbm>>) target_semaphore(%arg25 : memref<!tpu.dma_semaphore, #tpu.memory_space<semaphore_mem>>)
      %mul3A_255 = arith.constant 2 : i32
      %mul3A_256 = arith.muli %mul3A_255, %while3A_177 : i32
      %add3A_257 = arith.constant 1 : i32
      %add3A_258 = arith.addi %mul3A_256, %add3A_257 : i32
      %dma_wait3A_259 = arith.constant 1 : i32
      %dma_wait3A_260 = arith.constant 1 : i32
      %dma_wait3A_261 = arith.constant 0 : i32
      %dma_wait3A_262 = arith.constant 0 : i32
      %dma_wait3A_263 = tpu.memref_slice %arg14[%dma_wait3A_260, %dma_wait3A_261, %dma_wait3A_262] : memref<2x128x128xf32, #tpu.memory_space<vmem>> -> memref<1x128x128xf32, #tpu.memory_space<vmem>>
      %dma_wait3A_264 = tpu.memref_squeeze %dma_wait3A_263 : memref<1x128x128xf32, #tpu.memory_space<vmem>> -> memref<128x128xf32, #tpu.memory_space<vmem>>
      %dma_wait3A_265 = arith.constant 0 : i32
      %dma_wait3A_266 = tpu.memref_slice %arg11[%dma_wait3A_259, %dma_wait3A_265] : memref<2x128xi32, #tpu.memory_space<vmem>> -> memref<1x128xi32, #tpu.memory_space<vmem>>
      %dma_wait3A_267 = tpu.memref_squeeze %dma_wait3A_266 : memref<1x128xi32, #tpu.memory_space<vmem>> -> memref<128xi32, #tpu.memory_space<vmem>>
      %dma_wait3A_268 = arith.constant 0 : i32
      %dma_wait3A_269 = arith.constant 0 : i32
      %dma_wait3A_270 = tpu.memref_slice %arg2[%dma_wait3A_268, %dma_wait3A_269] : memref<10240x128xf32, #tpu.memory_space<hbm>> -> memref<10240x128xf32, #tpu.memory_space<hbm>>
      tpu.wait_indirect_dma semaphore(%arg24 : memref<!tpu.dma_semaphore, #tpu.memory_space<semaphore_mem>>) src(%dma_wait3A_270 : memref<10240x128xf32, #tpu.memory_space<hbm>>) dst(%dma_wait3A_264 : memref<128x128xf32, #tpu.memory_space<vmem>>)
      %dma_wait3A_271 = arith.constant 1 : i32
      %dma_wait3A_272 = arith.constant 1 : i32
      %dma_wait3A_273 = arith.constant 0 : i32
      %dma_wait3A_274 = arith.constant 0 : i32
      %dma_wait3A_275 = tpu.memref_slice %arg15[%dma_wait3A_272, %dma_wait3A_273, %dma_wait3A_274] : memref<2x128x128xf32, #tpu.memory_space<vmem>> -> memref<1x128x128xf32, #tpu.memory_space<vmem>>
      %dma_wait3A_276 = tpu.memref_squeeze %dma_wait3A_275 : memref<1x128x128xf32, #tpu.memory_space<vmem>> -> memref<128x128xf32, #tpu.memory_space<vmem>>
      %dma_wait3A_277 = arith.constant 0 : i32
      %dma_wait3A_278 = tpu.memref_slice %arg12[%dma_wait3A_271, %dma_wait3A_277] : memref<2x128xi32, #tpu.memory_space<vmem>> -> memref<1x128xi32, #tpu.memory_space<vmem>>
      %dma_wait3A_279 = tpu.memref_squeeze %dma_wait3A_278 : memref<1x128xi32, #tpu.memory_space<vmem>> -> memref<128xi32, #tpu.memory_space<vmem>>
      %dma_wait3A_280 = arith.constant 0 : i32
      %dma_wait3A_281 = arith.constant 0 : i32
      %dma_wait3A_282 = tpu.memref_slice %arg3[%dma_wait3A_280, %dma_wait3A_281] : memref<10240x128xf32, #tpu.memory_space<hbm>> -> memref<10240x128xf32, #tpu.memory_space<hbm>>
      tpu.wait_indirect_dma semaphore(%arg24 : memref<!tpu.dma_semaphore, #tpu.memory_space<semaphore_mem>>) src(%dma_wait3A_282 : memref<10240x128xf32, #tpu.memory_space<hbm>>) dst(%dma_wait3A_276 : memref<128x128xf32, #tpu.memory_space<vmem>>)
      %dma_wait3A_283 = arith.constant 1 : i32
      %dma_wait3A_284 = arith.constant 1 : i32
      %dma_wait3A_285 = arith.constant 0 : i32
      %dma_wait3A_286 = arith.constant 0 : i32
      %dma_wait3A_287 = tpu.memref_slice %arg16[%dma_wait3A_284, %dma_wait3A_285, %dma_wait3A_286] : memref<2x128x128xf32, #tpu.memory_space<vmem>> -> memref<1x128x128xf32, #tpu.memory_space<vmem>>
      %dma_wait3A_288 = tpu.memref_squeeze %dma_wait3A_287 : memref<1x128x128xf32, #tpu.memory_space<vmem>> -> memref<128x128xf32, #tpu.memory_space<vmem>>
      %dma_wait3A_289 = arith.constant 0 : i32
      %dma_wait3A_290 = tpu.memref_slice %arg13[%dma_wait3A_283, %dma_wait3A_289] : memref<2x128xi32, #tpu.memory_space<vmem>> -> memref<1x128xi32, #tpu.memory_space<vmem>>
      %dma_wait3A_291 = tpu.memref_squeeze %dma_wait3A_290 : memref<1x128xi32, #tpu.memory_space<vmem>> -> memref<128xi32, #tpu.memory_space<vmem>>
      %dma_wait3A_292 = arith.constant 0 : i32
      %dma_wait3A_293 = arith.constant 0 : i32
      %dma_wait3A_294 = tpu.memref_slice %arg3[%dma_wait3A_292, %dma_wait3A_293] : memref<10240x128xf32, #tpu.memory_space<hbm>> -> memref<10240x128xf32, #tpu.memory_space<hbm>>
      tpu.wait_indirect_dma semaphore(%arg24 : memref<!tpu.dma_semaphore, #tpu.memory_space<semaphore_mem>>) src(%dma_wait3A_294 : memref<10240x128xf32, #tpu.memory_space<hbm>>) dst(%dma_wait3A_288 : memref<128x128xf32, #tpu.memory_space<vmem>>)
      %add3A_295 = arith.constant 1 : i32
      %add3A_296 = arith.addi %add3A_258, %add3A_295 : i32
      %lt3A_297 = arith.cmpi slt, %add3A_296, %select_n3A : i32
      %convert_element_type3A_298 = arith.extui %lt3A_297 : i1 to i32
      %cond3A_299 = arith.constant 0 : i32
      %cond3A_300 = arith.cmpi ne, %convert_element_type3A_298, %cond3A_299 : i32
      scf.if %cond3A_300 {
        %dma_wait3A_339 = arith.constant 0 : i32
        %dma_wait3A_340 = arith.constant 0 : i32
        %dma_wait3A_341 = tpu.memref_slice %arg11[%dma_wait3A_339, %dma_wait3A_340] : memref<2x128xi32, #tpu.memory_space<vmem>> -> memref<1x128xi32, #tpu.memory_space<vmem>>
        %dma_wait3A_342 = tpu.memref_squeeze %dma_wait3A_341 : memref<1x128xi32, #tpu.memory_space<vmem>> -> memref<128xi32, #tpu.memory_space<vmem>>
        %dma_wait3A_343 = arith.constant 0 : i32
        %dma_wait3A_344 = tpu.memref_slice %arg4[%dma_wait3A_343] : memref<102400xi32, #tpu.memory_space<hbm>> -> memref<128xi32, #tpu.memory_space<hbm>>
        %dma_wait3A_345 = arith.constant 0 : i32
        %dma_wait3A_346 = tpu.memref_slice %arg11[%dma_wait3A_339, %dma_wait3A_345] : memref<2x128xi32, #tpu.memory_space<vmem>> -> memref<1x128xi32, #tpu.memory_space<vmem>>
        %dma_wait3A_347 = tpu.memref_squeeze %dma_wait3A_346 : memref<1x128xi32, #tpu.memory_space<vmem>> -> memref<128xi32, #tpu.memory_space<vmem>>
        %dma_wait3A_348 = arith.constant 0 : i32
        %dma_wait3A_349 = tpu.memref_slice %arg4[%dma_wait3A_348] : memref<102400xi32, #tpu.memory_space<hbm>> -> memref<128xi32, #tpu.memory_space<hbm>>
        tpu.wait_dma2 semaphore(%arg21 : memref<!tpu.dma_semaphore, #tpu.memory_space<semaphore_mem>>) src(%dma_wait3A_349 : memref<128xi32, #tpu.memory_space<hbm>>) dst(%dma_wait3A_347 : memref<128xi32, #tpu.memory_space<vmem>>)
        %dma_wait3A_350 = arith.constant 0 : i32
        %dma_wait3A_351 = arith.constant 0 : i32
        %dma_wait3A_352 = tpu.memref_slice %arg12[%dma_wait3A_350, %dma_wait3A_351] : memref<2x128xi32, #tpu.memory_space<vmem>> -> memref<1x128xi32, #tpu.memory_space<vmem>>
        %dma_wait3A_353 = tpu.memref_squeeze %dma_wait3A_352 : memref<1x128xi32, #tpu.memory_space<vmem>> -> memref<128xi32, #tpu.memory_space<vmem>>
        %dma_wait3A_354 = arith.constant 0 : i32
        %dma_wait3A_355 = tpu.memref_slice %arg5[%dma_wait3A_354] : memref<102400xi32, #tpu.memory_space<hbm>> -> memref<128xi32, #tpu.memory_space<hbm>>
        %dma_wait3A_356 = arith.constant 0 : i32
        %dma_wait3A_357 = tpu.memref_slice %arg12[%dma_wait3A_350, %dma_wait3A_356] : memref<2x128xi32, #tpu.memory_space<vmem>> -> memref<1x128xi32, #tpu.memory_space<vmem>>
        %dma_wait3A_358 = tpu.memref_squeeze %dma_wait3A_357 : memref<1x128xi32, #tpu.memory_space<vmem>> -> memref<128xi32, #tpu.memory_space<vmem>>
        %dma_wait3A_359 = arith.constant 0 : i32
        %dma_wait3A_360 = tpu.memref_slice %arg5[%dma_wait3A_359] : memref<102400xi32, #tpu.memory_space<hbm>> -> memref<128xi32, #tpu.memory_space<hbm>>
        tpu.wait_dma2 semaphore(%arg21 : memref<!tpu.dma_semaphore, #tpu.memory_space<semaphore_mem>>) src(%dma_wait3A_360 : memref<128xi32, #tpu.memory_space<hbm>>) dst(%dma_wait3A_358 : memref<128xi32, #tpu.memory_space<vmem>>)
        %dma_wait3A_361 = arith.constant 0 : i32
        %dma_wait3A_362 = arith.constant 0 : i32
        %dma_wait3A_363 = tpu.memref_slice %arg13[%dma_wait3A_361, %dma_wait3A_362] : memref<2x128xi32, #tpu.memory_space<vmem>> -> memref<1x128xi32, #tpu.memory_space<vmem>>
        %dma_wait3A_364 = tpu.memref_squeeze %dma_wait3A_363 : memref<1x128xi32, #tpu.memory_space<vmem>> -> memref<128xi32, #tpu.memory_space<vmem>>
        %dma_wait3A_365 = arith.constant 0 : i32
        %dma_wait3A_366 = tpu.memref_slice %arg6[%dma_wait3A_365] : memref<102400xi32, #tpu.memory_space<hbm>> -> memref<128xi32, #tpu.memory_space<hbm>>
        %dma_wait3A_367 = arith.constant 0 : i32
        %dma_wait3A_368 = tpu.memref_slice %arg13[%dma_wait3A_361, %dma_wait3A_367] : memref<2x128xi32, #tpu.memory_space<vmem>> -> memref<1x128xi32, #tpu.memory_space<vmem>>
        %dma_wait3A_369 = tpu.memref_squeeze %dma_wait3A_368 : memref<1x128xi32, #tpu.memory_space<vmem>> -> memref<128xi32, #tpu.memory_space<vmem>>
        %dma_wait3A_370 = arith.constant 0 : i32
        %dma_wait3A_371 = tpu.memref_slice %arg6[%dma_wait3A_370] : memref<102400xi32, #tpu.memory_space<hbm>> -> memref<128xi32, #tpu.memory_space<hbm>>
        tpu.wait_dma2 semaphore(%arg21 : memref<!tpu.dma_semaphore, #tpu.memory_space<semaphore_mem>>) src(%dma_wait3A_371 : memref<128xi32, #tpu.memory_space<hbm>>) dst(%dma_wait3A_369 : memref<128xi32, #tpu.memory_space<vmem>>)
        %dma_start3A_372 = arith.constant 0 : i32
        %dma_start3A_373 = arith.constant 0 : i32
        %dma_start3A_374 = arith.constant 0 : i32
        %dma_start3A_375 = arith.constant 0 : i32
        %dma_start3A_376 = tpu.memref_slice %arg14[%dma_start3A_373, %dma_start3A_374, %dma_start3A_375] : memref<2x128x128xf32, #tpu.memory_space<vmem>> -> memref<1x128x128xf32, #tpu.memory_space<vmem>>
        %dma_start3A_377 = tpu.memref_squeeze %dma_start3A_376 : memref<1x128x128xf32, #tpu.memory_space<vmem>> -> memref<128x128xf32, #tpu.memory_space<vmem>>
        %dma_start3A_378 = arith.constant 0 : i32
        %dma_start3A_379 = tpu.memref_slice %arg11[%dma_start3A_372, %dma_start3A_378] : memref<2x128xi32, #tpu.memory_space<vmem>> -> memref<1x128xi32, #tpu.memory_space<vmem>>
        %dma_start3A_380 = tpu.memref_squeeze %dma_start3A_379 : memref<1x128xi32, #tpu.memory_space<vmem>> -> memref<128xi32, #tpu.memory_space<vmem>>
        %dma_start3A_381 = arith.constant 0 : i32
        %dma_start3A_382 = arith.constant 0 : i32
        %dma_start3A_383 = tpu.memref_slice %arg2[%dma_start3A_381, %dma_start3A_382] : memref<10240x128xf32, #tpu.memory_space<hbm>> -> memref<10240x128xf32, #tpu.memory_space<hbm>>
        tpu.enqueue_indirect_dma source(%dma_start3A_383 : memref<10240x128xf32, #tpu.memory_space<hbm>>) target(%dma_start3A_377 : memref<128x128xf32, #tpu.memory_space<vmem>>) offsets(%dma_start3A_380 : memref<128xi32, #tpu.memory_space<vmem>>) semaphore(%arg23 : memref<!tpu.dma_semaphore, #tpu.memory_space<semaphore_mem>>)
        %dma_start3A_384 = arith.constant 0 : i32
        %dma_start3A_385 = arith.constant 0 : i32
        %dma_start3A_386 = arith.constant 0 : i32
        %dma_start3A_387 = arith.constant 0 : i32
        %dma_start3A_388 = tpu.memref_slice %arg15[%dma_start3A_385, %dma_start3A_386, %dma_start3A_387] : memref<2x128x128xf32, #tpu.memory_space<vmem>> -> memref<1x128x128xf32, #tpu.memory_space<vmem>>
        %dma_start3A_389 = tpu.memref_squeeze %dma_start3A_388 : memref<1x128x128xf32, #tpu.memory_space<vmem>> -> memref<128x128xf32, #tpu.memory_space<vmem>>
        %dma_start3A_390 = arith.constant 0 : i32
        %dma_start3A_391 = tpu.memref_slice %arg12[%dma_start3A_384, %dma_start3A_390] : memref<2x128xi32, #tpu.memory_space<vmem>> -> memref<1x128xi32, #tpu.memory_space<vmem>>
        %dma_start3A_392 = tpu.memref_squeeze %dma_start3A_391 : memref<1x128xi32, #tpu.memory_space<vmem>> -> memref<128xi32, #tpu.memory_space<vmem>>
        %dma_start3A_393 = arith.constant 0 : i32
        %dma_start3A_394 = arith.constant 0 : i32
        %dma_start3A_395 = tpu.memref_slice %arg3[%dma_start3A_393, %dma_start3A_394] : memref<10240x128xf32, #tpu.memory_space<hbm>> -> memref<10240x128xf32, #tpu.memory_space<hbm>>
        tpu.enqueue_indirect_dma source(%dma_start3A_395 : memref<10240x128xf32, #tpu.memory_space<hbm>>) target(%dma_start3A_389 : memref<128x128xf32, #tpu.memory_space<vmem>>) offsets(%dma_start3A_392 : memref<128xi32, #tpu.memory_space<vmem>>) semaphore(%arg23 : memref<!tpu.dma_semaphore, #tpu.memory_space<semaphore_mem>>)
        %dma_start3A_396 = arith.constant 0 : i32
        %dma_start3A_397 = arith.constant 0 : i32
        %dma_start3A_398 = arith.constant 0 : i32
        %dma_start3A_399 = arith.constant 0 : i32
        %dma_start3A_400 = tpu.memref_slice %arg16[%dma_start3A_397, %dma_start3A_398, %dma_start3A_399] : memref<2x128x128xf32, #tpu.memory_space<vmem>> -> memref<1x128x128xf32, #tpu.memory_space<vmem>>
        %dma_start3A_401 = tpu.memref_squeeze %dma_start3A_400 : memref<1x128x128xf32, #tpu.memory_space<vmem>> -> memref<128x128xf32, #tpu.memory_space<vmem>>
        %dma_start3A_402 = arith.constant 0 : i32
        %dma_start3A_403 = tpu.memref_slice %arg13[%dma_start3A_396, %dma_start3A_402] : memref<2x128xi32, #tpu.memory_space<vmem>> -> memref<1x128xi32, #tpu.memory_space<vmem>>
        %dma_start3A_404 = tpu.memref_squeeze %dma_start3A_403 : memref<1x128xi32, #tpu.memory_space<vmem>> -> memref<128xi32, #tpu.memory_space<vmem>>
        %dma_start3A_405 = arith.constant 0 : i32
        %dma_start3A_406 = arith.constant 0 : i32
        %dma_start3A_407 = tpu.memref_slice %arg3[%dma_start3A_405, %dma_start3A_406] : memref<10240x128xf32, #tpu.memory_space<hbm>> -> memref<10240x128xf32, #tpu.memory_space<hbm>>
        tpu.enqueue_indirect_dma source(%dma_start3A_407 : memref<10240x128xf32, #tpu.memory_space<hbm>>) target(%dma_start3A_401 : memref<128x128xf32, #tpu.memory_space<vmem>>) offsets(%dma_start3A_404 : memref<128xi32, #tpu.memory_space<vmem>>) semaphore(%arg23 : memref<!tpu.dma_semaphore, #tpu.memory_space<semaphore_mem>>)
      } else {
      }
      %add3A_301 = arith.constant 2 : i32
      %add3A_302 = arith.addi %add3A_258, %add3A_301 : i32
      %lt3A_303 = arith.cmpi slt, %add3A_302, %select_n3A : i32
      %convert_element_type3A_304 = arith.extui %lt3A_303 : i1 to i32
      %cond3A_305 = arith.constant 0 : i32
      %cond3A_306 = arith.cmpi ne, %convert_element_type3A_304, %cond3A_305 : i32
      scf.if %cond3A_306 {
        %add3A_339 = arith.constant 2 : i32
        %add3A_340 = arith.addi %add3A_258, %add3A_339 : i32
        %add3A_341 = arith.addi %select_n3A_34, %add3A_340 : i32
        %mul3A_342 = arith.constant 128 : i32
        %mul3A_343 = arith.muli %add3A_341, %mul3A_342 : i32
        %dma_start3A_344 = arith.constant 1 : i32
        %dma_start3A_345 = arith.constant 0 : i32
        %dma_start3A_346 = tpu.memref_slice %arg11[%dma_start3A_344, %dma_start3A_345] : memref<2x128xi32, #tpu.memory_space<vmem>> -> memref<1x128xi32, #tpu.memory_space<vmem>>
        %dma_start3A_347 = tpu.memref_squeeze %dma_start3A_346 : memref<1x128xi32, #tpu.memory_space<vmem>> -> memref<128xi32, #tpu.memory_space<vmem>>
        %dma_start3A_348 = tpu.memref_slice %arg4[%mul3A_343] : memref<102400xi32, #tpu.memory_space<hbm>> -> memref<128xi32, #tpu.memory_space<hbm>>
        %dma_start3A_349 = arith.constant 0 : i32
        %dma_start3A_350 = tpu.memref_slice %arg11[%dma_start3A_344, %dma_start3A_349] : memref<2x128xi32, #tpu.memory_space<vmem>> -> memref<1x128xi32, #tpu.memory_space<vmem>>
        %dma_start3A_351 = tpu.memref_squeeze %dma_start3A_350 : memref<1x128xi32, #tpu.memory_space<vmem>> -> memref<128xi32, #tpu.memory_space<vmem>>
        %dma_start3A_352 = tpu.memref_slice %arg4[%mul3A_343] : memref<102400xi32, #tpu.memory_space<hbm>> -> memref<128xi32, #tpu.memory_space<hbm>>
        tpu.enqueue_dma source(%dma_start3A_352 : memref<128xi32, #tpu.memory_space<hbm>>) target(%dma_start3A_351 : memref<128xi32, #tpu.memory_space<vmem>>) target_semaphore(%arg22 : memref<!tpu.dma_semaphore, #tpu.memory_space<semaphore_mem>>)
        %dma_start3A_353 = arith.constant 1 : i32
        %dma_start3A_354 = arith.constant 0 : i32
        %dma_start3A_355 = tpu.memref_slice %arg12[%dma_start3A_353, %dma_start3A_354] : memref<2x128xi32, #tpu.memory_space<vmem>> -> memref<1x128xi32, #tpu.memory_space<vmem>>
        %dma_start3A_356 = tpu.memref_squeeze %dma_start3A_355 : memref<1x128xi32, #tpu.memory_space<vmem>> -> memref<128xi32, #tpu.memory_space<vmem>>
        %dma_start3A_357 = tpu.memref_slice %arg5[%mul3A_343] : memref<102400xi32, #tpu.memory_space<hbm>> -> memref<128xi32, #tpu.memory_space<hbm>>
        %dma_start3A_358 = arith.constant 0 : i32
        %dma_start3A_359 = tpu.memref_slice %arg12[%dma_start3A_353, %dma_start3A_358] : memref<2x128xi32, #tpu.memory_space<vmem>> -> memref<1x128xi32, #tpu.memory_space<vmem>>
        %dma_start3A_360 = tpu.memref_squeeze %dma_start3A_359 : memref<1x128xi32, #tpu.memory_space<vmem>> -> memref<128xi32, #tpu.memory_space<vmem>>
        %dma_start3A_361 = tpu.memref_slice %arg5[%mul3A_343] : memref<102400xi32, #tpu.memory_space<hbm>> -> memref<128xi32, #tpu.memory_space<hbm>>
        tpu.enqueue_dma source(%dma_start3A_361 : memref<128xi32, #tpu.memory_space<hbm>>) target(%dma_start3A_360 : memref<128xi32, #tpu.memory_space<vmem>>) target_semaphore(%arg22 : memref<!tpu.dma_semaphore, #tpu.memory_space<semaphore_mem>>)
        %dma_start3A_362 = arith.constant 1 : i32
        %dma_start3A_363 = arith.constant 0 : i32
        %dma_start3A_364 = tpu.memref_slice %arg13[%dma_start3A_362, %dma_start3A_363] : memref<2x128xi32, #tpu.memory_space<vmem>> -> memref<1x128xi32, #tpu.memory_space<vmem>>
        %dma_start3A_365 = tpu.memref_squeeze %dma_start3A_364 : memref<1x128xi32, #tpu.memory_space<vmem>> -> memref<128xi32, #tpu.memory_space<vmem>>
        %dma_start3A_366 = tpu.memref_slice %arg6[%mul3A_343] : memref<102400xi32, #tpu.memory_space<hbm>> -> memref<128xi32, #tpu.memory_space<hbm>>
        %dma_start3A_367 = arith.constant 0 : i32
        %dma_start3A_368 = tpu.memref_slice %arg13[%dma_start3A_362, %dma_start3A_367] : memref<2x128xi32, #tpu.memory_space<vmem>> -> memref<1x128xi32, #tpu.memory_space<vmem>>
        %dma_start3A_369 = tpu.memref_squeeze %dma_start3A_368 : memref<1x128xi32, #tpu.memory_space<vmem>> -> memref<128xi32, #tpu.memory_space<vmem>>
        %dma_start3A_370 = tpu.memref_slice %arg6[%mul3A_343] : memref<102400xi32, #tpu.memory_space<hbm>> -> memref<128xi32, #tpu.memory_space<hbm>>
        tpu.enqueue_dma source(%dma_start3A_370 : memref<128xi32, #tpu.memory_space<hbm>>) target(%dma_start3A_369 : memref<128xi32, #tpu.memory_space<vmem>>) target_semaphore(%arg22 : memref<!tpu.dma_semaphore, #tpu.memory_space<semaphore_mem>>)
      } else {
      }
      %ge3A_307 = arith.constant 2 : i32
      %ge3A_308 = arith.cmpi sge, %add3A_258, %ge3A_307 : i32
      %convert_element_type3A_309 = arith.extui %ge3A_308 : i1 to i32
      %cond3A_310 = arith.constant 0 : i32
      %cond3A_311 = arith.cmpi ne, %convert_element_type3A_309, %cond3A_310 : i32
      scf.if %cond3A_311 {
        %dma_wait3A_339 = arith.constant 1 : i32
        %dma_wait3A_340 = arith.constant 0 : i32
        %dma_wait3A_341 = tpu.memref_slice %arg17[%dma_wait3A_339, %dma_wait3A_340] : memref<2x128xf32, #tpu.memory_space<vmem>> -> memref<1x128xf32, #tpu.memory_space<vmem>>
        %dma_wait3A_342 = tpu.memref_squeeze %dma_wait3A_341 : memref<1x128xf32, #tpu.memory_space<vmem>> -> memref<128xf32, #tpu.memory_space<vmem>>
        %dma_wait3A_343 = arith.constant 0 : i32
        %dma_wait3A_344 = tpu.memref_slice %arg9[%dma_wait3A_343] : memref<102400xf32, #tpu.memory_space<hbm>> -> memref<128xf32, #tpu.memory_space<hbm>>
        %dma_wait3A_345 = arith.constant 0 : i32
        %dma_wait3A_346 = tpu.memref_slice %arg9[%dma_wait3A_345] : memref<102400xf32, #tpu.memory_space<hbm>> -> memref<128xf32, #tpu.memory_space<hbm>>
        %dma_wait3A_347 = arith.constant 0 : i32
        %dma_wait3A_348 = tpu.memref_slice %arg17[%dma_wait3A_339, %dma_wait3A_347] : memref<2x128xf32, #tpu.memory_space<vmem>> -> memref<1x128xf32, #tpu.memory_space<vmem>>
        %dma_wait3A_349 = tpu.memref_squeeze %dma_wait3A_348 : memref<1x128xf32, #tpu.memory_space<vmem>> -> memref<128xf32, #tpu.memory_space<vmem>>
        tpu.wait_dma2 semaphore(%arg26 : memref<!tpu.dma_semaphore, #tpu.memory_space<semaphore_mem>>) src(%dma_wait3A_349 : memref<128xf32, #tpu.memory_space<vmem>>) dst(%dma_wait3A_346 : memref<128xf32, #tpu.memory_space<hbm>>)
        %dma_wait3A_350 = arith.constant 1 : i32
        %dma_wait3A_351 = arith.constant 0 : i32
        %dma_wait3A_352 = tpu.memref_slice %arg18[%dma_wait3A_350, %dma_wait3A_351] : memref<2x128xf32, #tpu.memory_space<vmem>> -> memref<1x128xf32, #tpu.memory_space<vmem>>
        %dma_wait3A_353 = tpu.memref_squeeze %dma_wait3A_352 : memref<1x128xf32, #tpu.memory_space<vmem>> -> memref<128xf32, #tpu.memory_space<vmem>>
        %dma_wait3A_354 = arith.constant 0 : i32
        %dma_wait3A_355 = tpu.memref_slice %arg10[%dma_wait3A_354] : memref<102400xf32, #tpu.memory_space<hbm>> -> memref<128xf32, #tpu.memory_space<hbm>>
        %dma_wait3A_356 = arith.constant 0 : i32
        %dma_wait3A_357 = tpu.memref_slice %arg10[%dma_wait3A_356] : memref<102400xf32, #tpu.memory_space<hbm>> -> memref<128xf32, #tpu.memory_space<hbm>>
        %dma_wait3A_358 = arith.constant 0 : i32
        %dma_wait3A_359 = tpu.memref_slice %arg18[%dma_wait3A_350, %dma_wait3A_358] : memref<2x128xf32, #tpu.memory_space<vmem>> -> memref<1x128xf32, #tpu.memory_space<vmem>>
        %dma_wait3A_360 = tpu.memref_squeeze %dma_wait3A_359 : memref<1x128xf32, #tpu.memory_space<vmem>> -> memref<128xf32, #tpu.memory_space<vmem>>
        tpu.wait_dma2 semaphore(%arg26 : memref<!tpu.dma_semaphore, #tpu.memory_space<semaphore_mem>>) src(%dma_wait3A_360 : memref<128xf32, #tpu.memory_space<vmem>>) dst(%dma_wait3A_357 : memref<128xf32, #tpu.memory_space<hbm>>)
      } else {
      }
      %scan3A_312 = arith.constant 0 : i32
      %scan3A_313 = arith.constant 0 : i32
      %scan3A_314 = arith.constant 8 : i32
      %scan3A_315 = arith.addi %scan3A_313, %scan3A_314 : i32
      %scan3A_316 = arith.constant 1 : i32
      scf.for %scan3A_339 = %scan3A_313 to %scan3A_315 step %scan3A_316  : i32 {
        %broadcast_in_dim3A = arith.constant 0.000000e+00 : f32
        %broadcast_in_dim3A_340 = vector.broadcast %broadcast_in_dim3A : f32 to vector<16xf32>
        %scan3A_341 = arith.constant 0 : i32
        %scan3A_342 = arith.constant 16 : i32
        %scan3A_343 = arith.addi %scan3A_341, %scan3A_342 : i32
        %scan3A_344 = arith.constant 1 : i32
        %scan3A_345:2 = scf.for %scan3A_364 = %scan3A_341 to %scan3A_343 step %scan3A_344 iter_args(%scan3A_365 = %broadcast_in_dim3A_340, %scan3A_366 = %broadcast_in_dim3A_340) -> (vector<16xf32>, vector<16xf32>)  : i32 {
          %mul3A_367 = arith.constant 16 : i32
          %mul3A_368 = arith.muli %scan3A_339, %mul3A_367 : i32
          %add3A_369 = arith.addi %mul3A_368, %scan3A_364 : i32
          %broadcast_in_dim3A_370 = arith.constant 0.000000e+00 : f32
          %broadcast_in_dim3A_371 = vector.broadcast %broadcast_in_dim3A_370 : f32 to vector<16xf32>
          %broadcast_in_dim3A_372 = arith.constant 0.000000e+00 : f32
          %broadcast_in_dim3A_373 = vector.broadcast %broadcast_in_dim3A_372 : f32 to vector<16xf32>
          %get3A_374 = arith.constant 1 : i32
          %get3A_375 = arith.index_cast %get3A_374 : i32 to index
          %get3A_376 = arith.index_cast %add3A_369 : i32 to index
          %get3A_377 = arith.constant 0 : index
          %get3A_378 = tpu.vector_load %arg14[%get3A_375, %get3A_376, %get3A_377] {strides = array<i32>} : memref<2x128x128xf32, #tpu.memory_space<vmem>>, vector<1x1x16xf32>,
          %get3A_379 = vector.shape_cast %get3A_378 : vector<1x1x16xf32> to vector<16xf32>
          %get3A_380 = arith.constant 1 : i32
          %get3A_381 = arith.index_cast %get3A_380 : i32 to index
          %get3A_382 = arith.index_cast %add3A_369 : i32 to index
          %get3A_383 = arith.constant 0 : index
          %get3A_384 = tpu.vector_load %arg15[%get3A_381, %get3A_382, %get3A_383] {strides = array<i32>} : memref<2x128x128xf32, #tpu.memory_space<vmem>>, vector<1x1x16xf32>,
          %get3A_385 = vector.shape_cast %get3A_384 : vector<1x1x16xf32> to vector<16xf32>
          %add3A_386 = arith.addf %get3A_379, %get3A_385 : vector<16xf32>
          %max3A = arith.constant 0.000000e+00 : f32
          %max3A_387 = vector.broadcast %max3A : f32 to vector<16xf32>
          %max3A_388 = arith.maximumf %add3A_386, %max3A_387 : vector<16xf32>
          %mul3A_389 = arith.mulf %max3A_388, %get3A_1 : vector<16xf32>
          %add3A_390 = arith.addf %broadcast_in_dim3A_371, %mul3A_389 : vector<16xf32>
          %get3A_391 = arith.constant 1 : i32
          %get3A_392 = arith.index_cast %get3A_391 : i32 to index
          %get3A_393 = arith.index_cast %add3A_369 : i32 to index
          %get3A_394 = arith.constant 0 : index
          %get3A_395 = tpu.vector_load %arg16[%get3A_392, %get3A_393, %get3A_394] {strides = array<i32>} : memref<2x128x128xf32, #tpu.memory_space<vmem>>, vector<1x1x16xf32>,
          %get3A_396 = vector.shape_cast %get3A_395 : vector<1x1x16xf32> to vector<16xf32>
          %add3A_397 = arith.addf %get3A_379, %get3A_396 : vector<16xf32>
          %max3A_398 = arith.constant 0.000000e+00 : f32
          %max3A_399 = vector.broadcast %max3A_398 : f32 to vector<16xf32>
          %max3A_400 = arith.maximumf %add3A_397, %max3A_399 : vector<16xf32>
          %mul3A_401 = arith.mulf %max3A_400, %get3A_1 : vector<16xf32>
          %add3A_402 = arith.addf %broadcast_in_dim3A_373, %mul3A_401 : vector<16xf32>
          %get3A_403 = arith.constant 1 : i32
          %get3A_404 = arith.index_cast %get3A_403 : i32 to index
          %get3A_405 = arith.index_cast %add3A_369 : i32 to index
          %get3A_406 = arith.constant 16 : index
          %get3A_407 = tpu.vector_load %arg14[%get3A_404, %get3A_405, %get3A_406] {strides = array<i32>} : memref<2x128x128xf32, #tpu.memory_space<vmem>>, vector<1x1x16xf32>,
          %get3A_408 = vector.shape_cast %get3A_407 : vector<1x1x16xf32> to vector<16xf32>
          %get3A_409 = arith.constant 1 : i32
          %get3A_410 = arith.index_cast %get3A_409 : i32 to index
          %get3A_411 = arith.index_cast %add3A_369 : i32 to index
          %get3A_412 = arith.constant 16 : index
          %get3A_413 = tpu.vector_load %arg15[%get3A_410, %get3A_411, %get3A_412] {strides = array<i32>} : memref<2x128x128xf32, #tpu.memory_space<vmem>>, vector<1x1x16xf32>,
          %get3A_414 = vector.shape_cast %get3A_413 : vector<1x1x16xf32> to vector<16xf32>
          %add3A_415 = arith.addf %get3A_408, %get3A_414 : vector<16xf32>
          %max3A_416 = arith.constant 0.000000e+00 : f32
          %max3A_417 = vector.broadcast %max3A_416 : f32 to vector<16xf32>
          %max3A_418 = arith.maximumf %add3A_415, %max3A_417 : vector<16xf32>
          %mul3A_419 = arith.mulf %max3A_418, %get3A_4 : vector<16xf32>
          %add3A_420 = arith.addf %add3A_390, %mul3A_419 : vector<16xf32>
          %get3A_421 = arith.constant 1 : i32
          %get3A_422 = arith.index_cast %get3A_421 : i32 to index
          %get3A_423 = arith.index_cast %add3A_369 : i32 to index
          %get3A_424 = arith.constant 16 : index
          %get3A_425 = tpu.vector_load %arg16[%get3A_422, %get3A_423, %get3A_424] {strides = array<i32>} : memref<2x128x128xf32, #tpu.memory_space<vmem>>, vector<1x1x16xf32>,
          %get3A_426 = vector.shape_cast %get3A_425 : vector<1x1x16xf32> to vector<16xf32>
          %add3A_427 = arith.addf %get3A_408, %get3A_426 : vector<16xf32>
          %max3A_428 = arith.constant 0.000000e+00 : f32
          %max3A_429 = vector.broadcast %max3A_428 : f32 to vector<16xf32>
          %max3A_430 = arith.maximumf %add3A_427, %max3A_429 : vector<16xf32>
          %mul3A_431 = arith.mulf %max3A_430, %get3A_4 : vector<16xf32>
          %add3A_432 = arith.addf %add3A_402, %mul3A_431 : vector<16xf32>
          %get3A_433 = arith.constant 1 : i32
          %get3A_434 = arith.index_cast %get3A_433 : i32 to index
          %get3A_435 = arith.index_cast %add3A_369 : i32 to index
          %get3A_436 = arith.constant 32 : index
          %get3A_437 = tpu.vector_load %arg14[%get3A_434, %get3A_435, %get3A_436] {strides = array<i32>} : memref<2x128x128xf32, #tpu.memory_space<vmem>>, vector<1x1x16xf32>,
          %get3A_438 = vector.shape_cast %get3A_437 : vector<1x1x16xf32> to vector<16xf32>
          %get3A_439 = arith.constant 1 : i32
          %get3A_440 = arith.index_cast %get3A_439 : i32 to index
          %get3A_441 = arith.index_cast %add3A_369 : i32 to index
          %get3A_442 = arith.constant 32 : index
          %get3A_443 = tpu.vector_load %arg15[%get3A_440, %get3A_441, %get3A_442] {strides = array<i32>} : memref<2x128x128xf32, #tpu.memory_space<vmem>>, vector<1x1x16xf32>,
          %get3A_444 = vector.shape_cast %get3A_443 : vector<1x1x16xf32> to vector<16xf32>
          %add3A_445 = arith.addf %get3A_438, %get3A_444 : vector<16xf32>
          %max3A_446 = arith.constant 0.000000e+00 : f32
          %max3A_447 = vector.broadcast %max3A_446 : f32 to vector<16xf32>
          %max3A_448 = arith.maximumf %add3A_445, %max3A_447 : vector<16xf32>
          %mul3A_449 = arith.mulf %max3A_448, %get3A_7 : vector<16xf32>
          %add3A_450 = arith.addf %add3A_420, %mul3A_449 : vector<16xf32>
          %get3A_451 = arith.constant 1 : i32
          %get3A_452 = arith.index_cast %get3A_451 : i32 to index
          %get3A_453 = arith.index_cast %add3A_369 : i32 to index
          %get3A_454 = arith.constant 32 : index
          %get3A_455 = tpu.vector_load %arg16[%get3A_452, %get3A_453, %get3A_454] {strides = array<i32>} : memref<2x128x128xf32, #tpu.memory_space<vmem>>, vector<1x1x16xf32>,
          %get3A_456 = vector.shape_cast %get3A_455 : vector<1x1x16xf32> to vector<16xf32>
          %add3A_457 = arith.addf %get3A_438, %get3A_456 : vector<16xf32>
          %max3A_458 = arith.constant 0.000000e+00 : f32
          %max3A_459 = vector.broadcast %max3A_458 : f32 to vector<16xf32>
          %max3A_460 = arith.maximumf %add3A_457, %max3A_459 : vector<16xf32>
          %mul3A_461 = arith.mulf %max3A_460, %get3A_7 : vector<16xf32>
          %add3A_462 = arith.addf %add3A_432, %mul3A_461 : vector<16xf32>
          %get3A_463 = arith.constant 1 : i32
          %get3A_464 = arith.index_cast %get3A_463 : i32 to index
          %get3A_465 = arith.index_cast %add3A_369 : i32 to index
          %get3A_466 = arith.constant 48 : index
          %get3A_467 = tpu.vector_load %arg14[%get3A_464, %get3A_465, %get3A_466] {strides = array<i32>} : memref<2x128x128xf32, #tpu.memory_space<vmem>>, vector<1x1x16xf32>,
          %get3A_468 = vector.shape_cast %get3A_467 : vector<1x1x16xf32> to vector<16xf32>
          %get3A_469 = arith.constant 1 : i32
          %get3A_470 = arith.index_cast %get3A_469 : i32 to index
          %get3A_471 = arith.index_cast %add3A_369 : i32 to index
          %get3A_472 = arith.constant 48 : index
          %get3A_473 = tpu.vector_load %arg15[%get3A_470, %get3A_471, %get3A_472] {strides = array<i32>} : memref<2x128x128xf32, #tpu.memory_space<vmem>>, vector<1x1x16xf32>,
          %get3A_474 = vector.shape_cast %get3A_473 : vector<1x1x16xf32> to vector<16xf32>
          %add3A_475 = arith.addf %get3A_468, %get3A_474 : vector<16xf32>
          %max3A_476 = arith.constant 0.000000e+00 : f32
          %max3A_477 = vector.broadcast %max3A_476 : f32 to vector<16xf32>
          %max3A_478 = arith.maximumf %add3A_475, %max3A_477 : vector<16xf32>
          %mul3A_479 = arith.mulf %max3A_478, %get3A_10 : vector<16xf32>
          %add3A_480 = arith.addf %add3A_450, %mul3A_479 : vector<16xf32>
          %get3A_481 = arith.constant 1 : i32
          %get3A_482 = arith.index_cast %get3A_481 : i32 to index
          %get3A_483 = arith.index_cast %add3A_369 : i32 to index
          %get3A_484 = arith.constant 48 : index
          %get3A_485 = tpu.vector_load %arg16[%get3A_482, %get3A_483, %get3A_484] {strides = array<i32>} : memref<2x128x128xf32, #tpu.memory_space<vmem>>, vector<1x1x16xf32>,
          %get3A_486 = vector.shape_cast %get3A_485 : vector<1x1x16xf32> to vector<16xf32>
          %add3A_487 = arith.addf %get3A_468, %get3A_486 : vector<16xf32>
          %max3A_488 = arith.constant 0.000000e+00 : f32
          %max3A_489 = vector.broadcast %max3A_488 : f32 to vector<16xf32>
          %max3A_490 = arith.maximumf %add3A_487, %max3A_489 : vector<16xf32>
          %mul3A_491 = arith.mulf %max3A_490, %get3A_10 : vector<16xf32>
          %add3A_492 = arith.addf %add3A_462, %mul3A_491 : vector<16xf32>
          %get3A_493 = arith.constant 1 : i32
          %get3A_494 = arith.index_cast %get3A_493 : i32 to index
          %get3A_495 = arith.index_cast %add3A_369 : i32 to index
          %get3A_496 = arith.constant 64 : index
          %get3A_497 = tpu.vector_load %arg14[%get3A_494, %get3A_495, %get3A_496] {strides = array<i32>} : memref<2x128x128xf32, #tpu.memory_space<vmem>>, vector<1x1x16xf32>,
          %get3A_498 = vector.shape_cast %get3A_497 : vector<1x1x16xf32> to vector<16xf32>
          %get3A_499 = arith.constant 1 : i32
          %get3A_500 = arith.index_cast %get3A_499 : i32 to index
          %get3A_501 = arith.index_cast %add3A_369 : i32 to index
          %get3A_502 = arith.constant 64 : index
          %get3A_503 = tpu.vector_load %arg15[%get3A_500, %get3A_501, %get3A_502] {strides = array<i32>} : memref<2x128x128xf32, #tpu.memory_space<vmem>>, vector<1x1x16xf32>,
          %get3A_504 = vector.shape_cast %get3A_503 : vector<1x1x16xf32> to vector<16xf32>
          %add3A_505 = arith.addf %get3A_498, %get3A_504 : vector<16xf32>
          %max3A_506 = arith.constant 0.000000e+00 : f32
          %max3A_507 = vector.broadcast %max3A_506 : f32 to vector<16xf32>
          %max3A_508 = arith.maximumf %add3A_505, %max3A_507 : vector<16xf32>
          %mul3A_509 = arith.mulf %max3A_508, %get3A_13 : vector<16xf32>
          %add3A_510 = arith.addf %add3A_480, %mul3A_509 : vector<16xf32>
          %get3A_511 = arith.constant 1 : i32
          %get3A_512 = arith.index_cast %get3A_511 : i32 to index
          %get3A_513 = arith.index_cast %add3A_369 : i32 to index
          %get3A_514 = arith.constant 64 : index
          %get3A_515 = tpu.vector_load %arg16[%get3A_512, %get3A_513, %get3A_514] {strides = array<i32>} : memref<2x128x128xf32, #tpu.memory_space<vmem>>, vector<1x1x16xf32>,
          %get3A_516 = vector.shape_cast %get3A_515 : vector<1x1x16xf32> to vector<16xf32>
          %add3A_517 = arith.addf %get3A_498, %get3A_516 : vector<16xf32>
          %max3A_518 = arith.constant 0.000000e+00 : f32
          %max3A_519 = vector.broadcast %max3A_518 : f32 to vector<16xf32>
          %max3A_520 = arith.maximumf %add3A_517, %max3A_519 : vector<16xf32>
          %mul3A_521 = arith.mulf %max3A_520, %get3A_13 : vector<16xf32>
          %add3A_522 = arith.addf %add3A_492, %mul3A_521 : vector<16xf32>
          %get3A_523 = arith.constant 1 : i32
          %get3A_524 = arith.index_cast %get3A_523 : i32 to index
          %get3A_525 = arith.index_cast %add3A_369 : i32 to index
          %get3A_526 = arith.constant 80 : index
          %get3A_527 = tpu.vector_load %arg14[%get3A_524, %get3A_525, %get3A_526] {strides = array<i32>} : memref<2x128x128xf32, #tpu.memory_space<vmem>>, vector<1x1x16xf32>,
          %get3A_528 = vector.shape_cast %get3A_527 : vector<1x1x16xf32> to vector<16xf32>
          %get3A_529 = arith.constant 1 : i32
          %get3A_530 = arith.index_cast %get3A_529 : i32 to index
          %get3A_531 = arith.index_cast %add3A_369 : i32 to index
          %get3A_532 = arith.constant 80 : index
          %get3A_533 = tpu.vector_load %arg15[%get3A_530, %get3A_531, %get3A_532] {strides = array<i32>} : memref<2x128x128xf32, #tpu.memory_space<vmem>>, vector<1x1x16xf32>,
          %get3A_534 = vector.shape_cast %get3A_533 : vector<1x1x16xf32> to vector<16xf32>
          %add3A_535 = arith.addf %get3A_528, %get3A_534 : vector<16xf32>
          %max3A_536 = arith.constant 0.000000e+00 : f32
          %max3A_537 = vector.broadcast %max3A_536 : f32 to vector<16xf32>
          %max3A_538 = arith.maximumf %add3A_535, %max3A_537 : vector<16xf32>
          %mul3A_539 = arith.mulf %max3A_538, %get3A_16 : vector<16xf32>
          %add3A_540 = arith.addf %add3A_510, %mul3A_539 : vector<16xf32>
          %get3A_541 = arith.constant 1 : i32
          %get3A_542 = arith.index_cast %get3A_541 : i32 to index
          %get3A_543 = arith.index_cast %add3A_369 : i32 to index
          %get3A_544 = arith.constant 80 : index
          %get3A_545 = tpu.vector_load %arg16[%get3A_542, %get3A_543, %get3A_544] {strides = array<i32>} : memref<2x128x128xf32, #tpu.memory_space<vmem>>, vector<1x1x16xf32>,
          %get3A_546 = vector.shape_cast %get3A_545 : vector<1x1x16xf32> to vector<16xf32>
          %add3A_547 = arith.addf %get3A_528, %get3A_546 : vector<16xf32>
          %max3A_548 = arith.constant 0.000000e+00 : f32
          %max3A_549 = vector.broadcast %max3A_548 : f32 to vector<16xf32>
          %max3A_550 = arith.maximumf %add3A_547, %max3A_549 : vector<16xf32>
          %mul3A_551 = arith.mulf %max3A_550, %get3A_16 : vector<16xf32>
          %add3A_552 = arith.addf %add3A_522, %mul3A_551 : vector<16xf32>
          %get3A_553 = arith.constant 1 : i32
          %get3A_554 = arith.index_cast %get3A_553 : i32 to index
          %get3A_555 = arith.index_cast %add3A_369 : i32 to index
          %get3A_556 = arith.constant 96 : index
          %get3A_557 = tpu.vector_load %arg14[%get3A_554, %get3A_555, %get3A_556] {strides = array<i32>} : memref<2x128x128xf32, #tpu.memory_space<vmem>>, vector<1x1x16xf32>,
          %get3A_558 = vector.shape_cast %get3A_557 : vector<1x1x16xf32> to vector<16xf32>
          %get3A_559 = arith.constant 1 : i32
          %get3A_560 = arith.index_cast %get3A_559 : i32 to index
          %get3A_561 = arith.index_cast %add3A_369 : i32 to index
          %get3A_562 = arith.constant 96 : index
          %get3A_563 = tpu.vector_load %arg15[%get3A_560, %get3A_561, %get3A_562] {strides = array<i32>} : memref<2x128x128xf32, #tpu.memory_space<vmem>>, vector<1x1x16xf32>,
          %get3A_564 = vector.shape_cast %get3A_563 : vector<1x1x16xf32> to vector<16xf32>
          %add3A_565 = arith.addf %get3A_558, %get3A_564 : vector<16xf32>
          %max3A_566 = arith.constant 0.000000e+00 : f32
          %max3A_567 = vector.broadcast %max3A_566 : f32 to vector<16xf32>
          %max3A_568 = arith.maximumf %add3A_565, %max3A_567 : vector<16xf32>
          %mul3A_569 = arith.mulf %max3A_568, %get3A_19 : vector<16xf32>
          %add3A_570 = arith.addf %add3A_540, %mul3A_569 : vector<16xf32>
          %get3A_571 = arith.constant 1 : i32
          %get3A_572 = arith.index_cast %get3A_571 : i32 to index
          %get3A_573 = arith.index_cast %add3A_369 : i32 to index
          %get3A_574 = arith.constant 96 : index
          %get3A_575 = tpu.vector_load %arg16[%get3A_572, %get3A_573, %get3A_574] {strides = array<i32>} : memref<2x128x128xf32, #tpu.memory_space<vmem>>, vector<1x1x16xf32>,
          %get3A_576 = vector.shape_cast %get3A_575 : vector<1x1x16xf32> to vector<16xf32>
          %add3A_577 = arith.addf %get3A_558, %get3A_576 : vector<16xf32>
          %max3A_578 = arith.constant 0.000000e+00 : f32
          %max3A_579 = vector.broadcast %max3A_578 : f32 to vector<16xf32>
          %max3A_580 = arith.maximumf %add3A_577, %max3A_579 : vector<16xf32>
          %mul3A_581 = arith.mulf %max3A_580, %get3A_19 : vector<16xf32>
          %add3A_582 = arith.addf %add3A_552, %mul3A_581 : vector<16xf32>
          %get3A_583 = arith.constant 1 : i32
          %get3A_584 = arith.index_cast %get3A_583 : i32 to index
          %get3A_585 = arith.index_cast %add3A_369 : i32 to index
          %get3A_586 = arith.constant 112 : index
          %get3A_587 = tpu.vector_load %arg14[%get3A_584, %get3A_585, %get3A_586] {strides = array<i32>} : memref<2x128x128xf32, #tpu.memory_space<vmem>>, vector<1x1x16xf32>,
          %get3A_588 = vector.shape_cast %get3A_587 : vector<1x1x16xf32> to vector<16xf32>
          %get3A_589 = arith.constant 1 : i32
          %get3A_590 = arith.index_cast %get3A_589 : i32 to index
          %get3A_591 = arith.index_cast %add3A_369 : i32 to index
          %get3A_592 = arith.constant 112 : index
          %get3A_593 = tpu.vector_load %arg15[%get3A_590, %get3A_591, %get3A_592] {strides = array<i32>} : memref<2x128x128xf32, #tpu.memory_space<vmem>>, vector<1x1x16xf32>,
          %get3A_594 = vector.shape_cast %get3A_593 : vector<1x1x16xf32> to vector<16xf32>
          %add3A_595 = arith.addf %get3A_588, %get3A_594 : vector<16xf32>
          %max3A_596 = arith.constant 0.000000e+00 : f32
          %max3A_597 = vector.broadcast %max3A_596 : f32 to vector<16xf32>
          %max3A_598 = arith.maximumf %add3A_595, %max3A_597 : vector<16xf32>
          %mul3A_599 = arith.mulf %max3A_598, %get3A_22 : vector<16xf32>
          %add3A_600 = arith.addf %add3A_570, %mul3A_599 : vector<16xf32>
          %get3A_601 = arith.constant 1 : i32
          %get3A_602 = arith.index_cast %get3A_601 : i32 to index
          %get3A_603 = arith.index_cast %add3A_369 : i32 to index
          %get3A_604 = arith.constant 112 : index
          %get3A_605 = tpu.vector_load %arg16[%get3A_602, %get3A_603, %get3A_604] {strides = array<i32>} : memref<2x128x128xf32, #tpu.memory_space<vmem>>, vector<1x1x16xf32>,
          %get3A_606 = vector.shape_cast %get3A_605 : vector<1x1x16xf32> to vector<16xf32>
          %add3A_607 = arith.addf %get3A_588, %get3A_606 : vector<16xf32>
          %max3A_608 = arith.constant 0.000000e+00 : f32
          %max3A_609 = vector.broadcast %max3A_608 : f32 to vector<16xf32>
          %max3A_610 = arith.maximumf %add3A_607, %max3A_609 : vector<16xf32>
          %mul3A_611 = arith.mulf %max3A_610, %get3A_22 : vector<16xf32>
          %add3A_612 = arith.addf %add3A_582, %mul3A_611 : vector<16xf32>
          %eq3A_613 = vector.broadcast %scan3A_364 : i32 to vector<16xi32>
          %eq3A_614 = arith.cmpi eq, %iota3A, %eq3A_613 : vector<16xi32>
          %xor3A = arith.constant 8 : i32
          %xor3A_615 = vector.broadcast %xor3A : i32 to vector<16xi32>
          %xor3A_616 = arith.xori %iota3A, %xor3A_615 : vector<16xi32>
          %broadcast_in_dim3A_617 = vector.shape_cast %xor3A_616 : vector<16xi32> to vector<16x1xi32>
          %gather3A = vector.shape_cast %broadcast_in_dim3A_617 : vector<16x1xi32> to vector<16xi32>
          %gather3A_618 = tpu.dynamic_gather %add3A_600[%gather3A] in [0] : vector<16xf32>, vector<16xi32> -> vector<16xf32>
          %add3A_619 = arith.addf %add3A_600, %gather3A_618 : vector<16xf32>
          %xor3A_620 = arith.constant 4 : i32
          %xor3A_621 = vector.broadcast %xor3A_620 : i32 to vector<16xi32>
          %xor3A_622 = arith.xori %iota3A, %xor3A_621 : vector<16xi32>
          %broadcast_in_dim3A_623 = vector.shape_cast %xor3A_622 : vector<16xi32> to vector<16x1xi32>
          %gather3A_624 = vector.shape_cast %broadcast_in_dim3A_623 : vector<16x1xi32> to vector<16xi32>
          %gather3A_625 = tpu.dynamic_gather %add3A_619[%gather3A_624] in [0] : vector<16xf32>, vector<16xi32> -> vector<16xf32>
          %add3A_626 = arith.addf %add3A_619, %gather3A_625 : vector<16xf32>
          %xor3A_627 = arith.constant 2 : i32
          %xor3A_628 = vector.broadcast %xor3A_627 : i32 to vector<16xi32>
          %xor3A_629 = arith.xori %iota3A, %xor3A_628 : vector<16xi32>
          %broadcast_in_dim3A_630 = vector.shape_cast %xor3A_629 : vector<16xi32> to vector<16x1xi32>
          %gather3A_631 = vector.shape_cast %broadcast_in_dim3A_630 : vector<16x1xi32> to vector<16xi32>
          %gather3A_632 = tpu.dynamic_gather %add3A_626[%gather3A_631] in [0] : vector<16xf32>, vector<16xi32> -> vector<16xf32>
          %add3A_633 = arith.addf %add3A_626, %gather3A_632 : vector<16xf32>
          %xor3A_634 = arith.constant 1 : i32
          %xor3A_635 = vector.broadcast %xor3A_634 : i32 to vector<16xi32>
          %xor3A_636 = arith.xori %iota3A, %xor3A_635 : vector<16xi32>
          %broadcast_in_dim3A_637 = vector.shape_cast %xor3A_636 : vector<16xi32> to vector<16x1xi32>
          %gather3A_638 = vector.shape_cast %broadcast_in_dim3A_637 : vector<16x1xi32> to vector<16xi32>
          %gather3A_639 = tpu.dynamic_gather %add3A_633[%gather3A_638] in [0] : vector<16xf32>, vector<16xi32> -> vector<16xf32>
          %add3A_640 = arith.addf %add3A_633, %gather3A_639 : vector<16xf32>
          %select_n3A_641 = arith.select %eq3A_614, %add3A_640, %scan3A_365 : vector<16xi1>, vector<16xf32>
          %eq3A_642 = vector.broadcast %scan3A_364 : i32 to vector<16xi32>
          %eq3A_643 = arith.cmpi eq, %iota3A, %eq3A_642 : vector<16xi32>
          %xor3A_644 = arith.constant 8 : i32
          %xor3A_645 = vector.broadcast %xor3A_644 : i32 to vector<16xi32>
          %xor3A_646 = arith.xori %iota3A, %xor3A_645 : vector<16xi32>
          %broadcast_in_dim3A_647 = vector.shape_cast %xor3A_646 : vector<16xi32> to vector<16x1xi32>
          %gather3A_648 = vector.shape_cast %broadcast_in_dim3A_647 : vector<16x1xi32> to vector<16xi32>
          %gather3A_649 = tpu.dynamic_gather %add3A_612[%gather3A_648] in [0] : vector<16xf32>, vector<16xi32> -> vector<16xf32>
          %add3A_650 = arith.addf %add3A_612, %gather3A_649 : vector<16xf32>
          %xor3A_651 = arith.constant 4 : i32
          %xor3A_652 = vector.broadcast %xor3A_651 : i32 to vector<16xi32>
          %xor3A_653 = arith.xori %iota3A, %xor3A_652 : vector<16xi32>
          %broadcast_in_dim3A_654 = vector.shape_cast %xor3A_653 : vector<16xi32> to vector<16x1xi32>
          %gather3A_655 = vector.shape_cast %broadcast_in_dim3A_654 : vector<16x1xi32> to vector<16xi32>
          %gather3A_656 = tpu.dynamic_gather %add3A_650[%gather3A_655] in [0] : vector<16xf32>, vector<16xi32> -> vector<16xf32>
          %add3A_657 = arith.addf %add3A_650, %gather3A_656 : vector<16xf32>
          %xor3A_658 = arith.constant 2 : i32
          %xor3A_659 = vector.broadcast %xor3A_658 : i32 to vector<16xi32>
          %xor3A_660 = arith.xori %iota3A, %xor3A_659 : vector<16xi32>
          %broadcast_in_dim3A_661 = vector.shape_cast %xor3A_660 : vector<16xi32> to vector<16x1xi32>
          %gather3A_662 = vector.shape_cast %broadcast_in_dim3A_661 : vector<16x1xi32> to vector<16xi32>
          %gather3A_663 = tpu.dynamic_gather %add3A_657[%gather3A_662] in [0] : vector<16xf32>, vector<16xi32> -> vector<16xf32>
          %add3A_664 = arith.addf %add3A_657, %gather3A_663 : vector<16xf32>
          %xor3A_665 = arith.constant 1 : i32
          %xor3A_666 = vector.broadcast %xor3A_665 : i32 to vector<16xi32>
          %xor3A_667 = arith.xori %iota3A, %xor3A_666 : vector<16xi32>
          %broadcast_in_dim3A_668 = vector.shape_cast %xor3A_667 : vector<16xi32> to vector<16x1xi32>
          %gather3A_669 = vector.shape_cast %broadcast_in_dim3A_668 : vector<16x1xi32> to vector<16xi32>
          %gather3A_670 = tpu.dynamic_gather %add3A_664[%gather3A_669] in [0] : vector<16xf32>, vector<16xi32> -> vector<16xf32>
          %add3A_671 = arith.addf %add3A_664, %gather3A_670 : vector<16xf32>
          %select_n3A_672 = arith.select %eq3A_643, %add3A_671, %scan3A_366 : vector<16xi1>, vector<16xf32>
          scf.yield %select_n3A_641, %select_n3A_672 : vector<16xf32>, vector<16xf32>
        }
        %scan3A_346 = arith.constant 16 : i32
        %add3A_347 = arith.addf %scan3A_345#0, %get3A_25 : vector<16xf32>
        %mul3A_348 = arith.constant 16 : i32
        %mul3A_349 = arith.muli %scan3A_339, %mul3A_348 : i32
        %swap3A = arith.constant 1 : i32
        %swap3A_350 = arith.index_cast %swap3A : i32 to index
        %swap3A_351 = arith.index_cast %mul3A_349 : i32 to index
        %swap3A_352 = tpu.vector_load %arg17[%swap3A_350, %swap3A_351] {strides = array<i32>} : memref<2x128xf32, #tpu.memory_space<vmem>>, vector<1x16xf32>,
        %swap3A_353 = vector.shape_cast %swap3A_352 : vector<1x16xf32> to vector<16xf32>
        %swap3A_354 = vector.shape_cast %add3A_347 : vector<16xf32> to vector<1x16xf32>
        tpu.vector_store %arg17[%swap3A_350, %swap3A_351], %swap3A_354 {strides = array<i32>} : memref<2x128xf32, #tpu.memory_space<vmem>>, vector<1x16xf32>,
        %add3A_355 = arith.addf %scan3A_345#1, %get3A_25 : vector<16xf32>
        %mul3A_356 = arith.constant 16 : i32
        %mul3A_357 = arith.muli %scan3A_339, %mul3A_356 : i32
        %swap3A_358 = arith.constant 1 : i32
        %swap3A_359 = arith.index_cast %swap3A_358 : i32 to index
        %swap3A_360 = arith.index_cast %mul3A_357 : i32 to index
        %swap3A_361 = tpu.vector_load %arg18[%swap3A_359, %swap3A_360] {strides = array<i32>} : memref<2x128xf32, #tpu.memory_space<vmem>>, vector<1x16xf32>,
        %swap3A_362 = vector.shape_cast %swap3A_361 : vector<1x16xf32> to vector<16xf32>
        %swap3A_363 = vector.shape_cast %add3A_355 : vector<16xf32> to vector<1x16xf32>
        tpu.vector_store %arg18[%swap3A_359, %swap3A_360], %swap3A_363 {strides = array<i32>} : memref<2x128xf32, #tpu.memory_space<vmem>>, vector<1x16xf32>,
      }
      %scan3A_317 = arith.constant 8 : i32
      %add3A_318 = arith.addi %select_n3A_34, %add3A_258 : i32
      %mul3A_319 = arith.constant 128 : i32
      %mul3A_320 = arith.muli %add3A_318, %mul3A_319 : i32
      %dma_start3A_321 = arith.constant 1 : i32
      %dma_start3A_322 = arith.constant 0 : i32
      %dma_start3A_323 = tpu.memref_slice %arg17[%dma_start3A_321, %dma_start3A_322] : memref<2x128xf32, #tpu.memory_space<vmem>> -> memref<1x128xf32, #tpu.memory_space<vmem>>
      %dma_start3A_324 = tpu.memref_squeeze %dma_start3A_323 : memref<1x128xf32, #tpu.memory_space<vmem>> -> memref<128xf32, #tpu.memory_space<vmem>>
      %dma_start3A_325 = tpu.memref_slice %arg9[%mul3A_320] : memref<102400xf32, #tpu.memory_space<hbm>> -> memref<128xf32, #tpu.memory_space<hbm>>
      %dma_start3A_326 = tpu.memref_slice %arg9[%mul3A_320] : memref<102400xf32, #tpu.memory_space<hbm>> -> memref<128xf32, #tpu.memory_space<hbm>>
      %dma_start3A_327 = arith.constant 0 : i32
      %dma_start3A_328 = tpu.memref_slice %arg17[%dma_start3A_321, %dma_start3A_327] : memref<2x128xf32, #tpu.memory_space<vmem>> -> memref<1x128xf32, #tpu.memory_space<vmem>>
      %dma_start3A_329 = tpu.memref_squeeze %dma_start3A_328 : memref<1x128xf32, #tpu.memory_space<vmem>> -> memref<128xf32, #tpu.memory_space<vmem>>
      tpu.enqueue_dma source(%dma_start3A_329 : memref<128xf32, #tpu.memory_space<vmem>>) target(%dma_start3A_326 : memref<128xf32, #tpu.memory_space<hbm>>) target_semaphore(%arg26 : memref<!tpu.dma_semaphore, #tpu.memory_space<semaphore_mem>>)
      %dma_start3A_330 = arith.constant 1 : i32
      %dma_start3A_331 = arith.constant 0 : i32
      %dma_start3A_332 = tpu.memref_slice %arg18[%dma_start3A_330, %dma_start3A_331] : memref<2x128xf32, #tpu.memory_space<vmem>> -> memref<1x128xf32, #tpu.memory_space<vmem>>
      %dma_start3A_333 = tpu.memref_squeeze %dma_start3A_332 : memref<1x128xf32, #tpu.memory_space<vmem>> -> memref<128xf32, #tpu.memory_space<vmem>>
      %dma_start3A_334 = tpu.memref_slice %arg10[%mul3A_320] : memref<102400xf32, #tpu.memory_space<hbm>> -> memref<128xf32, #tpu.memory_space<hbm>>
      %dma_start3A_335 = tpu.memref_slice %arg10[%mul3A_320] : memref<102400xf32, #tpu.memory_space<hbm>> -> memref<128xf32, #tpu.memory_space<hbm>>
      %dma_start3A_336 = arith.constant 0 : i32
      %dma_start3A_337 = tpu.memref_slice %arg18[%dma_start3A_330, %dma_start3A_336] : memref<2x128xf32, #tpu.memory_space<vmem>> -> memref<1x128xf32, #tpu.memory_space<vmem>>
      %dma_start3A_338 = tpu.memref_squeeze %dma_start3A_337 : memref<1x128xf32, #tpu.memory_space<vmem>> -> memref<128xf32, #tpu.memory_space<vmem>>
      tpu.enqueue_dma source(%dma_start3A_338 : memref<128xf32, #tpu.memory_space<vmem>>) target(%dma_start3A_335 : memref<128xf32, #tpu.memory_space<hbm>>) target_semaphore(%arg26 : memref<!tpu.dma_semaphore, #tpu.memory_space<semaphore_mem>>)
    }
    %while3A_133 = arith.constant 1 : i32
    scf.for %while3A_177 = %while3A_131 to %while3A_127 step %while3A_133  : i32 {
      %mul3A_178 = arith.constant 2 : i32
      %mul3A_179 = arith.muli %mul3A_178, %while3A_177 : i32
      %dma_wait3A_180 = arith.constant 0 : i32
      %dma_wait3A_181 = arith.constant 0 : i32
      %dma_wait3A_182 = arith.constant 0 : i32
      %dma_wait3A_183 = arith.constant 0 : i32
      %dma_wait3A_184 = tpu.memref_slice %arg14[%dma_wait3A_181, %dma_wait3A_182, %dma_wait3A_183] : memref<2x128x128xf32, #tpu.memory_space<vmem>> -> memref<1x128x128xf32, #tpu.memory_space<vmem>>
      %dma_wait3A_185 = tpu.memref_squeeze %dma_wait3A_184 : memref<1x128x128xf32, #tpu.memory_space<vmem>> -> memref<128x128xf32, #tpu.memory_space<vmem>>
      %dma_wait3A_186 = arith.constant 0 : i32
      %dma_wait3A_187 = tpu.memref_slice %arg11[%dma_wait3A_180, %dma_wait3A_186] : memref<2x128xi32, #tpu.memory_space<vmem>> -> memref<1x128xi32, #tpu.memory_space<vmem>>
      %dma_wait3A_188 = tpu.memref_squeeze %dma_wait3A_187 : memref<1x128xi32, #tpu.memory_space<vmem>> -> memref<128xi32, #tpu.memory_space<vmem>>
      %dma_wait3A_189 = arith.constant 0 : i32
      %dma_wait3A_190 = arith.constant 0 : i32
      %dma_wait3A_191 = tpu.memref_slice %arg2[%dma_wait3A_189, %dma_wait3A_190] : memref<10240x128xf32, #tpu.memory_space<hbm>> -> memref<10240x128xf32, #tpu.memory_space<hbm>>
      tpu.wait_indirect_dma semaphore(%arg23 : memref<!tpu.dma_semaphore, #tpu.memory_space<semaphore_mem>>) src(%dma_wait3A_191 : memref<10240x128xf32, #tpu.memory_space<hbm>>) dst(%dma_wait3A_185 : memref<128x128xf32, #tpu.memory_space<vmem>>)
      %dma_wait3A_192 = arith.constant 0 : i32
      %dma_wait3A_193 = arith.constant 0 : i32
      %dma_wait3A_194 = arith.constant 0 : i32
      %dma_wait3A_195 = arith.constant 0 : i32
      %dma_wait3A_196 = tpu.memref_slice %arg15[%dma_wait3A_193, %dma_wait3A_194, %dma_wait3A_195] : memref<2x128x128xf32, #tpu.memory_space<vmem>> -> memref<1x128x128xf32, #tpu.memory_space<vmem>>
      %dma_wait3A_197 = tpu.memref_squeeze %dma_wait3A_196 : memref<1x128x128xf32, #tpu.memory_space<vmem>> -> memref<128x128xf32, #tpu.memory_space<vmem>>
      %dma_wait3A_198 = arith.constant 0 : i32
      %dma_wait3A_199 = tpu.memref_slice %arg12[%dma_wait3A_192, %dma_wait3A_198] : memref<2x128xi32, #tpu.memory_space<vmem>> -> memref<1x128xi32, #tpu.memory_space<vmem>>
      %dma_wait3A_200 = tpu.memref_squeeze %dma_wait3A_199 : memref<1x128xi32, #tpu.memory_space<vmem>> -> memref<128xi32, #tpu.memory_space<vmem>>
      %dma_wait3A_201 = arith.constant 0 : i32
      %dma_wait3A_202 = arith.constant 0 : i32
      %dma_wait3A_203 = tpu.memref_slice %arg3[%dma_wait3A_201, %dma_wait3A_202] : memref<10240x128xf32, #tpu.memory_space<hbm>> -> memref<10240x128xf32, #tpu.memory_space<hbm>>
      tpu.wait_indirect_dma semaphore(%arg23 : memref<!tpu.dma_semaphore, #tpu.memory_space<semaphore_mem>>) src(%dma_wait3A_203 : memref<10240x128xf32, #tpu.memory_space<hbm>>) dst(%dma_wait3A_197 : memref<128x128xf32, #tpu.memory_space<vmem>>)
      %dma_wait3A_204 = arith.constant 0 : i32
      %dma_wait3A_205 = arith.constant 0 : i32
      %dma_wait3A_206 = arith.constant 0 : i32
      %dma_wait3A_207 = arith.constant 0 : i32
      %dma_wait3A_208 = tpu.memref_slice %arg16[%dma_wait3A_205, %dma_wait3A_206, %dma_wait3A_207] : memref<2x128x128xf32, #tpu.memory_space<vmem>> -> memref<1x128x128xf32, #tpu.memory_space<vmem>>
      %dma_wait3A_209 = tpu.memref_squeeze %dma_wait3A_208 : memref<1x128x128xf32, #tpu.memory_space<vmem>> -> memref<128x128xf32, #tpu.memory_space<vmem>>
      %dma_wait3A_210 = arith.constant 0 : i32
      %dma_wait3A_211 = tpu.memref_slice %arg13[%dma_wait3A_204, %dma_wait3A_210] : memref<2x128xi32, #tpu.memory_space<vmem>> -> memref<1x128xi32, #tpu.memory_space<vmem>>
      %dma_wait3A_212 = tpu.memref_squeeze %dma_wait3A_211 : memref<1x128xi32, #tpu.memory_space<vmem>> -> memref<128xi32, #tpu.memory_space<vmem>>
      %dma_wait3A_213 = arith.constant 0 : i32
      %dma_wait3A_214 = arith.constant 0 : i32
      %dma_wait3A_215 = tpu.memref_slice %arg3[%dma_wait3A_213, %dma_wait3A_214] : memref<10240x128xf32, #tpu.memory_space<hbm>> -> memref<10240x128xf32, #tpu.memory_space<hbm>>
      tpu.wait_indirect_dma semaphore(%arg23 : memref<!tpu.dma_semaphore, #tpu.memory_space<semaphore_mem>>) src(%dma_wait3A_215 : memref<10240x128xf32, #tpu.memory_space<hbm>>) dst(%dma_wait3A_209 : memref<128x128xf32, #tpu.memory_space<vmem>>)
      %add3A_216 = arith.constant 1 : i32
      %add3A_217 = arith.addi %mul3A_179, %add3A_216 : i32
      %lt3A = arith.cmpi slt, %add3A_217, %select_n3A : i32
      %convert_element_type3A = arith.extui %lt3A : i1 to i32
      %cond3A = arith.constant 0 : i32
      %cond3A_218 = arith.cmpi ne, %convert_element_type3A, %cond3A : i32
      scf.if %cond3A_218 {
        %dma_wait3A_339 = arith.constant 1 : i32
        %dma_wait3A_340 = arith.constant 0 : i32
        %dma_wait3A_341 = tpu.memref_slice %arg11[%dma_wait3A_339, %dma_wait3A_340] : memref<2x128xi32, #tpu.memory_space<vmem>> -> memref<1x128xi32, #tpu.memory_space<vmem>>
        %dma_wait3A_342 = tpu.memref_squeeze %dma_wait3A_341 : memref<1x128xi32, #tpu.memory_space<vmem>> -> memref<128xi32, #tpu.memory_space<vmem>>
        %dma_wait3A_343 = arith.constant 0 : i32
        %dma_wait3A_344 = tpu.memref_slice %arg4[%dma_wait3A_343] : memref<102400xi32, #tpu.memory_space<hbm>> -> memref<128xi32, #tpu.memory_space<hbm>>
        %dma_wait3A_345 = arith.constant 0 : i32
        %dma_wait3A_346 = tpu.memref_slice %arg11[%dma_wait3A_339, %dma_wait3A_345] : memref<2x128xi32, #tpu.memory_space<vmem>> -> memref<1x128xi32, #tpu.memory_space<vmem>>
        %dma_wait3A_347 = tpu.memref_squeeze %dma_wait3A_346 : memref<1x128xi32, #tpu.memory_space<vmem>> -> memref<128xi32, #tpu.memory_space<vmem>>
        %dma_wait3A_348 = arith.constant 0 : i32
        %dma_wait3A_349 = tpu.memref_slice %arg4[%dma_wait3A_348] : memref<102400xi32, #tpu.memory_space<hbm>> -> memref<128xi32, #tpu.memory_space<hbm>>
        tpu.wait_dma2 semaphore(%arg22 : memref<!tpu.dma_semaphore, #tpu.memory_space<semaphore_mem>>) src(%dma_wait3A_349 : memref<128xi32, #tpu.memory_space<hbm>>) dst(%dma_wait3A_347 : memref<128xi32, #tpu.memory_space<vmem>>)
        %dma_wait3A_350 = arith.constant 1 : i32
        %dma_wait3A_351 = arith.constant 0 : i32
        %dma_wait3A_352 = tpu.memref_slice %arg12[%dma_wait3A_350, %dma_wait3A_351] : memref<2x128xi32, #tpu.memory_space<vmem>> -> memref<1x128xi32, #tpu.memory_space<vmem>>
        %dma_wait3A_353 = tpu.memref_squeeze %dma_wait3A_352 : memref<1x128xi32, #tpu.memory_space<vmem>> -> memref<128xi32, #tpu.memory_space<vmem>>
        %dma_wait3A_354 = arith.constant 0 : i32
        %dma_wait3A_355 = tpu.memref_slice %arg5[%dma_wait3A_354] : memref<102400xi32, #tpu.memory_space<hbm>> -> memref<128xi32, #tpu.memory_space<hbm>>
        %dma_wait3A_356 = arith.constant 0 : i32
        %dma_wait3A_357 = tpu.memref_slice %arg12[%dma_wait3A_350, %dma_wait3A_356] : memref<2x128xi32, #tpu.memory_space<vmem>> -> memref<1x128xi32, #tpu.memory_space<vmem>>
        %dma_wait3A_358 = tpu.memref_squeeze %dma_wait3A_357 : memref<1x128xi32, #tpu.memory_space<vmem>> -> memref<128xi32, #tpu.memory_space<vmem>>
        %dma_wait3A_359 = arith.constant 0 : i32
        %dma_wait3A_360 = tpu.memref_slice %arg5[%dma_wait3A_359] : memref<102400xi32, #tpu.memory_space<hbm>> -> memref<128xi32, #tpu.memory_space<hbm>>
        tpu.wait_dma2 semaphore(%arg22 : memref<!tpu.dma_semaphore, #tpu.memory_space<semaphore_mem>>) src(%dma_wait3A_360 : memref<128xi32, #tpu.memory_space<hbm>>) dst(%dma_wait3A_358 : memref<128xi32, #tpu.memory_space<vmem>>)
        %dma_wait3A_361 = arith.constant 1 : i32
        %dma_wait3A_362 = arith.constant 0 : i32
        %dma_wait3A_363 = tpu.memref_slice %arg13[%dma_wait3A_361, %dma_wait3A_362] : memref<2x128xi32, #tpu.memory_space<vmem>> -> memref<1x128xi32, #tpu.memory_space<vmem>>
        %dma_wait3A_364 = tpu.memref_squeeze %dma_wait3A_363 : memref<1x128xi32, #tpu.memory_space<vmem>> -> memref<128xi32, #tpu.memory_space<vmem>>
        %dma_wait3A_365 = arith.constant 0 : i32
        %dma_wait3A_366 = tpu.memref_slice %arg6[%dma_wait3A_365] : memref<102400xi32, #tpu.memory_space<hbm>> -> memref<128xi32, #tpu.memory_space<hbm>>
        %dma_wait3A_367 = arith.constant 0 : i32
        %dma_wait3A_368 = tpu.memref_slice %arg13[%dma_wait3A_361, %dma_wait3A_367] : memref<2x128xi32, #tpu.memory_space<vmem>> -> memref<1x128xi32, #tpu.memory_space<vmem>>
        %dma_wait3A_369 = tpu.memref_squeeze %dma_wait3A_368 : memref<1x128xi32, #tpu.memory_space<vmem>> -> memref<128xi32, #tpu.memory_space<vmem>>
        %dma_wait3A_370 = arith.constant 0 : i32
        %dma_wait3A_371 = tpu.memref_slice %arg6[%dma_wait3A_370] : memref<102400xi32, #tpu.memory_space<hbm>> -> memref<128xi32, #tpu.memory_space<hbm>>
        tpu.wait_dma2 semaphore(%arg22 : memref<!tpu.dma_semaphore, #tpu.memory_space<semaphore_mem>>) src(%dma_wait3A_371 : memref<128xi32, #tpu.memory_space<hbm>>) dst(%dma_wait3A_369 : memref<128xi32, #tpu.memory_space<vmem>>)
        %dma_start3A_372 = arith.constant 1 : i32
        %dma_start3A_373 = arith.constant 1 : i32
        %dma_start3A_374 = arith.constant 0 : i32
        %dma_start3A_375 = arith.constant 0 : i32
        %dma_start3A_376 = tpu.memref_slice %arg14[%dma_start3A_373, %dma_start3A_374, %dma_start3A_375] : memref<2x128x128xf32, #tpu.memory_space<vmem>> -> memref<1x128x128xf32, #tpu.memory_space<vmem>>
        %dma_start3A_377 = tpu.memref_squeeze %dma_start3A_376 : memref<1x128x128xf32, #tpu.memory_space<vmem>> -> memref<128x128xf32, #tpu.memory_space<vmem>>
        %dma_start3A_378 = arith.constant 0 : i32
        %dma_start3A_379 = tpu.memref_slice %arg11[%dma_start3A_372, %dma_start3A_378] : memref<2x128xi32, #tpu.memory_space<vmem>> -> memref<1x128xi32, #tpu.memory_space<vmem>>
        %dma_start3A_380 = tpu.memref_squeeze %dma_start3A_379 : memref<1x128xi32, #tpu.memory_space<vmem>> -> memref<128xi32, #tpu.memory_space<vmem>>
        %dma_start3A_381 = arith.constant 0 : i32
        %dma_start3A_382 = arith.constant 0 : i32
        %dma_start3A_383 = tpu.memref_slice %arg2[%dma_start3A_381, %dma_start3A_382] : memref<10240x128xf32, #tpu.memory_space<hbm>> -> memref<10240x128xf32, #tpu.memory_space<hbm>>
        tpu.enqueue_indirect_dma source(%dma_start3A_383 : memref<10240x128xf32, #tpu.memory_space<hbm>>) target(%dma_start3A_377 : memref<128x128xf32, #tpu.memory_space<vmem>>) offsets(%dma_start3A_380 : memref<128xi32, #tpu.memory_space<vmem>>) semaphore(%arg24 : memref<!tpu.dma_semaphore, #tpu.memory_space<semaphore_mem>>)
        %dma_start3A_384 = arith.constant 1 : i32
        %dma_start3A_385 = arith.constant 1 : i32
        %dma_start3A_386 = arith.constant 0 : i32
        %dma_start3A_387 = arith.constant 0 : i32
        %dma_start3A_388 = tpu.memref_slice %arg15[%dma_start3A_385, %dma_start3A_386, %dma_start3A_387] : memref<2x128x128xf32, #tpu.memory_space<vmem>> -> memref<1x128x128xf32, #tpu.memory_space<vmem>>
        %dma_start3A_389 = tpu.memref_squeeze %dma_start3A_388 : memref<1x128x128xf32, #tpu.memory_space<vmem>> -> memref<128x128xf32, #tpu.memory_space<vmem>>
        %dma_start3A_390 = arith.constant 0 : i32
        %dma_start3A_391 = tpu.memref_slice %arg12[%dma_start3A_384, %dma_start3A_390] : memref<2x128xi32, #tpu.memory_space<vmem>> -> memref<1x128xi32, #tpu.memory_space<vmem>>
        %dma_start3A_392 = tpu.memref_squeeze %dma_start3A_391 : memref<1x128xi32, #tpu.memory_space<vmem>> -> memref<128xi32, #tpu.memory_space<vmem>>
        %dma_start3A_393 = arith.constant 0 : i32
        %dma_start3A_394 = arith.constant 0 : i32
        %dma_start3A_395 = tpu.memref_slice %arg3[%dma_start3A_393, %dma_start3A_394] : memref<10240x128xf32, #tpu.memory_space<hbm>> -> memref<10240x128xf32, #tpu.memory_space<hbm>>
        tpu.enqueue_indirect_dma source(%dma_start3A_395 : memref<10240x128xf32, #tpu.memory_space<hbm>>) target(%dma_start3A_389 : memref<128x128xf32, #tpu.memory_space<vmem>>) offsets(%dma_start3A_392 : memref<128xi32, #tpu.memory_space<vmem>>) semaphore(%arg24 : memref<!tpu.dma_semaphore, #tpu.memory_space<semaphore_mem>>)
        %dma_start3A_396 = arith.constant 1 : i32
        %dma_start3A_397 = arith.constant 1 : i32
        %dma_start3A_398 = arith.constant 0 : i32
        %dma_start3A_399 = arith.constant 0 : i32
        %dma_start3A_400 = tpu.memref_slice %arg16[%dma_start3A_397, %dma_start3A_398, %dma_start3A_399] : memref<2x128x128xf32, #tpu.memory_space<vmem>> -> memref<1x128x128xf32, #tpu.memory_space<vmem>>
        %dma_start3A_401 = tpu.memref_squeeze %dma_start3A_400 : memref<1x128x128xf32, #tpu.memory_space<vmem>> -> memref<128x128xf32, #tpu.memory_space<vmem>>
        %dma_start3A_402 = arith.constant 0 : i32
        %dma_start3A_403 = tpu.memref_slice %arg13[%dma_start3A_396, %dma_start3A_402] : memref<2x128xi32, #tpu.memory_space<vmem>> -> memref<1x128xi32, #tpu.memory_space<vmem>>
        %dma_start3A_404 = tpu.memref_squeeze %dma_start3A_403 : memref<1x128xi32, #tpu.memory_space<vmem>> -> memref<128xi32, #tpu.memory_space<vmem>>
        %dma_start3A_405 = arith.constant 0 : i32
        %dma_start3A_406 = arith.constant 0 : i32
        %dma_start3A_407 = tpu.memref_slice %arg3[%dma_start3A_405, %dma_start3A_406] : memref<10240x128xf32, #tpu.memory_space<hbm>> -> memref<10240x128xf32, #tpu.memory_space<hbm>>
        tpu.enqueue_indirect_dma source(%dma_start3A_407 : memref<10240x128xf32, #tpu.memory_space<hbm>>) target(%dma_start3A_401 : memref<128x128xf32, #tpu.memory_space<vmem>>) offsets(%dma_start3A_404 : memref<128xi32, #tpu.memory_space<vmem>>) semaphore(%arg24 : memref<!tpu.dma_semaphore, #tpu.memory_space<semaphore_mem>>)
      } else {
      }
      %add3A_219 = arith.constant 2 : i32
      %add3A_220 = arith.addi %mul3A_179, %add3A_219 : i32
      %lt3A_221 = arith.cmpi slt, %add3A_220, %select_n3A : i32
      %convert_element_type3A_222 = arith.extui %lt3A_221 : i1 to i32
      %cond3A_223 = arith.constant 0 : i32
      %cond3A_224 = arith.cmpi ne, %convert_element_type3A_222, %cond3A_223 : i32
      scf.if %cond3A_224 {
        %add3A_339 = arith.constant 2 : i32
        %add3A_340 = arith.addi %mul3A_179, %add3A_339 : i32
        %add3A_341 = arith.addi %select_n3A_34, %add3A_340 : i32
        %mul3A_342 = arith.constant 128 : i32
        %mul3A_343 = arith.muli %add3A_341, %mul3A_342 : i32
        %dma_start3A_344 = arith.constant 0 : i32
        %dma_start3A_345 = arith.constant 0 : i32
        %dma_start3A_346 = tpu.memref_slice %arg11[%dma_start3A_344, %dma_start3A_345] : memref<2x128xi32, #tpu.memory_space<vmem>> -> memref<1x128xi32, #tpu.memory_space<vmem>>
        %dma_start3A_347 = tpu.memref_squeeze %dma_start3A_346 : memref<1x128xi32, #tpu.memory_space<vmem>> -> memref<128xi32, #tpu.memory_space<vmem>>
        %dma_start3A_348 = tpu.memref_slice %arg4[%mul3A_343] : memref<102400xi32, #tpu.memory_space<hbm>> -> memref<128xi32, #tpu.memory_space<hbm>>
        %dma_start3A_349 = arith.constant 0 : i32
        %dma_start3A_350 = tpu.memref_slice %arg11[%dma_start3A_344, %dma_start3A_349] : memref<2x128xi32, #tpu.memory_space<vmem>> -> memref<1x128xi32, #tpu.memory_space<vmem>>
        %dma_start3A_351 = tpu.memref_squeeze %dma_start3A_350 : memref<1x128xi32, #tpu.memory_space<vmem>> -> memref<128xi32, #tpu.memory_space<vmem>>
        %dma_start3A_352 = tpu.memref_slice %arg4[%mul3A_343] : memref<102400xi32, #tpu.memory_space<hbm>> -> memref<128xi32, #tpu.memory_space<hbm>>
        tpu.enqueue_dma source(%dma_start3A_352 : memref<128xi32, #tpu.memory_space<hbm>>) target(%dma_start3A_351 : memref<128xi32, #tpu.memory_space<vmem>>) target_semaphore(%arg21 : memref<!tpu.dma_semaphore, #tpu.memory_space<semaphore_mem>>)
        %dma_start3A_353 = arith.constant 0 : i32
        %dma_start3A_354 = arith.constant 0 : i32
        %dma_start3A_355 = tpu.memref_slice %arg12[%dma_start3A_353, %dma_start3A_354] : memref<2x128xi32, #tpu.memory_space<vmem>> -> memref<1x128xi32, #tpu.memory_space<vmem>>
        %dma_start3A_356 = tpu.memref_squeeze %dma_start3A_355 : memref<1x128xi32, #tpu.memory_space<vmem>> -> memref<128xi32, #tpu.memory_space<vmem>>
        %dma_start3A_357 = tpu.memref_slice %arg5[%mul3A_343] : memref<102400xi32, #tpu.memory_space<hbm>> -> memref<128xi32, #tpu.memory_space<hbm>>
        %dma_start3A_358 = arith.constant 0 : i32
        %dma_start3A_359 = tpu.memref_slice %arg12[%dma_start3A_353, %dma_start3A_358] : memref<2x128xi32, #tpu.memory_space<vmem>> -> memref<1x128xi32, #tpu.memory_space<vmem>>
        %dma_start3A_360 = tpu.memref_squeeze %dma_start3A_359 : memref<1x128xi32, #tpu.memory_space<vmem>> -> memref<128xi32, #tpu.memory_space<vmem>>
        %dma_start3A_361 = tpu.memref_slice %arg5[%mul3A_343] : memref<102400xi32, #tpu.memory_space<hbm>> -> memref<128xi32, #tpu.memory_space<hbm>>
        tpu.enqueue_dma source(%dma_start3A_361 : memref<128xi32, #tpu.memory_space<hbm>>) target(%dma_start3A_360 : memref<128xi32, #tpu.memory_space<vmem>>) target_semaphore(%arg21 : memref<!tpu.dma_semaphore, #tpu.memory_space<semaphore_mem>>)
        %dma_start3A_362 = arith.constant 0 : i32
        %dma_start3A_363 = arith.constant 0 : i32
        %dma_start3A_364 = tpu.memref_slice %arg13[%dma_start3A_362, %dma_start3A_363] : memref<2x128xi32, #tpu.memory_space<vmem>> -> memref<1x128xi32, #tpu.memory_space<vmem>>
        %dma_start3A_365 = tpu.memref_squeeze %dma_start3A_364 : memref<1x128xi32, #tpu.memory_space<vmem>> -> memref<128xi32, #tpu.memory_space<vmem>>
        %dma_start3A_366 = tpu.memref_slice %arg6[%mul3A_343] : memref<102400xi32, #tpu.memory_space<hbm>> -> memref<128xi32, #tpu.memory_space<hbm>>
        %dma_start3A_367 = arith.constant 0 : i32
        %dma_start3A_368 = tpu.memref_slice %arg13[%dma_start3A_362, %dma_start3A_367] : memref<2x128xi32, #tpu.memory_space<vmem>> -> memref<1x128xi32, #tpu.memory_space<vmem>>
        %dma_start3A_369 = tpu.memref_squeeze %dma_start3A_368 : memref<1x128xi32, #tpu.memory_space<vmem>> -> memref<128xi32, #tpu.memory_space<vmem>>
        %dma_start3A_370 = tpu.memref_slice %arg6[%mul3A_343] : memref<102400xi32, #tpu.memory_space<hbm>> -> memref<128xi32, #tpu.memory_space<hbm>>
        tpu.enqueue_dma source(%dma_start3A_370 : memref<128xi32, #tpu.memory_space<hbm>>) target(%dma_start3A_369 : memref<128xi32, #tpu.memory_space<vmem>>) target_semaphore(%arg21 : memref<!tpu.dma_semaphore, #tpu.memory_space<semaphore_mem>>)
      } else {
      }
      %ge3A = arith.constant 2 : i32
      %ge3A_225 = arith.cmpi sge, %mul3A_179, %ge3A : i32
      %convert_element_type3A_226 = arith.extui %ge3A_225 : i1 to i32
      %cond3A_227 = arith.constant 0 : i32
      %cond3A_228 = arith.cmpi ne, %convert_element_type3A_226, %cond3A_227 : i32
      scf.if %cond3A_228 {
        %dma_wait3A_339 = arith.constant 0 : i32
        %dma_wait3A_340 = arith.constant 0 : i32
        %dma_wait3A_341 = tpu.memref_slice %arg17[%dma_wait3A_339, %dma_wait3A_340] : memref<2x128xf32, #tpu.memory_space<vmem>> -> memref<1x128xf32, #tpu.memory_space<vmem>>
        %dma_wait3A_342 = tpu.memref_squeeze %dma_wait3A_341 : memref<1x128xf32, #tpu.memory_space<vmem>> -> memref<128xf32, #tpu.memory_space<vmem>>
        %dma_wait3A_343 = arith.constant 0 : i32
        %dma_wait3A_344 = tpu.memref_slice %arg9[%dma_wait3A_343] : memref<102400xf32, #tpu.memory_space<hbm>> -> memref<128xf32, #tpu.memory_space<hbm>>
        %dma_wait3A_345 = arith.constant 0 : i32
        %dma_wait3A_346 = tpu.memref_slice %arg9[%dma_wait3A_345] : memref<102400xf32, #tpu.memory_space<hbm>> -> memref<128xf32, #tpu.memory_space<hbm>>
        %dma_wait3A_347 = arith.constant 0 : i32
        %dma_wait3A_348 = tpu.memref_slice %arg17[%dma_wait3A_339, %dma_wait3A_347] : memref<2x128xf32, #tpu.memory_space<vmem>> -> memref<1x128xf32, #tpu.memory_space<vmem>>
        %dma_wait3A_349 = tpu.memref_squeeze %dma_wait3A_348 : memref<1x128xf32, #tpu.memory_space<vmem>> -> memref<128xf32, #tpu.memory_space<vmem>>
        tpu.wait_dma2 semaphore(%arg25 : memref<!tpu.dma_semaphore, #tpu.memory_space<semaphore_mem>>) src(%dma_wait3A_349 : memref<128xf32, #tpu.memory_space<vmem>>) dst(%dma_wait3A_346 : memref<128xf32, #tpu.memory_space<hbm>>)
        %dma_wait3A_350 = arith.constant 0 : i32
        %dma_wait3A_351 = arith.constant 0 : i32
        %dma_wait3A_352 = tpu.memref_slice %arg18[%dma_wait3A_350, %dma_wait3A_351] : memref<2x128xf32, #tpu.memory_space<vmem>> -> memref<1x128xf32, #tpu.memory_space<vmem>>
        %dma_wait3A_353 = tpu.memref_squeeze %dma_wait3A_352 : memref<1x128xf32, #tpu.memory_space<vmem>> -> memref<128xf32, #tpu.memory_space<vmem>>
        %dma_wait3A_354 = arith.constant 0 : i32
        %dma_wait3A_355 = tpu.memref_slice %arg10[%dma_wait3A_354] : memref<102400xf32, #tpu.memory_space<hbm>> -> memref<128xf32, #tpu.memory_space<hbm>>
        %dma_wait3A_356 = arith.constant 0 : i32
        %dma_wait3A_357 = tpu.memref_slice %arg10[%dma_wait3A_356] : memref<102400xf32, #tpu.memory_space<hbm>> -> memref<128xf32, #tpu.memory_space<hbm>>
        %dma_wait3A_358 = arith.constant 0 : i32
        %dma_wait3A_359 = tpu.memref_slice %arg18[%dma_wait3A_350, %dma_wait3A_358] : memref<2x128xf32, #tpu.memory_space<vmem>> -> memref<1x128xf32, #tpu.memory_space<vmem>>
        %dma_wait3A_360 = tpu.memref_squeeze %dma_wait3A_359 : memref<1x128xf32, #tpu.memory_space<vmem>> -> memref<128xf32, #tpu.memory_space<vmem>>
        tpu.wait_dma2 semaphore(%arg25 : memref<!tpu.dma_semaphore, #tpu.memory_space<semaphore_mem>>) src(%dma_wait3A_360 : memref<128xf32, #tpu.memory_space<vmem>>) dst(%dma_wait3A_357 : memref<128xf32, #tpu.memory_space<hbm>>)
      } else {
      }
      %scan3A = arith.constant 0 : i32
      %scan3A_229 = arith.constant 0 : i32
      %scan3A_230 = arith.constant 8 : i32
      %scan3A_231 = arith.addi %scan3A_229, %scan3A_230 : i32
      %scan3A_232 = arith.constant 1 : i32
      scf.for %scan3A_339 = %scan3A_229 to %scan3A_231 step %scan3A_232  : i32 {
        %broadcast_in_dim3A = arith.constant 0.000000e+00 : f32
        %broadcast_in_dim3A_340 = vector.broadcast %broadcast_in_dim3A : f32 to vector<16xf32>
        %scan3A_341 = arith.constant 0 : i32
        %scan3A_342 = arith.constant 16 : i32
        %scan3A_343 = arith.addi %scan3A_341, %scan3A_342 : i32
        %scan3A_344 = arith.constant 1 : i32
        %scan3A_345:2 = scf.for %scan3A_364 = %scan3A_341 to %scan3A_343 step %scan3A_344 iter_args(%scan3A_365 = %broadcast_in_dim3A_340, %scan3A_366 = %broadcast_in_dim3A_340) -> (vector<16xf32>, vector<16xf32>)  : i32 {
          %mul3A_367 = arith.constant 16 : i32
          %mul3A_368 = arith.muli %scan3A_339, %mul3A_367 : i32
          %add3A_369 = arith.addi %mul3A_368, %scan3A_364 : i32
          %broadcast_in_dim3A_370 = arith.constant 0.000000e+00 : f32
          %broadcast_in_dim3A_371 = vector.broadcast %broadcast_in_dim3A_370 : f32 to vector<16xf32>
          %broadcast_in_dim3A_372 = arith.constant 0.000000e+00 : f32
          %broadcast_in_dim3A_373 = vector.broadcast %broadcast_in_dim3A_372 : f32 to vector<16xf32>
          %get3A_374 = arith.constant 0 : i32
          %get3A_375 = arith.index_cast %get3A_374 : i32 to index
          %get3A_376 = arith.index_cast %add3A_369 : i32 to index
          %get3A_377 = arith.constant 0 : index
          %get3A_378 = tpu.vector_load %arg14[%get3A_375, %get3A_376, %get3A_377] {strides = array<i32>} : memref<2x128x128xf32, #tpu.memory_space<vmem>>, vector<1x1x16xf32>,
          %get3A_379 = vector.shape_cast %get3A_378 : vector<1x1x16xf32> to vector<16xf32>
          %get3A_380 = arith.constant 0 : i32
          %get3A_381 = arith.index_cast %get3A_380 : i32 to index
          %get3A_382 = arith.index_cast %add3A_369 : i32 to index
          %get3A_383 = arith.constant 0 : index
          %get3A_384 = tpu.vector_load %arg15[%get3A_381, %get3A_382, %get3A_383] {strides = array<i32>} : memref<2x128x128xf32, #tpu.memory_space<vmem>>, vector<1x1x16xf32>,
          %get3A_385 = vector.shape_cast %get3A_384 : vector<1x1x16xf32> to vector<16xf32>
          %add3A_386 = arith.addf %get3A_379, %get3A_385 : vector<16xf32>
          %max3A = arith.constant 0.000000e+00 : f32
          %max3A_387 = vector.broadcast %max3A : f32 to vector<16xf32>
          %max3A_388 = arith.maximumf %add3A_386, %max3A_387 : vector<16xf32>
          %mul3A_389 = arith.mulf %max3A_388, %get3A_1 : vector<16xf32>
          %add3A_390 = arith.addf %broadcast_in_dim3A_371, %mul3A_389 : vector<16xf32>
          %get3A_391 = arith.constant 0 : i32
          %get3A_392 = arith.index_cast %get3A_391 : i32 to index
          %get3A_393 = arith.index_cast %add3A_369 : i32 to index
          %get3A_394 = arith.constant 0 : index
          %get3A_395 = tpu.vector_load %arg16[%get3A_392, %get3A_393, %get3A_394] {strides = array<i32>} : memref<2x128x128xf32, #tpu.memory_space<vmem>>, vector<1x1x16xf32>,
          %get3A_396 = vector.shape_cast %get3A_395 : vector<1x1x16xf32> to vector<16xf32>
          %add3A_397 = arith.addf %get3A_379, %get3A_396 : vector<16xf32>
          %max3A_398 = arith.constant 0.000000e+00 : f32
          %max3A_399 = vector.broadcast %max3A_398 : f32 to vector<16xf32>
          %max3A_400 = arith.maximumf %add3A_397, %max3A_399 : vector<16xf32>
          %mul3A_401 = arith.mulf %max3A_400, %get3A_1 : vector<16xf32>
          %add3A_402 = arith.addf %broadcast_in_dim3A_373, %mul3A_401 : vector<16xf32>
          %get3A_403 = arith.constant 0 : i32
          %get3A_404 = arith.index_cast %get3A_403 : i32 to index
          %get3A_405 = arith.index_cast %add3A_369 : i32 to index
          %get3A_406 = arith.constant 16 : index
          %get3A_407 = tpu.vector_load %arg14[%get3A_404, %get3A_405, %get3A_406] {strides = array<i32>} : memref<2x128x128xf32, #tpu.memory_space<vmem>>, vector<1x1x16xf32>,
          %get3A_408 = vector.shape_cast %get3A_407 : vector<1x1x16xf32> to vector<16xf32>
          %get3A_409 = arith.constant 0 : i32
          %get3A_410 = arith.index_cast %get3A_409 : i32 to index
          %get3A_411 = arith.index_cast %add3A_369 : i32 to index
          %get3A_412 = arith.constant 16 : index
          %get3A_413 = tpu.vector_load %arg15[%get3A_410, %get3A_411, %get3A_412] {strides = array<i32>} : memref<2x128x128xf32, #tpu.memory_space<vmem>>, vector<1x1x16xf32>,
          %get3A_414 = vector.shape_cast %get3A_413 : vector<1x1x16xf32> to vector<16xf32>
          %add3A_415 = arith.addf %get3A_408, %get3A_414 : vector<16xf32>
          %max3A_416 = arith.constant 0.000000e+00 : f32
          %max3A_417 = vector.broadcast %max3A_416 : f32 to vector<16xf32>
          %max3A_418 = arith.maximumf %add3A_415, %max3A_417 : vector<16xf32>
          %mul3A_419 = arith.mulf %max3A_418, %get3A_4 : vector<16xf32>
          %add3A_420 = arith.addf %add3A_390, %mul3A_419 : vector<16xf32>
          %get3A_421 = arith.constant 0 : i32
          %get3A_422 = arith.index_cast %get3A_421 : i32 to index
          %get3A_423 = arith.index_cast %add3A_369 : i32 to index
          %get3A_424 = arith.constant 16 : index
          %get3A_425 = tpu.vector_load %arg16[%get3A_422, %get3A_423, %get3A_424] {strides = array<i32>} : memref<2x128x128xf32, #tpu.memory_space<vmem>>, vector<1x1x16xf32>,
          %get3A_426 = vector.shape_cast %get3A_425 : vector<1x1x16xf32> to vector<16xf32>
          %add3A_427 = arith.addf %get3A_408, %get3A_426 : vector<16xf32>
          %max3A_428 = arith.constant 0.000000e+00 : f32
          %max3A_429 = vector.broadcast %max3A_428 : f32 to vector<16xf32>
          %max3A_430 = arith.maximumf %add3A_427, %max3A_429 : vector<16xf32>
          %mul3A_431 = arith.mulf %max3A_430, %get3A_4 : vector<16xf32>
          %add3A_432 = arith.addf %add3A_402, %mul3A_431 : vector<16xf32>
          %get3A_433 = arith.constant 0 : i32
          %get3A_434 = arith.index_cast %get3A_433 : i32 to index
          %get3A_435 = arith.index_cast %add3A_369 : i32 to index
          %get3A_436 = arith.constant 32 : index
          %get3A_437 = tpu.vector_load %arg14[%get3A_434, %get3A_435, %get3A_436] {strides = array<i32>} : memref<2x128x128xf32, #tpu.memory_space<vmem>>, vector<1x1x16xf32>,
          %get3A_438 = vector.shape_cast %get3A_437 : vector<1x1x16xf32> to vector<16xf32>
          %get3A_439 = arith.constant 0 : i32
          %get3A_440 = arith.index_cast %get3A_439 : i32 to index
          %get3A_441 = arith.index_cast %add3A_369 : i32 to index
          %get3A_442 = arith.constant 32 : index
          %get3A_443 = tpu.vector_load %arg15[%get3A_440, %get3A_441, %get3A_442] {strides = array<i32>} : memref<2x128x128xf32, #tpu.memory_space<vmem>>, vector<1x1x16xf32>,
          %get3A_444 = vector.shape_cast %get3A_443 : vector<1x1x16xf32> to vector<16xf32>
          %add3A_445 = arith.addf %get3A_438, %get3A_444 : vector<16xf32>
          %max3A_446 = arith.constant 0.000000e+00 : f32
          %max3A_447 = vector.broadcast %max3A_446 : f32 to vector<16xf32>
          %max3A_448 = arith.maximumf %add3A_445, %max3A_447 : vector<16xf32>
          %mul3A_449 = arith.mulf %max3A_448, %get3A_7 : vector<16xf32>
          %add3A_450 = arith.addf %add3A_420, %mul3A_449 : vector<16xf32>
          %get3A_451 = arith.constant 0 : i32
          %get3A_452 = arith.index_cast %get3A_451 : i32 to index
          %get3A_453 = arith.index_cast %add3A_369 : i32 to index
          %get3A_454 = arith.constant 32 : index
          %get3A_455 = tpu.vector_load %arg16[%get3A_452, %get3A_453, %get3A_454] {strides = array<i32>} : memref<2x128x128xf32, #tpu.memory_space<vmem>>, vector<1x1x16xf32>,
          %get3A_456 = vector.shape_cast %get3A_455 : vector<1x1x16xf32> to vector<16xf32>
          %add3A_457 = arith.addf %get3A_438, %get3A_456 : vector<16xf32>
          %max3A_458 = arith.constant 0.000000e+00 : f32
          %max3A_459 = vector.broadcast %max3A_458 : f32 to vector<16xf32>
          %max3A_460 = arith.maximumf %add3A_457, %max3A_459 : vector<16xf32>
          %mul3A_461 = arith.mulf %max3A_460, %get3A_7 : vector<16xf32>
          %add3A_462 = arith.addf %add3A_432, %mul3A_461 : vector<16xf32>
          %get3A_463 = arith.constant 0 : i32
          %get3A_464 = arith.index_cast %get3A_463 : i32 to index
          %get3A_465 = arith.index_cast %add3A_369 : i32 to index
          %get3A_466 = arith.constant 48 : index
          %get3A_467 = tpu.vector_load %arg14[%get3A_464, %get3A_465, %get3A_466] {strides = array<i32>} : memref<2x128x128xf32, #tpu.memory_space<vmem>>, vector<1x1x16xf32>,
          %get3A_468 = vector.shape_cast %get3A_467 : vector<1x1x16xf32> to vector<16xf32>
          %get3A_469 = arith.constant 0 : i32
          %get3A_470 = arith.index_cast %get3A_469 : i32 to index
          %get3A_471 = arith.index_cast %add3A_369 : i32 to index
          %get3A_472 = arith.constant 48 : index
          %get3A_473 = tpu.vector_load %arg15[%get3A_470, %get3A_471, %get3A_472] {strides = array<i32>} : memref<2x128x128xf32, #tpu.memory_space<vmem>>, vector<1x1x16xf32>,
          %get3A_474 = vector.shape_cast %get3A_473 : vector<1x1x16xf32> to vector<16xf32>
          %add3A_475 = arith.addf %get3A_468, %get3A_474 : vector<16xf32>
          %max3A_476 = arith.constant 0.000000e+00 : f32
          %max3A_477 = vector.broadcast %max3A_476 : f32 to vector<16xf32>
          %max3A_478 = arith.maximumf %add3A_475, %max3A_477 : vector<16xf32>
          %mul3A_479 = arith.mulf %max3A_478, %get3A_10 : vector<16xf32>
          %add3A_480 = arith.addf %add3A_450, %mul3A_479 : vector<16xf32>
          %get3A_481 = arith.constant 0 : i32
          %get3A_482 = arith.index_cast %get3A_481 : i32 to index
          %get3A_483 = arith.index_cast %add3A_369 : i32 to index
          %get3A_484 = arith.constant 48 : index
          %get3A_485 = tpu.vector_load %arg16[%get3A_482, %get3A_483, %get3A_484] {strides = array<i32>} : memref<2x128x128xf32, #tpu.memory_space<vmem>>, vector<1x1x16xf32>,
          %get3A_486 = vector.shape_cast %get3A_485 : vector<1x1x16xf32> to vector<16xf32>
          %add3A_487 = arith.addf %get3A_468, %get3A_486 : vector<16xf32>
          %max3A_488 = arith.constant 0.000000e+00 : f32
          %max3A_489 = vector.broadcast %max3A_488 : f32 to vector<16xf32>
          %max3A_490 = arith.maximumf %add3A_487, %max3A_489 : vector<16xf32>
          %mul3A_491 = arith.mulf %max3A_490, %get3A_10 : vector<16xf32>
          %add3A_492 = arith.addf %add3A_462, %mul3A_491 : vector<16xf32>
          %get3A_493 = arith.constant 0 : i32
          %get3A_494 = arith.index_cast %get3A_493 : i32 to index
          %get3A_495 = arith.index_cast %add3A_369 : i32 to index
          %get3A_496 = arith.constant 64 : index
          %get3A_497 = tpu.vector_load %arg14[%get3A_494, %get3A_495, %get3A_496] {strides = array<i32>} : memref<2x128x128xf32, #tpu.memory_space<vmem>>, vector<1x1x16xf32>,
          %get3A_498 = vector.shape_cast %get3A_497 : vector<1x1x16xf32> to vector<16xf32>
          %get3A_499 = arith.constant 0 : i32
          %get3A_500 = arith.index_cast %get3A_499 : i32 to index
          %get3A_501 = arith.index_cast %add3A_369 : i32 to index
          %get3A_502 = arith.constant 64 : index
          %get3A_503 = tpu.vector_load %arg15[%get3A_500, %get3A_501, %get3A_502] {strides = array<i32>} : memref<2x128x128xf32, #tpu.memory_space<vmem>>, vector<1x1x16xf32>,
          %get3A_504 = vector.shape_cast %get3A_503 : vector<1x1x16xf32> to vector<16xf32>
          %add3A_505 = arith.addf %get3A_498, %get3A_504 : vector<16xf32>
          %max3A_506 = arith.constant 0.000000e+00 : f32
          %max3A_507 = vector.broadcast %max3A_506 : f32 to vector<16xf32>
          %max3A_508 = arith.maximumf %add3A_505, %max3A_507 : vector<16xf32>
          %mul3A_509 = arith.mulf %max3A_508, %get3A_13 : vector<16xf32>
          %add3A_510 = arith.addf %add3A_480, %mul3A_509 : vector<16xf32>
          %get3A_511 = arith.constant 0 : i32
          %get3A_512 = arith.index_cast %get3A_511 : i32 to index
          %get3A_513 = arith.index_cast %add3A_369 : i32 to index
          %get3A_514 = arith.constant 64 : index
          %get3A_515 = tpu.vector_load %arg16[%get3A_512, %get3A_513, %get3A_514] {strides = array<i32>} : memref<2x128x128xf32, #tpu.memory_space<vmem>>, vector<1x1x16xf32>,
          %get3A_516 = vector.shape_cast %get3A_515 : vector<1x1x16xf32> to vector<16xf32>
          %add3A_517 = arith.addf %get3A_498, %get3A_516 : vector<16xf32>
          %max3A_518 = arith.constant 0.000000e+00 : f32
          %max3A_519 = vector.broadcast %max3A_518 : f32 to vector<16xf32>
          %max3A_520 = arith.maximumf %add3A_517, %max3A_519 : vector<16xf32>
          %mul3A_521 = arith.mulf %max3A_520, %get3A_13 : vector<16xf32>
          %add3A_522 = arith.addf %add3A_492, %mul3A_521 : vector<16xf32>
          %get3A_523 = arith.constant 0 : i32
          %get3A_524 = arith.index_cast %get3A_523 : i32 to index
          %get3A_525 = arith.index_cast %add3A_369 : i32 to index
          %get3A_526 = arith.constant 80 : index
          %get3A_527 = tpu.vector_load %arg14[%get3A_524, %get3A_525, %get3A_526] {strides = array<i32>} : memref<2x128x128xf32, #tpu.memory_space<vmem>>, vector<1x1x16xf32>,
          %get3A_528 = vector.shape_cast %get3A_527 : vector<1x1x16xf32> to vector<16xf32>
          %get3A_529 = arith.constant 0 : i32
          %get3A_530 = arith.index_cast %get3A_529 : i32 to index
          %get3A_531 = arith.index_cast %add3A_369 : i32 to index
          %get3A_532 = arith.constant 80 : index
          %get3A_533 = tpu.vector_load %arg15[%get3A_530, %get3A_531, %get3A_532] {strides = array<i32>} : memref<2x128x128xf32, #tpu.memory_space<vmem>>, vector<1x1x16xf32>,
          %get3A_534 = vector.shape_cast %get3A_533 : vector<1x1x16xf32> to vector<16xf32>
          %add3A_535 = arith.addf %get3A_528, %get3A_534 : vector<16xf32>
          %max3A_536 = arith.constant 0.000000e+00 : f32
          %max3A_537 = vector.broadcast %max3A_536 : f32 to vector<16xf32>
          %max3A_538 = arith.maximumf %add3A_535, %max3A_537 : vector<16xf32>
          %mul3A_539 = arith.mulf %max3A_538, %get3A_16 : vector<16xf32>
          %add3A_540 = arith.addf %add3A_510, %mul3A_539 : vector<16xf32>
          %get3A_541 = arith.constant 0 : i32
          %get3A_542 = arith.index_cast %get3A_541 : i32 to index
          %get3A_543 = arith.index_cast %add3A_369 : i32 to index
          %get3A_544 = arith.constant 80 : index
          %get3A_545 = tpu.vector_load %arg16[%get3A_542, %get3A_543, %get3A_544] {strides = array<i32>} : memref<2x128x128xf32, #tpu.memory_space<vmem>>, vector<1x1x16xf32>,
          %get3A_546 = vector.shape_cast %get3A_545 : vector<1x1x16xf32> to vector<16xf32>
          %add3A_547 = arith.addf %get3A_528, %get3A_546 : vector<16xf32>
          %max3A_548 = arith.constant 0.000000e+00 : f32
          %max3A_549 = vector.broadcast %max3A_548 : f32 to vector<16xf32>
          %max3A_550 = arith.maximumf %add3A_547, %max3A_549 : vector<16xf32>
          %mul3A_551 = arith.mulf %max3A_550, %get3A_16 : vector<16xf32>
          %add3A_552 = arith.addf %add3A_522, %mul3A_551 : vector<16xf32>
          %get3A_553 = arith.constant 0 : i32
          %get3A_554 = arith.index_cast %get3A_553 : i32 to index
          %get3A_555 = arith.index_cast %add3A_369 : i32 to index
          %get3A_556 = arith.constant 96 : index
          %get3A_557 = tpu.vector_load %arg14[%get3A_554, %get3A_555, %get3A_556] {strides = array<i32>} : memref<2x128x128xf32, #tpu.memory_space<vmem>>, vector<1x1x16xf32>,
          %get3A_558 = vector.shape_cast %get3A_557 : vector<1x1x16xf32> to vector<16xf32>
          %get3A_559 = arith.constant 0 : i32
          %get3A_560 = arith.index_cast %get3A_559 : i32 to index
          %get3A_561 = arith.index_cast %add3A_369 : i32 to index
          %get3A_562 = arith.constant 96 : index
          %get3A_563 = tpu.vector_load %arg15[%get3A_560, %get3A_561, %get3A_562] {strides = array<i32>} : memref<2x128x128xf32, #tpu.memory_space<vmem>>, vector<1x1x16xf32>,
          %get3A_564 = vector.shape_cast %get3A_563 : vector<1x1x16xf32> to vector<16xf32>
          %add3A_565 = arith.addf %get3A_558, %get3A_564 : vector<16xf32>
          %max3A_566 = arith.constant 0.000000e+00 : f32
          %max3A_567 = vector.broadcast %max3A_566 : f32 to vector<16xf32>
          %max3A_568 = arith.maximumf %add3A_565, %max3A_567 : vector<16xf32>
          %mul3A_569 = arith.mulf %max3A_568, %get3A_19 : vector<16xf32>
          %add3A_570 = arith.addf %add3A_540, %mul3A_569 : vector<16xf32>
          %get3A_571 = arith.constant 0 : i32
          %get3A_572 = arith.index_cast %get3A_571 : i32 to index
          %get3A_573 = arith.index_cast %add3A_369 : i32 to index
          %get3A_574 = arith.constant 96 : index
          %get3A_575 = tpu.vector_load %arg16[%get3A_572, %get3A_573, %get3A_574] {strides = array<i32>} : memref<2x128x128xf32, #tpu.memory_space<vmem>>, vector<1x1x16xf32>,
          %get3A_576 = vector.shape_cast %get3A_575 : vector<1x1x16xf32> to vector<16xf32>
          %add3A_577 = arith.addf %get3A_558, %get3A_576 : vector<16xf32>
          %max3A_578 = arith.constant 0.000000e+00 : f32
          %max3A_579 = vector.broadcast %max3A_578 : f32 to vector<16xf32>
          %max3A_580 = arith.maximumf %add3A_577, %max3A_579 : vector<16xf32>
          %mul3A_581 = arith.mulf %max3A_580, %get3A_19 : vector<16xf32>
          %add3A_582 = arith.addf %add3A_552, %mul3A_581 : vector<16xf32>
          %get3A_583 = arith.constant 0 : i32
          %get3A_584 = arith.index_cast %get3A_583 : i32 to index
          %get3A_585 = arith.index_cast %add3A_369 : i32 to index
          %get3A_586 = arith.constant 112 : index
          %get3A_587 = tpu.vector_load %arg14[%get3A_584, %get3A_585, %get3A_586] {strides = array<i32>} : memref<2x128x128xf32, #tpu.memory_space<vmem>>, vector<1x1x16xf32>,
          %get3A_588 = vector.shape_cast %get3A_587 : vector<1x1x16xf32> to vector<16xf32>
          %get3A_589 = arith.constant 0 : i32
          %get3A_590 = arith.index_cast %get3A_589 : i32 to index
          %get3A_591 = arith.index_cast %add3A_369 : i32 to index
          %get3A_592 = arith.constant 112 : index
          %get3A_593 = tpu.vector_load %arg15[%get3A_590, %get3A_591, %get3A_592] {strides = array<i32>} : memref<2x128x128xf32, #tpu.memory_space<vmem>>, vector<1x1x16xf32>,
          %get3A_594 = vector.shape_cast %get3A_593 : vector<1x1x16xf32> to vector<16xf32>
          %add3A_595 = arith.addf %get3A_588, %get3A_594 : vector<16xf32>
          %max3A_596 = arith.constant 0.000000e+00 : f32
          %max3A_597 = vector.broadcast %max3A_596 : f32 to vector<16xf32>
          %max3A_598 = arith.maximumf %add3A_595, %max3A_597 : vector<16xf32>
          %mul3A_599 = arith.mulf %max3A_598, %get3A_22 : vector<16xf32>
          %add3A_600 = arith.addf %add3A_570, %mul3A_599 : vector<16xf32>
          %get3A_601 = arith.constant 0 : i32
          %get3A_602 = arith.index_cast %get3A_601 : i32 to index
          %get3A_603 = arith.index_cast %add3A_369 : i32 to index
          %get3A_604 = arith.constant 112 : index
          %get3A_605 = tpu.vector_load %arg16[%get3A_602, %get3A_603, %get3A_604] {strides = array<i32>} : memref<2x128x128xf32, #tpu.memory_space<vmem>>, vector<1x1x16xf32>,
          %get3A_606 = vector.shape_cast %get3A_605 : vector<1x1x16xf32> to vector<16xf32>
          %add3A_607 = arith.addf %get3A_588, %get3A_606 : vector<16xf32>
          %max3A_608 = arith.constant 0.000000e+00 : f32
          %max3A_609 = vector.broadcast %max3A_608 : f32 to vector<16xf32>
          %max3A_610 = arith.maximumf %add3A_607, %max3A_609 : vector<16xf32>
          %mul3A_611 = arith.mulf %max3A_610, %get3A_22 : vector<16xf32>
          %add3A_612 = arith.addf %add3A_582, %mul3A_611 : vector<16xf32>
          %eq3A_613 = vector.broadcast %scan3A_364 : i32 to vector<16xi32>
          %eq3A_614 = arith.cmpi eq, %iota3A, %eq3A_613 : vector<16xi32>
          %xor3A = arith.constant 8 : i32
          %xor3A_615 = vector.broadcast %xor3A : i32 to vector<16xi32>
          %xor3A_616 = arith.xori %iota3A, %xor3A_615 : vector<16xi32>
          %broadcast_in_dim3A_617 = vector.shape_cast %xor3A_616 : vector<16xi32> to vector<16x1xi32>
          %gather3A = vector.shape_cast %broadcast_in_dim3A_617 : vector<16x1xi32> to vector<16xi32>
          %gather3A_618 = tpu.dynamic_gather %add3A_600[%gather3A] in [0] : vector<16xf32>, vector<16xi32> -> vector<16xf32>
          %add3A_619 = arith.addf %add3A_600, %gather3A_618 : vector<16xf32>
          %xor3A_620 = arith.constant 4 : i32
          %xor3A_621 = vector.broadcast %xor3A_620 : i32 to vector<16xi32>
          %xor3A_622 = arith.xori %iota3A, %xor3A_621 : vector<16xi32>
          %broadcast_in_dim3A_623 = vector.shape_cast %xor3A_622 : vector<16xi32> to vector<16x1xi32>
          %gather3A_624 = vector.shape_cast %broadcast_in_dim3A_623 : vector<16x1xi32> to vector<16xi32>
          %gather3A_625 = tpu.dynamic_gather %add3A_619[%gather3A_624] in [0] : vector<16xf32>, vector<16xi32> -> vector<16xf32>
          %add3A_626 = arith.addf %add3A_619, %gather3A_625 : vector<16xf32>
          %xor3A_627 = arith.constant 2 : i32
          %xor3A_628 = vector.broadcast %xor3A_627 : i32 to vector<16xi32>
          %xor3A_629 = arith.xori %iota3A, %xor3A_628 : vector<16xi32>
          %broadcast_in_dim3A_630 = vector.shape_cast %xor3A_629 : vector<16xi32> to vector<16x1xi32>
          %gather3A_631 = vector.shape_cast %broadcast_in_dim3A_630 : vector<16x1xi32> to vector<16xi32>
          %gather3A_632 = tpu.dynamic_gather %add3A_626[%gather3A_631] in [0] : vector<16xf32>, vector<16xi32> -> vector<16xf32>
          %add3A_633 = arith.addf %add3A_626, %gather3A_632 : vector<16xf32>
          %xor3A_634 = arith.constant 1 : i32
          %xor3A_635 = vector.broadcast %xor3A_634 : i32 to vector<16xi32>
          %xor3A_636 = arith.xori %iota3A, %xor3A_635 : vector<16xi32>
          %broadcast_in_dim3A_637 = vector.shape_cast %xor3A_636 : vector<16xi32> to vector<16x1xi32>
          %gather3A_638 = vector.shape_cast %broadcast_in_dim3A_637 : vector<16x1xi32> to vector<16xi32>
          %gather3A_639 = tpu.dynamic_gather %add3A_633[%gather3A_638] in [0] : vector<16xf32>, vector<16xi32> -> vector<16xf32>
          %add3A_640 = arith.addf %add3A_633, %gather3A_639 : vector<16xf32>
          %select_n3A_641 = arith.select %eq3A_614, %add3A_640, %scan3A_365 : vector<16xi1>, vector<16xf32>
          %eq3A_642 = vector.broadcast %scan3A_364 : i32 to vector<16xi32>
          %eq3A_643 = arith.cmpi eq, %iota3A, %eq3A_642 : vector<16xi32>
          %xor3A_644 = arith.constant 8 : i32
          %xor3A_645 = vector.broadcast %xor3A_644 : i32 to vector<16xi32>
          %xor3A_646 = arith.xori %iota3A, %xor3A_645 : vector<16xi32>
          %broadcast_in_dim3A_647 = vector.shape_cast %xor3A_646 : vector<16xi32> to vector<16x1xi32>
          %gather3A_648 = vector.shape_cast %broadcast_in_dim3A_647 : vector<16x1xi32> to vector<16xi32>
          %gather3A_649 = tpu.dynamic_gather %add3A_612[%gather3A_648] in [0] : vector<16xf32>, vector<16xi32> -> vector<16xf32>
          %add3A_650 = arith.addf %add3A_612, %gather3A_649 : vector<16xf32>
          %xor3A_651 = arith.constant 4 : i32
          %xor3A_652 = vector.broadcast %xor3A_651 : i32 to vector<16xi32>
          %xor3A_653 = arith.xori %iota3A, %xor3A_652 : vector<16xi32>
          %broadcast_in_dim3A_654 = vector.shape_cast %xor3A_653 : vector<16xi32> to vector<16x1xi32>
          %gather3A_655 = vector.shape_cast %broadcast_in_dim3A_654 : vector<16x1xi32> to vector<16xi32>
          %gather3A_656 = tpu.dynamic_gather %add3A_650[%gather3A_655] in [0] : vector<16xf32>, vector<16xi32> -> vector<16xf32>
          %add3A_657 = arith.addf %add3A_650, %gather3A_656 : vector<16xf32>
          %xor3A_658 = arith.constant 2 : i32
          %xor3A_659 = vector.broadcast %xor3A_658 : i32 to vector<16xi32>
          %xor3A_660 = arith.xori %iota3A, %xor3A_659 : vector<16xi32>
          %broadcast_in_dim3A_661 = vector.shape_cast %xor3A_660 : vector<16xi32> to vector<16x1xi32>
          %gather3A_662 = vector.shape_cast %broadcast_in_dim3A_661 : vector<16x1xi32> to vector<16xi32>
          %gather3A_663 = tpu.dynamic_gather %add3A_657[%gather3A_662] in [0] : vector<16xf32>, vector<16xi32> -> vector<16xf32>
          %add3A_664 = arith.addf %add3A_657, %gather3A_663 : vector<16xf32>
          %xor3A_665 = arith.constant 1 : i32
          %xor3A_666 = vector.broadcast %xor3A_665 : i32 to vector<16xi32>
          %xor3A_667 = arith.xori %iota3A, %xor3A_666 : vector<16xi32>
          %broadcast_in_dim3A_668 = vector.shape_cast %xor3A_667 : vector<16xi32> to vector<16x1xi32>
          %gather3A_669 = vector.shape_cast %broadcast_in_dim3A_668 : vector<16x1xi32> to vector<16xi32>
          %gather3A_670 = tpu.dynamic_gather %add3A_664[%gather3A_669] in [0] : vector<16xf32>, vector<16xi32> -> vector<16xf32>
          %add3A_671 = arith.addf %add3A_664, %gather3A_670 : vector<16xf32>
          %select_n3A_672 = arith.select %eq3A_643, %add3A_671, %scan3A_366 : vector<16xi1>, vector<16xf32>
          scf.yield %select_n3A_641, %select_n3A_672 : vector<16xf32>, vector<16xf32>
        }
        %scan3A_346 = arith.constant 16 : i32
        %add3A_347 = arith.addf %scan3A_345#0, %get3A_25 : vector<16xf32>
        %mul3A_348 = arith.constant 16 : i32
        %mul3A_349 = arith.muli %scan3A_339, %mul3A_348 : i32
        %swap3A = arith.constant 0 : i32
        %swap3A_350 = arith.index_cast %swap3A : i32 to index
        %swap3A_351 = arith.index_cast %mul3A_349 : i32 to index
        %swap3A_352 = tpu.vector_load %arg17[%swap3A_350, %swap3A_351] {strides = array<i32>} : memref<2x128xf32, #tpu.memory_space<vmem>>, vector<1x16xf32>,
        %swap3A_353 = vector.shape_cast %swap3A_352 : vector<1x16xf32> to vector<16xf32>
        %swap3A_354 = vector.shape_cast %add3A_347 : vector<16xf32> to vector<1x16xf32>
        tpu.vector_store %arg17[%swap3A_350, %swap3A_351], %swap3A_354 {strides = array<i32>} : memref<2x128xf32, #tpu.memory_space<vmem>>, vector<1x16xf32>,
        %add3A_355 = arith.addf %scan3A_345#1, %get3A_25 : vector<16xf32>
        %mul3A_356 = arith.constant 16 : i32
        %mul3A_357 = arith.muli %scan3A_339, %mul3A_356 : i32
        %swap3A_358 = arith.constant 0 : i32
        %swap3A_359 = arith.index_cast %swap3A_358 : i32 to index
        %swap3A_360 = arith.index_cast %mul3A_357 : i32 to index
        %swap3A_361 = tpu.vector_load %arg18[%swap3A_359, %swap3A_360] {strides = array<i32>} : memref<2x128xf32, #tpu.memory_space<vmem>>, vector<1x16xf32>,
        %swap3A_362 = vector.shape_cast %swap3A_361 : vector<1x16xf32> to vector<16xf32>
        %swap3A_363 = vector.shape_cast %add3A_355 : vector<16xf32> to vector<1x16xf32>
        tpu.vector_store %arg18[%swap3A_359, %swap3A_360], %swap3A_363 {strides = array<i32>} : memref<2x128xf32, #tpu.memory_space<vmem>>, vector<1x16xf32>,
      }
      %scan3A_233 = arith.constant 8 : i32
      %add3A_234 = arith.addi %select_n3A_34, %mul3A_179 : i32
      %mul3A_235 = arith.constant 128 : i32
      %mul3A_236 = arith.muli %add3A_234, %mul3A_235 : i32
      %dma_start3A_237 = arith.constant 0 : i32
      %dma_start3A_238 = arith.constant 0 : i32
      %dma_start3A_239 = tpu.memref_slice %arg17[%dma_start3A_237, %dma_start3A_238] : memref<2x128xf32, #tpu.memory_space<vmem>> -> memref<1x128xf32, #tpu.memory_space<vmem>>
      %dma_start3A_240 = tpu.memref_squeeze %dma_start3A_239 : memref<1x128xf32, #tpu.memory_space<vmem>> -> memref<128xf32, #tpu.memory_space<vmem>>
      %dma_start3A_241 = tpu.memref_slice %arg9[%mul3A_236] : memref<102400xf32, #tpu.memory_space<hbm>> -> memref<128xf32, #tpu.memory_space<hbm>>
      %dma_start3A_242 = tpu.memref_slice %arg9[%mul3A_236] : memref<102400xf32, #tpu.memory_space<hbm>> -> memref<128xf32, #tpu.memory_space<hbm>>
      %dma_start3A_243 = arith.constant 0 : i32
      %dma_start3A_244 = tpu.memref_slice %arg17[%dma_start3A_237, %dma_start3A_243] : memref<2x128xf32, #tpu.memory_space<vmem>> -> memref<1x128xf32, #tpu.memory_space<vmem>>
      %dma_start3A_245 = tpu.memref_squeeze %dma_start3A_244 : memref<1x128xf32, #tpu.memory_space<vmem>> -> memref<128xf32, #tpu.memory_space<vmem>>
      tpu.enqueue_dma source(%dma_start3A_245 : memref<128xf32, #tpu.memory_space<vmem>>) target(%dma_start3A_242 : memref<128xf32, #tpu.memory_space<hbm>>) target_semaphore(%arg25 : memref<!tpu.dma_semaphore, #tpu.memory_space<semaphore_mem>>)
      %dma_start3A_246 = arith.constant 0 : i32
      %dma_start3A_247 = arith.constant 0 : i32
      %dma_start3A_248 = tpu.memref_slice %arg18[%dma_start3A_246, %dma_start3A_247] : memref<2x128xf32, #tpu.memory_space<vmem>> -> memref<1x128xf32, #tpu.memory_space<vmem>>
      %dma_start3A_249 = tpu.memref_squeeze %dma_start3A_248 : memref<1x128xf32, #tpu.memory_space<vmem>> -> memref<128xf32, #tpu.memory_space<vmem>>
      %dma_start3A_250 = tpu.memref_slice %arg10[%mul3A_236] : memref<102400xf32, #tpu.memory_space<hbm>> -> memref<128xf32, #tpu.memory_space<hbm>>
      %dma_start3A_251 = tpu.memref_slice %arg10[%mul3A_236] : memref<102400xf32, #tpu.memory_space<hbm>> -> memref<128xf32, #tpu.memory_space<hbm>>
      %dma_start3A_252 = arith.constant 0 : i32
      %dma_start3A_253 = tpu.memref_slice %arg18[%dma_start3A_246, %dma_start3A_252] : memref<2x128xf32, #tpu.memory_space<vmem>> -> memref<1x128xf32, #tpu.memory_space<vmem>>
      %dma_start3A_254 = tpu.memref_squeeze %dma_start3A_253 : memref<1x128xf32, #tpu.memory_space<vmem>> -> memref<128xf32, #tpu.memory_space<vmem>>
      tpu.enqueue_dma source(%dma_start3A_254 : memref<128xf32, #tpu.memory_space<vmem>>) target(%dma_start3A_251 : memref<128xf32, #tpu.memory_space<hbm>>) target_semaphore(%arg25 : memref<!tpu.dma_semaphore, #tpu.memory_space<semaphore_mem>>)
      %mul3A_255 = arith.constant 2 : i32
      %mul3A_256 = arith.muli %mul3A_255, %while3A_177 : i32
      %add3A_257 = arith.constant 1 : i32
      %add3A_258 = arith.addi %mul3A_256, %add3A_257 : i32
      %dma_wait3A_259 = arith.constant 1 : i32
      %dma_wait3A_260 = arith.constant 1 : i32
      %dma_wait3A_261 = arith.constant 0 : i32
      %dma_wait3A_262 = arith.constant 0 : i32
      %dma_wait3A_263 = tpu.memref_slice %arg14[%dma_wait3A_260, %dma_wait3A_261, %dma_wait3A_262] : memref<2x128x128xf32, #tpu.memory_space<vmem>> -> memref<1x128x128xf32, #tpu.memory_space<vmem>>
      %dma_wait3A_264 = tpu.memref_squeeze %dma_wait3A_263 : memref<1x128x128xf32, #tpu.memory_space<vmem>> -> memref<128x128xf32, #tpu.memory_space<vmem>>
      %dma_wait3A_265 = arith.constant 0 : i32
      %dma_wait3A_266 = tpu.memref_slice %arg11[%dma_wait3A_259, %dma_wait3A_265] : memref<2x128xi32, #tpu.memory_space<vmem>> -> memref<1x128xi32, #tpu.memory_space<vmem>>
      %dma_wait3A_267 = tpu.memref_squeeze %dma_wait3A_266 : memref<1x128xi32, #tpu.memory_space<vmem>> -> memref<128xi32, #tpu.memory_space<vmem>>
      %dma_wait3A_268 = arith.constant 0 : i32
      %dma_wait3A_269 = arith.constant 0 : i32
      %dma_wait3A_270 = tpu.memref_slice %arg2[%dma_wait3A_268, %dma_wait3A_269] : memref<10240x128xf32, #tpu.memory_space<hbm>> -> memref<10240x128xf32, #tpu.memory_space<hbm>>
      tpu.wait_indirect_dma semaphore(%arg24 : memref<!tpu.dma_semaphore, #tpu.memory_space<semaphore_mem>>) src(%dma_wait3A_270 : memref<10240x128xf32, #tpu.memory_space<hbm>>) dst(%dma_wait3A_264 : memref<128x128xf32, #tpu.memory_space<vmem>>)
      %dma_wait3A_271 = arith.constant 1 : i32
      %dma_wait3A_272 = arith.constant 1 : i32
      %dma_wait3A_273 = arith.constant 0 : i32
      %dma_wait3A_274 = arith.constant 0 : i32
      %dma_wait3A_275 = tpu.memref_slice %arg15[%dma_wait3A_272, %dma_wait3A_273, %dma_wait3A_274] : memref<2x128x128xf32, #tpu.memory_space<vmem>> -> memref<1x128x128xf32, #tpu.memory_space<vmem>>
      %dma_wait3A_276 = tpu.memref_squeeze %dma_wait3A_275 : memref<1x128x128xf32, #tpu.memory_space<vmem>> -> memref<128x128xf32, #tpu.memory_space<vmem>>
      %dma_wait3A_277 = arith.constant 0 : i32
      %dma_wait3A_278 = tpu.memref_slice %arg12[%dma_wait3A_271, %dma_wait3A_277] : memref<2x128xi32, #tpu.memory_space<vmem>> -> memref<1x128xi32, #tpu.memory_space<vmem>>
      %dma_wait3A_279 = tpu.memref_squeeze %dma_wait3A_278 : memref<1x128xi32, #tpu.memory_space<vmem>> -> memref<128xi32, #tpu.memory_space<vmem>>
      %dma_wait3A_280 = arith.constant 0 : i32
      %dma_wait3A_281 = arith.constant 0 : i32
      %dma_wait3A_282 = tpu.memref_slice %arg3[%dma_wait3A_280, %dma_wait3A_281] : memref<10240x128xf32, #tpu.memory_space<hbm>> -> memref<10240x128xf32, #tpu.memory_space<hbm>>
      tpu.wait_indirect_dma semaphore(%arg24 : memref<!tpu.dma_semaphore, #tpu.memory_space<semaphore_mem>>) src(%dma_wait3A_282 : memref<10240x128xf32, #tpu.memory_space<hbm>>) dst(%dma_wait3A_276 : memref<128x128xf32, #tpu.memory_space<vmem>>)
      %dma_wait3A_283 = arith.constant 1 : i32
      %dma_wait3A_284 = arith.constant 1 : i32
      %dma_wait3A_285 = arith.constant 0 : i32
      %dma_wait3A_286 = arith.constant 0 : i32
      %dma_wait3A_287 = tpu.memref_slice %arg16[%dma_wait3A_284, %dma_wait3A_285, %dma_wait3A_286] : memref<2x128x128xf32, #tpu.memory_space<vmem>> -> memref<1x128x128xf32, #tpu.memory_space<vmem>>
      %dma_wait3A_288 = tpu.memref_squeeze %dma_wait3A_287 : memref<1x128x128xf32, #tpu.memory_space<vmem>> -> memref<128x128xf32, #tpu.memory_space<vmem>>
      %dma_wait3A_289 = arith.constant 0 : i32
      %dma_wait3A_290 = tpu.memref_slice %arg13[%dma_wait3A_283, %dma_wait3A_289] : memref<2x128xi32, #tpu.memory_space<vmem>> -> memref<1x128xi32, #tpu.memory_space<vmem>>
      %dma_wait3A_291 = tpu.memref_squeeze %dma_wait3A_290 : memref<1x128xi32, #tpu.memory_space<vmem>> -> memref<128xi32, #tpu.memory_space<vmem>>
      %dma_wait3A_292 = arith.constant 0 : i32
      %dma_wait3A_293 = arith.constant 0 : i32
      %dma_wait3A_294 = tpu.memref_slice %arg3[%dma_wait3A_292, %dma_wait3A_293] : memref<10240x128xf32, #tpu.memory_space<hbm>> -> memref<10240x128xf32, #tpu.memory_space<hbm>>
      tpu.wait_indirect_dma semaphore(%arg24 : memref<!tpu.dma_semaphore, #tpu.memory_space<semaphore_mem>>) src(%dma_wait3A_294 : memref<10240x128xf32, #tpu.memory_space<hbm>>) dst(%dma_wait3A_288 : memref<128x128xf32, #tpu.memory_space<vmem>>)
      %add3A_295 = arith.constant 1 : i32
      %add3A_296 = arith.addi %add3A_258, %add3A_295 : i32
      %lt3A_297 = arith.cmpi slt, %add3A_296, %select_n3A : i32
      %convert_element_type3A_298 = arith.extui %lt3A_297 : i1 to i32
      %cond3A_299 = arith.constant 0 : i32
      %cond3A_300 = arith.cmpi ne, %convert_element_type3A_298, %cond3A_299 : i32
      scf.if %cond3A_300 {
        %dma_wait3A_339 = arith.constant 0 : i32
        %dma_wait3A_340 = arith.constant 0 : i32
        %dma_wait3A_341 = tpu.memref_slice %arg11[%dma_wait3A_339, %dma_wait3A_340] : memref<2x128xi32, #tpu.memory_space<vmem>> -> memref<1x128xi32, #tpu.memory_space<vmem>>
        %dma_wait3A_342 = tpu.memref_squeeze %dma_wait3A_341 : memref<1x128xi32, #tpu.memory_space<vmem>> -> memref<128xi32, #tpu.memory_space<vmem>>
        %dma_wait3A_343 = arith.constant 0 : i32
        %dma_wait3A_344 = tpu.memref_slice %arg4[%dma_wait3A_343] : memref<102400xi32, #tpu.memory_space<hbm>> -> memref<128xi32, #tpu.memory_space<hbm>>
        %dma_wait3A_345 = arith.constant 0 : i32
        %dma_wait3A_346 = tpu.memref_slice %arg11[%dma_wait3A_339, %dma_wait3A_345] : memref<2x128xi32, #tpu.memory_space<vmem>> -> memref<1x128xi32, #tpu.memory_space<vmem>>
        %dma_wait3A_347 = tpu.memref_squeeze %dma_wait3A_346 : memref<1x128xi32, #tpu.memory_space<vmem>> -> memref<128xi32, #tpu.memory_space<vmem>>
        %dma_wait3A_348 = arith.constant 0 : i32
        %dma_wait3A_349 = tpu.memref_slice %arg4[%dma_wait3A_348] : memref<102400xi32, #tpu.memory_space<hbm>> -> memref<128xi32, #tpu.memory_space<hbm>>
        tpu.wait_dma2 semaphore(%arg21 : memref<!tpu.dma_semaphore, #tpu.memory_space<semaphore_mem>>) src(%dma_wait3A_349 : memref<128xi32, #tpu.memory_space<hbm>>) dst(%dma_wait3A_347 : memref<128xi32, #tpu.memory_space<vmem>>)
        %dma_wait3A_350 = arith.constant 0 : i32
        %dma_wait3A_351 = arith.constant 0 : i32
        %dma_wait3A_352 = tpu.memref_slice %arg12[%dma_wait3A_350, %dma_wait3A_351] : memref<2x128xi32, #tpu.memory_space<vmem>> -> memref<1x128xi32, #tpu.memory_space<vmem>>
        %dma_wait3A_353 = tpu.memref_squeeze %dma_wait3A_352 : memref<1x128xi32, #tpu.memory_space<vmem>> -> memref<128xi32, #tpu.memory_space<vmem>>
        %dma_wait3A_354 = arith.constant 0 : i32
        %dma_wait3A_355 = tpu.memref_slice %arg5[%dma_wait3A_354] : memref<102400xi32, #tpu.memory_space<hbm>> -> memref<128xi32, #tpu.memory_space<hbm>>
        %dma_wait3A_356 = arith.constant 0 : i32
        %dma_wait3A_357 = tpu.memref_slice %arg12[%dma_wait3A_350, %dma_wait3A_356] : memref<2x128xi32, #tpu.memory_space<vmem>> -> memref<1x128xi32, #tpu.memory_space<vmem>>
        %dma_wait3A_358 = tpu.memref_squeeze %dma_wait3A_357 : memref<1x128xi32, #tpu.memory_space<vmem>> -> memref<128xi32, #tpu.memory_space<vmem>>
        %dma_wait3A_359 = arith.constant 0 : i32
        %dma_wait3A_360 = tpu.memref_slice %arg5[%dma_wait3A_359] : memref<102400xi32, #tpu.memory_space<hbm>> -> memref<128xi32, #tpu.memory_space<hbm>>
        tpu.wait_dma2 semaphore(%arg21 : memref<!tpu.dma_semaphore, #tpu.memory_space<semaphore_mem>>) src(%dma_wait3A_360 : memref<128xi32, #tpu.memory_space<hbm>>) dst(%dma_wait3A_358 : memref<128xi32, #tpu.memory_space<vmem>>)
        %dma_wait3A_361 = arith.constant 0 : i32
        %dma_wait3A_362 = arith.constant 0 : i32
        %dma_wait3A_363 = tpu.memref_slice %arg13[%dma_wait3A_361, %dma_wait3A_362] : memref<2x128xi32, #tpu.memory_space<vmem>> -> memref<1x128xi32, #tpu.memory_space<vmem>>
        %dma_wait3A_364 = tpu.memref_squeeze %dma_wait3A_363 : memref<1x128xi32, #tpu.memory_space<vmem>> -> memref<128xi32, #tpu.memory_space<vmem>>
        %dma_wait3A_365 = arith.constant 0 : i32
        %dma_wait3A_366 = tpu.memref_slice %arg6[%dma_wait3A_365] : memref<102400xi32, #tpu.memory_space<hbm>> -> memref<128xi32, #tpu.memory_space<hbm>>
        %dma_wait3A_367 = arith.constant 0 : i32
        %dma_wait3A_368 = tpu.memref_slice %arg13[%dma_wait3A_361, %dma_wait3A_367] : memref<2x128xi32, #tpu.memory_space<vmem>> -> memref<1x128xi32, #tpu.memory_space<vmem>>
        %dma_wait3A_369 = tpu.memref_squeeze %dma_wait3A_368 : memref<1x128xi32, #tpu.memory_space<vmem>> -> memref<128xi32, #tpu.memory_space<vmem>>
        %dma_wait3A_370 = arith.constant 0 : i32
        %dma_wait3A_371 = tpu.memref_slice %arg6[%dma_wait3A_370] : memref<102400xi32, #tpu.memory_space<hbm>> -> memref<128xi32, #tpu.memory_space<hbm>>
        tpu.wait_dma2 semaphore(%arg21 : memref<!tpu.dma_semaphore, #tpu.memory_space<semaphore_mem>>) src(%dma_wait3A_371 : memref<128xi32, #tpu.memory_space<hbm>>) dst(%dma_wait3A_369 : memref<128xi32, #tpu.memory_space<vmem>>)
        %dma_start3A_372 = arith.constant 0 : i32
        %dma_start3A_373 = arith.constant 0 : i32
        %dma_start3A_374 = arith.constant 0 : i32
        %dma_start3A_375 = arith.constant 0 : i32
        %dma_start3A_376 = tpu.memref_slice %arg14[%dma_start3A_373, %dma_start3A_374, %dma_start3A_375] : memref<2x128x128xf32, #tpu.memory_space<vmem>> -> memref<1x128x128xf32, #tpu.memory_space<vmem>>
        %dma_start3A_377 = tpu.memref_squeeze %dma_start3A_376 : memref<1x128x128xf32, #tpu.memory_space<vmem>> -> memref<128x128xf32, #tpu.memory_space<vmem>>
        %dma_start3A_378 = arith.constant 0 : i32
        %dma_start3A_379 = tpu.memref_slice %arg11[%dma_start3A_372, %dma_start3A_378] : memref<2x128xi32, #tpu.memory_space<vmem>> -> memref<1x128xi32, #tpu.memory_space<vmem>>
        %dma_start3A_380 = tpu.memref_squeeze %dma_start3A_379 : memref<1x128xi32, #tpu.memory_space<vmem>> -> memref<128xi32, #tpu.memory_space<vmem>>
        %dma_start3A_381 = arith.constant 0 : i32
        %dma_start3A_382 = arith.constant 0 : i32
        %dma_start3A_383 = tpu.memref_slice %arg2[%dma_start3A_381, %dma_start3A_382] : memref<10240x128xf32, #tpu.memory_space<hbm>> -> memref<10240x128xf32, #tpu.memory_space<hbm>>
        tpu.enqueue_indirect_dma source(%dma_start3A_383 : memref<10240x128xf32, #tpu.memory_space<hbm>>) target(%dma_start3A_377 : memref<128x128xf32, #tpu.memory_space<vmem>>) offsets(%dma_start3A_380 : memref<128xi32, #tpu.memory_space<vmem>>) semaphore(%arg23 : memref<!tpu.dma_semaphore, #tpu.memory_space<semaphore_mem>>)
        %dma_start3A_384 = arith.constant 0 : i32
        %dma_start3A_385 = arith.constant 0 : i32
        %dma_start3A_386 = arith.constant 0 : i32
        %dma_start3A_387 = arith.constant 0 : i32
        %dma_start3A_388 = tpu.memref_slice %arg15[%dma_start3A_385, %dma_start3A_386, %dma_start3A_387] : memref<2x128x128xf32, #tpu.memory_space<vmem>> -> memref<1x128x128xf32, #tpu.memory_space<vmem>>
        %dma_start3A_389 = tpu.memref_squeeze %dma_start3A_388 : memref<1x128x128xf32, #tpu.memory_space<vmem>> -> memref<128x128xf32, #tpu.memory_space<vmem>>
        %dma_start3A_390 = arith.constant 0 : i32
        %dma_start3A_391 = tpu.memref_slice %arg12[%dma_start3A_384, %dma_start3A_390] : memref<2x128xi32, #tpu.memory_space<vmem>> -> memref<1x128xi32, #tpu.memory_space<vmem>>
        %dma_start3A_392 = tpu.memref_squeeze %dma_start3A_391 : memref<1x128xi32, #tpu.memory_space<vmem>> -> memref<128xi32, #tpu.memory_space<vmem>>
        %dma_start3A_393 = arith.constant 0 : i32
        %dma_start3A_394 = arith.constant 0 : i32
        %dma_start3A_395 = tpu.memref_slice %arg3[%dma_start3A_393, %dma_start3A_394] : memref<10240x128xf32, #tpu.memory_space<hbm>> -> memref<10240x128xf32, #tpu.memory_space<hbm>>
        tpu.enqueue_indirect_dma source(%dma_start3A_395 : memref<10240x128xf32, #tpu.memory_space<hbm>>) target(%dma_start3A_389 : memref<128x128xf32, #tpu.memory_space<vmem>>) offsets(%dma_start3A_392 : memref<128xi32, #tpu.memory_space<vmem>>) semaphore(%arg23 : memref<!tpu.dma_semaphore, #tpu.memory_space<semaphore_mem>>)
        %dma_start3A_396 = arith.constant 0 : i32
        %dma_start3A_397 = arith.constant 0 : i32
        %dma_start3A_398 = arith.constant 0 : i32
        %dma_start3A_399 = arith.constant 0 : i32
        %dma_start3A_400 = tpu.memref_slice %arg16[%dma_start3A_397, %dma_start3A_398, %dma_start3A_399] : memref<2x128x128xf32, #tpu.memory_space<vmem>> -> memref<1x128x128xf32, #tpu.memory_space<vmem>>
        %dma_start3A_401 = tpu.memref_squeeze %dma_start3A_400 : memref<1x128x128xf32, #tpu.memory_space<vmem>> -> memref<128x128xf32, #tpu.memory_space<vmem>>
        %dma_start3A_402 = arith.constant 0 : i32
        %dma_start3A_403 = tpu.memref_slice %arg13[%dma_start3A_396, %dma_start3A_402] : memref<2x128xi32, #tpu.memory_space<vmem>> -> memref<1x128xi32, #tpu.memory_space<vmem>>
        %dma_start3A_404 = tpu.memref_squeeze %dma_start3A_403 : memref<1x128xi32, #tpu.memory_space<vmem>> -> memref<128xi32, #tpu.memory_space<vmem>>
        %dma_start3A_405 = arith.constant 0 : i32
        %dma_start3A_406 = arith.constant 0 : i32
        %dma_start3A_407 = tpu.memref_slice %arg3[%dma_start3A_405, %dma_start3A_406] : memref<10240x128xf32, #tpu.memory_space<hbm>> -> memref<10240x128xf32, #tpu.memory_space<hbm>>
        tpu.enqueue_indirect_dma source(%dma_start3A_407 : memref<10240x128xf32, #tpu.memory_space<hbm>>) target(%dma_start3A_401 : memref<128x128xf32, #tpu.memory_space<vmem>>) offsets(%dma_start3A_404 : memref<128xi32, #tpu.memory_space<vmem>>) semaphore(%arg23 : memref<!tpu.dma_semaphore, #tpu.memory_space<semaphore_mem>>)
      } else {
      }
      %add3A_301 = arith.constant 2 : i32
      %add3A_302 = arith.addi %add3A_258, %add3A_301 : i32
      %lt3A_303 = arith.cmpi slt, %add3A_302, %select_n3A : i32
      %convert_element_type3A_304 = arith.extui %lt3A_303 : i1 to i32
      %cond3A_305 = arith.constant 0 : i32
      %cond3A_306 = arith.cmpi ne, %convert_element_type3A_304, %cond3A_305 : i32
      scf.if %cond3A_306 {
        %add3A_339 = arith.constant 2 : i32
        %add3A_340 = arith.addi %add3A_258, %add3A_339 : i32
        %add3A_341 = arith.addi %select_n3A_34, %add3A_340 : i32
        %mul3A_342 = arith.constant 128 : i32
        %mul3A_343 = arith.muli %add3A_341, %mul3A_342 : i32
        %dma_start3A_344 = arith.constant 1 : i32
        %dma_start3A_345 = arith.constant 0 : i32
        %dma_start3A_346 = tpu.memref_slice %arg11[%dma_start3A_344, %dma_start3A_345] : memref<2x128xi32, #tpu.memory_space<vmem>> -> memref<1x128xi32, #tpu.memory_space<vmem>>
        %dma_start3A_347 = tpu.memref_squeeze %dma_start3A_346 : memref<1x128xi32, #tpu.memory_space<vmem>> -> memref<128xi32, #tpu.memory_space<vmem>>
        %dma_start3A_348 = tpu.memref_slice %arg4[%mul3A_343] : memref<102400xi32, #tpu.memory_space<hbm>> -> memref<128xi32, #tpu.memory_space<hbm>>
        %dma_start3A_349 = arith.constant 0 : i32
        %dma_start3A_350 = tpu.memref_slice %arg11[%dma_start3A_344, %dma_start3A_349] : memref<2x128xi32, #tpu.memory_space<vmem>> -> memref<1x128xi32, #tpu.memory_space<vmem>>
        %dma_start3A_351 = tpu.memref_squeeze %dma_start3A_350 : memref<1x128xi32, #tpu.memory_space<vmem>> -> memref<128xi32, #tpu.memory_space<vmem>>
        %dma_start3A_352 = tpu.memref_slice %arg4[%mul3A_343] : memref<102400xi32, #tpu.memory_space<hbm>> -> memref<128xi32, #tpu.memory_space<hbm>>
        tpu.enqueue_dma source(%dma_start3A_352 : memref<128xi32, #tpu.memory_space<hbm>>) target(%dma_start3A_351 : memref<128xi32, #tpu.memory_space<vmem>>) target_semaphore(%arg22 : memref<!tpu.dma_semaphore, #tpu.memory_space<semaphore_mem>>)
        %dma_start3A_353 = arith.constant 1 : i32
        %dma_start3A_354 = arith.constant 0 : i32
        %dma_start3A_355 = tpu.memref_slice %arg12[%dma_start3A_353, %dma_start3A_354] : memref<2x128xi32, #tpu.memory_space<vmem>> -> memref<1x128xi32, #tpu.memory_space<vmem>>
        %dma_start3A_356 = tpu.memref_squeeze %dma_start3A_355 : memref<1x128xi32, #tpu.memory_space<vmem>> -> memref<128xi32, #tpu.memory_space<vmem>>
        %dma_start3A_357 = tpu.memref_slice %arg5[%mul3A_343] : memref<102400xi32, #tpu.memory_space<hbm>> -> memref<128xi32, #tpu.memory_space<hbm>>
        %dma_start3A_358 = arith.constant 0 : i32
        %dma_start3A_359 = tpu.memref_slice %arg12[%dma_start3A_353, %dma_start3A_358] : memref<2x128xi32, #tpu.memory_space<vmem>> -> memref<1x128xi32, #tpu.memory_space<vmem>>
        %dma_start3A_360 = tpu.memref_squeeze %dma_start3A_359 : memref<1x128xi32, #tpu.memory_space<vmem>> -> memref<128xi32, #tpu.memory_space<vmem>>
        %dma_start3A_361 = tpu.memref_slice %arg5[%mul3A_343] : memref<102400xi32, #tpu.memory_space<hbm>> -> memref<128xi32, #tpu.memory_space<hbm>>
        tpu.enqueue_dma source(%dma_start3A_361 : memref<128xi32, #tpu.memory_space<hbm>>) target(%dma_start3A_360 : memref<128xi32, #tpu.memory_space<vmem>>) target_semaphore(%arg22 : memref<!tpu.dma_semaphore, #tpu.memory_space<semaphore_mem>>)
        %dma_start3A_362 = arith.constant 1 : i32
        %dma_start3A_363 = arith.constant 0 : i32
        %dma_start3A_364 = tpu.memref_slice %arg13[%dma_start3A_362, %dma_start3A_363] : memref<2x128xi32, #tpu.memory_space<vmem>> -> memref<1x128xi32, #tpu.memory_space<vmem>>
        %dma_start3A_365 = tpu.memref_squeeze %dma_start3A_364 : memref<1x128xi32, #tpu.memory_space<vmem>> -> memref<128xi32, #tpu.memory_space<vmem>>
        %dma_start3A_366 = tpu.memref_slice %arg6[%mul3A_343] : memref<102400xi32, #tpu.memory_space<hbm>> -> memref<128xi32, #tpu.memory_space<hbm>>
        %dma_start3A_367 = arith.constant 0 : i32
        %dma_start3A_368 = tpu.memref_slice %arg13[%dma_start3A_362, %dma_start3A_367] : memref<2x128xi32, #tpu.memory_space<vmem>> -> memref<1x128xi32, #tpu.memory_space<vmem>>
        %dma_start3A_369 = tpu.memref_squeeze %dma_start3A_368 : memref<1x128xi32, #tpu.memory_space<vmem>> -> memref<128xi32, #tpu.memory_space<vmem>>
        %dma_start3A_370 = tpu.memref_slice %arg6[%mul3A_343] : memref<102400xi32, #tpu.memory_space<hbm>> -> memref<128xi32, #tpu.memory_space<hbm>>
        tpu.enqueue_dma source(%dma_start3A_370 : memref<128xi32, #tpu.memory_space<hbm>>) target(%dma_start3A_369 : memref<128xi32, #tpu.memory_space<vmem>>) target_semaphore(%arg22 : memref<!tpu.dma_semaphore, #tpu.memory_space<semaphore_mem>>)
      } else {
      }
      %ge3A_307 = arith.constant 2 : i32
      %ge3A_308 = arith.cmpi sge, %add3A_258, %ge3A_307 : i32
      %convert_element_type3A_309 = arith.extui %ge3A_308 : i1 to i32
      %cond3A_310 = arith.constant 0 : i32
      %cond3A_311 = arith.cmpi ne, %convert_element_type3A_309, %cond3A_310 : i32
      scf.if %cond3A_311 {
        %dma_wait3A_339 = arith.constant 1 : i32
        %dma_wait3A_340 = arith.constant 0 : i32
        %dma_wait3A_341 = tpu.memref_slice %arg17[%dma_wait3A_339, %dma_wait3A_340] : memref<2x128xf32, #tpu.memory_space<vmem>> -> memref<1x128xf32, #tpu.memory_space<vmem>>
        %dma_wait3A_342 = tpu.memref_squeeze %dma_wait3A_341 : memref<1x128xf32, #tpu.memory_space<vmem>> -> memref<128xf32, #tpu.memory_space<vmem>>
        %dma_wait3A_343 = arith.constant 0 : i32
        %dma_wait3A_344 = tpu.memref_slice %arg9[%dma_wait3A_343] : memref<102400xf32, #tpu.memory_space<hbm>> -> memref<128xf32, #tpu.memory_space<hbm>>
        %dma_wait3A_345 = arith.constant 0 : i32
        %dma_wait3A_346 = tpu.memref_slice %arg9[%dma_wait3A_345] : memref<102400xf32, #tpu.memory_space<hbm>> -> memref<128xf32, #tpu.memory_space<hbm>>
        %dma_wait3A_347 = arith.constant 0 : i32
        %dma_wait3A_348 = tpu.memref_slice %arg17[%dma_wait3A_339, %dma_wait3A_347] : memref<2x128xf32, #tpu.memory_space<vmem>> -> memref<1x128xf32, #tpu.memory_space<vmem>>
        %dma_wait3A_349 = tpu.memref_squeeze %dma_wait3A_348 : memref<1x128xf32, #tpu.memory_space<vmem>> -> memref<128xf32, #tpu.memory_space<vmem>>
        tpu.wait_dma2 semaphore(%arg26 : memref<!tpu.dma_semaphore, #tpu.memory_space<semaphore_mem>>) src(%dma_wait3A_349 : memref<128xf32, #tpu.memory_space<vmem>>) dst(%dma_wait3A_346 : memref<128xf32, #tpu.memory_space<hbm>>)
        %dma_wait3A_350 = arith.constant 1 : i32
        %dma_wait3A_351 = arith.constant 0 : i32
        %dma_wait3A_352 = tpu.memref_slice %arg18[%dma_wait3A_350, %dma_wait3A_351] : memref<2x128xf32, #tpu.memory_space<vmem>> -> memref<1x128xf32, #tpu.memory_space<vmem>>
        %dma_wait3A_353 = tpu.memref_squeeze %dma_wait3A_352 : memref<1x128xf32, #tpu.memory_space<vmem>> -> memref<128xf32, #tpu.memory_space<vmem>>
        %dma_wait3A_354 = arith.constant 0 : i32
        %dma_wait3A_355 = tpu.memref_slice %arg10[%dma_wait3A_354] : memref<102400xf32, #tpu.memory_space<hbm>> -> memref<128xf32, #tpu.memory_space<hbm>>
        %dma_wait3A_356 = arith.constant 0 : i32
        %dma_wait3A_357 = tpu.memref_slice %arg10[%dma_wait3A_356] : memref<102400xf32, #tpu.memory_space<hbm>> -> memref<128xf32, #tpu.memory_space<hbm>>
        %dma_wait3A_358 = arith.constant 0 : i32
        %dma_wait3A_359 = tpu.memref_slice %arg18[%dma_wait3A_350, %dma_wait3A_358] : memref<2x128xf32, #tpu.memory_space<vmem>> -> memref<1x128xf32, #tpu.memory_space<vmem>>
        %dma_wait3A_360 = tpu.memref_squeeze %dma_wait3A_359 : memref<1x128xf32, #tpu.memory_space<vmem>> -> memref<128xf32, #tpu.memory_space<vmem>>
        tpu.wait_dma2 semaphore(%arg26 : memref<!tpu.dma_semaphore, #tpu.memory_space<semaphore_mem>>) src(%dma_wait3A_360 : memref<128xf32, #tpu.memory_space<vmem>>) dst(%dma_wait3A_357 : memref<128xf32, #tpu.memory_space<hbm>>)
      } else {
      }
      %scan3A_312 = arith.constant 0 : i32
      %scan3A_313 = arith.constant 0 : i32
      %scan3A_314 = arith.constant 8 : i32
      %scan3A_315 = arith.addi %scan3A_313, %scan3A_314 : i32
      %scan3A_316 = arith.constant 1 : i32
      scf.for %scan3A_339 = %scan3A_313 to %scan3A_315 step %scan3A_316  : i32 {
        %broadcast_in_dim3A = arith.constant 0.000000e+00 : f32
        %broadcast_in_dim3A_340 = vector.broadcast %broadcast_in_dim3A : f32 to vector<16xf32>
        %scan3A_341 = arith.constant 0 : i32
        %scan3A_342 = arith.constant 16 : i32
        %scan3A_343 = arith.addi %scan3A_341, %scan3A_342 : i32
        %scan3A_344 = arith.constant 1 : i32
        %scan3A_345:2 = scf.for %scan3A_364 = %scan3A_341 to %scan3A_343 step %scan3A_344 iter_args(%scan3A_365 = %broadcast_in_dim3A_340, %scan3A_366 = %broadcast_in_dim3A_340) -> (vector<16xf32>, vector<16xf32>)  : i32 {
          %mul3A_367 = arith.constant 16 : i32
          %mul3A_368 = arith.muli %scan3A_339, %mul3A_367 : i32
          %add3A_369 = arith.addi %mul3A_368, %scan3A_364 : i32
          %broadcast_in_dim3A_370 = arith.constant 0.000000e+00 : f32
          %broadcast_in_dim3A_371 = vector.broadcast %broadcast_in_dim3A_370 : f32 to vector<16xf32>
          %broadcast_in_dim3A_372 = arith.constant 0.000000e+00 : f32
          %broadcast_in_dim3A_373 = vector.broadcast %broadcast_in_dim3A_372 : f32 to vector<16xf32>
          %get3A_374 = arith.constant 1 : i32
          %get3A_375 = arith.index_cast %get3A_374 : i32 to index
          %get3A_376 = arith.index_cast %add3A_369 : i32 to index
          %get3A_377 = arith.constant 0 : index
          %get3A_378 = tpu.vector_load %arg14[%get3A_375, %get3A_376, %get3A_377] {strides = array<i32>} : memref<2x128x128xf32, #tpu.memory_space<vmem>>, vector<1x1x16xf32>,
          %get3A_379 = vector.shape_cast %get3A_378 : vector<1x1x16xf32> to vector<16xf32>
          %get3A_380 = arith.constant 1 : i32
          %get3A_381 = arith.index_cast %get3A_380 : i32 to index
          %get3A_382 = arith.index_cast %add3A_369 : i32 to index
          %get3A_383 = arith.constant 0 : index
          %get3A_384 = tpu.vector_load %arg15[%get3A_381, %get3A_382, %get3A_383] {strides = array<i32>} : memref<2x128x128xf32, #tpu.memory_space<vmem>>, vector<1x1x16xf32>,
          %get3A_385 = vector.shape_cast %get3A_384 : vector<1x1x16xf32> to vector<16xf32>
          %add3A_386 = arith.addf %get3A_379, %get3A_385 : vector<16xf32>
          %max3A = arith.constant 0.000000e+00 : f32
          %max3A_387 = vector.broadcast %max3A : f32 to vector<16xf32>
          %max3A_388 = arith.maximumf %add3A_386, %max3A_387 : vector<16xf32>
          %mul3A_389 = arith.mulf %max3A_388, %get3A_1 : vector<16xf32>
          %add3A_390 = arith.addf %broadcast_in_dim3A_371, %mul3A_389 : vector<16xf32>
          %get3A_391 = arith.constant 1 : i32
          %get3A_392 = arith.index_cast %get3A_391 : i32 to index
          %get3A_393 = arith.index_cast %add3A_369 : i32 to index
          %get3A_394 = arith.constant 0 : index
          %get3A_395 = tpu.vector_load %arg16[%get3A_392, %get3A_393, %get3A_394] {strides = array<i32>} : memref<2x128x128xf32, #tpu.memory_space<vmem>>, vector<1x1x16xf32>,
          %get3A_396 = vector.shape_cast %get3A_395 : vector<1x1x16xf32> to vector<16xf32>
          %add3A_397 = arith.addf %get3A_379, %get3A_396 : vector<16xf32>
          %max3A_398 = arith.constant 0.000000e+00 : f32
          %max3A_399 = vector.broadcast %max3A_398 : f32 to vector<16xf32>
          %max3A_400 = arith.maximumf %add3A_397, %max3A_399 : vector<16xf32>
          %mul3A_401 = arith.mulf %max3A_400, %get3A_1 : vector<16xf32>
          %add3A_402 = arith.addf %broadcast_in_dim3A_373, %mul3A_401 : vector<16xf32>
          %get3A_403 = arith.constant 1 : i32
          %get3A_404 = arith.index_cast %get3A_403 : i32 to index
          %get3A_405 = arith.index_cast %add3A_369 : i32 to index
          %get3A_406 = arith.constant 16 : index
          %get3A_407 = tpu.vector_load %arg14[%get3A_404, %get3A_405, %get3A_406] {strides = array<i32>} : memref<2x128x128xf32, #tpu.memory_space<vmem>>, vector<1x1x16xf32>,
          %get3A_408 = vector.shape_cast %get3A_407 : vector<1x1x16xf32> to vector<16xf32>
          %get3A_409 = arith.constant 1 : i32
          %get3A_410 = arith.index_cast %get3A_409 : i32 to index
          %get3A_411 = arith.index_cast %add3A_369 : i32 to index
          %get3A_412 = arith.constant 16 : index
          %get3A_413 = tpu.vector_load %arg15[%get3A_410, %get3A_411, %get3A_412] {strides = array<i32>} : memref<2x128x128xf32, #tpu.memory_space<vmem>>, vector<1x1x16xf32>,
          %get3A_414 = vector.shape_cast %get3A_413 : vector<1x1x16xf32> to vector<16xf32>
          %add3A_415 = arith.addf %get3A_408, %get3A_414 : vector<16xf32>
          %max3A_416 = arith.constant 0.000000e+00 : f32
          %max3A_417 = vector.broadcast %max3A_416 : f32 to vector<16xf32>
          %max3A_418 = arith.maximumf %add3A_415, %max3A_417 : vector<16xf32>
          %mul3A_419 = arith.mulf %max3A_418, %get3A_4 : vector<16xf32>
          %add3A_420 = arith.addf %add3A_390, %mul3A_419 : vector<16xf32>
          %get3A_421 = arith.constant 1 : i32
          %get3A_422 = arith.index_cast %get3A_421 : i32 to index
          %get3A_423 = arith.index_cast %add3A_369 : i32 to index
          %get3A_424 = arith.constant 16 : index
          %get3A_425 = tpu.vector_load %arg16[%get3A_422, %get3A_423, %get3A_424] {strides = array<i32>} : memref<2x128x128xf32, #tpu.memory_space<vmem>>, vector<1x1x16xf32>,
          %get3A_426 = vector.shape_cast %get3A_425 : vector<1x1x16xf32> to vector<16xf32>
          %add3A_427 = arith.addf %get3A_408, %get3A_426 : vector<16xf32>
          %max3A_428 = arith.constant 0.000000e+00 : f32
          %max3A_429 = vector.broadcast %max3A_428 : f32 to vector<16xf32>
          %max3A_430 = arith.maximumf %add3A_427, %max3A_429 : vector<16xf32>
          %mul3A_431 = arith.mulf %max3A_430, %get3A_4 : vector<16xf32>
          %add3A_432 = arith.addf %add3A_402, %mul3A_431 : vector<16xf32>
          %get3A_433 = arith.constant 1 : i32
          %get3A_434 = arith.index_cast %get3A_433 : i32 to index
          %get3A_435 = arith.index_cast %add3A_369 : i32 to index
          %get3A_436 = arith.constant 32 : index
          %get3A_437 = tpu.vector_load %arg14[%get3A_434, %get3A_435, %get3A_436] {strides = array<i32>} : memref<2x128x128xf32, #tpu.memory_space<vmem>>, vector<1x1x16xf32>,
          %get3A_438 = vector.shape_cast %get3A_437 : vector<1x1x16xf32> to vector<16xf32>
          %get3A_439 = arith.constant 1 : i32
          %get3A_440 = arith.index_cast %get3A_439 : i32 to index
          %get3A_441 = arith.index_cast %add3A_369 : i32 to index
          %get3A_442 = arith.constant 32 : index
          %get3A_443 = tpu.vector_load %arg15[%get3A_440, %get3A_441, %get3A_442] {strides = array<i32>} : memref<2x128x128xf32, #tpu.memory_space<vmem>>, vector<1x1x16xf32>,
          %get3A_444 = vector.shape_cast %get3A_443 : vector<1x1x16xf32> to vector<16xf32>
          %add3A_445 = arith.addf %get3A_438, %get3A_444 : vector<16xf32>
          %max3A_446 = arith.constant 0.000000e+00 : f32
          %max3A_447 = vector.broadcast %max3A_446 : f32 to vector<16xf32>
          %max3A_448 = arith.maximumf %add3A_445, %max3A_447 : vector<16xf32>
          %mul3A_449 = arith.mulf %max3A_448, %get3A_7 : vector<16xf32>
          %add3A_450 = arith.addf %add3A_420, %mul3A_449 : vector<16xf32>
          %get3A_451 = arith.constant 1 : i32
          %get3A_452 = arith.index_cast %get3A_451 : i32 to index
          %get3A_453 = arith.index_cast %add3A_369 : i32 to index
          %get3A_454 = arith.constant 32 : index
          %get3A_455 = tpu.vector_load %arg16[%get3A_452, %get3A_453, %get3A_454] {strides = array<i32>} : memref<2x128x128xf32, #tpu.memory_space<vmem>>, vector<1x1x16xf32>,
          %get3A_456 = vector.shape_cast %get3A_455 : vector<1x1x16xf32> to vector<16xf32>
          %add3A_457 = arith.addf %get3A_438, %get3A_456 : vector<16xf32>
          %max3A_458 = arith.constant 0.000000e+00 : f32
          %max3A_459 = vector.broadcast %max3A_458 : f32 to vector<16xf32>
          %max3A_460 = arith.maximumf %add3A_457, %max3A_459 : vector<16xf32>
          %mul3A_461 = arith.mulf %max3A_460, %get3A_7 : vector<16xf32>
          %add3A_462 = arith.addf %add3A_432, %mul3A_461 : vector<16xf32>
          %get3A_463 = arith.constant 1 : i32
          %get3A_464 = arith.index_cast %get3A_463 : i32 to index
          %get3A_465 = arith.index_cast %add3A_369 : i32 to index
          %get3A_466 = arith.constant 48 : index
          %get3A_467 = tpu.vector_load %arg14[%get3A_464, %get3A_465, %get3A_466] {strides = array<i32>} : memref<2x128x128xf32, #tpu.memory_space<vmem>>, vector<1x1x16xf32>,
          %get3A_468 = vector.shape_cast %get3A_467 : vector<1x1x16xf32> to vector<16xf32>
          %get3A_469 = arith.constant 1 : i32
          %get3A_470 = arith.index_cast %get3A_469 : i32 to index
          %get3A_471 = arith.index_cast %add3A_369 : i32 to index
          %get3A_472 = arith.constant 48 : index
          %get3A_473 = tpu.vector_load %arg15[%get3A_470, %get3A_471, %get3A_472] {strides = array<i32>} : memref<2x128x128xf32, #tpu.memory_space<vmem>>, vector<1x1x16xf32>,
          %get3A_474 = vector.shape_cast %get3A_473 : vector<1x1x16xf32> to vector<16xf32>
          %add3A_475 = arith.addf %get3A_468, %get3A_474 : vector<16xf32>
          %max3A_476 = arith.constant 0.000000e+00 : f32
          %max3A_477 = vector.broadcast %max3A_476 : f32 to vector<16xf32>
          %max3A_478 = arith.maximumf %add3A_475, %max3A_477 : vector<16xf32>
          %mul3A_479 = arith.mulf %max3A_478, %get3A_10 : vector<16xf32>
          %add3A_480 = arith.addf %add3A_450, %mul3A_479 : vector<16xf32>
          %get3A_481 = arith.constant 1 : i32
          %get3A_482 = arith.index_cast %get3A_481 : i32 to index
          %get3A_483 = arith.index_cast %add3A_369 : i32 to index
          %get3A_484 = arith.constant 48 : index
          %get3A_485 = tpu.vector_load %arg16[%get3A_482, %get3A_483, %get3A_484] {strides = array<i32>} : memref<2x128x128xf32, #tpu.memory_space<vmem>>, vector<1x1x16xf32>,
          %get3A_486 = vector.shape_cast %get3A_485 : vector<1x1x16xf32> to vector<16xf32>
          %add3A_487 = arith.addf %get3A_468, %get3A_486 : vector<16xf32>
          %max3A_488 = arith.constant 0.000000e+00 : f32
          %max3A_489 = vector.broadcast %max3A_488 : f32 to vector<16xf32>
          %max3A_490 = arith.maximumf %add3A_487, %max3A_489 : vector<16xf32>
          %mul3A_491 = arith.mulf %max3A_490, %get3A_10 : vector<16xf32>
          %add3A_492 = arith.addf %add3A_462, %mul3A_491 : vector<16xf32>
          %get3A_493 = arith.constant 1 : i32
          %get3A_494 = arith.index_cast %get3A_493 : i32 to index
          %get3A_495 = arith.index_cast %add3A_369 : i32 to index
          %get3A_496 = arith.constant 64 : index
          %get3A_497 = tpu.vector_load %arg14[%get3A_494, %get3A_495, %get3A_496] {strides = array<i32>} : memref<2x128x128xf32, #tpu.memory_space<vmem>>, vector<1x1x16xf32>,
          %get3A_498 = vector.shape_cast %get3A_497 : vector<1x1x16xf32> to vector<16xf32>
          %get3A_499 = arith.constant 1 : i32
          %get3A_500 = arith.index_cast %get3A_499 : i32 to index
          %get3A_501 = arith.index_cast %add3A_369 : i32 to index
          %get3A_502 = arith.constant 64 : index
          %get3A_503 = tpu.vector_load %arg15[%get3A_500, %get3A_501, %get3A_502] {strides = array<i32>} : memref<2x128x128xf32, #tpu.memory_space<vmem>>, vector<1x1x16xf32>,
          %get3A_504 = vector.shape_cast %get3A_503 : vector<1x1x16xf32> to vector<16xf32>
          %add3A_505 = arith.addf %get3A_498, %get3A_504 : vector<16xf32>
          %max3A_506 = arith.constant 0.000000e+00 : f32
          %max3A_507 = vector.broadcast %max3A_506 : f32 to vector<16xf32>
          %max3A_508 = arith.maximumf %add3A_505, %max3A_507 : vector<16xf32>
          %mul3A_509 = arith.mulf %max3A_508, %get3A_13 : vector<16xf32>
          %add3A_510 = arith.addf %add3A_480, %mul3A_509 : vector<16xf32>
          %get3A_511 = arith.constant 1 : i32
          %get3A_512 = arith.index_cast %get3A_511 : i32 to index
          %get3A_513 = arith.index_cast %add3A_369 : i32 to index
          %get3A_514 = arith.constant 64 : index
          %get3A_515 = tpu.vector_load %arg16[%get3A_512, %get3A_513, %get3A_514] {strides = array<i32>} : memref<2x128x128xf32, #tpu.memory_space<vmem>>, vector<1x1x16xf32>,
          %get3A_516 = vector.shape_cast %get3A_515 : vector<1x1x16xf32> to vector<16xf32>
          %add3A_517 = arith.addf %get3A_498, %get3A_516 : vector<16xf32>
          %max3A_518 = arith.constant 0.000000e+00 : f32
          %max3A_519 = vector.broadcast %max3A_518 : f32 to vector<16xf32>
          %max3A_520 = arith.maximumf %add3A_517, %max3A_519 : vector<16xf32>
          %mul3A_521 = arith.mulf %max3A_520, %get3A_13 : vector<16xf32>
          %add3A_522 = arith.addf %add3A_492, %mul3A_521 : vector<16xf32>
          %get3A_523 = arith.constant 1 : i32
          %get3A_524 = arith.index_cast %get3A_523 : i32 to index
          %get3A_525 = arith.index_cast %add3A_369 : i32 to index
          %get3A_526 = arith.constant 80 : index
          %get3A_527 = tpu.vector_load %arg14[%get3A_524, %get3A_525, %get3A_526] {strides = array<i32>} : memref<2x128x128xf32, #tpu.memory_space<vmem>>, vector<1x1x16xf32>,
          %get3A_528 = vector.shape_cast %get3A_527 : vector<1x1x16xf32> to vector<16xf32>
          %get3A_529 = arith.constant 1 : i32
          %get3A_530 = arith.index_cast %get3A_529 : i32 to index
          %get3A_531 = arith.index_cast %add3A_369 : i32 to index
          %get3A_532 = arith.constant 80 : index
          %get3A_533 = tpu.vector_load %arg15[%get3A_530, %get3A_531, %get3A_532] {strides = array<i32>} : memref<2x128x128xf32, #tpu.memory_space<vmem>>, vector<1x1x16xf32>,
          %get3A_534 = vector.shape_cast %get3A_533 : vector<1x1x16xf32> to vector<16xf32>
          %add3A_535 = arith.addf %get3A_528, %get3A_534 : vector<16xf32>
          %max3A_536 = arith.constant 0.000000e+00 : f32
          %max3A_537 = vector.broadcast %max3A_536 : f32 to vector<16xf32>
          %max3A_538 = arith.maximumf %add3A_535, %max3A_537 : vector<16xf32>
          %mul3A_539 = arith.mulf %max3A_538, %get3A_16 : vector<16xf32>
          %add3A_540 = arith.addf %add3A_510, %mul3A_539 : vector<16xf32>
          %get3A_541 = arith.constant 1 : i32
          %get3A_542 = arith.index_cast %get3A_541 : i32 to index
          %get3A_543 = arith.index_cast %add3A_369 : i32 to index
          %get3A_544 = arith.constant 80 : index
          %get3A_545 = tpu.vector_load %arg16[%get3A_542, %get3A_543, %get3A_544] {strides = array<i32>} : memref<2x128x128xf32, #tpu.memory_space<vmem>>, vector<1x1x16xf32>,
          %get3A_546 = vector.shape_cast %get3A_545 : vector<1x1x16xf32> to vector<16xf32>
          %add3A_547 = arith.addf %get3A_528, %get3A_546 : vector<16xf32>
          %max3A_548 = arith.constant 0.000000e+00 : f32
          %max3A_549 = vector.broadcast %max3A_548 : f32 to vector<16xf32>
          %max3A_550 = arith.maximumf %add3A_547, %max3A_549 : vector<16xf32>
          %mul3A_551 = arith.mulf %max3A_550, %get3A_16 : vector<16xf32>
          %add3A_552 = arith.addf %add3A_522, %mul3A_551 : vector<16xf32>
          %get3A_553 = arith.constant 1 : i32
          %get3A_554 = arith.index_cast %get3A_553 : i32 to index
          %get3A_555 = arith.index_cast %add3A_369 : i32 to index
          %get3A_556 = arith.constant 96 : index
          %get3A_557 = tpu.vector_load %arg14[%get3A_554, %get3A_555, %get3A_556] {strides = array<i32>} : memref<2x128x128xf32, #tpu.memory_space<vmem>>, vector<1x1x16xf32>,
          %get3A_558 = vector.shape_cast %get3A_557 : vector<1x1x16xf32> to vector<16xf32>
          %get3A_559 = arith.constant 1 : i32
          %get3A_560 = arith.index_cast %get3A_559 : i32 to index
          %get3A_561 = arith.index_cast %add3A_369 : i32 to index
          %get3A_562 = arith.constant 96 : index
          %get3A_563 = tpu.vector_load %arg15[%get3A_560, %get3A_561, %get3A_562] {strides = array<i32>} : memref<2x128x128xf32, #tpu.memory_space<vmem>>, vector<1x1x16xf32>,
          %get3A_564 = vector.shape_cast %get3A_563 : vector<1x1x16xf32> to vector<16xf32>
          %add3A_565 = arith.addf %get3A_558, %get3A_564 : vector<16xf32>
          %max3A_566 = arith.constant 0.000000e+00 : f32
          %max3A_567 = vector.broadcast %max3A_566 : f32 to vector<16xf32>
          %max3A_568 = arith.maximumf %add3A_565, %max3A_567 : vector<16xf32>
          %mul3A_569 = arith.mulf %max3A_568, %get3A_19 : vector<16xf32>
          %add3A_570 = arith.addf %add3A_540, %mul3A_569 : vector<16xf32>
          %get3A_571 = arith.constant 1 : i32
          %get3A_572 = arith.index_cast %get3A_571 : i32 to index
          %get3A_573 = arith.index_cast %add3A_369 : i32 to index
          %get3A_574 = arith.constant 96 : index
          %get3A_575 = tpu.vector_load %arg16[%get3A_572, %get3A_573, %get3A_574] {strides = array<i32>} : memref<2x128x128xf32, #tpu.memory_space<vmem>>, vector<1x1x16xf32>,
          %get3A_576 = vector.shape_cast %get3A_575 : vector<1x1x16xf32> to vector<16xf32>
          %add3A_577 = arith.addf %get3A_558, %get3A_576 : vector<16xf32>
          %max3A_578 = arith.constant 0.000000e+00 : f32
          %max3A_579 = vector.broadcast %max3A_578 : f32 to vector<16xf32>
          %max3A_580 = arith.maximumf %add3A_577, %max3A_579 : vector<16xf32>
          %mul3A_581 = arith.mulf %max3A_580, %get3A_19 : vector<16xf32>
          %add3A_582 = arith.addf %add3A_552, %mul3A_581 : vector<16xf32>
          %get3A_583 = arith.constant 1 : i32
          %get3A_584 = arith.index_cast %get3A_583 : i32 to index
          %get3A_585 = arith.index_cast %add3A_369 : i32 to index
          %get3A_586 = arith.constant 112 : index
          %get3A_587 = tpu.vector_load %arg14[%get3A_584, %get3A_585, %get3A_586] {strides = array<i32>} : memref<2x128x128xf32, #tpu.memory_space<vmem>>, vector<1x1x16xf32>,
          %get3A_588 = vector.shape_cast %get3A_587 : vector<1x1x16xf32> to vector<16xf32>
          %get3A_589 = arith.constant 1 : i32
          %get3A_590 = arith.index_cast %get3A_589 : i32 to index
          %get3A_591 = arith.index_cast %add3A_369 : i32 to index
          %get3A_592 = arith.constant 112 : index
          %get3A_593 = tpu.vector_load %arg15[%get3A_590, %get3A_591, %get3A_592] {strides = array<i32>} : memref<2x128x128xf32, #tpu.memory_space<vmem>>, vector<1x1x16xf32>,
          %get3A_594 = vector.shape_cast %get3A_593 : vector<1x1x16xf32> to vector<16xf32>
          %add3A_595 = arith.addf %get3A_588, %get3A_594 : vector<16xf32>
          %max3A_596 = arith.constant 0.000000e+00 : f32
          %max3A_597 = vector.broadcast %max3A_596 : f32 to vector<16xf32>
          %max3A_598 = arith.maximumf %add3A_595, %max3A_597 : vector<16xf32>
          %mul3A_599 = arith.mulf %max3A_598, %get3A_22 : vector<16xf32>
          %add3A_600 = arith.addf %add3A_570, %mul3A_599 : vector<16xf32>
          %get3A_601 = arith.constant 1 : i32
          %get3A_602 = arith.index_cast %get3A_601 : i32 to index
          %get3A_603 = arith.index_cast %add3A_369 : i32 to index
          %get3A_604 = arith.constant 112 : index
          %get3A_605 = tpu.vector_load %arg16[%get3A_602, %get3A_603, %get3A_604] {strides = array<i32>} : memref<2x128x128xf32, #tpu.memory_space<vmem>>, vector<1x1x16xf32>,
          %get3A_606 = vector.shape_cast %get3A_605 : vector<1x1x16xf32> to vector<16xf32>
          %add3A_607 = arith.addf %get3A_588, %get3A_606 : vector<16xf32>
          %max3A_608 = arith.constant 0.000000e+00 : f32
          %max3A_609 = vector.broadcast %max3A_608 : f32 to vector<16xf32>
          %max3A_610 = arith.maximumf %add3A_607, %max3A_609 : vector<16xf32>
          %mul3A_611 = arith.mulf %max3A_610, %get3A_22 : vector<16xf32>
          %add3A_612 = arith.addf %add3A_582, %mul3A_611 : vector<16xf32>
          %eq3A_613 = vector.broadcast %scan3A_364 : i32 to vector<16xi32>
          %eq3A_614 = arith.cmpi eq, %iota3A, %eq3A_613 : vector<16xi32>
          %xor3A = arith.constant 8 : i32
          %xor3A_615 = vector.broadcast %xor3A : i32 to vector<16xi32>
          %xor3A_616 = arith.xori %iota3A, %xor3A_615 : vector<16xi32>
          %broadcast_in_dim3A_617 = vector.shape_cast %xor3A_616 : vector<16xi32> to vector<16x1xi32>
          %gather3A = vector.shape_cast %broadcast_in_dim3A_617 : vector<16x1xi32> to vector<16xi32>
          %gather3A_618 = tpu.dynamic_gather %add3A_600[%gather3A] in [0] : vector<16xf32>, vector<16xi32> -> vector<16xf32>
          %add3A_619 = arith.addf %add3A_600, %gather3A_618 : vector<16xf32>
          %xor3A_620 = arith.constant 4 : i32
          %xor3A_621 = vector.broadcast %xor3A_620 : i32 to vector<16xi32>
          %xor3A_622 = arith.xori %iota3A, %xor3A_621 : vector<16xi32>
          %broadcast_in_dim3A_623 = vector.shape_cast %xor3A_622 : vector<16xi32> to vector<16x1xi32>
          %gather3A_624 = vector.shape_cast %broadcast_in_dim3A_623 : vector<16x1xi32> to vector<16xi32>
          %gather3A_625 = tpu.dynamic_gather %add3A_619[%gather3A_624] in [0] : vector<16xf32>, vector<16xi32> -> vector<16xf32>
          %add3A_626 = arith.addf %add3A_619, %gather3A_625 : vector<16xf32>
          %xor3A_627 = arith.constant 2 : i32
          %xor3A_628 = vector.broadcast %xor3A_627 : i32 to vector<16xi32>
          %xor3A_629 = arith.xori %iota3A, %xor3A_628 : vector<16xi32>
          %broadcast_in_dim3A_630 = vector.shape_cast %xor3A_629 : vector<16xi32> to vector<16x1xi32>
          %gather3A_631 = vector.shape_cast %broadcast_in_dim3A_630 : vector<16x1xi32> to vector<16xi32>
          %gather3A_632 = tpu.dynamic_gather %add3A_626[%gather3A_631] in [0] : vector<16xf32>, vector<16xi32> -> vector<16xf32>
          %add3A_633 = arith.addf %add3A_626, %gather3A_632 : vector<16xf32>
          %xor3A_634 = arith.constant 1 : i32
          %xor3A_635 = vector.broadcast %xor3A_634 : i32 to vector<16xi32>
          %xor3A_636 = arith.xori %iota3A, %xor3A_635 : vector<16xi32>
          %broadcast_in_dim3A_637 = vector.shape_cast %xor3A_636 : vector<16xi32> to vector<16x1xi32>
          %gather3A_638 = vector.shape_cast %broadcast_in_dim3A_637 : vector<16x1xi32> to vector<16xi32>
          %gather3A_639 = tpu.dynamic_gather %add3A_633[%gather3A_638] in [0] : vector<16xf32>, vector<16xi32> -> vector<16xf32>
          %add3A_640 = arith.addf %add3A_633, %gather3A_639 : vector<16xf32>
          %select_n3A_641 = arith.select %eq3A_614, %add3A_640, %scan3A_365 : vector<16xi1>, vector<16xf32>
          %eq3A_642 = vector.broadcast %scan3A_364 : i32 to vector<16xi32>
          %eq3A_643 = arith.cmpi eq, %iota3A, %eq3A_642 : vector<16xi32>
          %xor3A_644 = arith.constant 8 : i32
          %xor3A_645 = vector.broadcast %xor3A_644 : i32 to vector<16xi32>
          %xor3A_646 = arith.xori %iota3A, %xor3A_645 : vector<16xi32>
          %broadcast_in_dim3A_647 = vector.shape_cast %xor3A_646 : vector<16xi32> to vector<16x1xi32>
          %gather3A_648 = vector.shape_cast %broadcast_in_dim3A_647 : vector<16x1xi32> to vector<16xi32>
          %gather3A_649 = tpu.dynamic_gather %add3A_612[%gather3A_648] in [0] : vector<16xf32>, vector<16xi32> -> vector<16xf32>
          %add3A_650 = arith.addf %add3A_612, %gather3A_649 : vector<16xf32>
          %xor3A_651 = arith.constant 4 : i32
          %xor3A_652 = vector.broadcast %xor3A_651 : i32 to vector<16xi32>
          %xor3A_653 = arith.xori %iota3A, %xor3A_652 : vector<16xi32>
          %broadcast_in_dim3A_654 = vector.shape_cast %xor3A_653 : vector<16xi32> to vector<16x1xi32>
          %gather3A_655 = vector.shape_cast %broadcast_in_dim3A_654 : vector<16x1xi32> to vector<16xi32>
          %gather3A_656 = tpu.dynamic_gather %add3A_650[%gather3A_655] in [0] : vector<16xf32>, vector<16xi32> -> vector<16xf32>
          %add3A_657 = arith.addf %add3A_650, %gather3A_656 : vector<16xf32>
          %xor3A_658 = arith.constant 2 : i32
          %xor3A_659 = vector.broadcast %xor3A_658 : i32 to vector<16xi32>
          %xor3A_660 = arith.xori %iota3A, %xor3A_659 : vector<16xi32>
          %broadcast_in_dim3A_661 = vector.shape_cast %xor3A_660 : vector<16xi32> to vector<16x1xi32>
          %gather3A_662 = vector.shape_cast %broadcast_in_dim3A_661 : vector<16x1xi32> to vector<16xi32>
          %gather3A_663 = tpu.dynamic_gather %add3A_657[%gather3A_662] in [0] : vector<16xf32>, vector<16xi32> -> vector<16xf32>
          %add3A_664 = arith.addf %add3A_657, %gather3A_663 : vector<16xf32>
          %xor3A_665 = arith.constant 1 : i32
          %xor3A_666 = vector.broadcast %xor3A_665 : i32 to vector<16xi32>
          %xor3A_667 = arith.xori %iota3A, %xor3A_666 : vector<16xi32>
          %broadcast_in_dim3A_668 = vector.shape_cast %xor3A_667 : vector<16xi32> to vector<16x1xi32>
          %gather3A_669 = vector.shape_cast %broadcast_in_dim3A_668 : vector<16x1xi32> to vector<16xi32>
          %gather3A_670 = tpu.dynamic_gather %add3A_664[%gather3A_669] in [0] : vector<16xf32>, vector<16xi32> -> vector<16xf32>
          %add3A_671 = arith.addf %add3A_664, %gather3A_670 : vector<16xf32>
          %select_n3A_672 = arith.select %eq3A_643, %add3A_671, %scan3A_366 : vector<16xi1>, vector<16xf32>
          scf.yield %select_n3A_641, %select_n3A_672 : vector<16xf32>, vector<16xf32>
        }
        %scan3A_346 = arith.constant 16 : i32
        %add3A_347 = arith.addf %scan3A_345#0, %get3A_25 : vector<16xf32>
        %mul3A_348 = arith.constant 16 : i32
        %mul3A_349 = arith.muli %scan3A_339, %mul3A_348 : i32
        %swap3A = arith.constant 1 : i32
        %swap3A_350 = arith.index_cast %swap3A : i32 to index
        %swap3A_351 = arith.index_cast %mul3A_349 : i32 to index
        %swap3A_352 = tpu.vector_load %arg17[%swap3A_350, %swap3A_351] {strides = array<i32>} : memref<2x128xf32, #tpu.memory_space<vmem>>, vector<1x16xf32>,
        %swap3A_353 = vector.shape_cast %swap3A_352 : vector<1x16xf32> to vector<16xf32>
        %swap3A_354 = vector.shape_cast %add3A_347 : vector<16xf32> to vector<1x16xf32>
        tpu.vector_store %arg17[%swap3A_350, %swap3A_351], %swap3A_354 {strides = array<i32>} : memref<2x128xf32, #tpu.memory_space<vmem>>, vector<1x16xf32>,
        %add3A_355 = arith.addf %scan3A_345#1, %get3A_25 : vector<16xf32>
        %mul3A_356 = arith.constant 16 : i32
        %mul3A_357 = arith.muli %scan3A_339, %mul3A_356 : i32
        %swap3A_358 = arith.constant 1 : i32
        %swap3A_359 = arith.index_cast %swap3A_358 : i32 to index
        %swap3A_360 = arith.index_cast %mul3A_357 : i32 to index
        %swap3A_361 = tpu.vector_load %arg18[%swap3A_359, %swap3A_360] {strides = array<i32>} : memref<2x128xf32, #tpu.memory_space<vmem>>, vector<1x16xf32>,
        %swap3A_362 = vector.shape_cast %swap3A_361 : vector<1x16xf32> to vector<16xf32>
        %swap3A_363 = vector.shape_cast %add3A_355 : vector<16xf32> to vector<1x16xf32>
        tpu.vector_store %arg18[%swap3A_359, %swap3A_360], %swap3A_363 {strides = array<i32>} : memref<2x128xf32, #tpu.memory_space<vmem>>, vector<1x16xf32>,
      }
      %scan3A_317 = arith.constant 8 : i32
      %add3A_318 = arith.addi %select_n3A_34, %add3A_258 : i32
      %mul3A_319 = arith.constant 128 : i32
      %mul3A_320 = arith.muli %add3A_318, %mul3A_319 : i32
      %dma_start3A_321 = arith.constant 1 : i32
      %dma_start3A_322 = arith.constant 0 : i32
      %dma_start3A_323 = tpu.memref_slice %arg17[%dma_start3A_321, %dma_start3A_322] : memref<2x128xf32, #tpu.memory_space<vmem>> -> memref<1x128xf32, #tpu.memory_space<vmem>>
      %dma_start3A_324 = tpu.memref_squeeze %dma_start3A_323 : memref<1x128xf32, #tpu.memory_space<vmem>> -> memref<128xf32, #tpu.memory_space<vmem>>
      %dma_start3A_325 = tpu.memref_slice %arg9[%mul3A_320] : memref<102400xf32, #tpu.memory_space<hbm>> -> memref<128xf32, #tpu.memory_space<hbm>>
      %dma_start3A_326 = tpu.memref_slice %arg9[%mul3A_320] : memref<102400xf32, #tpu.memory_space<hbm>> -> memref<128xf32, #tpu.memory_space<hbm>>
      %dma_start3A_327 = arith.constant 0 : i32
      %dma_start3A_328 = tpu.memref_slice %arg17[%dma_start3A_321, %dma_start3A_327] : memref<2x128xf32, #tpu.memory_space<vmem>> -> memref<1x128xf32, #tpu.memory_space<vmem>>
      %dma_start3A_329 = tpu.memref_squeeze %dma_start3A_328 : memref<1x128xf32, #tpu.memory_space<vmem>> -> memref<128xf32, #tpu.memory_space<vmem>>
      tpu.enqueue_dma source(%dma_start3A_329 : memref<128xf32, #tpu.memory_space<vmem>>) target(%dma_start3A_326 : memref<128xf32, #tpu.memory_space<hbm>>) target_semaphore(%arg26 : memref<!tpu.dma_semaphore, #tpu.memory_space<semaphore_mem>>)
      %dma_start3A_330 = arith.constant 1 : i32
      %dma_start3A_331 = arith.constant 0 : i32
      %dma_start3A_332 = tpu.memref_slice %arg18[%dma_start3A_330, %dma_start3A_331] : memref<2x128xf32, #tpu.memory_space<vmem>> -> memref<1x128xf32, #tpu.memory_space<vmem>>
      %dma_start3A_333 = tpu.memref_squeeze %dma_start3A_332 : memref<1x128xf32, #tpu.memory_space<vmem>> -> memref<128xf32, #tpu.memory_space<vmem>>
      %dma_start3A_334 = tpu.memref_slice %arg10[%mul3A_320] : memref<102400xf32, #tpu.memory_space<hbm>> -> memref<128xf32, #tpu.memory_space<hbm>>
      %dma_start3A_335 = tpu.memref_slice %arg10[%mul3A_320] : memref<102400xf32, #tpu.memory_space<hbm>> -> memref<128xf32, #tpu.memory_space<hbm>>
      %dma_start3A_336 = arith.constant 0 : i32
      %dma_start3A_337 = tpu.memref_slice %arg18[%dma_start3A_330, %dma_start3A_336] : memref<2x128xf32, #tpu.memory_space<vmem>> -> memref<1x128xf32, #tpu.memory_space<vmem>>
      %dma_start3A_338 = tpu.memref_squeeze %dma_start3A_337 : memref<1x128xf32, #tpu.memory_space<vmem>> -> memref<128xf32, #tpu.memory_space<vmem>>
      tpu.enqueue_dma source(%dma_start3A_338 : memref<128xf32, #tpu.memory_space<vmem>>) target(%dma_start3A_335 : memref<128xf32, #tpu.memory_space<hbm>>) target_semaphore(%arg26 : memref<!tpu.dma_semaphore, #tpu.memory_space<semaphore_mem>>)
    }
    %dma_wait3A = arith.constant 0 : i32
    %dma_wait3A_134 = arith.constant 0 : i32
    %dma_wait3A_135 = tpu.memref_slice %arg17[%dma_wait3A, %dma_wait3A_134] : memref<2x128xf32, #tpu.memory_space<vmem>> -> memref<1x128xf32, #tpu.memory_space<vmem>>
    %dma_wait3A_136 = tpu.memref_squeeze %dma_wait3A_135 : memref<1x128xf32, #tpu.memory_space<vmem>> -> memref<128xf32, #tpu.memory_space<vmem>>
    %dma_wait3A_137 = arith.constant 0 : i32
    %dma_wait3A_138 = tpu.memref_slice %arg9[%dma_wait3A_137] : memref<102400xf32, #tpu.memory_space<hbm>> -> memref<128xf32, #tpu.memory_space<hbm>>
    %dma_wait3A_139 = arith.constant 0 : i32
    %dma_wait3A_140 = tpu.memref_slice %arg9[%dma_wait3A_139] : memref<102400xf32, #tpu.memory_space<hbm>> -> memref<128xf32, #tpu.memory_space<hbm>>
    %dma_wait3A_141 = arith.constant 0 : i32
    %dma_wait3A_142 = tpu.memref_slice %arg17[%dma_wait3A, %dma_wait3A_141] : memref<2x128xf32, #tpu.memory_space<vmem>> -> memref<1x128xf32, #tpu.memory_space<vmem>>
    %dma_wait3A_143 = tpu.memref_squeeze %dma_wait3A_142 : memref<1x128xf32, #tpu.memory_space<vmem>> -> memref<128xf32, #tpu.memory_space<vmem>>
    tpu.wait_dma2 semaphore(%arg25 : memref<!tpu.dma_semaphore, #tpu.memory_space<semaphore_mem>>) src(%dma_wait3A_143 : memref<128xf32, #tpu.memory_space<vmem>>) dst(%dma_wait3A_140 : memref<128xf32, #tpu.memory_space<hbm>>)
    %dma_wait3A_144 = arith.constant 0 : i32
    %dma_wait3A_145 = arith.constant 0 : i32
    %dma_wait3A_146 = tpu.memref_slice %arg18[%dma_wait3A_144, %dma_wait3A_145] : memref<2x128xf32, #tpu.memory_space<vmem>> -> memref<1x128xf32, #tpu.memory_space<vmem>>
    %dma_wait3A_147 = tpu.memref_squeeze %dma_wait3A_146 : memref<1x128xf32, #tpu.memory_space<vmem>> -> memref<128xf32, #tpu.memory_space<vmem>>
    %dma_wait3A_148 = arith.constant 0 : i32
    %dma_wait3A_149 = tpu.memref_slice %arg10[%dma_wait3A_148] : memref<102400xf32, #tpu.memory_space<hbm>> -> memref<128xf32, #tpu.memory_space<hbm>>
    %dma_wait3A_150 = arith.constant 0 : i32
    %dma_wait3A_151 = tpu.memref_slice %arg10[%dma_wait3A_150] : memref<102400xf32, #tpu.memory_space<hbm>> -> memref<128xf32, #tpu.memory_space<hbm>>
    %dma_wait3A_152 = arith.constant 0 : i32
    %dma_wait3A_153 = tpu.memref_slice %arg18[%dma_wait3A_144, %dma_wait3A_152] : memref<2x128xf32, #tpu.memory_space<vmem>> -> memref<1x128xf32, #tpu.memory_space<vmem>>
    %dma_wait3A_154 = tpu.memref_squeeze %dma_wait3A_153 : memref<1x128xf32, #tpu.memory_space<vmem>> -> memref<128xf32, #tpu.memory_space<vmem>>
    tpu.wait_dma2 semaphore(%arg25 : memref<!tpu.dma_semaphore, #tpu.memory_space<semaphore_mem>>) src(%dma_wait3A_154 : memref<128xf32, #tpu.memory_space<vmem>>) dst(%dma_wait3A_151 : memref<128xf32, #tpu.memory_space<hbm>>)
    %dma_wait3A_155 = arith.constant 1 : i32
    %dma_wait3A_156 = arith.constant 0 : i32
    %dma_wait3A_157 = tpu.memref_slice %arg17[%dma_wait3A_155, %dma_wait3A_156] : memref<2x128xf32, #tpu.memory_space<vmem>> -> memref<1x128xf32, #tpu.memory_space<vmem>>
    %dma_wait3A_158 = tpu.memref_squeeze %dma_wait3A_157 : memref<1x128xf32, #tpu.memory_space<vmem>> -> memref<128xf32, #tpu.memory_space<vmem>>
    %dma_wait3A_159 = arith.constant 0 : i32
    %dma_wait3A_160 = tpu.memref_slice %arg9[%dma_wait3A_159] : memref<102400xf32, #tpu.memory_space<hbm>> -> memref<128xf32, #tpu.memory_space<hbm>>
    %dma_wait3A_161 = arith.constant 0 : i32
    %dma_wait3A_162 = tpu.memref_slice %arg9[%dma_wait3A_161] : memref<102400xf32, #tpu.memory_space<hbm>> -> memref<128xf32, #tpu.memory_space<hbm>>
    %dma_wait3A_163 = arith.constant 0 : i32
    %dma_wait3A_164 = tpu.memref_slice %arg17[%dma_wait3A_155, %dma_wait3A_163] : memref<2x128xf32, #tpu.memory_space<vmem>> -> memref<1x128xf32, #tpu.memory_space<vmem>>
    %dma_wait3A_165 = tpu.memref_squeeze %dma_wait3A_164 : memref<1x128xf32, #tpu.memory_space<vmem>> -> memref<128xf32, #tpu.memory_space<vmem>>
    tpu.wait_dma2 semaphore(%arg26 : memref<!tpu.dma_semaphore, #tpu.memory_space<semaphore_mem>>) src(%dma_wait3A_165 : memref<128xf32, #tpu.memory_space<vmem>>) dst(%dma_wait3A_162 : memref<128xf32, #tpu.memory_space<hbm>>)
    %dma_wait3A_166 = arith.constant 1 : i32
    %dma_wait3A_167 = arith.constant 0 : i32
    %dma_wait3A_168 = tpu.memref_slice %arg18[%dma_wait3A_166, %dma_wait3A_167] : memref<2x128xf32, #tpu.memory_space<vmem>> -> memref<1x128xf32, #tpu.memory_space<vmem>>
    %dma_wait3A_169 = tpu.memref_squeeze %dma_wait3A_168 : memref<1x128xf32, #tpu.memory_space<vmem>> -> memref<128xf32, #tpu.memory_space<vmem>>
    %dma_wait3A_170 = arith.constant 0 : i32
    %dma_wait3A_171 = tpu.memref_slice %arg10[%dma_wait3A_170] : memref<102400xf32, #tpu.memory_space<hbm>> -> memref<128xf32, #tpu.memory_space<hbm>>
    %dma_wait3A_172 = arith.constant 0 : i32
    %dma_wait3A_173 = tpu.memref_slice %arg10[%dma_wait3A_172] : memref<102400xf32, #tpu.memory_space<hbm>> -> memref<128xf32, #tpu.memory_space<hbm>>
    %dma_wait3A_174 = arith.constant 0 : i32
    %dma_wait3A_175 = tpu.memref_slice %arg18[%dma_wait3A_166, %dma_wait3A_174] : memref<2x128xf32, #tpu.memory_space<vmem>> -> memref<1x128xf32, #tpu.memory_space<vmem>>
    %dma_wait3A_176 = tpu.memref_squeeze %dma_wait3A_175 : memref<1x128xf32, #tpu.memory_space<vmem>> -> memref<128xf32, #tpu.memory_space<vmem>>
    tpu.wait_dma2 semaphore(%arg26 : memref<!tpu.dma_semaphore, #tpu.memory_space<semaphore_mem>>) src(%dma_wait3A_176 : memref<128xf32, #tpu.memory_space<vmem>>) dst(%dma_wait3A_173 : memref<128xf32, #tpu.memory_space<hbm>>)
    return
  }
}

module attributes {stable_mosaic.version = 14 : i64} {
  func.func @body(%arg0: i32, %arg1: memref<2048xf32, #tpu.memory_space<vmem>>, %arg2: memref<16x2048xf32, #tpu.memory_space<vmem>>, %arg3: memref<1x128xf32, #tpu.memory_space<vmem>>, %arg4: memref<1x128xf32, #tpu.memory_space<vmem>>, %arg5: memref<16x128xf32, #tpu.memory_space<vmem>>, %arg6: memref<128x128xf32, #tpu.memory_space<vmem>>, %arg7: memref<1x128xf32, #tpu.memory_space<vmem>>, %arg8: memref<2048x128xf32, #tpu.memory_space<vmem>>) attributes {dimension_semantics = [#tpu.dimension_semantics<arbitrary>], iteration_bounds = array<i64: 160>, scalar_prefetch = 0 : i64, scratch_operands = 0 : i64, tpu.core_type = #tpu.core_type<tc>, window_params = [{transform_indices = @transform_0, window_bounds = array<i64: 2048>}, {transform_indices = @transform_1, window_bounds = array<i64: 16, 2048>}, {pipeline_mode = #tpu.pipeline_mode<synchronous>, transform_indices = @transform_2, window_bounds = array<i64: 1, 128>}, {pipeline_mode = #tpu.pipeline_mode<synchronous>, transform_indices = @transform_3, window_bounds = array<i64: 1, 128>}, {pipeline_mode = #tpu.pipeline_mode<synchronous>, transform_indices = @transform_4, window_bounds = array<i64: 16, 128>}, {pipeline_mode = #tpu.pipeline_mode<synchronous>, transform_indices = @transform_5, window_bounds = array<i64: 128, 128>}, {pipeline_mode = #tpu.pipeline_mode<synchronous>, transform_indices = @transform_6, window_bounds = array<i64: 1, 128>}, {transform_indices = @transform_7, window_bounds = array<i64: 2048, 128>}]} {
    %get3A = arith.constant 0 : index
    %get3A_0 = vector.load %arg1[%get3A] : memref<2048xf32, #tpu.memory_space<vmem>>, vector<2048xf32>
    %broadcast_in_dim3A = vector.shape_cast %get3A_0 : vector<2048xf32> to vector<2048x1xf32>
    %get3A_1 = arith.constant 0 : index
    %get3A_2 = arith.constant 0 : index
    %get3A_3 = vector.load %arg3[%get3A_1, %get3A_2] : memref<1x128xf32, #tpu.memory_space<vmem>>, vector<1x128xf32>
    %mul3A = vector.broadcast %broadcast_in_dim3A : vector<2048x1xf32> to vector<2048x128xf32>
    %mul3A_4 = vector.broadcast %get3A_3 : vector<1x128xf32> to vector<2048x128xf32>
    %mul3A_5 = arith.mulf %mul3A, %mul3A_4 : vector<2048x128xf32>
    %get3A_6 = arith.constant 0 : index
    %get3A_7 = arith.constant 0 : index
    %get3A_8 = vector.load %arg4[%get3A_6, %get3A_7] : memref<1x128xf32, #tpu.memory_space<vmem>>, vector<1x128xf32>
    %add3A = vector.broadcast %get3A_8 : vector<1x128xf32> to vector<2048x128xf32>
    %add3A_9 = arith.addf %mul3A_5, %add3A : vector<2048x128xf32>
    %max3A = arith.constant 0.000000e+00 : f32
    %max3A_10 = vector.broadcast %max3A : f32 to vector<2048x128xf32>
    %max3A_11 = arith.maximumf %add3A_9, %max3A_10 : vector<2048x128xf32>
    %get3A_12 = arith.constant 0 : index
    %get3A_13 = arith.constant 0 : index
    %get3A_14 = vector.load %arg2[%get3A_12, %get3A_13] : memref<16x2048xf32, #tpu.memory_space<vmem>>, vector<16x2048xf32>
    %get3A_15 = arith.constant 0 : index
    %get3A_16 = arith.constant 0 : index
    %get3A_17 = vector.load %arg5[%get3A_15, %get3A_16] : memref<16x128xf32, #tpu.memory_space<vmem>>, vector<16x128xf32>
    %dot_general3A = arith.constant dense<0.000000e+00> : vector<2048x128xf32>
    %dot_general3A_18 = tpu.matmul %get3A_14, %get3A_17, %dot_general3A {dimension_numbers = #tpu.dot_dimension_numbers<[0], [0], [1], [1], [0, 1, 1, 1], [], []>, transpose_lhs_hint = false} : vector<16x2048xf32>, vector<16x128xf32>, vector<2048x128xf32> -> vector<2048x128xf32>
    %get3A_19 = arith.constant 0 : index
    %get3A_20 = arith.constant 0 : index
    %get3A_21 = vector.load %arg6[%get3A_19, %get3A_20] : memref<128x128xf32, #tpu.memory_space<vmem>>, vector<128x128xf32>
    %dot_general3A_22 = arith.constant dense<0.000000e+00> : vector<2048x128xf32>
    %dot_general3A_23 = tpu.matmul %max3A_11, %get3A_21, %dot_general3A_22 {dimension_numbers = #tpu.dot_dimension_numbers<[1], [0], [0], [1], [0, 0, 1, 1], [], []>, transpose_lhs_hint = false} : vector<2048x128xf32>, vector<128x128xf32>, vector<2048x128xf32> -> vector<2048x128xf32>
    %add3A_24 = arith.addf %dot_general3A_18, %dot_general3A_23 : vector<2048x128xf32>
    %get3A_25 = arith.constant 0 : index
    %get3A_26 = arith.constant 0 : index
    %get3A_27 = vector.load %arg7[%get3A_25, %get3A_26] : memref<1x128xf32, #tpu.memory_space<vmem>>, vector<1x128xf32>
    %add3A_28 = vector.broadcast %get3A_27 : vector<1x128xf32> to vector<2048x128xf32>
    %add3A_29 = arith.addf %add3A_24, %add3A_28 : vector<2048x128xf32>
    %max3A_30 = arith.constant 0.000000e+00 : f32
    %max3A_31 = vector.broadcast %max3A_30 : f32 to vector<2048x128xf32>
    %max3A_32 = arith.maximumf %add3A_29, %max3A_31 : vector<2048x128xf32>
    %swap3A = arith.constant 0 : index
    %swap3A_33 = arith.constant 0 : index
    %swap3A_34 = vector.load %arg8[%swap3A, %swap3A_33] : memref<2048x128xf32, #tpu.memory_space<vmem>>, vector<2048x128xf32>
    tpu.vector_store %arg8[%swap3A, %swap3A_33], %max3A_32 {strides = array<i32>} : memref<2048x128xf32, #tpu.memory_space<vmem>>, vector<2048x128xf32>,
    return
  }
  func.func @transform_0(%arg0: i32) -> i32 {
    %min3A = arith.constant 156 : i32
    %min3A_0 = arith.minsi %arg0, %min3A : i32
    %c0_i32 = arith.constant 0 : i32
    return %min3A_0 : i32
  }
  func.func @transform_1(%arg0: i32) -> (i32, i32) {
    %min3A = arith.constant 156 : i32
    %min3A_0 = arith.minsi %arg0, %min3A : i32
    %c0_i32 = arith.constant 0 : i32
    %c0_i32_1 = arith.constant 0 : i32
    return %c0_i32, %min3A_0 : i32, i32
  }
  func.func @transform_2(%arg0: i32) -> (i32, i32) {
    %c0_i32 = arith.constant 0 : i32
    %c0_i32_0 = arith.constant 0 : i32
    %c0_i32_1 = arith.constant 0 : i32
    return %c0_i32, %c0_i32_0 : i32, i32
  }
  func.func @transform_3(%arg0: i32) -> (i32, i32) {
    %c0_i32 = arith.constant 0 : i32
    %c0_i32_0 = arith.constant 0 : i32
    %c0_i32_1 = arith.constant 0 : i32
    return %c0_i32, %c0_i32_0 : i32, i32
  }
  func.func @transform_4(%arg0: i32) -> (i32, i32) {
    %c0_i32 = arith.constant 0 : i32
    %c0_i32_0 = arith.constant 0 : i32
    %c0_i32_1 = arith.constant 0 : i32
    return %c0_i32, %c0_i32_0 : i32, i32
  }
  func.func @transform_5(%arg0: i32) -> (i32, i32) {
    %c0_i32 = arith.constant 0 : i32
    %c0_i32_0 = arith.constant 0 : i32
    %c0_i32_1 = arith.constant 0 : i32
    return %c0_i32, %c0_i32_0 : i32, i32
  }
  func.func @transform_6(%arg0: i32) -> (i32, i32) {
    %c0_i32 = arith.constant 0 : i32
    %c0_i32_0 = arith.constant 0 : i32
    %c0_i32_1 = arith.constant 0 : i32
    return %c0_i32, %c0_i32_0 : i32, i32
  }
  func.func @transform_7(%arg0: i32) -> (i32, i32) {
    %min3A = arith.constant 156 : i32
    %min3A_0 = arith.minsi %arg0, %min3A : i32
    %c0_i32 = arith.constant 0 : i32
    %c0_i32_1 = arith.constant 0 : i32
    return %min3A_0, %c0_i32 : i32, i32
  }
}

module attributes {stable_mosaic.version = 14 : i64} {
  func.func @body(%arg0: i32, %arg1: memref<2x2048x128xf32, #tpu.memory_space<vmem>>, %arg2: memref<128x128xf32, #tpu.memory_space<vmem>>, %arg3: memref<1x128xf32, #tpu.memory_space<vmem>>, %arg4: memref<128x128xf32, #tpu.memory_space<vmem>>, %arg5: memref<1x128xf32, #tpu.memory_space<vmem>>, %arg6: memref<2048x128xf32, #tpu.memory_space<vmem>>, %arg7: memref<2048x128xf32, #tpu.memory_space<vmem>>) attributes {dimension_semantics = [#tpu.dimension_semantics<arbitrary>], iteration_bounds = array<i64: 5>, scalar_prefetch = 0 : i64, scratch_operands = 0 : i64, tpu.core_type = #tpu.core_type<tc>, window_params = [{transform_indices = @transform_0, window_bounds = array<i64: 2, 2048, 128>}, {pipeline_mode = #tpu.pipeline_mode<synchronous>, transform_indices = @transform_1, window_bounds = array<i64: 128, 128>}, {pipeline_mode = #tpu.pipeline_mode<synchronous>, transform_indices = @transform_2, window_bounds = array<i64: 1, 128>}, {pipeline_mode = #tpu.pipeline_mode<synchronous>, transform_indices = @transform_3, window_bounds = array<i64: 128, 128>}, {pipeline_mode = #tpu.pipeline_mode<synchronous>, transform_indices = @transform_4, window_bounds = array<i64: 1, 128>}, {transform_indices = @transform_5, window_bounds = array<i64: 2048, 128>}, {transform_indices = @transform_6, window_bounds = array<i64: 2048, 128>}]} {
    %get3A = arith.constant 0 : index
    %get3A_0 = arith.constant 0 : index
    %get3A_1 = arith.constant 0 : index
    %get3A_2 = vector.load %arg1[%get3A, %get3A_0, %get3A_1] : memref<2x2048x128xf32, #tpu.memory_space<vmem>>, vector<1x2048x128xf32>
    %get3A_3 = vector.shape_cast %get3A_2 : vector<1x2048x128xf32> to vector<2048x128xf32>
    %get3A_4 = arith.constant 1 : index
    %get3A_5 = arith.constant 0 : index
    %get3A_6 = arith.constant 0 : index
    %get3A_7 = vector.load %arg1[%get3A_4, %get3A_5, %get3A_6] : memref<2x2048x128xf32, #tpu.memory_space<vmem>>, vector<1x2048x128xf32>
    %get3A_8 = vector.shape_cast %get3A_7 : vector<1x2048x128xf32> to vector<2048x128xf32>
    %add3A = arith.addf %get3A_3, %get3A_8 : vector<2048x128xf32>
    %get3A_9 = arith.constant 0 : index
    %get3A_10 = arith.constant 0 : index
    %get3A_11 = vector.load %arg2[%get3A_9, %get3A_10] : memref<128x128xf32, #tpu.memory_space<vmem>>, vector<128x128xf32>
    %dot_general3A = arith.constant dense<0.000000e+00> : vector<2048x128xf32>
    %dot_general3A_12 = tpu.matmul %add3A, %get3A_11, %dot_general3A {dimension_numbers = #tpu.dot_dimension_numbers<[1], [0], [0], [1], [0, 0, 1, 1], [], []>, transpose_lhs_hint = false} : vector<2048x128xf32>, vector<128x128xf32>, vector<2048x128xf32> -> vector<2048x128xf32>
    %get3A_13 = arith.constant 0 : index
    %get3A_14 = arith.constant 0 : index
    %get3A_15 = vector.load %arg3[%get3A_13, %get3A_14] : memref<1x128xf32, #tpu.memory_space<vmem>>, vector<1x128xf32>
    %add3A_16 = vector.broadcast %get3A_15 : vector<1x128xf32> to vector<2048x128xf32>
    %add3A_17 = arith.addf %dot_general3A_12, %add3A_16 : vector<2048x128xf32>
    %get3A_18 = arith.constant 0 : index
    %get3A_19 = arith.constant 0 : index
    %get3A_20 = vector.load %arg4[%get3A_18, %get3A_19] : memref<128x128xf32, #tpu.memory_space<vmem>>, vector<128x128xf32>
    %dot_general3A_21 = arith.constant dense<0.000000e+00> : vector<2048x128xf32>
    %dot_general3A_22 = tpu.matmul %add3A, %get3A_20, %dot_general3A_21 {dimension_numbers = #tpu.dot_dimension_numbers<[1], [0], [0], [1], [0, 0, 1, 1], [], []>, transpose_lhs_hint = false} : vector<2048x128xf32>, vector<128x128xf32>, vector<2048x128xf32> -> vector<2048x128xf32>
    %get3A_23 = arith.constant 0 : index
    %get3A_24 = arith.constant 0 : index
    %get3A_25 = vector.load %arg5[%get3A_23, %get3A_24] : memref<1x128xf32, #tpu.memory_space<vmem>>, vector<1x128xf32>
    %add3A_26 = vector.broadcast %get3A_25 : vector<1x128xf32> to vector<2048x128xf32>
    %add3A_27 = arith.addf %dot_general3A_22, %add3A_26 : vector<2048x128xf32>
    %swap3A = arith.constant 0 : index
    %swap3A_28 = arith.constant 0 : index
    %swap3A_29 = vector.load %arg6[%swap3A, %swap3A_28] : memref<2048x128xf32, #tpu.memory_space<vmem>>, vector<2048x128xf32>
    tpu.vector_store %arg6[%swap3A, %swap3A_28], %add3A_17 {strides = array<i32>} : memref<2048x128xf32, #tpu.memory_space<vmem>>, vector<2048x128xf32>,
    %swap3A_30 = arith.constant 0 : index
    %swap3A_31 = arith.constant 0 : index
    %swap3A_32 = vector.load %arg7[%swap3A_30, %swap3A_31] : memref<2048x128xf32, #tpu.memory_space<vmem>>, vector<2048x128xf32>
    tpu.vector_store %arg7[%swap3A_30, %swap3A_31], %add3A_27 {strides = array<i32>} : memref<2048x128xf32, #tpu.memory_space<vmem>>, vector<2048x128xf32>,
    return
  }
  func.func @transform_0(%arg0: i32) -> (i32, i32, i32) {
    %c0_i32 = arith.constant 0 : i32
    %c0_i32_0 = arith.constant 0 : i32
    %c0_i32_1 = arith.constant 0 : i32
    return %c0_i32, %arg0, %c0_i32_0 : i32, i32, i32
  }
  func.func @transform_1(%arg0: i32) -> (i32, i32) {
    %c0_i32 = arith.constant 0 : i32
    %c0_i32_0 = arith.constant 0 : i32
    %c0_i32_1 = arith.constant 0 : i32
    return %c0_i32, %c0_i32_0 : i32, i32
  }
  func.func @transform_2(%arg0: i32) -> (i32, i32) {
    %c0_i32 = arith.constant 0 : i32
    %c0_i32_0 = arith.constant 0 : i32
    %c0_i32_1 = arith.constant 0 : i32
    return %c0_i32, %c0_i32_0 : i32, i32
  }
  func.func @transform_3(%arg0: i32) -> (i32, i32) {
    %c0_i32 = arith.constant 0 : i32
    %c0_i32_0 = arith.constant 0 : i32
    %c0_i32_1 = arith.constant 0 : i32
    return %c0_i32, %c0_i32_0 : i32, i32
  }
  func.func @transform_4(%arg0: i32) -> (i32, i32) {
    %c0_i32 = arith.constant 0 : i32
    %c0_i32_0 = arith.constant 0 : i32
    %c0_i32_1 = arith.constant 0 : i32
    return %c0_i32, %c0_i32_0 : i32, i32
  }
  func.func @transform_5(%arg0: i32) -> (i32, i32) {
    %c0_i32 = arith.constant 0 : i32
    %c0_i32_0 = arith.constant 0 : i32
    return %arg0, %c0_i32 : i32, i32
  }
  func.func @transform_6(%arg0: i32) -> (i32, i32) {
    %c0_i32 = arith.constant 0 : i32
    %c0_i32_0 = arith.constant 0 : i32
    return %arg0, %c0_i32 : i32, i32
  }
}

</mosaic_0001>

<sc_bundles>
// kernel: kernel.6.cloned.1.call-start
scs
__scs_entry_jumppad:
0x0: {  	(pc) =	sbr.rel $0x88, $3  }
0x1: {  	(tag) =	ssettag $0x0;
	lr =	simm.s32 $0x1  }
0x2: {  	[smem:$0x3F91] =	sst lr;
	_ =	strace $0xD0000000  }
0x3: {  	_ = 	snop  }
0x4: {  	_ = 	snop  }
0x5: {  	_ = 	snop  }
0x6: {  	_ = 	snop  }
0x7: {  	_ = 	snop  }
__scs_overlays_trampoline_lowered:
0x8: {  	[smem:$0x3FA0] =	sst s0  }
0x9: {  	[smem:$0x3FA1] =	sst s1  }
0xa: {  	[smem:$0x3FA2] =	sst s2  }
0xb: {  	[smem:$0x3FA3] =	sst s3  }
0xc: {  	[smem:$0x3FA4] =	sst s4  }
0xd: {  	[smem:$0x3FA5] =	sst s5  }
0xe: {  	[smem:$0x3FA6] =	sst s6  }
0xf: {  	[smem:$0x3FA7] =	sst s7  }
0x10: {  	[smem:$0x3FA8] =	sst s8  }
0x11: {  	[smem:$0x3FA9] =	sst s9;
	s0 =	simm.s32 @!p0 $0x0  }
0x12: {  	s1 =	sld [smem:$0x3F8F];
	s0 =	simm.s32 @p0 $0x1  }
0x13: {  	[smem:$0x3FAA] =	sst s0;
	s0 =	simm.s32 @!p1 $0x0  }
0x14: {  	s2 =	sld [smem:$0x3F8E];
	s0 =	simm.s32 @p1 $0x1  }
0x15: {  	[smem:$0x3FAB] =	sst s0;
	s0 =	simm.s32 @!p2 $0x0  }
0x16: {  	s3 =	sld [smem:$0x3FDB];
	s0 =	simm.s32 @p2 $0x1  }
0x17: {  	s4 =	simm.s32 $0x1BF5;
	[smem:$0x3FAD] =	sst s0  }
0x18: {  	s0 =	sld [smem:$0x3F90];
	_ =	swait.ge [sflag:s4], $0x0  }
0x19: {  	s7 =	sld [smem:$0x3F91]  }
0x1a: {  	s8 =	sadd.s32 $0xFFFFE003, lr  }
0x1b: {  	s9 =	sadd.s32 $0xFFFFFEF7, lr;
	s5 =	simm.s32 $0xFFFFFFFF;
	p2 =	slt.u32 s8, $0xFFFFF086  }
0x1c: {  	p1 =	slt.u32 s9, $0xF7A;
	s5 =	simm.s32 @!p2 $0x0  }
0x1d: {  	s5 =	simm.s32 @p1 $0x1;
	p0 =	seq.s32 s7, s2  }
0x1e: {  	s7 =	smul.u32 @!p0 $0xF7A, s2;
	p2 =	seq.s32 @!p0 s5, $0x0  }
0x1f: {  	s9 =	smul.u32 $0xF7A, s1;
	s8 =	simm.s32 @!p0 $0x1BF5;
	p2 =	por !p2, p0  }
0x20: {  	[sflag:s8] =	ssyncset.s32 @!p0 $0xFFFFF086;
	s6 =	sadd.s32 @!p0 s3, s7;
	s7 =	simm.s32 @!p0 $0x108  }
0x21: {  	s3 =	sadd.s32 s3, s9;
	s6 =	sadd.s32 @!p0 $0x88, s6;
	s7 =	simm.s32 @p2 $0x1082  }
0x22: {  	[simem:s7], [sflag:s8] =	dma.local @!p0 [hbm:s6], $0xF7A  }
0x23: {  	s9 =	sor.u32 $0xD0000000, s2;
	s6 =	simm.s32 $0x108;
	_ =	swait.ge @!p0 [sflag:s8], $0x0  }
0x24: {  	s3 =	sadd.s32 $0x88, s3;
	s6 =	simm.s32 @!p1 $0x1082;
	[sflag:s4] =	ssyncset.s32 $0xFFFFF086  }
0x25: {  	[simem:s6], [sflag:s4] =	dma.local [hbm:s3], $0xF7A  }
0x26: {  	[smem:$0x3F91] =	sst s1;
	(tag) =	ssettag s2;
	_ =	strace s9  }
0x27: {  	s1 =	sld [smem:$0x3FA1]  }
0x28: {  	s2 =	sld [smem:$0x3FA2]  }
0x29: {  	s4 =	sld [smem:$0x3FA4]  }
0x2a: {  	p0 =	seq.s32 s5, $0x0;
	s5 =	sld [smem:$0x3FA5]  }
0x2b: {  	s6 =	sld [smem:$0x3FA6]  }
0x2c: {  	s7 =	sld [smem:$0x3FA7]  }
0x2d: {  	s3 =	simm.s32 $0x108;
	s8 =	sld [smem:$0x3FA8]  }
0x2e: {  	s3 =	simm.s32 @!p0 $0x1082;
	s9 =	sld [smem:$0x3FA9]  }
0x2f: {  	lr =	sadd.s32 s0, s3;
	s0 =	sld [smem:$0x3FA0]  }
0x30: {  	s3 =	sld [smem:$0x3FA3]  }
0x31: {  	[smem:$0x3FAC] =	sst s10  }
0x32: {  	s10 =	sld [smem:$0x3FAA];
	_ =	sdelay $0x3  }
0x33: {  	p0 =	seq.s32 s10, $0x1;
	s10 =	sld [smem:$0x3FAC];
	_ =	sdelay $0x3  }
0x34: {  	[smem:$0x3FAC] =	sst s10  }
0x35: {  	s10 =	sld [smem:$0x3FAB];
	_ =	sdelay $0x3  }
0x36: {  	p1 =	seq.s32 s10, $0x1;
	s10 =	sld [smem:$0x3FAC];
	_ =	sdelay $0x3  }
0x37: {  	[smem:$0x3FAC] =	sst s10  }
0x38: {  	s10 =	sld [smem:$0x3FAD]  }
0x39: {  	_ = 	snop;
	(pc) =	sbr.ind lr, $3  }
0x3a: {  	_ = 	snop  }
0x3b: {  	_ = 	snop  }
0x3c: {  	p2 =	seq.s32 s10, $0x1;
	s10 =	sld [smem:$0x3FAC]  }
0x3d: {  	_ =	shalt  }
0x3e: {  	_ =	shalt  }
0x3f: {  	_ =	shalt  }
0x40: {  	_ =	shalt  }
0x41: {  	_ =	shalt  }
0x42: {  	_ =	shalt  }
0x43: {  	_ =	shalt  }
0x44: {  	_ =	shalt  }
0x45: {  	_ =	shalt  }
0x46: {  	_ =	shalt  }
0x47: {  	_ =	shalt  }
0x48: {  	_ =	shalt  }
0x49: {  	_ =	shalt  }
0x4a: {  	_ =	shalt  }
0x4b: {  	_ =	shalt  }
0x4c: {  	_ =	shalt  }
0x4d: {  	_ =	shalt  }
0x4e: {  	_ =	shalt  }
0x4f: {  	_ =	shalt  }
0x50: {  	_ =	shalt  }
0x51: {  	_ =	shalt  }
0x52: {  	_ =	shalt  }
0x53: {  	_ =	shalt  }
0x54: {  	_ =	shalt  }
0x55: {  	_ =	shalt  }
0x56: {  	_ =	shalt  }
0x57: {  	_ =	shalt  }
0x58: {  	_ =	shalt  }
0x59: {  	_ =	shalt  }
0x5a: {  	_ =	shalt  }
0x5b: {  	_ =	shalt  }
0x5c: {  	_ =	shalt  }
0x5d: {  	_ =	shalt  }
0x5e: {  	_ =	shalt  }
0x5f: {  	_ =	shalt  }
0x60: {  	_ =	shalt  }
0x61: {  	_ =	shalt  }
0x62: {  	_ =	shalt  }
0x63: {  	_ =	shalt  }
0x64: {  	_ =	shalt  }
0x65: {  	_ =	shalt  }
0x66: {  	_ =	shalt  }
0x67: {  	_ =	shalt  }
0x68: {  	_ =	shalt  }
0x69: {  	_ =	shalt  }
0x6a: {  	_ =	shalt  }
0x6b: {  	_ =	shalt  }
0x6c: {  	_ =	shalt  }
0x6d: {  	_ =	shalt  }
0x6e: {  	_ =	shalt  }
0x6f: {  	_ =	shalt  }
0x70: {  	_ =	shalt  }
0x71: {  	_ =	shalt  }
0x72: {  	_ =	shalt  }
0x73: {  	_ =	shalt  }
0x74: {  	_ =	shalt  }
0x75: {  	_ =	shalt  }
0x76: {  	_ =	shalt  }
0x77: {  	_ =	shalt  }
0x78: {  	_ =	shalt  }
0x79: {  	_ =	shalt  }
0x7a: {  	_ =	shalt  }
0x7b: {  	_ =	shalt  }
0x7c: {  	_ =	shalt  }
0x7d: {  	_ =	shalt  }
0x7e: {  	_ =	shalt  }
0x7f: {  	_ =	shalt  }
0x80: {  	_ =	shalt  }
0x81: {  	_ =	shalt  }
0x82: {  	_ =	shalt  }
0x83: {  	_ =	shalt  }
0x84: {  	_ =	shalt  }
0x85: {  	_ =	shalt  }
0x86: {  	_ =	shalt  }
0x87: {  	_ =	shalt  }
.Lfunc_end0:
.L_simem_size_0:
called_computation_lowered:
.L_overlay_start_0:
0x88: {  	s2 =	sld [smem:$0x3FD9]  }
0x89: {  	s3 =	sld [smem:$0x3FFE];
	_ =	sdelay $0x1  }
0x8a: {  	s1 =	srdreg.scid  }
0x8b: {  	s0 =	sand.u32 $0x1, s1  }
0x8c: {  	s16 =	sshll.u32 s0, $0xA;
	s2 =	sadd.s32 s3, s2  }
0x8d: {  	s2 =	sadd.s32 s2, s16  }
0x8e: {  	[smem:$0x3FB8] =	sst s2  }
0x8f: {  	_ = 	snop  }
0x90: {  	(tm) =	ssettm $0x1  }
0x91: {  	s17 =	sld [smem:$0x3FFB];
	_ =	sdelay $0x3  }
0x92: {  	_ =	strace s17  }
0x93: {  	s2 =	sld [smem:$0x3FFC];
	_ =	sdelay $0x3  }
0x94: {  	_ =	strace s2  }
0x95: {  	s2 =	sld [smem:$0x3FFD];
	_ =	sdelay $0x3  }
0x96: {  	_ =	strace s2  }
0x97: {  	_ =	strace $0x8FFFFFFF  }
0x98: {  	s18 =	sld [smem:$0x3FDB];
	_ =	sdelay $0x1  }
0x99: {  	s19 =	simm.s32 $_scs_section_size  }
0x9a: {  	s4 =	simm.s32 $_size__tile_overlayer_lowered;
	s5 =	simm.s32 $_tile_overlayer_lowered  }
0x9b: {  	s22 =	simm.s32 $0x1BFF;
	s21 =	sshll.u32 s5, $0x1;
	s2 =	sadd.s32 s19, s18  }
0x9c: {  	s6 =	simm.s32 $0x0;
	s20 =	sshll.u32 s4, $0x1;
	s4 =	sadd.s32 s21, s2  }
0x9d: {  	[timem:s6], [sflag:s22] =	dma.local [hbm:s4], s20  }
0x9e: {  	_ =	swait.ge [sflag:s22], s20  }
0x9f: {  	s3 =	ssub.s32 $0x0, s20;
	[sflag:s22] =	ssyncset.done $0x0  }
0xa0: {  	[sflag:s22] =	ssyncadd.s32 s3;
	_ =	sdelay $0x1  }
0xa1: {  	s23 =	simm.s32 $0x1B8B  }
0xa2: {  	_ =	swait.ge [sflag:s23], $0x1  }
0xa3: {  	[sflag:s23] =	ssyncset.done $0x0  }
0xa4: {  	s25 =	simm.s32 $0x1B8E;
	s24 =	sld [smem:$0x3FFE];
	[sflag:s23] =	ssyncadd.s32 $0xFFFFFFFF  }
0xa5: {  	s26 =	simm.s32 $execute0_lowered;
	[smem:$0x3FD2] =	sst s25  }
0xa6: {  	s4 =	sshll.u32 s26, $0x1;
	_ =	strace $0x80000046;
	[dreg:$0x1] =	wrdreg $0xFFFFFFFF  }
0xa7: {  	s28 =	simm.s32 $_size_execute0_lowered;
	s2 =	sadd.s32 s2, s4;
	[dreg:$0x0] =	wrdreg $0x0  }
0xa8: {  	s4 =	sshll.u32 s28, $0x1;
	[dreg:$0x2] =	wrdreg s2  }
0xa9: {  	[dreg:$0x3] =	wrdreg s4  }
0xaa: {  	[dreg:$0x4] =	wrdreg $0xC0  }
0xab: {  	_ =	task [dreg:s6], $0x5FFFF  }
0xac: {  	[dreg:$0x1] =	wrdreg $0xFFFFFFFF  }
0xad: {  	[dreg:$0x0] =	wrdreg $0x60  }
0xae: {  	[dreg:$0x2] =	wrdreg s24  }
0xaf: {  	[dreg:$0x3] =	wrdreg $0x81000  }
0xb0: {  	[dreg:$0x4] =	wrdreg $0x9  }
0xb1: {  	_ =	task.clear_ibuf [dreg:s6], $0x5FFFF;
	_ =	strace $0x90000046  }
0xb2: {  	s29 =	simm.s32 $0x9;
	_ =	strace $0x80000048  }
0xb3: {  	_ =	swait.ge [sflag:s29], $0x1  }
0xb4: {  	[sflag:s29] =	ssyncadd.s32 $0xFFFFFFFF  }
0xb5: {  	_ =	strace $0x90000048  }
0xb6: {  	_ =	sfence  }
0xb7: {  	s30 =	sld [smem:$0x0];
	_ =	sdelay $0x2  }
0xb8: {  	s31 =	sshll.u32 s1, $0xD;
	s1 =	sshrl.u32 s1, $0x2  }
0xb9: {  	s3 =	sand.u32 $0x4000, s31;
	s1 =	sadd.s32 s1, s30  }
0xba: {  	s0 =	sor.u32 s3, s0;
	s1 =	sshll.u32 s1, $0x11  }
0xbb: {  	s0 =	sor.u32 s1, s0  }
0xbc: {  	s0 =	sadd.s32 $0x8F2B, s0  }
0xbd: {  	[sflag:s0] =	ssyncadd.remote.s32 $0x1  }
0xbe: {  	_ =	sfence.sel $0xFFFF  }
0xbf: {  	[dreg:$0x0] =	wrdreg $0xFFFFFFFF;
	(pc) =	sbr.abs _section_cstart, $3  }
0xc0: {  	[dreg:$0x1] =	wrdreg $0xFFFFFFFF  }
0xc1: {  	_ =	task.clear_ibuf [dreg:s6], $0x2FFFF;
	_ =	strace $0x9FFFFFFF  }
0xc2: {  	(tm) =	ssettm $0x7FFFFFFF  }
0xc3: {  	_ =	shalt  }
tec
execute0_lowered:
.L_overlay_start_1:
0x0: {  	(tag) =	ssettag $0x1  }
0x1: {  	s5 =	rddreg [dreg:$0x0]  }
0x2: {  	s2 =	rddreg [dreg:$0x1]  }
0x3: {  	s0 =	rddreg [dreg:$0x2];
	s3 =	simm.s32 $0x0;
	s1 =	stileid.u32  }
0x4: {  	s4 =	srdreg.scid;
	s18 =	simm.s32 $0x100;
	s19 =	simm.s32 $0x1  }
0x5: {  	[smem:$0x7FF] =	sst s3;
	s6 =	smul.u32 $0x2800, s1;
	s15 =	sand.u32 $0x1, s4  }
0x6: {  	s13 =	sadd.s32 $0xC800, s5;
	s4 =	sadd.s32 $0x2800, s5;
	s9 =	smul.u32 $0x50000, s1  }
0x7: {  	s22 =	sshll.u32 s1, $0x1;
	s24 =	sshll.u32 s1, $0x6;
	s14 =	sshll.u32 s1, $0xC  }
0x8: {  	s30 =	sshll.u32 s1, $0x8;
	s31 =	sshll.u32 s1, $0x5;
	_ =	strace $0x80000047  }
0x9: {  	s7 =	smul.u32 $0x28000, s15;
	s20 =	ssub.s32 $0x2, s15;
	s12 =	sor.u32 s15, s22  }
0xa: {  	s29 =	sshll.u32 s15, $0xB;
	s17 =	sshll.u32 s15, $0x7;
	s15 =	sshll.u32 s15, $0x4  }
0xb: {  	s22 =	simm.s32 $0x2;
	s8 =	sadd.s32 s6, s5;
	s21 =	sshrl.u32 s20, $0x1  }
0xc: {  	s23 =	sshrl.u32 s9, $0x2;
	s25 =	sshll.u32 s12, $0x4;
	s26 =	sshll.u32 s12, $0xB  }
0xd: {  	s12 =	sor.u32 $0x9E0, s12;
	s6 =	sadd.s32 s6, s7;
	s11 =	ssub.s32 s20, s21  }
0xe: {  	s16 =	sadd.s32 s23, s2;
	s7 =	sadd.s32 s4, s25;
	s28 =	sshll.u32 s12, $0x4  }
0xf: {  	s12 =	sshll.u32 s12, $0xB;
	s20 =	simm.s32 $0x80;
	s21 =	simm.s32 $0x4100  }
0x10: {  	s23 =	simm.s32 $0x0;
	s10 =	sadd.s32 s6, s5;
	s5 =	sadd.s32 $0x50C800, s8  }
0x11: {  	s6 =	sor.u32 $0x1C03, s24;
	s8 =	sadd.s32 s13, s26;
	s12 =	sadd.s32 s13, s12  }
0x12: {  	s13 =	sadd.s32 s14, s13;
	s14 =	sor.u32 s17, s30;
	s17 =	sadd.s32 s31, s4  }
0x13: {  	s16 =	sshrl.u32 s16, $0x3;
	s9 =	sadd.s32 $0x534800, s10;
	s10 =	smax.u32 s11, $0x1  }
0x14: {  	s11 =	sadd.s32 s4, s28;
	s13 =	sadd.s32 s29, s13;
	s14 =	sor.u32 $0x2000, s14  }
0x15: {  	s15 =	sadd.s32 s15, s17;
	s17 =	simm.s32 $0x3;
	s13 =	sadd.s32 $0x20000, s13  }
.LBB2_1:
0x16: {  	[spmem:s16], [sflag:s6] =	dma.local [hbm:s5], $0x2800  }
0x17: {  	_ =	swait.ge [sflag:s17], $0x2800  }
0x18: {  	[sflag:s17] =	ssyncset.done $0x0  }
0x19: {  	[sflag:s17] =	ssyncadd.s32 $0xFFFFD800  }
0x1a: {  	[bflag:$0x0] =	sbarrier.arrive $0xFFFF  }
0x1b: {  	[tilespmem:s3], [sflag:$0x1] =	stream.linear.gather [hbm4b:s7+s3], $0x80, $0x38;
	[tilespmem:$0x1C100] =	vst v63  }
0x1c: {  	_ = 	snop  }
0x1d: {  	[tilespmem:s18], [sflag:$0x1] =	stream.linear.gather [hbm4b:s8+s3], $0x4000, $0x38;
	[tilespmem:$0x1C100] =	vst v63  }
0x1e: {  	_ =	swait.ge [sflag:s19], $0x80  }
0x1f: {  	[sflag:s19] =	ssyncset.done $0x0  }
0x20: {  	[sflag:s19] =	ssyncadd.s32 $0xFFFFFF80  }
0x21: {  	_ =	swait.ge [sflag:s19], $0x4000  }
0x22: {  	[sflag:s19] =	ssyncset.done $0x0  }
0x23: {  	s24 =	sadd.s32 $0x200, s15;
	[sflag:s19] =	ssyncadd.s32 $0xFFFFC000  }
0x24: {  	[tilespmem:s20], [sflag:$0x2] =	stream.linear.gather [hbm4b:s24+s3], $0x80, $0x38;
	[tilespmem:$0x1C100] =	vst v63  }
0x25: {  	s30 =	sadd.s32 $0xFFFF0000, s13  }
0x26: {  	[tilespmem:s21], [sflag:$0x2] =	stream.linear.gather [hbm4b:s30+s3], $0x4000, $0x38;
	[tilespmem:$0x1C100] =	vst v63  }
0x27: {  	_ = 	snop  }
0x28: {  	[spmem:s2] =	stream.indirect.scatter.add.f32 [tilespmem:s18], [sflag:$0x3], $0x80, s3, s20, $0xb8;
	[tilespmem:$0x1C100] =	vst v63  }
0x29: {  	_ =	swait.ge [sflag:s17], $0x4000  }
0x2a: {  	[sflag:s17] =	ssyncset.done $0x0  }
0x2b: {  	[sflag:s17] =	ssyncadd.s32 $0xFFFFC000  }
0x2c: {  	_ =	swait.ge [sflag:s22], $0x80  }
0x2d: {  	[sflag:s22] =	ssyncset.done $0x0  }
0x2e: {  	[sflag:s22] =	ssyncadd.s32 $0xFFFFFF80  }
0x2f: {  	_ =	swait.ge [sflag:s22], $0x4000  }
0x30: {  	s31 =	sshrl.u32 s14, $0x3;
	[sflag:s22] =	ssyncset.done $0x0  }
0x31: {  	s24 =	sadd.s32 s4, s31;
	[sflag:s22] =	ssyncadd.s32 $0xFFFFC000  }
0x32: {  	[tilespmem:s3], [sflag:$0x1] =	stream.linear.gather [hbm4b:s24+s3], $0x80, $0x38;
	[tilespmem:$0x1C100] =	vst v63  }
0x33: {  	_ = 	snop  }
0x34: {  	[tilespmem:s18], [sflag:$0x1] =	stream.linear.gather [hbm4b:s13+s3], $0x4000, $0x38;
	[tilespmem:$0x1C100] =	vst v63  }
0x35: {  	_ = 	snop  }
0x36: {  	[spmem:s2] =	stream.indirect.scatter.add.f32 [tilespmem:s21], [sflag:$0x3], $0x80, s20, s20, $0xb8;
	[tilespmem:$0x1C100] =	vst v63  }
0x37: {  	s25 =	smov.u32 s13;
	_ =	swait.ge [sflag:s17], $0x4000  }
0x38: {  	s26 =	smov.u32 s14;
	s24 =	simm.s32 $0x600;
	[sflag:s17] =	ssyncset.done $0x0  }
.LBB2_2:
0x39: {  	[sflag:s17] =	ssyncadd.s32 $0xFFFFC000;
	s25 =	sadd.s32 $0x20000, s25;
	s26 =	sadd.s32 $0x2000, s26  }
0x3a: {  	p0 =	sne.s32 s24, $0x9A00;
	s28 =	smov.u32 s24;
	s24 =	sadd.s32 $0x400, s24  }
0x3b: {  	_ =	swait.ge [sflag:s19], $0x80  }
0x3c: {  	[sflag:s19] =	ssyncset.done $0x0  }
0x3d: {  	[sflag:s19] =	ssyncadd.s32 $0xFFFFFF80  }
0x3e: {  	_ =	swait.ge [sflag:s19], $0x4000  }
0x3f: {  	[sflag:s19] =	ssyncset.done $0x0  }
0x40: {  	s28 =	sadd.s32 s28, s15;
	[sflag:s19] =	ssyncadd.s32 $0xFFFFC000  }
0x41: {  	[tilespmem:s20], [sflag:$0x2] =	stream.linear.gather [hbm4b:s28+s3], $0x80, $0x38;
	[tilespmem:$0x1C100] =	vst v63  }
0x42: {  	s28 =	sadd.s32 $0xFFFF0000, s25  }
0x43: {  	[tilespmem:s21], [sflag:$0x2] =	stream.linear.gather [hbm4b:s28+s3], $0x4000, $0x38;
	[tilespmem:$0x1C100] =	vst v63  }
0x44: {  	_ = 	snop  }
0x45: {  	[spmem:s2] =	stream.indirect.scatter.add.f32 [tilespmem:s18], [sflag:$0x3], $0x80, s3, s20, $0xb8;
	[tilespmem:$0x1C100] =	vst v63  }
0x46: {  	_ =	swait.ge [sflag:s17], $0x4000  }
0x47: {  	[sflag:s17] =	ssyncset.done $0x0  }
0x48: {  	[sflag:s17] =	ssyncadd.s32 $0xFFFFC000  }
0x49: {  	_ =	swait.ge [sflag:s22], $0x80  }
0x4a: {  	[sflag:s22] =	ssyncset.done $0x0  }
0x4b: {  	[sflag:s22] =	ssyncadd.s32 $0xFFFFFF80  }
0x4c: {  	_ =	swait.ge [sflag:s22], $0x4000  }
0x4d: {  	s28 =	sshrl.u32 s26, $0x3;
	[sflag:s22] =	ssyncset.done $0x0  }
0x4e: {  	s28 =	sadd.s32 s4, s28;
	[sflag:s22] =	ssyncadd.s32 $0xFFFFC000  }
0x4f: {  	[tilespmem:s3], [sflag:$0x1] =	stream.linear.gather [hbm4b:s28+s3], $0x80, $0x38;
	[tilespmem:$0x1C100] =	vst v63  }
0x50: {  	_ = 	snop  }
0x51: {  	[tilespmem:s18], [sflag:$0x1] =	stream.linear.gather [hbm4b:s25+s3], $0x4000, $0x38;
	[tilespmem:$0x1C100] =	vst v63  }
.Ltmp0:
0x52: {  	_ = 	snop;
	(pc) =	sbr.rel @p0 .LBB2_2-.Ltmp0, $4  }
0x53: {  	_ = 	snop  }
0x54: {  	[spmem:s2] =	stream.indirect.scatter.add.f32 [tilespmem:s21], [sflag:$0x3], $0x80, s20, s20, $0xb8;
	[tilespmem:$0x1C100] =	vst v63  }
0x55: {  	_ =	swait.ge [sflag:s17], $0x4000  }
0x56: {  	[sflag:s17] =	ssyncset.done $0x0  }
0x57: {  	[sflag:s17] =	ssyncadd.s32 $0xFFFFC000  }
0x58: {  	_ =	swait.ge [sflag:s19], $0x80  }
0x59: {  	[sflag:s19] =	ssyncset.done $0x0  }
0x5a: {  	[sflag:s19] =	ssyncadd.s32 $0xFFFFFF80  }
0x5b: {  	_ =	swait.ge [sflag:s19], $0x4000  }
0x5c: {  	[sflag:s19] =	ssyncset.done $0x0  }
0x5d: {  	[sflag:s19] =	ssyncadd.s32 $0xFFFFC000  }
0x5e: {  	[tilespmem:s20], [sflag:$0x2] =	stream.linear.gather [hbm4b:s11+s3], $0x80, $0x38;
	[tilespmem:$0x1C100] =	vst v63  }
0x5f: {  	_ = 	snop  }
0x60: {  	[tilespmem:s21], [sflag:$0x2] =	stream.linear.gather [hbm4b:s12+s3], $0x4000, $0x38;
	[tilespmem:$0x1C100] =	vst v63  }
0x61: {  	_ = 	snop  }
0x62: {  	[spmem:s2] =	stream.indirect.scatter.add.f32 [tilespmem:s18], [sflag:$0x3], $0x80, s3, s20, $0xb8;
	[tilespmem:$0x1C100] =	vst v63  }
0x63: {  	_ =	swait.ge [sflag:s17], $0x4000  }
0x64: {  	[sflag:s17] =	ssyncset.done $0x0  }
0x65: {  	[sflag:s17] =	ssyncadd.s32 $0xFFFFC000  }
0x66: {  	_ =	swait.ge [sflag:s22], $0x80  }
0x67: {  	[sflag:s22] =	ssyncset.done $0x0  }
0x68: {  	[sflag:s22] =	ssyncadd.s32 $0xFFFFFF80  }
0x69: {  	_ =	swait.ge [sflag:s22], $0x4000  }
0x6a: {  	[sflag:s22] =	ssyncset.done $0x0  }
0x6b: {  	[sflag:s22] =	ssyncadd.s32 $0xFFFFC000  }
0x6c: {  	[spmem:s2] =	stream.indirect.scatter.add.f32 [tilespmem:s21], [sflag:$0x3], $0x80, s20, s20, $0xb8;
	[tilespmem:$0x1C100] =	vst v63  }
0x6d: {  	_ =	swait.ge [sflag:s17], $0x4000  }
0x6e: {  	s23 =	sadd.s32 $0x1, s23;
	[sflag:s17] =	ssyncset.done $0x0  }
0x6f: {  	p0 =	sne.s32 s23, s10;
	[sflag:s17] =	ssyncadd.s32 $0xFFFFC000  }
.Ltmp1:
0x70: {  	[bflag:$0x0] =	sbarrier.arrive $0xFFFF;
	(pc) =	sbr.rel @p0 .LBB2_1-.Ltmp1, $4  }
0x71: {  	[hbm:s9], [sflag:s6] =	dma.local [spmem:s16], $0x2800  }
0x72: {  	_ =	swait.ge [sflag:s17], $0x2800  }
0x73: {  	[sflag:s17] =	ssyncset.done $0x0  }
0x74: {  	[sflag:s17] =	ssyncadd.s32 $0xFFFFD800  }
0x75: {  	_ =	sfence.sel $0x180000  }
0x76: {  	[bflag:$0x0] =	sbarrier.arrive $0xFFFF  }
0x77: {  	p0 =	sne.s32 s1, $0x0;
	_ =	strace $0x90000047  }
0x78: {  	s0 =	sadd.s32 @!p0 $0x100000, s0;
	[bflag:$0x2] =	sbarrier.arrive $0xFFFF  }
0x79: {  	[sflag:s0] =	ssyncadd.tile.s32 @!p0 $0x1;
	_ =	shalt  }
.Lfunc_end2:
_tile_overlayer_lowered:
.L_overlay_start_2:
0x7a: {  	(tag) =	ssettag $0x2  }
0x7b: {  	s0 =	rddreg [dreg:$0x0];
	s2 =	stileid.u32  }
0x7c: {  	s1 =	rddreg [dreg:$0x1];
	p0 =	sne.s32 s2, $0x0  }
0x7d: {  	s3 =	rddreg [dreg:$0x2];
	[bflag:$0x3] =	sbarrier.arrive $0xFFFF;
	s2 =	simm.s32 @!p0 $0x1C03  }
0x7e: {  	[timem:s3], [sflag:s2] =	dma.local @!p0 [hbm:s0], s1  }
0x7f: {  	s0 =	simm.s32 @!p0 $0x3  }
0x80: {  	_ =	swait.ge @!p0 [sflag:s0], s1  }
0x81: {  	s1 =	ssub.s32 @!p0 $0x0, s1;
	[sflag:s0] =	ssyncset.done @!p0 $0x0  }
0x82: {  	[sflag:s0] =	ssyncadd.s32 @!p0 s1  }
0x83: {  	[bflag:$0x3] =	sbarrier.arrive $0xFFFF  }
0x84: {  	_ =	shalt  }

// kernel: kernel.9.cloned.1.call-start
scs
__scs_entry_jumppad:
0x0: {  	(pc) =	sbr.rel $0x88, $3  }
0x1: {  	(tag) =	ssettag $0x0;
	lr =	simm.s32 $0x1  }
0x2: {  	[smem:$0x3F91] =	sst lr;
	_ =	strace $0xD0000000  }
0x3: {  	_ = 	snop  }
0x4: {  	_ = 	snop  }
0x5: {  	_ = 	snop  }
0x6: {  	_ = 	snop  }
0x7: {  	_ = 	snop  }
__scs_overlays_trampoline_lowered:
0x8: {  	[smem:$0x3FA0] =	sst s0  }
0x9: {  	[smem:$0x3FA1] =	sst s1  }
0xa: {  	[smem:$0x3FA2] =	sst s2  }
0xb: {  	[smem:$0x3FA3] =	sst s3  }
0xc: {  	[smem:$0x3FA4] =	sst s4  }
0xd: {  	[smem:$0x3FA5] =	sst s5  }
0xe: {  	[smem:$0x3FA6] =	sst s6  }
0xf: {  	[smem:$0x3FA7] =	sst s7  }
0x10: {  	[smem:$0x3FA8] =	sst s8  }
0x11: {  	[smem:$0x3FA9] =	sst s9;
	s0 =	simm.s32 @!p0 $0x0  }
0x12: {  	s1 =	sld [smem:$0x3F8F];
	s0 =	simm.s32 @p0 $0x1  }
0x13: {  	[smem:$0x3FAA] =	sst s0;
	s0 =	simm.s32 @!p1 $0x0  }
0x14: {  	s2 =	sld [smem:$0x3F8E];
	s0 =	simm.s32 @p1 $0x1  }
0x15: {  	[smem:$0x3FAB] =	sst s0;
	s0 =	simm.s32 @!p2 $0x0  }
0x16: {  	s3 =	sld [smem:$0x3FDB];
	s0 =	simm.s32 @p2 $0x1  }
0x17: {  	s4 =	simm.s32 $0x1BF5;
	[smem:$0x3FAD] =	sst s0  }
0x18: {  	s0 =	sld [smem:$0x3F90];
	_ =	swait.ge [sflag:s4], $0x0  }
0x19: {  	s7 =	sld [smem:$0x3F91]  }
0x1a: {  	s8 =	sadd.s32 $0xFFFFE003, lr  }
0x1b: {  	s9 =	sadd.s32 $0xFFFFFEF7, lr;
	s5 =	simm.s32 $0xFFFFFFFF;
	p2 =	slt.u32 s8, $0xFFFFF086  }
0x1c: {  	p1 =	slt.u32 s9, $0xF7A;
	s5 =	simm.s32 @!p2 $0x0  }
0x1d: {  	s5 =	simm.s32 @p1 $0x1;
	p0 =	seq.s32 s7, s2  }
0x1e: {  	s7 =	smul.u32 @!p0 $0xF7A, s2;
	p2 =	seq.s32 @!p0 s5, $0x0  }
0x1f: {  	s9 =	smul.u32 $0xF7A, s1;
	s8 =	simm.s32 @!p0 $0x1BF5;
	p2 =	por !p2, p0  }
0x20: {  	[sflag:s8] =	ssyncset.s32 @!p0 $0xFFFFF086;
	s6 =	sadd.s32 @!p0 s3, s7;
	s7 =	simm.s32 @!p0 $0x108  }
0x21: {  	s3 =	sadd.s32 s3, s9;
	s6 =	sadd.s32 @!p0 $0x88, s6;
	s7 =	simm.s32 @p2 $0x1082  }
0x22: {  	[simem:s7], [sflag:s8] =	dma.local @!p0 [hbm:s6], $0xF7A  }
0x23: {  	s9 =	sor.u32 $0xD0000000, s2;
	s6 =	simm.s32 $0x108;
	_ =	swait.ge @!p0 [sflag:s8], $0x0  }
0x24: {  	s3 =	sadd.s32 $0x88, s3;
	s6 =	simm.s32 @!p1 $0x1082;
	[sflag:s4] =	ssyncset.s32 $0xFFFFF086  }
0x25: {  	[simem:s6], [sflag:s4] =	dma.local [hbm:s3], $0xF7A  }
0x26: {  	[smem:$0x3F91] =	sst s1;
	(tag) =	ssettag s2;
	_ =	strace s9  }
0x27: {  	s1 =	sld [smem:$0x3FA1]  }
0x28: {  	s2 =	sld [smem:$0x3FA2]  }
0x29: {  	s4 =	sld [smem:$0x3FA4]  }
0x2a: {  	p0 =	seq.s32 s5, $0x0;
	s5 =	sld [smem:$0x3FA5]  }
0x2b: {  	s6 =	sld [smem:$0x3FA6]  }
0x2c: {  	s7 =	sld [smem:$0x3FA7]  }
0x2d: {  	s3 =	simm.s32 $0x108;
	s8 =	sld [smem:$0x3FA8]  }
0x2e: {  	s3 =	simm.s32 @!p0 $0x1082;
	s9 =	sld [smem:$0x3FA9]  }
0x2f: {  	lr =	sadd.s32 s0, s3;
	s0 =	sld [smem:$0x3FA0]  }
0x30: {  	s3 =	sld [smem:$0x3FA3]  }
0x31: {  	[smem:$0x3FAC] =	sst s10  }
0x32: {  	s10 =	sld [smem:$0x3FAA];
	_ =	sdelay $0x3  }
0x33: {  	p0 =	seq.s32 s10, $0x1;
	s10 =	sld [smem:$0x3FAC];
	_ =	sdelay $0x3  }
0x34: {  	[smem:$0x3FAC] =	sst s10  }
0x35: {  	s10 =	sld [smem:$0x3FAB];
	_ =	sdelay $0x3  }
0x36: {  	p1 =	seq.s32 s10, $0x1;
	s10 =	sld [smem:$0x3FAC];
	_ =	sdelay $0x3  }
0x37: {  	[smem:$0x3FAC] =	sst s10  }
0x38: {  	s10 =	sld [smem:$0x3FAD]  }
0x39: {  	_ = 	snop;
	(pc) =	sbr.ind lr, $3  }
0x3a: {  	_ = 	snop  }
0x3b: {  	_ = 	snop  }
0x3c: {  	p2 =	seq.s32 s10, $0x1;
	s10 =	sld [smem:$0x3FAC]  }
0x3d: {  	_ =	shalt  }
0x3e: {  	_ =	shalt  }
0x3f: {  	_ =	shalt  }
0x40: {  	_ =	shalt  }
0x41: {  	_ =	shalt  }
0x42: {  	_ =	shalt  }
0x43: {  	_ =	shalt  }
0x44: {  	_ =	shalt  }
0x45: {  	_ =	shalt  }
0x46: {  	_ =	shalt  }
0x47: {  	_ =	shalt  }
0x48: {  	_ =	shalt  }
0x49: {  	_ =	shalt  }
0x4a: {  	_ =	shalt  }
0x4b: {  	_ =	shalt  }
0x4c: {  	_ =	shalt  }
0x4d: {  	_ =	shalt  }
0x4e: {  	_ =	shalt  }
0x4f: {  	_ =	shalt  }
0x50: {  	_ =	shalt  }
0x51: {  	_ =	shalt  }
0x52: {  	_ =	shalt  }
0x53: {  	_ =	shalt  }
0x54: {  	_ =	shalt  }
0x55: {  	_ =	shalt  }
0x56: {  	_ =	shalt  }
0x57: {  	_ =	shalt  }
0x58: {  	_ =	shalt  }
0x59: {  	_ =	shalt  }
0x5a: {  	_ =	shalt  }
0x5b: {  	_ =	shalt  }
0x5c: {  	_ =	shalt  }
0x5d: {  	_ =	shalt  }
0x5e: {  	_ =	shalt  }
0x5f: {  	_ =	shalt  }
0x60: {  	_ =	shalt  }
0x61: {  	_ =	shalt  }
0x62: {  	_ =	shalt  }
0x63: {  	_ =	shalt  }
0x64: {  	_ =	shalt  }
0x65: {  	_ =	shalt  }
0x66: {  	_ =	shalt  }
0x67: {  	_ =	shalt  }
0x68: {  	_ =	shalt  }
0x69: {  	_ =	shalt  }
0x6a: {  	_ =	shalt  }
0x6b: {  	_ =	shalt  }
0x6c: {  	_ =	shalt  }
0x6d: {  	_ =	shalt  }
0x6e: {  	_ =	shalt  }
0x6f: {  	_ =	shalt  }
0x70: {  	_ =	shalt  }
0x71: {  	_ =	shalt  }
0x72: {  	_ =	shalt  }
0x73: {  	_ =	shalt  }
0x74: {  	_ =	shalt  }
0x75: {  	_ =	shalt  }
0x76: {  	_ =	shalt  }
0x77: {  	_ =	shalt  }
0x78: {  	_ =	shalt  }
0x79: {  	_ =	shalt  }
0x7a: {  	_ =	shalt  }
0x7b: {  	_ =	shalt  }
0x7c: {  	_ =	shalt  }
0x7d: {  	_ =	shalt  }
0x7e: {  	_ =	shalt  }
0x7f: {  	_ =	shalt  }
0x80: {  	_ =	shalt  }
0x81: {  	_ =	shalt  }
0x82: {  	_ =	shalt  }
0x83: {  	_ =	shalt  }
0x84: {  	_ =	shalt  }
0x85: {  	_ =	shalt  }
0x86: {  	_ =	shalt  }
0x87: {  	_ =	shalt  }
.Lfunc_end0:
.L_simem_size_0:
called_computation.1_lowered:
.L_overlay_start_0:
0x88: {  	s2 =	sld [smem:$0x3FD9]  }
0x89: {  	s3 =	sld [smem:$0x3FFE];
	_ =	sdelay $0x1  }
0x8a: {  	s1 =	srdreg.scid  }
0x8b: {  	s0 =	sand.u32 $0x1, s1  }
0x8c: {  	s14 =	sshll.u32 s0, $0xA;
	s2 =	sadd.s32 s3, s2  }
0x8d: {  	s2 =	sadd.s32 s2, s14  }
0x8e: {  	[smem:$0x3FB8] =	sst s2  }
0x8f: {  	_ = 	snop  }
0x90: {  	s2 =	sld [smem:$0x3FD0];
	_ =	sdelay $0x2  }
0x91: {  	s4 =	simm.s32 $0xA;
	s5 =	simm.s32 $0x10;
	s15 =	sld [smem:$0x3FBB]  }
0x92: {  	[smem:s5], [sflag:s4] =	dma.local [hbm:s2], $0x1  }
0x93: {  	_ =	swait.eq [sflag:s4], $0x1  }
0x94: {  	[sflag:s4] =	ssyncset.done $0x0  }
0x95: {  	[sflag:s4] =	ssyncadd.s32 $0xFFFFFFFF  }
0x96: {  	s16 =	sld [smem:$0x10];
	(tm) =	ssettm $0x1  }
0x97: {  	s17 =	sld [smem:$0x3FFB];
	_ =	sdelay $0x3  }
0x98: {  	_ =	strace s17  }
0x99: {  	s4 =	sld [smem:$0x3FFC];
	_ =	sdelay $0x3  }
0x9a: {  	_ =	strace s4  }
0x9b: {  	s4 =	sld [smem:$0x3FFD];
	_ =	sdelay $0x3  }
0x9c: {  	_ =	strace s4  }
0x9d: {  	_ =	strace $0x8FFFFFFF  }
0x9e: {  	s18 =	sld [smem:$0x3FDB];
	_ =	sdelay $0x1  }
0x9f: {  	s19 =	simm.s32 $_scs_section_size  }
0xa0: {  	s6 =	simm.s32 $_size__tile_overlayer_lowered;
	s7 =	simm.s32 $_tile_overlayer_lowered  }
0xa1: {  	s22 =	simm.s32 $0x1BFF;
	s21 =	sshll.u32 s7, $0x1;
	s4 =	sadd.s32 s19, s18  }
0xa2: {  	s8 =	simm.s32 $0x0;
	s20 =	sshll.u32 s6, $0x1;
	s6 =	sadd.s32 s21, s4  }
0xa3: {  	[timem:s8], [sflag:s22] =	dma.local [hbm:s6], s20  }
0xa4: {  	_ =	swait.ge [sflag:s22], s20  }
0xa5: {  	s5 =	ssub.s32 $0x0, s20;
	[sflag:s22] =	ssyncset.done $0x0  }
0xa6: {  	[sflag:s22] =	ssyncadd.s32 s5;
	_ =	sdelay $0x1  }
0xa7: {  	s23 =	simm.s32 $0x1B8B  }
0xa8: {  	_ =	swait.ge [sflag:s23], $0x1  }
0xa9: {  	[sflag:s23] =	ssyncset.done $0x0  }
0xaa: {  	s25 =	simm.s32 $0x1B8E;
	s24 =	sld [smem:$0x3FFE];
	[sflag:s23] =	ssyncadd.s32 $0xFFFFFFFF  }
0xab: {  	s26 =	simm.s32 $execute0_lowered;
	[smem:$0x3FD2] =	sst s25  }
0xac: {  	s6 =	sshll.u32 s26, $0x1;
	_ =	strace $0x80000049;
	[dreg:$0x1] =	wrdreg $0xFFFFFFFF  }
0xad: {  	s28 =	simm.s32 $_size_execute0_lowered;
	s4 =	sadd.s32 s4, s6;
	[dreg:$0x0] =	wrdreg $0x0  }
0xae: {  	s6 =	sshll.u32 s28, $0x1;
	[dreg:$0x2] =	wrdreg s4  }
0xaf: {  	[dreg:$0x3] =	wrdreg s6  }
0xb0: {  	[dreg:$0x4] =	wrdreg $0xC0  }
0xb1: {  	_ =	task [dreg:s8], $0x5FFFF  }
0xb2: {  	[dreg:$0x1] =	wrdreg $0xFFFFFFFF  }
0xb3: {  	[dreg:$0x0] =	wrdreg $0x60  }
0xb4: {  	[dreg:$0x2] =	wrdreg s24  }
0xb5: {  	[dreg:$0x3] =	wrdreg s15  }
0xb6: {  	[dreg:$0x4] =	wrdreg s16  }
0xb7: {  	[dreg:$0x5] =	wrdreg $0x9  }
0xb8: {  	_ =	task.clear_ibuf [dreg:s8], $0x6FFFF;
	_ =	strace $0x90000049  }
0xb9: {  	s29 =	simm.s32 $0x9;
	_ =	strace $0x8000004B  }
0xba: {  	_ =	swait.ge [sflag:s29], $0x1  }
0xbb: {  	[sflag:s29] =	ssyncadd.s32 $0xFFFFFFFF  }
0xbc: {  	_ =	strace $0x9000004B  }
0xbd: {  	_ =	sfence  }
0xbe: {  	s30 =	sld [smem:$0x0];
	_ =	sdelay $0x2  }
0xbf: {  	s31 =	sshll.u32 s1, $0xD;
	s1 =	sshrl.u32 s1, $0x2  }
0xc0: {  	s3 =	sand.u32 $0x4000, s31;
	s1 =	sadd.s32 s1, s30  }
0xc1: {  	s0 =	sor.u32 s3, s0;
	s1 =	sshll.u32 s1, $0x11  }
0xc2: {  	s0 =	sor.u32 s1, s0  }
0xc3: {  	s0 =	sadd.s32 $0x8F2B, s0  }
0xc4: {  	[sflag:s0] =	ssyncadd.remote.s32 $0x1  }
0xc5: {  	_ =	sfence.sel $0xFFFF  }
0xc6: {  	[dreg:$0x0] =	wrdreg $0xFFFFFFFF;
	(pc) =	sbr.abs _section_cstart, $3  }
0xc7: {  	[dreg:$0x1] =	wrdreg $0xFFFFFFFF  }
0xc8: {  	_ =	task.clear_ibuf [dreg:s8], $0x2FFFF;
	_ =	strace $0x9FFFFFFF  }
0xc9: {  	(tm) =	ssettm $0x7FFFFFFF  }
tec
execute0_lowered:
.L_overlay_start_1:
0x0: {  	(tag) =	ssettag $0x1  }
0x1: {  	s0 =	rddreg [dreg:$0x0];
	s3 =	simm.s32 $0x0;
	s1 =	srdreg.scid  }
0x2: {  	s7 =	stileid.u32;
	v0 =	vimm.s32 $0xFEDCBA98;
	s29 =	simm.s32 $0x18380;
	s30 =	simm.s32 $0x18480  }
0x3: {  	v1 =	vimm.s32 $0x76543210;
	[smem:$0x7FF] =	sst s3;
	s4 =	sadd.s32 $0x2800, s0;
	s5 =	sadd.s32 $0x2A800, s0  }
0x4: {  	v2 =	vimm.s32 $0xBA98FEDC;
	s14 =	simm.s32 $0x0;
	s6 =	sadd.s32 $0x584800, s0;
	s8 =	sadd.s32 $0x587A00, s0  }
0x5: {  	v3 =	vimm.s32 $0x32107654;
	v4 =	vimm.s32 $0xDCFE98BA;
	s1 =	sand.u32 $0x1, s1;
	s2 =	smul.u32 $0x2A, s7;
	s7 =	sshll.u32 s7, $0x3  }
0x6: {  	v5 =	vimm.s32 $0x54761032;
	s9 =	sadd.s32 $0x58AC00, s0;
	p0 =	seq.s32 s1, $0x0;
	s11 =	sadd.s32 $0x2A0, s7  }
0x7: {  	v6 =	vimm.s32 $0xEFCDAB89;
	v7 =	vimm.s32 $0x67452301;
	s10 =	sadd.s32 $0x52800, s0;
	s12 =	sadd.s32 $0x55A00, s0;
	s11 =	smov.u32 @p0 s2  }
0x8: {  	v0 =	vunpack.c.l.s4.s8 v0;
	v1 =	vunpack.c.l.s4.s8 v1;
	v2 =	vunpack.c.l.s4.s8 v2;
	_ =	strace $0x8000004A;
	s13 =	ssub.s32 $0x2, s1;
	s22 =	sshll.u32 s11, $0x4  }
0x9: {  	v3 =	vunpack.c.l.s4.s8 v3;
	v4 =	vunpack.c.l.s4.s8 v4;
	v5 =	vunpack.c.l.s4.s8 v5;
	s21 =	sshrl.u32 s13, $0x1;
	s2 =	simm.s32 $0x18300;
	s23 =	sadd.s32 s6, s22  }
0xa: {  	v6 =	vunpack.c.l.s4.s8 v6;
	v7 =	vunpack.c.l.s4.s8 v7;
	v0 =	vunpack.c.0.s8.s32 v0;
	s0 =	ssub.s32 s13, s21;
	s25 =	sadd.s32 s8, s22;
	[dreg:$0x4] =	wrdreg s23  }
0xb: {  	v2 =	vunpack.c.0.s8.s32 v2;
	v3 =	vunpack.c.0.s8.s32 v3;
	v4 =	vunpack.c.0.s8.s32 v4;
	s13 =	simm.s32 $0x2A;
	s1 =	sadd.s32 s9, s22;
	[dreg:$0x5] =	wrdreg s25  }
0xc: {  	v5 =	vunpack.c.0.s8.s32 v5;
	v6 =	vunpack.c.0.s8.s32 v6;
	v7 =	vunpack.c.0.s8.s32 v7;
	s24 =	sor.u32 $0x10, s22;
	s0 =	smax.u32 s0, $0x1;
	[dreg:$0x6] =	wrdreg s1  }
0xd: {  	v1 =	vunpack.c.0.s8.s32 v1;
	s13 =	simm.s32 @!p0 $0x8;
	v2 =	vcombine.low v3, v2;
	s26 =	sadd.s32 s6, s24;
	[dreg:$0xa] =	wrdreg s0  }
0xe: {  	v3 =	vcombine.low v5, v4;
	v4 =	vand.u32 $0xF, v0;
	v5 =	vcombine.low v7, v6;
	s22 =	simm.s32 $0x18400;
	s28 =	sadd.s32 s8, s24;
	[dreg:$0x7] =	wrdreg s26  }
0xf: {  	v0 =	vlaneseq.u32;
	s31 =	sadd.s32 s9, s24;
	s20 =	sshrl.u32 s13, $0x1;
	v1 =	vcombine.low v4, v1;
	[dreg:$0x8] =	wrdreg s28  }
0x10: {  	s1 =	simm.s32 $0x3;
	s24 =	simm.s32 $0x4;
	[dreg:$0x9] =	wrdreg s31;
	v2 =	vand.u32 $0xF, v2;
	v3 =	vand.u32 $0xF, v3;
	v4 =	vand.u32 $0xF, v5  }
.LBB2_1:
0x11: {  	[dreg:$0xb] =	wrdreg s14  }
0x12: {  	s0 =	rddreg [dreg:$0x1];
	s7 =	simm.s32 $0x18500;
	s21 =	simm.s32 $0x7  }
0x13: {  	[tilespmem:s7], [sflag:$0x7] =	stream.linear.gather [hbm4b:s0+s3], $0x80, $0x38;
	[tilespmem:$0x18600] =	vst v63  }
0x14: {  	_ =	swait.ge [sflag:s21], $0x80  }
0x15: {  	[sflag:s21] =	ssyncset.done $0x0  }
0x16: {  	[sflag:s21] =	ssyncadd.s32 $0xFFFFFF80  }
0x17: {  	s25 =	simm.s32 $0x18580;
	s23 =	rddreg [dreg:$0x2]  }
0x18: {  	[tilespmem:s25], [sflag:$0x7] =	stream.linear.gather [hbm4b:s23+s3], $0x80, $0x38;
	[tilespmem:$0x18600] =	vst v63  }
0x19: {  	_ =	swait.ge [sflag:s21], $0x80  }
0x1a: {  	[sflag:s21] =	ssyncset.done $0x0  }
0x1b: {  	[sflag:s21] =	ssyncadd.s32 $0xFFFFFF80  }
0x1c: {  	v5 =	vld [tilespmem:$0x18500]  }
0x1d: {  	v6 =	vld [tilespmem:$0x18510]  }
0x1e: {  	v7 =	vld [tilespmem:$0x18520]  }
0x1f: {  	v8 =	vld [tilespmem:$0x18530]  }
0x20: {  	v9 =	vld [tilespmem:$0x18540]  }
0x21: {  	v10 =	vld [tilespmem:$0x18550]  }
0x22: {  	v11 =	vld [tilespmem:$0x18560]  }
0x23: {  	s26 =	rddreg [dreg:$0x4];
	v12 =	vld [tilespmem:$0x18570]  }
0x24: {  	v13 =	vld [tilespmem:$0x18580];
	[tilespmem:s3], [sflag:$0x7] =	stream.linear.gather [hbm4b:s26+s3], $0x80, $0x38  }
0x25: {  	_ =	swait.ge [sflag:s21], $0x80  }
0x26: {  	[sflag:s21] =	ssyncset.done $0x0  }
0x27: {  	s31 =	simm.s32 $0x100;
	s28 =	rddreg [dreg:$0x5];
	[sflag:s21] =	ssyncadd.s32 $0xFFFFFF80  }
0x28: {  	[tilespmem:s31], [sflag:$0x7] =	stream.linear.gather [hbm4b:s28+s3], $0x80, $0x38;
	[tilespmem:$0x18600] =	vst v63  }
0x29: {  	_ =	swait.ge [sflag:s21], $0x80  }
0x2a: {  	[sflag:s21] =	ssyncset.done $0x0  }
0x2b: {  	s15 =	simm.s32 $0x200;
	s16 =	rddreg [dreg:$0x6];
	[sflag:s21] =	ssyncadd.s32 $0xFFFFFF80  }
0x2c: {  	[tilespmem:s15], [sflag:$0x7] =	stream.linear.gather [hbm4b:s16+s3], $0x80, $0x38;
	[tilespmem:$0x18600] =	vst v63  }
0x2d: {  	_ =	swait.ge [sflag:s21], $0x80  }
0x2e: {  	[sflag:s21] =	ssyncset.done $0x0  }
0x2f: {  	s17 =	simm.s32 $0x80;
	s18 =	simm.s32 $0x300;
	[sflag:s21] =	ssyncadd.s32 $0xFFFFFF80  }
0x30: {  	[tilespmem:s18], [sflag:$0x3] =	stream.indirect.gather [hbm4b:s4+s17], $0x80, s3, s17, $0xb8;
	[tilespmem:$0x18600] =	vst v63  }
0x31: {  	s19 =	simm.s32 $0x8300  }
0x32: {  	[tilespmem:s19], [sflag:$0x3] =	stream.indirect.gather [hbm4b:s5+s17], $0x80, s31, s17, $0xb8;
	[tilespmem:$0x18600] =	vst v63  }
0x33: {  	s21 =	simm.s32 $0x10300  }
0x34: {  	[tilespmem:s21], [sflag:$0x3] =	stream.indirect.gather [hbm4b:s5+s17], $0x80, s15, s17, $0xb8;
	[tilespmem:$0x18600] =	vst v63  }
0x35: {  	s23 =	rddreg [dreg:$0x7]  }
0x36: {  	[tilespmem:s17], [sflag:$0x2] =	stream.linear.gather [hbm4b:s23+s3], $0x80, $0x38;
	[tilespmem:$0x18600] =	vst v63  }
0x37: {  	s26 =	simm.s32 $0x180;
	s25 =	rddreg [dreg:$0x8]  }
0x38: {  	[tilespmem:s26], [sflag:$0x2] =	stream.linear.gather [hbm4b:s25+s3], $0x80, $0x38;
	[tilespmem:$0x18600] =	vst v63  }
0x39: {  	s14 =	simm.s32 $0x0;
	s28 =	rddreg [dreg:$0x9];
	s31 =	simm.s32 $0x280  }
0x3a: {  	[tilespmem:s31], [sflag:$0x2] =	stream.linear.gather [hbm4b:s28+s3], $0x80, $0x38;
	[tilespmem:$0x18600] =	vst v63  }
.LBB2_2:
0x3b: {  	_ =	swait.ge [sflag:s1], $0x4000  }
0x3c: {  	[sflag:s1] =	ssyncset.done $0x0  }
0x3d: {  	[sflag:s1] =	ssyncadd.s32 $0xFFFFC000  }
0x3e: {  	_ =	swait.ge [sflag:s1], $0x4000  }
0x3f: {  	[sflag:s1] =	ssyncset.done $0x0  }
0x40: {  	[sflag:s1] =	ssyncadd.s32 $0xFFFFC000  }
0x41: {  	s25 =	sshllo.u32 s14, $0x1;
	_ =	swait.ge [sflag:s1], $0x4000  }
0x42: {  	p0 =	sge.u32 s25, s13;
	[sflag:s1] =	ssyncset.done $0x0  }
0x43: {  	s0 =	simm.s32 @!p0 $0x2;
	[sflag:s1] =	ssyncadd.s32 $0xFFFFC000  }
0x44: {  	_ =	swait.ge @!p0 [sflag:s0], $0x80  }
0x45: {  	[sflag:s0] =	ssyncset.done @!p0 $0x0  }
0x46: {  	[sflag:s0] =	ssyncadd.s32 @!p0 $0xFFFFFF80  }
0x47: {  	_ =	swait.ge @!p0 [sflag:s0], $0x80  }
0x48: {  	[sflag:s0] =	ssyncset.done @!p0 $0x0  }
0x49: {  	[sflag:s0] =	ssyncadd.s32 @!p0 $0xFFFFFF80  }
0x4a: {  	_ =	swait.ge @!p0 [sflag:s0], $0x80  }
0x4b: {  	[sflag:s0] =	ssyncset.done @!p0 $0x0  }
0x4c: {  	s7 =	simm.s32 @!p0 $0x4300;
	[sflag:s0] =	ssyncadd.s32 @!p0 $0xFFFFFF80;
	s0 =	simm.s32 @!p0 $0x80  }
0x4d: {  	[tilespmem:s7], [sflag:$0x4] =	stream.indirect.gather @!p0 [hbm4b:s4+s0], $0x80, s0, s0, $0xb8;
	[tilespmem:$0x18600] =	vst v63  }
0x4e: {  	s15 =	simm.s32 @!p0 $0xC300;
	s7 =	simm.s32 @!p0 $0x180  }
0x4f: {  	[tilespmem:s15], [sflag:$0x4] =	stream.indirect.gather @!p0 [hbm4b:s5+s0], $0x80, s7, s0, $0xb8;
	[tilespmem:$0x18600] =	vst v63  }
0x50: {  	s16 =	simm.s32 @!p0 $0x14300;
	s15 =	sshll.u32 s14, $0x1;
	s7 =	simm.s32 @!p0 $0x280  }
0x51: {  	[tilespmem:s16], [sflag:$0x4] =	stream.indirect.gather @!p0 [hbm4b:s5+s0], $0x80, s7, s0, $0xb8;
	[tilespmem:$0x18600] =	vst v63  }
0x52: {  	s0 =	sadd.s32 $0x2, s15  }
0x53: {  	p1 =	sge.u32 s0, s13  }
0x54: {  	s0 =	sadd.s32 @!p1 s11, s0  }
0x55: {  	s0 =	sshll.u32 @!p1 s0, $0x4  }
0x56: {  	s16 =	simm.s32 @!p1 $0x0;
	s7 =	sadd.s32 @!p1 s6, s0  }
0x57: {  	[tilespmem:s16], [sflag:$0x1] =	stream.linear.gather @!p1 [hbm4b:s7+s16], $0x80, $0x38;
	[tilespmem:$0x18600] =	vst v63  }
0x58: {  	s17 =	simm.s32 @!p1 $0x100;
	s7 =	sadd.s32 @!p1 s8, s0  }
0x59: {  	[tilespmem:s17], [sflag:$0x1] =	stream.linear.gather @!p1 [hbm4b:s7+s16], $0x80, $0x38;
	[tilespmem:$0x18600] =	vst v63  }
0x5a: {  	p0 =	seq.s32 s14, $0x0;
	s0 =	sadd.s32 @!p1 s9, s0;
	s7 =	simm.s32 @!p1 $0x200  }
0x5b: {  	[tilespmem:s7], [sflag:$0x1] =	stream.linear.gather @!p1 [hbm4b:s0+s16], $0x80, $0x38;
	[tilespmem:$0x18600] =	vst v63  }
0x5c: {  	s0 =	simm.s32 @!p0 $0x5  }
0x5d: {  	_ =	swait.ge @!p0 [sflag:s0], $0x80  }
0x5e: {  	[sflag:s0] =	ssyncset.done @!p0 $0x0  }
0x5f: {  	[sflag:s0] =	ssyncadd.s32 @!p0 $0xFFFFFF80  }
0x60: {  	s18 =	simm.s32 $0x8340;
	_ =	swait.ge @!p0 [sflag:s0], $0x80  }
0x61: {  	s26 =	simm.s32 $0x10340;
	s19 =	simm.s32 $0x0;
	[sflag:s0] =	ssyncset.done @!p0 $0x0  }
0x62: {  	s17 =	simm.s32 $0x340;
	s16 =	simm.s32 $0x0;
	[sflag:s0] =	ssyncadd.s32 @!p0 $0xFFFFFF80  }
.LBB2_3:
0x63: {  	v14 =	vld [tilespmem:s18+$0xFFFFFFC0]  }
0x64: {  	v15 =	vld [tilespmem:s26+$0x30]  }
0x65: {  	v16 =	vld [tilespmem:s17+$0x20]  }
0x66: {  	v17 =	vld [tilespmem:s26+$0x20]  }
0x67: {  	v18 =	vld [tilespmem:s17+$0x30]  }
0x68: {  	v19 =	vld [tilespmem:s17+$0x10]  }
0x69: {  	v20 =	vld [tilespmem:s26+$0xFFFFFFD0]  }
0x6a: {  	v21 =	vld [tilespmem:s26+$0x10]  }
0x6b: {  	v22 =	vld [tilespmem:s26+$0xFFFFFFF0]  }
0x6c: {  	v23 =	vld [tilespmem:s26+$0x0]  }
0x6d: {  	v24 =	vld [tilespmem:s26+$0xFFFFFFE0]  }
0x6e: {  	v25 =	vld [tilespmem:s17+$0xFFFFFFC0]  }
0x6f: {  	v26 =	vld [tilespmem:s17+$0x0]  }
0x70: {  	v27 =	vld [tilespmem:s26+$0xFFFFFFC0]  }
0x71: {  	v28 =	vld [tilespmem:s18+$0x0]  }
0x72: {  	v29 =	vld [tilespmem:s17+$0xFFFFFFE0]  }
0x73: {  	v30 =	vld [tilespmem:s17+$0xFFFFFFD0]  }
0x74: {  	v31 =	vld [tilespmem:s18+$0x30]  }
0x75: {  	v32 =	vld [tilespmem:s18+$0xFFFFFFF0]  }
0x76: {  	v33 =	vld [tilespmem:s18+$0xFFFFFFD0]  }
0x77: {  	v35 =	vld [tilespmem:s18+$0x10]  }
0x78: {  	v37 =	vld [tilespmem:s18+$0xFFFFFFE0]  }
0x79: {  	v52 =	vld [tilespmem:s17+$0xFFFFFFF0];
	s23 =	sadd.s32 $0x80, s17;
	v15 =	vadd.f32 v15, v18;
	v17 =	vadd.f32 v17, v16  }
0x7a: {  	s7 =	sadd.s32 $0x80, s26;
	v56 =	vld [tilespmem:s23+$0x10];
	v34 =	vadd.f32 v14, v25;
	v21 =	vadd.f32 v21, v19  }
0x7b: {  	v39 =	vld [tilespmem:s7+$0x10];
	v24 =	vadd.f32 v24, v29;
	v25 =	vadd.f32 v27, v25  }
0x7c: {  	v23 =	vadd.f32 v23, v26;
	v20 =	vadd.f32 v20, v30  }
0x7d: {  	v26 =	vadd.f32 v28, v26;
	v30 =	vadd.f32 v33, v30  }
0x7e: {  	v19 =	vadd.f32 v35, v19;
	v29 =	vadd.f32 v37, v29  }
0x7f: {  	v14 =	vimm.f32 $0.0e+00;
	v32 =	vadd.f32 v32, v52;
	v22 =	vadd.f32 v22, v52  }
0x80: {  	v53 =	vld [tilespmem:s7+$0x30];
	v18 =	vadd.f32 v31, v18;
	v57 =	vadd.f32 v39, v56;
	v36 =	vmax.f32 v15, $0.0e+00  }
0x81: {  	v15 =	vld [tilespmem:s18+$0x20];
	v17 =	vmax.f32 v17, $0.0e+00;
	v34 =	vmax.f32 v34, $0.0e+00;
	v24 =	vmax.f32 v24, $0.0e+00  }
0x82: {  	v54 =	vld [tilespmem:s23+$0x20];
	v25 =	vmax.f32 v25, $0.0e+00;
	v21 =	vmax.f32 v21, $0.0e+00;
	v30 =	vmax.f32 v30, $0.0e+00  }
0x83: {  	v55 =	vld [tilespmem:s7+$0x20];
	v19 =	vmax.f32 v19, $0.0e+00;
	v29 =	vmax.f32 v29, $0.0e+00;
	v25 =	vmul.f32 v25, v5  }
0x84: {  	v38 =	vld [tilespmem:s7+$0xFFFFFFD0];
	v23 =	vmax.f32 v23, $0.0e+00;
	v20 =	vmax.f32 v20, $0.0e+00;
	v27 =	vmul.f32 v34, v5  }
0x85: {  	s0 =	sadd.s32 $0x80, s18;
	v58 =	vld [tilespmem:s23+$0xFFFFFFE0];
	v32 =	vmax.f32 v32, $0.0e+00;
	v20 =	vmul.f32 v20, v6;
	v25 =	vadd.f32 $0.0e+00, v25  }
0x86: {  	v28 =	vld [tilespmem:s0+$0xFFFFFFC0];
	v30 =	vmul.f32 v30, v6;
	v27 =	vadd.f32 $0.0e+00, v27;
	v16 =	vadd.f32 v15, v16  }
0x87: {  	v22 =	vmax.f32 v22, $0.0e+00;
	v24 =	vmul.f32 v24, v7;
	v15 =	vld [tilespmem:s23+$0x30];
	v20 =	vadd.f32 v20, v25  }
0x88: {  	v25 =	vld [tilespmem:s7+$0x0];
	v31 =	vmax.f32 v16, $0.0e+00;
	v16 =	vadd.f32 v30, v27;
	v27 =	vmul.f32 v29, v7  }
0x89: {  	v22 =	vmul.f32 v22, v8;
	v29 =	vld [tilespmem:s7+$0xFFFFFFE0];
	v30 =	vmax.f32 v18, $0.0e+00;
	v18 =	vadd.f32 v24, v20  }
0x8a: {  	v20 =	vld [tilespmem:s23+$0xFFFFFFC0];
	v24 =	vmax.f32 v26, $0.0e+00;
	v26 =	vmul.f32 v32, v8;
	v16 =	vadd.f32 v27, v16  }
0x8b: {  	v21 =	vmul.f32 v21, v10;
	v23 =	vmul.f32 v23, v9;
	v18 =	vadd.f32 v22, v18;
	v22 =	vld [tilespmem:s7+$0xFFFFFFC0]  }
0x8c: {  	v17 =	vmul.f32 v17, v11;
	v27 =	vld [tilespmem:s23+$0x0];
	v26 =	vadd.f32 v26, v16;
	v16 =	vadd.f32 v53, v15  }
0x8d: {  	v59 =	vld [tilespmem:s23+$0xFFFFFFD0];
	v19 =	vmul.f32 v19, v10;
	v23 =	vadd.f32 v23, v18;
	v18 =	vadd.f32 v55, v54  }
0x8e: {  	v60 =	vld [tilespmem:s0+$0x0];
	v36 =	vmul.f32 v36, v12;
	v24 =	vmul.f32 v24, v9;
	v16 =	vmax.f32 v16, $0.0e+00  }
0x8f: {  	v61 =	vld [tilespmem:s0+$0x20];
	v18 =	vmax.f32 v18, $0.0e+00;
	v21 =	vadd.f32 v21, v23;
	v23 =	vadd.f32 v28, v20  }
0x90: {  	v40 =	vld [tilespmem:s0+$0xFFFFFFE0];
	v28 =	vmul.f32 v31, v11;
	v26 =	vadd.f32 v24, v26;
	v20 =	vadd.f32 v22, v20  }
0x91: {  	v31 =	vmul.f32 v30, v12;
	v22 =	vld [tilespmem:s0+$0xFFFFFFD0];
	v24 =	vadd.f32 v25, v27;
	v25 =	vadd.f32 v29, v58  }
0x92: {  	v30 =	vld [tilespmem:s0+$0x10];
	v29 =	vadd.f32 v38, v59;
	v23 =	vmax.f32 v23, $0.0e+00;
	v17 =	vadd.f32 v17, v21  }
0x93: {  	v35 =	vld [tilespmem:s23+$0xFFFFFFF0];
	v21 =	vadd.f32 v19, v26;
	v19 =	vmov s16;
	v26 =	vmul.f32 v23, v5  }
0x94: {  	v32 =	vld [tilespmem:s0+$0xFFFFFFF0];
	v25 =	vmax.f32 v25, $0.0e+00;
	v23 =	vadd.f32 v60, v27;
	v17 =	vadd.f32 v36, v17  }
0x95: {  	v62 =	vmax.f32 v20, $0.0e+00;
	v20 =	vld [tilespmem:s7+$0xFFFFFFF0];
	v27 =	vadd.f32 v28, v21;
	v36 =	vadd.f32 v40, v58  }
0x96: {  	v34 =	vmul.f32 v62, v5;
	v26 =	vadd.f32 $0.0e+00, v26;
	v22 =	vadd.f32 v22, v59  }
0x97: {  	v63 =	vadd.f32 v30, v56;
	v30 =	vmax.f32 v57, $0.0e+00;
	v28 =	vperm.xlane v17, v1  }
0x98: {  	s21 =	simm.s32 $0x1;
	s28 =	simm.s32 $0x2;
	v27 =	vadd.f32 v31, v27;
	v31 =	vadd.f32 v61, v54;
	v33 =	vmax.f32 v22, $0.0e+00  }
0x99: {  	s31 =	sadd.s32 $0x80, s23;
	s7 =	sadd.s32 $0x80, s7;
	v21 =	vld [tilespmem:s0+$0x30];
	s0 =	sadd.s32 $0x80, s0;
	v22 =	vmax.f32 v63, $0.0e+00;
	v28 =	vadd.f32 v28, v17;
	v17 =	vimm.f32 $0.0e+00  }
.LBB2_4:
0x9a: {  	v37 =	vld [tilespmem:s0+$0xFFFFFFC0];
	p2 =	sne.s32 s28, $0xF;
	v32 =	vadd.f32 v32, v35;
	v20 =	vadd.f32 v20, v35;
	v35 =	vperm.xlane v27, v1;
	s23 =	smov.u32 s28;
	s28 =	sadd.s32 $0x1, s28  }
0x9b: {  	v24 =	vmax.f32 v24, $0.0e+00;
	v38 =	vld [tilespmem:s7+$0x30];
	v36 =	vmax.f32 v36, $0.0e+00;
	v39 =	vperm.xlane v28, v2  }
0x9c: {  	v29 =	vmax.f32 v29, $0.0e+00;
	v40 =	vld [tilespmem:s31+$0x20];
	v32 =	vmax.f32 v32, $0.0e+00;
	v27 =	vadd.f32 v27, v35  }
0x9d: {  	v34 =	vadd.f32 $0.0e+00, v34;
	v30 =	vmul.f32 v30, v10;
	v20 =	vmax.f32 v20, $0.0e+00;
	v35 =	vld [tilespmem:s7+$0x20]  }
0x9e: {  	v31 =	vmax.f32 v31, $0.0e+00;
	v29 =	vmul.f32 v29, v6;
	v41 =	vld [tilespmem:s31+$0x30];
	v42 =	vperm.xlane v27, v2  }
0x9f: {  	v33 =	vmul.f32 v33, v6;
	v15 =	vadd.f32 v21, v15;
	v21 =	vadd.f32 v39, v28;
	v43 =	vld [tilespmem:s31+$0x10]  }
0xa0: {  	v25 =	vmul.f32 v25, v7;
	v29 =	vadd.f32 v29, v34;
	v28 =	vld [tilespmem:s7+$0xFFFFFFD0];
	v27 =	vadd.f32 v27, v42  }
0xa1: {  	v39 =	vmul.f32 v20, v8;
	v44 =	vperm.xlane v21, v3;
	v42 =	vmax.f32 v15, $0.0e+00;
	v34 =	vld [tilespmem:s7+$0x10]  }
0xa2: {  	vm0 =	veq.s32 v19, v0;
	v26 =	vadd.f32 v33, v26;
	v20 =	vld [tilespmem:s7+$0xFFFFFFF0];
	v19 =	vperm.xlane v27, v3  }
0xa3: {  	v23 =	vmax.f32 v23, $0.0e+00;
	v36 =	vmul.f32 v36, v7;
	v21 =	vadd.f32 v44, v21;
	v33 =	vld [tilespmem:s7+$0x0];
	v15 =	vmovc v41  }
0xa4: {  	v24 =	vmul.f32 v24, v9;
	v25 =	vadd.f32 v25, v29;
	v41 =	vld [tilespmem:s7+$0xFFFFFFE0];
	v19 =	vadd.f32 v27, v19  }
0xa5: {  	v26 =	vadd.f32 v36, v26;
	v29 =	vmul.f32 v32, v8;
	v32 =	vperm.xlane v21, v4;
	v27 =	vld [tilespmem:s31+$0xFFFFFFC0]  }
0xa6: {  	v25 =	vadd.f32 v39, v25;
	v36 =	vld [tilespmem:s31+$0x0];
	v34 =	vadd.f32 v34, v43;
	v39 =	vperm.xlane v19, v4  }
0xa7: {  	v23 =	vmul.f32 v23, v9;
	v26 =	vadd.f32 v29, v26;
	v21 =	vadd.f32 v32, v21;
	v44 =	vld [tilespmem:s7+$0xFFFFFFC0]  }
0xa8: {  	v24 =	vadd.f32 v24, v25;
	v25 =	vmul.f32 v18, v11;
	v29 =	vadd.f32 v38, v15;
	v45 =	vld [tilespmem:s0+$0x0]  }
0xa9: {  	v22 =	vmul.f32 v22, v10;
	v18 =	vadd.f32 v35, v40;
	v19 =	vadd.f32 v19, v39;
	v38 =	vld [tilespmem:s31+$0xFFFFFFE0]  }
0xaa: {  	v35 =	vmul.f32 v16, v12;
	v16 =	vmax.f32 v29, $0.0e+00;
	v14 =	vsel vm0, v21, v14;
	v39 =	vld [tilespmem:s31+$0xFFFFFFD0]  }
0xab: {  	v18 =	vmax.f32 v18, $0.0e+00;
	v29 =	vadd.f32 v30, v24;
	v30 =	vmul.f32 v31, v11;
	v21 =	vld [tilespmem:s0+$0x30]  }
0xac: {  	v23 =	vadd.f32 v23, v26;
	v31 =	vadd.f32 v37, v27;
	v17 =	vsel vm0, v19, v17;
	v32 =	vld [tilespmem:s0+$0xFFFFFFF0]  }
0xad: {  	v24 =	vadd.f32 v33, v36;
	v33 =	vmul.f32 v42, v12;
	v26 =	vadd.f32 v44, v27;
	v27 =	vld [tilespmem:s0+$0xFFFFFFD0]  }
0xae: {  	v42 =	vadd.f32 v25, v29;
	v31 =	vmax.f32 v31, $0.0e+00;
	v37 =	vadd.f32 v41, v38;
	v41 =	vld [tilespmem:s0+$0x10]  }
0xaf: {  	v22 =	vadd.f32 v22, v23;
	v19 =	vmov s21;
	s21 =	smov.u32 s23;
	v29 =	vadd.f32 v28, v39;
	v28 =	vld [tilespmem:s0+$0x20]  }
0xb0: {  	v31 =	vmul.f32 v31, v5;
	v44 =	vld [tilespmem:s0+$0xFFFFFFE0];
	v25 =	vmax.f32 v37, $0.0e+00;
	v37 =	vadd.f32 v35, v42  }
.Ltmp0:
0xb1: {  	v22 =	vadd.f32 v30, v22;
	v23 =	vadd.f32 v45, v36;
	v42 =	vmax.f32 v26, $0.0e+00;
	v35 =	vld [tilespmem:s31+$0xFFFFFFF0];
	(pc) =	sbr.rel @p2 .LBB2_4-.Ltmp0, $4  }
0xb2: {  	v26 =	vadd.f32 $0.0e+00, v31;
	v31 =	vadd.f32 v27, v39;
	v39 =	vperm.xlane v37, v1  }
0xb3: {  	v30 =	vmax.f32 v34, $0.0e+00;
	v27 =	vadd.f32 v33, v22;
	v41 =	vadd.f32 v41, v43  }
0xb4: {  	v34 =	vmul.f32 v42, v5;
	v33 =	vmax.f32 v31, $0.0e+00;
	v31 =	vadd.f32 v28, v40  }
0xb5: {  	s7 =	sadd.s32 $0x80, s7;
	s0 =	sadd.s32 $0x80, s0;
	s31 =	sadd.s32 $0x80, s31;
	v28 =	vadd.f32 v39, v37;
	v36 =	vadd.f32 v44, v38;
	v22 =	vmax.f32 v41, $0.0e+00  }
0xb6: {  	v32 =	vadd.f32 v32, v35;
	v29 =	vmax.f32 v29, $0.0e+00;
	v33 =	vmul.f32 v33, v6  }
0xb7: {  	v34 =	vadd.f32 $0.0e+00, v34;
	v36 =	vmax.f32 v36, $0.0e+00;
	v29 =	vmul.f32 v29, v6  }
0xb8: {  	v20 =	vadd.f32 v20, v35;
	v26 =	vadd.f32 v33, v26;
	v45 =	vmul.f32 v36, v7  }
0xb9: {  	v25 =	vmul.f32 v25, v7;
	v32 =	vmax.f32 v32, $0.0e+00;
	v29 =	vadd.f32 v29, v34  }
0xba: {  	v20 =	vmax.f32 v20, $0.0e+00;
	v32 =	vmul.f32 v32, v8;
	v26 =	vadd.f32 v45, v26  }
0xbb: {  	v23 =	vmax.f32 v23, $0.0e+00;
	v20 =	vmul.f32 v20, v8;
	v25 =	vadd.f32 v25, v29  }
0xbc: {  	v24 =	vmax.f32 v24, $0.0e+00;
	v23 =	vmul.f32 v23, v9;
	v26 =	vadd.f32 v32, v26  }
0xbd: {  	v24 =	vmul.f32 v24, v9;
	v20 =	vadd.f32 v20, v25  }
0xbe: {  	v46 =	vmul.f32 v30, v10;
	v22 =	vmul.f32 v22, v10;
	v23 =	vadd.f32 v23, v26  }
0xbf: {  	v47 =	vmax.f32 v31, $0.0e+00;
	v15 =	vadd.f32 v21, v15;
	v20 =	vadd.f32 v24, v20  }
0xc0: {  	v48 =	vmul.f32 v47, v11;
	v22 =	vadd.f32 v22, v23  }
0xc1: {  	v18 =	vmul.f32 v18, v11;
	v15 =	vmax.f32 v15, $0.0e+00;
	v20 =	vadd.f32 v46, v20  }
0xc2: {  	v15 =	vmul.f32 v15, v12;
	v21 =	vadd.f32 v48, v22  }
0xc3: {  	v16 =	vmul.f32 v16, v12;
	v18 =	vadd.f32 v18, v20  }
0xc4: {  	v15 =	vadd.f32 v15, v21  }
0xc5: {  	v49 =	vperm.xlane v27, v1;
	v16 =	vadd.f32 v16, v18  }
0xc6: {  	v50 =	vperm.xlane v15, v1  }
0xc7: {  	v20 =	vadd.f32 v27, v49;
	v51 =	vperm.xlane v16, v1  }
0xc8: {  	v15 =	vadd.f32 v15, v50  }
0xc9: {  	v52 =	vperm.xlane v20, v2;
	v16 =	vadd.f32 v51, v16  }
0xca: {  	v53 =	vperm.xlane v28, v2;
	v54 =	vperm.xlane v15, v2  }
0xcb: {  	v18 =	vadd.f32 v20, v52;
	v55 =	vperm.xlane v16, v2  }
0xcc: {  	v21 =	vadd.f32 v53, v28;
	v15 =	vadd.f32 v15, v54  }
0xcd: {  	v56 =	vperm.xlane v18, v3;
	v16 =	vadd.f32 v55, v16  }
0xce: {  	v57 =	vperm.xlane v21, v3;
	v58 =	vperm.xlane v15, v3  }
0xcf: {  	v18 =	vadd.f32 v18, v56;
	v59 =	vperm.xlane v16, v3  }
0xd0: {  	v20 =	vadd.f32 v57, v21;
	v15 =	vadd.f32 v15, v58  }
0xd1: {  	v60 =	vperm.xlane v18, v4;
	v16 =	vadd.f32 v59, v16  }
0xd2: {  	v61 =	vperm.xlane v20, v4;
	v23 =	vperm.xlane v15, v4  }
0xd3: {  	vm0 =	veq.s32 v19, v0;
	v18 =	vadd.f32 v18, v60;
	v62 =	vperm.xlane v16, v4  }
0xd4: {  	v63 =	vmov s21;
	s0 =	sshll.u32 s19, $0x4;
	s19 =	sadd.s32 $0x1, s19;
	v20 =	vadd.f32 v61, v20;
	v15 =	vadd.f32 v15, v23  }
0xd5: {  	vm1 =	veq.s32 v63, v0;
	p2 =	sne.s32 s19, $0x8;
	v17 =	vsel vm0, v18, v17;
	v16 =	vadd.f32 v62, v16  }
.Ltmp1:
0xd6: {  	v14 =	vsel vm0, v20, v14;
	v15 =	vsel vm1, v15, v17;
	(pc) =	sbr.rel @p2 .LBB2_3-.Ltmp1, $4  }
0xd7: {  	v14 =	vsel vm1, v16, v14;
	v15 =	vadd.f32 v15, v13  }
0xd8: {  	v14 =	vadd.f32 v14, v13  }
0xd9: {  	[tilespmem:s0+$0x18300] =	vst v15  }
0xda: {  	s17 =	sadd.s32 $0x800, s17;
	s18 =	sadd.s32 $0x800, s18;
	s26 =	sadd.s32 $0x800, s26;
	[tilespmem:s0+$0x18400] =	vst v14  }
0xdb: {  	s0 =	sadd.s32 s11, s15  }
0xdc: {  	s0 =	sshll.u32 s0, $0x4  }
0xdd: {  	s0 =	sand.u32 $0x1FFFFFE0, s0  }
0xde: {  	s7 =	sadd.s32 s10, s0  }
0xdf: {  	[hbm4b:s7+s3] =	stream.linear.scatter [tilespmem:s2], [sflag:$0x5], $0x80, $0x38;
	[tilespmem:$0x18600] =	vst v63  }
0xe0: {  	s0 =	sadd.s32 s12, s0  }
0xe1: {  	[hbm4b:s0+s3] =	stream.linear.scatter [tilespmem:s22], [sflag:$0x5], $0x80, $0x38;
	[tilespmem:$0x18600] =	vst v63  }
0xe2: {  	_ =	swait.ge [sflag:s24], $0x4000  }
0xe3: {  	[sflag:s24] =	ssyncset.done $0x0  }
0xe4: {  	[sflag:s24] =	ssyncadd.s32 $0xFFFFC000  }
0xe5: {  	_ =	swait.ge [sflag:s24], $0x4000  }
0xe6: {  	[sflag:s24] =	ssyncset.done $0x0  }
0xe7: {  	[sflag:s24] =	ssyncadd.s32 $0xFFFFC000  }
0xe8: {  	_ =	swait.ge [sflag:s24], $0x4000  }
0xe9: {  	[sflag:s24] =	ssyncset.done $0x0  }
0xea: {  	s0 =	simm.s32 @!p1 $0x1;
	[sflag:s24] =	ssyncadd.s32 $0xFFFFC000  }
0xeb: {  	_ =	swait.ge @!p1 [sflag:s0], $0x80  }
0xec: {  	[sflag:s0] =	ssyncset.done @!p1 $0x0  }
0xed: {  	[sflag:s0] =	ssyncadd.s32 @!p1 $0xFFFFFF80  }
0xee: {  	_ =	swait.ge @!p1 [sflag:s0], $0x80  }
0xef: {  	[sflag:s0] =	ssyncset.done @!p1 $0x0  }
0xf0: {  	[sflag:s0] =	ssyncadd.s32 @!p1 $0xFFFFFF80  }
0xf1: {  	_ =	swait.ge @!p1 [sflag:s0], $0x80  }
0xf2: {  	s16 =	simm.s32 @!p1 $0x300;
	[sflag:s0] =	ssyncset.done @!p1 $0x0  }
0xf3: {  	s7 =	simm.s32 @!p1 $0x0;
	[sflag:s0] =	ssyncadd.s32 @!p1 $0xFFFFFF80;
	s0 =	simm.s32 @!p1 $0x80  }
0xf4: {  	[tilespmem:s16], [sflag:$0x3] =	stream.indirect.gather @!p1 [hbm4b:s4+s0], $0x80, s7, s0, $0xb8;
	[tilespmem:$0x18600] =	vst v63  }
0xf5: {  	s7 =	simm.s32 @!p1 $0x100;
	s16 =	simm.s32 @!p1 $0x8300  }
0xf6: {  	[tilespmem:s16], [sflag:$0x3] =	stream.indirect.gather @!p1 [hbm4b:s5+s0], $0x80, s7, s0, $0xb8;
	[tilespmem:$0x18600] =	vst v63  }
0xf7: {  	s7 =	simm.s32 @!p1 $0x200;
	s16 =	simm.s32 @!p1 $0x10300  }
0xf8: {  	[tilespmem:s16], [sflag:$0x3] =	stream.indirect.gather @!p1 [hbm4b:s5+s0], $0x80, s7, s0, $0xb8;
	[tilespmem:$0x18600] =	vst v63  }
0xf9: {  	s0 =	sadd.s32 $0x3, s15  }
0xfa: {  	p1 =	sge.u32 s0, s13  }
0xfb: {  	s0 =	sadd.s32 @!p1 s11, s0  }
0xfc: {  	s0 =	sshll.u32 @!p1 s0, $0x4  }
0xfd: {  	s15 =	simm.s32 @!p1 $0x0;
	s16 =	simm.s32 @!p1 $0x80;
	s7 =	sadd.s32 @!p1 s6, s0  }
0xfe: {  	[tilespmem:s16], [sflag:$0x2] =	stream.linear.gather @!p1 [hbm4b:s7+s15], $0x80, $0x38;
	[tilespmem:$0x18600] =	vst v63  }
0xff: {  	s7 =	sadd.s32 @!p1 s8, s0;
	s16 =	simm.s32 @!p1 $0x180  }
0x100: {  	[tilespmem:s16], [sflag:$0x2] =	stream.linear.gather @!p1 [hbm4b:s7+s15], $0x80, $0x38;
	[tilespmem:$0x18600] =	vst v63  }
0x101: {  	s0 =	sadd.s32 @!p1 s9, s0;
	s7 =	simm.s32 @!p1 $0x280  }
0x102: {  	[tilespmem:s7], [sflag:$0x2] =	stream.linear.gather @!p1 [hbm4b:s0+s15], $0x80, $0x38;
	[tilespmem:$0x18600] =	vst v63  }
0x103: {  	s0 =	simm.s32 @!p0 $0x6  }
0x104: {  	_ =	swait.ge @!p0 [sflag:s0], $0x80  }
0x105: {  	[sflag:s0] =	ssyncset.done @!p0 $0x0  }
0x106: {  	[sflag:s0] =	ssyncadd.s32 @!p0 $0xFFFFFF80  }
0x107: {  	s17 =	simm.s32 $0x8300;
	_ =	swait.ge @!p0 [sflag:s0], $0x80  }
0x108: {  	s26 =	simm.s32 $0x10300;
	s18 =	simm.s32 $0x0;
	[sflag:s0] =	ssyncset.done @!p0 $0x0  }
0x109: {  	s16 =	simm.s32 $0x300;
	s15 =	simm.s32 $0x0;
	[sflag:s0] =	ssyncadd.s32 @!p0 $0xFFFFFF80  }
.LBB2_7:
0x10a: {  	v15 =	vmov s16  }
0x10b: {  	v14 =	vmov s26;
	_ =	sdelay $0x2  }
0x10c: {  	s0 =	simm.s32 $0x0  }
0x10d: {  	v17 =	vld.idx.msk [tilespmem:v15+s0+$0x4000 ss:$0x1], $0xffff  }
0x10e: {  	v16 =	vld.idx.msk [tilespmem:v14+s0+$0x4000 ss:$0x1], $0xffff  }
0x10f: {  	v18 =	vld.idx.msk [tilespmem:v15+s0+$0x4010 ss:$0x1], $0xffff  }
0x110: {  	v19 =	vld.idx.msk [tilespmem:v14+s0+$0x4010 ss:$0x1], $0xffff  }
0x111: {  	v20 =	vld.idx.msk [tilespmem:v15+s0+$0x4020 ss:$0x1], $0xffff  }
0x112: {  	v21 =	vld.idx.msk [tilespmem:v14+s0+$0x4020 ss:$0x1], $0xffff  }
0x113: {  	v22 =	vld.idx.msk [tilespmem:v15+s0+$0x4030 ss:$0x1], $0xffff  }
0x114: {  	v23 =	vld.idx.msk [tilespmem:v14+s0+$0x4030 ss:$0x1], $0xffff  }
0x115: {  	v24 =	vld.idx.msk [tilespmem:v15+s0+$0x4040 ss:$0x1], $0xffff  }
0x116: {  	v25 =	vld.idx.msk [tilespmem:v14+s0+$0x4040 ss:$0x1], $0xffff;
	v16 =	vadd.f32 v16, v17  }
0x117: {  	v27 =	vld.idx.msk [tilespmem:v15+s0+$0x4050 ss:$0x1], $0xffff  }
0x118: {  	v28 =	vld.idx.msk [tilespmem:v14+s0+$0x4050 ss:$0x1], $0xffff;
	v19 =	vadd.f32 v19, v18;
	v16 =	vmax.f32 v16, $0.0e+00  }
0x119: {  	v29 =	vld.idx.msk [tilespmem:v15+s0+$0x4060 ss:$0x1], $0xffff;
	v26 =	vmul.f32 v16, v5  }
0x11a: {  	v30 =	vld.idx.msk [tilespmem:v14+s0+$0x4060 ss:$0x1], $0xffff;
	v21 =	vadd.f32 v21, v20;
	v19 =	vmax.f32 v19, $0.0e+00  }
0x11b: {  	s23 =	simm.s32 $0x80;
	v31 =	vld.idx.msk [tilespmem:v14+s0+$0x4070 ss:$0x1], $0xffff;
	v16 =	vmov s17;
	v19 =	vmul.f32 v19, v6;
	v26 =	vadd.f32 $0.0e+00, v26  }
0x11c: {  	v33 =	vld.idx.msk [tilespmem:v14+s23+$0x4040 ss:$0x1], $0xffff;
	v23 =	vadd.f32 v23, v22;
	v21 =	vmax.f32 v21, $0.0e+00  }
0x11d: {  	v44 =	vld.idx.msk [tilespmem:v14+s23+$0x4050 ss:$0x1], $0xffff;
	v21 =	vmul.f32 v21, v7;
	v19 =	vadd.f32 v19, v26  }
0x11e: {  	v25 =	vadd.f32 v25, v24;
	v23 =	vmax.f32 v23, $0.0e+00;
	v26 =	vld.idx.msk [tilespmem:v15+s0+$0x4070 ss:$0x1], $0xffff  }
0x11f: {  	v35 =	vld.idx.msk [tilespmem:v14+s23+$0x4060 ss:$0x1], $0xffff;
	v19 =	vadd.f32 v21, v19;
	v21 =	vmul.f32 v23, v8  }
0x120: {  	v28 =	vadd.f32 v28, v27;
	v25 =	vmax.f32 v25, $0.0e+00;
	v23 =	vld.idx.msk [tilespmem:v16+s0+$0x4000 ss:$0x1], $0xffff  }
0x121: {  	s28 =	simm.s32 $0x100;
	v32 =	vld.idx.msk [tilespmem:v16+s0+$0x4010 ss:$0x1], $0xffff;
	v19 =	vadd.f32 v21, v19;
	v21 =	vmul.f32 v25, v9  }
0x122: {  	v58 =	vld.idx.msk [tilespmem:v15+s28+$0x4050 ss:$0x1], $0xffff;
	v25 =	vmax.f32 v28, $0.0e+00;
	v28 =	vadd.f32 v30, v29  }
0x123: {  	v30 =	vadd.f32 v31, v26;
	v31 =	vld.idx.msk [tilespmem:v16+s0+$0x4030 ss:$0x1], $0xffff;
	v19 =	vadd.f32 v21, v19;
	v21 =	vmul.f32 v25, v10  }
0x124: {  	v25 =	vld.idx.msk [tilespmem:v16+s0+$0x4020 ss:$0x1], $0xffff;
	v28 =	vmax.f32 v28, $0.0e+00  }
0x125: {  	s7 =	simm.s32 $0x1;
	v17 =	vadd.f32 v23, v17;
	v23 =	vld.idx.msk [tilespmem:v16+s0+$0x4040 ss:$0x1], $0xffff;
	v19 =	vadd.f32 v21, v19;
	v21 =	vmul.f32 v28, v11  }
0x126: {  	v61 =	vmov s7;
	v18 =	vadd.f32 v32, v18;
	v28 =	vmax.f32 v30, $0.0e+00;
	v30 =	vld.idx.msk [tilespmem:v16+s0+$0x4060 ss:$0x1], $0xffff  }
0x127: {  	v17 =	vmax.f32 v17, $0.0e+00;
	v19 =	vadd.f32 v21, v19;
	v21 =	vmul.f32 v28, v12;
	v28 =	vld.idx.msk [tilespmem:v16+s0+$0x4050 ss:$0x1], $0xffff  }
0x128: {  	vm2 =	veq.s32 v61, v0;
	v17 =	vmul.f32 v17, v5;
	v22 =	vadd.f32 v31, v22;
	v31 =	vld.idx.msk [tilespmem:v14+s23+$0x4000 ss:$0x1], $0xffff  }
0x129: {  	v18 =	vmax.f32 v18, $0.0e+00;
	v20 =	vadd.f32 v25, v20;
	v19 =	vadd.f32 v21, v19;
	v21 =	vld.idx.msk [tilespmem:v16+s0+$0x4070 ss:$0x1], $0xffff  }
0x12a: {  	v18 =	vmul.f32 v18, v6;
	v17 =	vadd.f32 $0.0e+00, v17;
	v23 =	vadd.f32 v23, v24;
	v24 =	vld.idx.msk [tilespmem:v15+s23+$0x4000 ss:$0x1], $0xffff  }
0x12b: {  	v60 =	vld.idx.msk [tilespmem:v14+s28+$0x4050 ss:$0x1], $0xffff;
	v22 =	vmax.f32 v22, $0.0e+00;
	v20 =	vmax.f32 v20, $0.0e+00;
	v25 =	vperm.xlane v19, v1  }
0x12c: {  	v20 =	vmul.f32 v20, v7;
	v17 =	vadd.f32 v18, v17;
	v18 =	vmul.f32 v22, v8;
	v22 =	vld.idx.msk [tilespmem:v15+s23+$0x4010 ss:$0x1], $0xffff  }
0x12d: {  	v23 =	vmax.f32 v23, $0.0e+00;
	v27 =	vadd.f32 v28, v27;
	v28 =	vld.idx.msk [tilespmem:v15+s23+$0x4020 ss:$0x1], $0xffff;
	v19 =	vadd.f32 v25, v19  }
0x12e: {  	v23 =	vmul.f32 v23, v9;
	v25 =	vld.idx.msk [tilespmem:v14+s23+$0x4010 ss:$0x1], $0xffff;
	v17 =	vadd.f32 v20, v17;
	v20 =	vadd.f32 v30, v29  }
0x12f: {  	v29 =	vld.idx.msk [tilespmem:v14+s23+$0x4020 ss:$0x1], $0xffff;
	v27 =	vmax.f32 v27, $0.0e+00;
	v21 =	vadd.f32 v21, v26;
	v30 =	vadd.f32 v31, v24  }
0x130: {  	v48 =	vld.idx.msk [tilespmem:v16+s23+$0x4020 ss:$0x1], $0xffff;
	v26 =	vperm.xlane v19, v2;
	v17 =	vadd.f32 v18, v17;
	v18 =	vmax.f32 v20, $0.0e+00  }
0x131: {  	v40 =	vadd.f32 v60, v58;
	v31 =	vld.idx.msk [tilespmem:v15+s23+$0x4040 ss:$0x1], $0xffff;
	v20 =	vmul.f32 v27, v10;
	v18 =	vmul.f32 v18, v11  }
0x132: {  	v39 =	vld.idx.msk [tilespmem:v15+s28+$0x4070 ss:$0x1], $0xffff;
	v21 =	vmax.f32 v21, $0.0e+00;
	v30 =	vmax.f32 v30, $0.0e+00;
	v19 =	vadd.f32 v26, v19  }
0x133: {  	v27 =	vld.idx.msk [tilespmem:v15+s23+$0x4030 ss:$0x1], $0xffff;
	v23 =	vadd.f32 v23, v17;
	v21 =	vmul.f32 v21, v12;
	v17 =	vimm.f32 $0.0e+00  }
0x134: {  	v26 =	vld.idx.msk [tilespmem:v14+s23+$0x4030 ss:$0x1], $0xffff;
	v30 =	vmul.f32 v30, v5;
	v25 =	vadd.f32 v25, v22;
	v29 =	vadd.f32 v29, v28  }
0x135: {  	v62 =	vld.idx.msk [tilespmem:v14+s28+$0x4070 ss:$0x1], $0xffff;
	v28 =	vadd.f32 v48, v28;
	v43 =	vperm.xlane v19, v3;
	v20 =	vadd.f32 v20, v23  }
0x136: {  	v36 =	vld.idx.msk [tilespmem:v15+s23+$0x4070 ss:$0x1], $0xffff;
	v30 =	vadd.f32 $0.0e+00, v30;
	v33 =	vadd.f32 v33, v31;
	v25 =	vmax.f32 v25, $0.0e+00  }
0x137: {  	v23 =	vld.idx.msk [tilespmem:v15+s23+$0x4050 ss:$0x1], $0xffff;
	v29 =	vmax.f32 v29, $0.0e+00;
	v28 =	vmax.f32 v28, $0.0e+00;
	v19 =	vadd.f32 v43, v19  }
0x138: {  	v45 =	vld.idx.msk [tilespmem:v14+s23+$0x4070 ss:$0x1], $0xffff;
	v25 =	vmul.f32 v25, v6;
	v18 =	vadd.f32 v18, v20;
	v29 =	vmul.f32 v29, v7  }
0x139: {  	v50 =	vld.idx.msk [tilespmem:v16+s23+$0x4060 ss:$0x1], $0xffff;
	v33 =	vmax.f32 v33, $0.0e+00;
	v28 =	vmul.f32 v28, v7;
	v26 =	vadd.f32 v26, v27  }
0x13a: {  	v20 =	vld.idx.msk [tilespmem:v15+s23+$0x4060 ss:$0x1], $0xffff;
	v43 =	vadd.f32 v62, v39;
	v34 =	vperm.xlane v19, v4;
	v25 =	vadd.f32 v25, v30  }
0x13b: {  	v30 =	vmov s15;
	v18 =	vadd.f32 v21, v18;
	v26 =	vmax.f32 v26, $0.0e+00  }
0x13c: {  	v32 =	vadd.f32 v44, v23;
	v25 =	vadd.f32 v29, v25;
	v26 =	vmul.f32 v26, v8;
	v29 =	vld.idx.msk [tilespmem:v16+s23+$0x4000 ss:$0x1], $0xffff  }
0x13d: {  	vm0 =	veq.s32 v30, v0;
	v19 =	vadd.f32 v34, v19;
	v47 =	vperm.xlane v18, v1  }
0x13e: {  	v21 =	vld.idx.msk [tilespmem:v16+s23+$0x4010 ss:$0x1], $0xffff;
	v34 =	vadd.f32 v45, v36;
	v25 =	vadd.f32 v26, v25;
	v26 =	vmul.f32 v33, v9  }
0x13f: {  	v30 =	vmax.f32 v32, $0.0e+00;
	v46 =	vadd.f32 v35, v20;
	v20 =	vadd.f32 v50, v20  }
0x140: {  	v19 =	vsel vm0, v19, v17;
	v25 =	vadd.f32 v26, v25;
	v26 =	vmul.f32 v30, v10;
	v30 =	vld.idx.msk [tilespmem:v16+s23+$0x4030 ss:$0x1], $0xffff  }
0x141: {  	v18 =	vadd.f32 v18, v47;
	v32 =	vmax.f32 v46, $0.0e+00;
	v24 =	vadd.f32 v29, v24  }
0x142: {  	v49 =	vld.idx.msk [tilespmem:v16+s23+$0x4040 ss:$0x1], $0xffff;
	vm0 =	vmmov vm0;
	v25 =	vadd.f32 v26, v25;
	v26 =	vmul.f32 v32, v11  }
0x143: {  	v21 =	vadd.f32 v21, v22;
	v22 =	vmax.f32 v34, $0.0e+00;
	v24 =	vmax.f32 v24, $0.0e+00  }
0x144: {  	v22 =	vmul.f32 v22, v12;
	v25 =	vadd.f32 v26, v25;
	v26 =	vld.idx.msk [tilespmem:v16+s23+$0x4050 ss:$0x1], $0xffff;
	v24 =	vmul.f32 v24, v5  }
0x145: {  	v29 =	vperm.xlane v18, v2;
	v21 =	vmax.f32 v21, $0.0e+00;
	v27 =	vadd.f32 v30, v27  }
0x146: {  	v52 =	vld.idx.msk [tilespmem:v14+s28+$0x4000 ss:$0x1], $0xffff;
	v21 =	vmul.f32 v21, v6;
	v22 =	vadd.f32 v22, v25;
	v24 =	vadd.f32 $0.0e+00, v24  }
0x147: {  	v20 =	vmax.f32 v20, $0.0e+00;
	v18 =	vadd.f32 v18, v29;
	v30 =	vadd.f32 v49, v31;
	v31 =	vld.idx.msk [tilespmem:v15+s28+$0x4000 ss:$0x1], $0xffff  }
0x148: {  	v25 =	vld.idx.msk [tilespmem:v16+s23+$0x4070 ss:$0x1], $0xffff;
	v27 =	vmax.f32 v27, $0.0e+00;
	v51 =	vperm.xlane v22, v1;
	v21 =	vadd.f32 v21, v24  }
0x149: {  	v24 =	vmul.f32 v27, v8;
	v27 =	vmax.f32 v30, $0.0e+00;
	v30 =	vld.idx.msk [tilespmem:v15+s28+$0x4010 ss:$0x1], $0xffff;
	v23 =	vadd.f32 v26, v23  }
0x14a: {  	v26 =	vmul.f32 v27, v9;
	v27 =	vld.idx.msk [tilespmem:v14+s28+$0x4010 ss:$0x1], $0xffff;
	v22 =	vadd.f32 v51, v22;
	v21 =	vadd.f32 v28, v21  }
0x14b: {  	v54 =	vld.idx.msk [tilespmem:v14+s28+$0x4020 ss:$0x1], $0xffff;
	vm1 =	vmmov vm0;
	vm0 =	vmmov vm2;
	v59 =	vperm.xlane v18, v3  }
0x14c: {  	v20 =	vmul.f32 v20, v11;
	v28 =	vld.idx.msk [tilespmem:v15+s28+$0x4020 ss:$0x1], $0xffff;
	v53 =	vperm.xlane v22, v2;
	v21 =	vadd.f32 v24, v21  }
0x14d: {  	v56 =	vld.idx.msk [tilespmem:v14+s28+$0x4030 ss:$0x1], $0xffff;
	v18 =	vadd.f32 v18, v59;
	v55 =	vadd.f32 v52, v31;
	v23 =	vmax.f32 v23, $0.0e+00  }
0x14e: {  	v23 =	vmul.f32 v23, v10;
	v24 =	vld.idx.msk [tilespmem:v15+s28+$0x4030 ss:$0x1], $0xffff;
	v22 =	vadd.f32 v53, v22;
	v21 =	vadd.f32 v26, v21  }
0x14f: {  	v29 =	vld.idx.msk [tilespmem:v14+s28+$0x4040 ss:$0x1], $0xffff;
	v25 =	vadd.f32 v25, v36;
	v32 =	vmax.f32 v55, $0.0e+00;
	v27 =	vadd.f32 v27, v30  }
0x150: {  	v26 =	vld.idx.msk [tilespmem:v15+s28+$0x4040 ss:$0x1], $0xffff;
	v57 =	vperm.xlane v22, v3;
	v21 =	vadd.f32 v23, v21;
	v23 =	vmul.f32 v32, v5  }
0x151: {  	v25 =	vmax.f32 v25, $0.0e+00;
	v33 =	vadd.f32 v54, v28;
	v27 =	vmax.f32 v27, $0.0e+00  }
0x152: {  	v63 =	vld.idx.msk [tilespmem:v16+s28+$0x4000 ss:$0x1], $0xffff;
	v27 =	vmul.f32 v27, v6;
	v22 =	vadd.f32 v57, v22;
	v23 =	vadd.f32 $0.0e+00, v23  }
0x153: {  	v38 =	vld.idx.msk [tilespmem:v14+s28+$0x4060 ss:$0x1], $0xffff;
	v33 =	vmax.f32 v33, $0.0e+00;
	v34 =	vadd.f32 v56, v24;
	v20 =	vadd.f32 v20, v21  }
0x154: {  	v21 =	vld.idx.msk [tilespmem:v15+s28+$0x4060 ss:$0x1], $0xffff;
	v37 =	vperm.xlane v22, v4;
	v23 =	vadd.f32 v27, v23;
	v27 =	vmul.f32 v33, v7  }
0x155: {  	v25 =	vmul.f32 v25, v12;
	v34 =	vmax.f32 v34, $0.0e+00;
	v29 =	vadd.f32 v29, v26  }
0x156: {  	v22 =	vadd.f32 v37, v22;
	v23 =	vadd.f32 v27, v23;
	v27 =	vmul.f32 v34, v8  }
0x157: {  	v41 =	vld.idx.msk [tilespmem:v16+s28+$0x4020 ss:$0x1], $0xffff;
	v31 =	vadd.f32 v63, v31;
	v20 =	vadd.f32 v25, v20;
	v29 =	vmax.f32 v29, $0.0e+00  }
0x158: {  	v22 =	vsel vm2, v22, v19;
	v19 =	vld.idx.msk [tilespmem:v16+s28+$0x4010 ss:$0x1], $0xffff;
	v23 =	vadd.f32 v27, v23;
	v27 =	vmul.f32 v29, v9  }
0x159: {  	v25 =	vmax.f32 v40, $0.0e+00;
	v42 =	vperm.xlane v20, v1;
	v29 =	vadd.f32 v38, v21  }
0x15a: {  	v44 =	vperm.xlane v18, v4;
	v25 =	vmul.f32 v25, v10;
	v23 =	vadd.f32 v27, v23  }
0x15b: {  	v31 =	vmax.f32 v31, $0.0e+00;
	v20 =	vadd.f32 v20, v42;
	v27 =	vld.idx.msk [tilespmem:v16+s28+$0x4030 ss:$0x1], $0xffff;
	v29 =	vmax.f32 v29, $0.0e+00  }
0x15c: {  	v28 =	vadd.f32 v41, v28;
	v23 =	vadd.f32 v25, v23;
	v25 =	vmul.f32 v29, v11;
	v29 =	vld.idx.msk [tilespmem:v16+s28+$0x4040 ss:$0x1], $0xffff  }
0x15d: {  	s31 =	simm.s32 $0x180;
	s19 =	simm.s32 $0x2;
	v45 =	vperm.xlane v20, v2;
	v19 =	vadd.f32 v19, v30;
	v30 =	vmax.f32 v43, $0.0e+00  }
0x15e: {  	v48 =	vld.idx.msk [tilespmem:v14+s31+$0x4030 ss:$0x1], $0xffff;
	v54 =	vmov s19;
	v23 =	vadd.f32 v25, v23;
	v25 =	vmul.f32 v30, v12  }
0x15f: {  	v28 =	vmax.f32 v28, $0.0e+00;
	v20 =	vadd.f32 v20, v45;
	v30 =	vmul.f32 v31, v5;
	v31 =	vld.idx.msk [tilespmem:v16+s28+$0x4050 ss:$0x1], $0xffff  }
0x160: {  	v19 =	vmax.f32 v19, $0.0e+00;
	v24 =	vadd.f32 v27, v24;
	v27 =	vld.idx.msk [tilespmem:v16+s28+$0x4060 ss:$0x1], $0xffff;
	v23 =	vadd.f32 v25, v23  }
0x161: {  	v46 =	vld.idx.msk [tilespmem:v15+s31+$0x4000 ss:$0x1], $0xffff;
	v19 =	vmul.f32 v19, v6;
	v25 =	vadd.f32 $0.0e+00, v30;
	v26 =	vadd.f32 v29, v26  }
0x162: {  	v28 =	vmul.f32 v28, v7;
	vm2 =	veq.s32 v54, v0;
	v30 =	vld.idx.msk [tilespmem:v16+s28+$0x4070 ss:$0x1], $0xffff;
	v29 =	vperm.xlane v23, v1  }
0x163: {  	v51 =	vperm.xlane v20, v3;
	v19 =	vadd.f32 v19, v25;
	v25 =	vmax.f32 v26, $0.0e+00;
	v26 =	vld.idx.msk [tilespmem:v14+s31+$0x4000 ss:$0x1], $0xffff  }
0x164: {  	v24 =	vmax.f32 v24, $0.0e+00;
	v31 =	vadd.f32 v31, v58;
	v23 =	vadd.f32 v29, v23;
	v29 =	vld.idx.msk [tilespmem:v15+s31+$0x4010 ss:$0x1], $0xffff  }
0x165: {  	v24 =	vmul.f32 v24, v8;
	v19 =	vadd.f32 v28, v19;
	v21 =	vadd.f32 v27, v21;
	v27 =	vld.idx.msk [tilespmem:v14+s31+$0x4010 ss:$0x1], $0xffff  }
0x166: {  	v47 =	vld.idx.msk [tilespmem:v15+s31+$0x4020 ss:$0x1], $0xffff;
	v25 =	vmul.f32 v25, v9;
	v28 =	vmax.f32 v31, $0.0e+00;
	v31 =	vperm.xlane v23, v2  }
0x167: {  	v30 =	vadd.f32 v30, v39;
	v19 =	vadd.f32 v24, v19;
	v24 =	vmul.f32 v28, v10;
	v28 =	vld.idx.msk [tilespmem:v14+s31+$0x4020 ss:$0x1], $0xffff  }
0x168: {  	v50 =	vld.idx.msk [tilespmem:v15+s31+$0x4040 ss:$0x1], $0xffff;
	v21 =	vmax.f32 v21, $0.0e+00;
	v23 =	vadd.f32 v31, v23;
	v26 =	vadd.f32 v26, v46  }
0x169: {  	v21 =	vmul.f32 v21, v11;
	v31 =	vld.idx.msk [tilespmem:v15+s31+$0x4030 ss:$0x1], $0xffff;
	v25 =	vadd.f32 v25, v19;
	v19 =	vadd.f32 v18, v44  }
0x16a: {  	v52 =	vld.idx.msk [tilespmem:v14+s31+$0x4050 ss:$0x1], $0xffff;
	v49 =	vperm.xlane v23, v3;
	v18 =	vmax.f32 v26, $0.0e+00;
	v26 =	vadd.f32 v27, v29  }
0x16b: {  	v30 =	vmax.f32 v30, $0.0e+00;
	v24 =	vadd.f32 v24, v25;
	v27 =	vld.idx.msk [tilespmem:v14+s31+$0x4040 ss:$0x1], $0xffff;
	v18 =	vmul.f32 v18, v5  }
0x16c: {  	v55 =	vld.idx.msk [tilespmem:v14+s31+$0x4070 ss:$0x1], $0xffff;
	v28 =	vadd.f32 v28, v47;
	v23 =	vadd.f32 v49, v23;
	v26 =	vmax.f32 v26, $0.0e+00  }
0x16d: {  	v25 =	vld.idx.msk [tilespmem:v15+s31+$0x4050 ss:$0x1], $0xffff;
	v21 =	vadd.f32 v21, v24;
	v18 =	vadd.f32 $0.0e+00, v18;
	v24 =	vmul.f32 v26, v6  }
0x16e: {  	v40 =	vld.idx.msk [tilespmem:v14+s31+$0x4060 ss:$0x1], $0xffff;
	v28 =	vmax.f32 v28, $0.0e+00;
	v36 =	vadd.f32 v48, v31;
	v53 =	vperm.xlane v23, v4  }
0x16f: {  	v30 =	vmul.f32 v30, v12;
	v26 =	vld.idx.msk [tilespmem:v15+s31+$0x4060 ss:$0x1], $0xffff;
	v28 =	vmul.f32 v28, v7;
	v18 =	vadd.f32 v24, v18  }
0x170: {  	v58 =	vld.idx.msk [tilespmem:v16+s31+$0x4020 ss:$0x1], $0xffff;
	v36 =	vmax.f32 v36, $0.0e+00;
	v27 =	vadd.f32 v27, v50;
	v23 =	vadd.f32 v53, v23  }
0x171: {  	v30 =	vadd.f32 v30, v21;
	v24 =	vld.idx.msk [tilespmem:v15+s31+$0x4070 ss:$0x1], $0xffff;
	v36 =	vmul.f32 v36, v8;
	v28 =	vadd.f32 v28, v18  }
0x172: {  	v18 =	vsel vm2, v23, v22;
	v23 =	vld.idx.msk [tilespmem:v16+s31+$0x4000 ss:$0x1], $0xffff;
	v22 =	vmax.f32 v27, $0.0e+00;
	v27 =	vadd.f32 v52, v25  }
0x173: {  	v56 =	vld.idx.msk [tilespmem:v16+s31+$0x4010 ss:$0x1], $0xffff;
	v20 =	vadd.f32 v20, v51;
	v21 =	vadd.f32 v36, v28;
	v22 =	vmul.f32 v22, v9  }
0x174: {  	v57 =	vperm.xlane v30, v1;
	v28 =	vadd.f32 v40, v26;
	v27 =	vmax.f32 v27, $0.0e+00  }
0x175: {  	v32 =	vadd.f32 v58, v47;
	v59 =	vadd.f32 v22, v21;
	v27 =	vmul.f32 v27, v10  }
0x176: {  	v60 =	vld.idx.msk [tilespmem:v16+s31+$0x4030 ss:$0x1], $0xffff;
	v38 =	vadd.f32 v55, v24;
	v28 =	vmax.f32 v28, $0.0e+00;
	v22 =	vadd.f32 v30, v57  }
0x177: {  	v41 =	vld.idx.msk [tilespmem:v16+s31+$0x4040 ss:$0x1], $0xffff;
	v28 =	vmul.f32 v28, v11;
	v30 =	vadd.f32 v23, v46;
	v27 =	vadd.f32 v27, v59  }
0x178: {  	v29 =	vadd.f32 v56, v29;
	v32 =	vmax.f32 v32, $0.0e+00;
	v61 =	vmax.f32 v38, $0.0e+00  }
0x179: {  	v35 =	vmax.f32 v30, $0.0e+00;
	v27 =	vadd.f32 v28, v27;
	v28 =	vmul.f32 v61, v12  }
0x17a: {  	v32 =	vmul.f32 v32, v7;
	v62 =	vmax.f32 v29, $0.0e+00;
	v29 =	vld.idx.msk [tilespmem:v16+s31+$0x4060 ss:$0x1], $0xffff;
	v35 =	vmul.f32 v35, v5  }
0x17b: {  	v33 =	vmul.f32 v62, v6;
	v63 =	vadd.f32 v60, v31;
	v30 =	vld.idx.msk [tilespmem:v16+s31+$0x4050 ss:$0x1], $0xffff;
	v31 =	vadd.f32 v28, v27  }
0x17c: {  	s21 =	simm.s32 $0x200;
	v36 =	vadd.f32 v41, v50;
	v21 =	vperm.xlane v20, v4;
	v28 =	vld.idx.msk [tilespmem:v16+s31+$0x4070 ss:$0x1], $0xffff;
	v35 =	vadd.f32 $0.0e+00, v35  }
0x17d: {  	s0 =	simm.s32 $0xA00;
	v37 =	vmax.f32 v63, $0.0e+00;
	v23 =	vperm.xlane v22, v2;
	v27 =	vld.idx.msk [tilespmem:v15+s21+$0x4000 ss:$0x1], $0xffff;
	v34 =	vperm.xlane v31, v1  }
.LBB2_8:
0x17e: {  	v33 =	vadd.f32 v33, v35;
	v35 =	vmul.f32 v37, v8;
	v36 =	vmax.f32 v36, $0.0e+00  }
0x17f: {  	p0 =	sne.s32 s0, $0x1E00;
	v38 =	vld.idx.msk [tilespmem:v14+s21+$0x4000 ss:$0x1], $0xffff;
	vm3 =	vmmov vm1;
	vm1 =	vmmov vm0;
	vm0 =	vmmov vm2  }
0x180: {  	v25 =	vadd.f32 v30, v25;
	v37 =	vld.idx.msk [tilespmem:v15+s21+$0x4010 ss:$0x1], $0xffff;
	v36 =	vmul.f32 v36, v9;
	v30 =	vadd.f32 v34, v31  }
0x181: {  	v26 =	vadd.f32 v29, v26;
	v17 =	vsel vm3, v19, v17;
	v31 =	vld.idx.msk [tilespmem:v14+s21+$0x4010 ss:$0x1], $0xffff;
	v32 =	vadd.f32 v32, v33  }
0x182: {  	v24 =	vadd.f32 v28, v24;
	v19 =	vmax.f32 v25, $0.0e+00;
	v33 =	vld.idx.msk [tilespmem:v15+s21+$0x4020 ss:$0x1], $0xffff;
	v25 =	vperm.xlane v30, v2  }
0x183: {  	v28 =	vld.idx.msk [tilespmem:v14+s21+$0x4020 ss:$0x1], $0xffff;
	v29 =	vadd.f32 v35, v32;
	v32 =	vmul.f32 v19, v10;
	v19 =	vmax.f32 v26, $0.0e+00  }
0x184: {  	v34 =	vld.idx.msk [tilespmem:v15+s21+$0x4030 ss:$0x1], $0xffff;
	v26 =	vmul.f32 v19, v11;
	v19 =	vmax.f32 v24, $0.0e+00;
	v24 =	vadd.f32 v25, v30  }
0x185: {  	v25 =	vadd.f32 v38, v27;
	v30 =	vld.idx.msk [tilespmem:v14+s21+$0x4030 ss:$0x1], $0xffff;
	v29 =	vadd.f32 v36, v29;
	v35 =	vmul.f32 v19, v12  }
0x186: {  	v22 =	vadd.f32 v22, v23;
	v19 =	vadd.f32 v20, v21;
	v36 =	vld.idx.msk [tilespmem:v15+s21+$0x4040 ss:$0x1], $0xffff;
	v38 =	vperm.xlane v24, v3  }
0x187: {  	v20 =	vmax.f32 v25, $0.0e+00;
	v21 =	vadd.f32 v31, v37;
	v23 =	vld.idx.msk [tilespmem:v14+s21+$0x4040 ss:$0x1], $0xffff;
	v29 =	vadd.f32 v32, v29  }
0x188: {  	v20 =	vmul.f32 v20, v5;
	v32 =	vperm.xlane v22, v3;
	v25 =	vld.idx.msk [tilespmem:v15+s21+$0x4050 ss:$0x1], $0xffff;
	v31 =	vadd.f32 v38, v24  }
0x189: {  	v21 =	vmax.f32 v21, $0.0e+00;
	v24 =	vadd.f32 v28, v33;
	v28 =	vld.idx.msk [tilespmem:v14+s21+$0x4050 ss:$0x1], $0xffff;
	v29 =	vadd.f32 v26, v29  }
0x18a: {  	s19 =	sadd.s32 $0x1, s19;
	v20 =	vadd.f32 $0.0e+00, v20;
	v21 =	vmul.f32 v21, v6;
	v26 =	vld.idx.msk [tilespmem:v15+s21+$0x4060 ss:$0x1], $0xffff;
	v38 =	vperm.xlane v31, v4  }
0x18b: {  	v40 =	vmov s19;
	v24 =	vmax.f32 v24, $0.0e+00;
	v30 =	vadd.f32 v30, v34;
	v39 =	vld.idx.msk [tilespmem:v14+s21+$0x4060 ss:$0x1], $0xffff  }
0x18c: {  	v20 =	vadd.f32 v21, v20;
	v21 =	vmul.f32 v24, v7;
	v24 =	vld.idx.msk [tilespmem:v15+s21+$0x4070 ss:$0x1], $0xffff;
	v31 =	vadd.f32 v38, v31  }
0x18d: {  	vm2 =	veq.s32 v40, v0;
	v30 =	vmax.f32 v30, $0.0e+00;
	v23 =	vadd.f32 v23, v36;
	v38 =	vld.idx.msk [tilespmem:v14+s21+$0x4070 ss:$0x1], $0xffff  }
0x18e: {  	v20 =	vadd.f32 v21, v20;
	v21 =	vmul.f32 v30, v8;
	v40 =	vld.idx.msk [tilespmem:v16+s21+$0x4000 ss:$0x1], $0xffff;
	v18 =	vsel vm2, v31, v18  }
0x18f: {  	v29 =	vadd.f32 v35, v29;
	v23 =	vmax.f32 v23, $0.0e+00;
	v28 =	vadd.f32 v28, v25;
	v31 =	vld.idx.msk [tilespmem:v16+s21+$0x4010 ss:$0x1], $0xffff  }
0x190: {  	v21 =	vadd.f32 v21, v20;
	v23 =	vmul.f32 v23, v9;
	v20 =	vadd.f32 v22, v32;
	v35 =	vld.idx.msk [tilespmem:v16+s21+$0x4020 ss:$0x1], $0xffff  }
0x191: {  	v22 =	vmax.f32 v28, $0.0e+00;
	v28 =	vadd.f32 v39, v26;
	v39 =	vperm.xlane v29, v1;
	v32 =	vld.idx.msk [tilespmem:v16+s21+$0x4030 ss:$0x1], $0xffff  }
0x192: {  	v23 =	vadd.f32 v23, v21;
	v42 =	vmul.f32 v22, v10;
	v21 =	vperm.xlane v20, v4;
	v41 =	vld.idx.msk [tilespmem:v16+s21+$0x4040 ss:$0x1], $0xffff  }
0x193: {  	v28 =	vmax.f32 v28, $0.0e+00;
	v38 =	vadd.f32 v38, v24;
	v22 =	vadd.f32 v29, v39;
	v30 =	vld.idx.msk [tilespmem:v16+s21+$0x4050 ss:$0x1], $0xffff  }
0x194: {  	v27 =	vadd.f32 v40, v27;
	v39 =	vadd.f32 v42, v23;
	v40 =	vmul.f32 v28, v11;
	v29 =	vld.idx.msk [tilespmem:v16+s21+$0x4060 ss:$0x1], $0xffff  }
0x195: {  	v31 =	vadd.f32 v31, v37;
	v37 =	vmax.f32 v38, $0.0e+00;
	v23 =	vperm.xlane v22, v2;
	v28 =	vld.idx.msk [tilespmem:v16+s21+$0x4070 ss:$0x1], $0xffff  }
.Ltmp2:
0x196: {  	v27 =	vmax.f32 v27, $0.0e+00;
	v38 =	vadd.f32 v40, v39;
	v37 =	vmul.f32 v37, v12;
	(pc) =	sbr.rel @p0 .LBB2_8-.Ltmp2, $4  }
0x197: {  	v39 =	vadd.f32 v35, v33;
	v27 =	vmul.f32 v27, v5;
	v31 =	vmax.f32 v31, $0.0e+00  }
0x198: {  	v34 =	vadd.f32 v32, v34;
	v33 =	vmul.f32 v31, v6;
	v31 =	vadd.f32 v37, v38  }
0x199: {  	s21 =	sshra.s32 s0, $0x2;
	v32 =	vmax.f32 v39, $0.0e+00;
	v36 =	vadd.f32 v41, v36;
	v35 =	vadd.f32 $0.0e+00, v27  }
0x19a: {  	s0 =	sadd.s32 $0x200, s0;
	v32 =	vmul.f32 v32, v7;
	v37 =	vmax.f32 v34, $0.0e+00;
	v34 =	vperm.xlane v31, v1;
	v27 =	vld.idx.msk [tilespmem:v15+s21+$0x4000 ss:$0x1], $0xffff  }
0x19b: {  	_ =	sdelay $0x3  }
0x19c: {  	v38 =	vld.idx.msk [tilespmem:v14+s21+$0x4000 ss:$0x1], $0xffff  }
0x19d: {  	v39 =	vld.idx.msk [tilespmem:v15+s21+$0x4010 ss:$0x1], $0xffff  }
0x19e: {  	v40 =	vld.idx.msk [tilespmem:v14+s21+$0x4010 ss:$0x1], $0xffff  }
0x19f: {  	v41 =	vld.idx.msk [tilespmem:v15+s21+$0x4020 ss:$0x1], $0xffff  }
0x1a0: {  	v61 =	vld.idx.msk [tilespmem:v14+s21+$0x4020 ss:$0x1], $0xffff  }
0x1a1: {  	v33 =	vadd.f32 v33, v35;
	v62 =	vld.idx.msk [tilespmem:v15+s21+$0x4030 ss:$0x1], $0xffff  }
0x1a2: {  	v36 =	vmax.f32 v36, $0.0e+00;
	v25 =	vadd.f32 v30, v25;
	v37 =	vmul.f32 v37, v8;
	v63 =	vld.idx.msk [tilespmem:v14+s21+$0x4030 ss:$0x1], $0xffff  }
0x1a3: {  	v26 =	vadd.f32 v29, v26;
	v46 =	vld.idx.msk [tilespmem:v15+s21+$0x4040 ss:$0x1], $0xffff;
	v24 =	vadd.f32 v28, v24;
	vm1 =	vmmov vm1  }
0x1a4: {  	v48 =	vld.idx.msk [tilespmem:v16+s21+$0x4000 ss:$0x1], $0xffff;
	vm0 =	vmmov vm0;
	vm2 =	vmmov vm2;
	v36 =	vmul.f32 v36, v9  }
0x1a5: {  	v49 =	vld.idx.msk [tilespmem:v16+s21+$0x4010 ss:$0x1], $0xffff;
	v31 =	vadd.f32 v34, v31;
	v32 =	vadd.f32 v32, v33;
	v25 =	vmax.f32 v25, $0.0e+00  }
0x1a6: {  	v52 =	vld.idx.msk [tilespmem:v16+s21+$0x4030 ss:$0x1], $0xffff;
	v26 =	vmax.f32 v26, $0.0e+00;
	v24 =	vmax.f32 v24, $0.0e+00;
	v25 =	vmul.f32 v25, v10  }
0x1a7: {  	v47 =	vld.idx.msk [tilespmem:v14+s21+$0x4040 ss:$0x1], $0xffff;
	v26 =	vmul.f32 v26, v11;
	v32 =	vadd.f32 v37, v32;
	v38 =	vadd.f32 v38, v27  }
0x1a8: {  	v56 =	vld.idx.msk [tilespmem:v16+s21+$0x4040 ss:$0x1], $0xffff;
	v24 =	vmul.f32 v24, v12;
	v45 =	vadd.f32 v40, v39;
	v35 =	vadd.f32 v61, v41  }
0x1a9: {  	v34 =	vadd.f32 v63, v62;
	v55 =	vadd.f32 v48, v27;
	v44 =	vmax.f32 v38, $0.0e+00  }
0x1aa: {  	v50 =	vld.idx.msk [tilespmem:v16+s21+$0x4020 ss:$0x1], $0xffff;
	v58 =	vadd.f32 v49, v39;
	v32 =	vadd.f32 v36, v32;
	v33 =	vmul.f32 v44, v5  }
0x1ab: {  	v54 =	vld.idx.msk [tilespmem:v15+s21+$0x4050 ss:$0x1], $0xffff;
	v30 =	vadd.f32 v52, v62;
	v38 =	vmax.f32 v45, $0.0e+00;
	v35 =	vmax.f32 v35, $0.0e+00  }
0x1ac: {  	v57 =	vld.idx.msk [tilespmem:v14+s21+$0x4050 ss:$0x1], $0xffff;
	v38 =	vmul.f32 v38, v6;
	v25 =	vadd.f32 v25, v32;
	v33 =	vadd.f32 $0.0e+00, v33  }
0x1ad: {  	v60 =	vld.idx.msk [tilespmem:v15+s21+$0x4060 ss:$0x1], $0xffff;
	v37 =	vadd.f32 v47, v46;
	v27 =	vadd.f32 v56, v46;
	v35 =	vmul.f32 v35, v7  }
0x1ae: {  	v15 =	vld.idx.msk [tilespmem:v15+s21+$0x4070 ss:$0x1], $0xffff;
	v25 =	vadd.f32 v26, v25;
	v26 =	vmax.f32 v55, $0.0e+00;
	v33 =	vadd.f32 v38, v33  }
0x1af: {  	v61 =	vld.idx.msk [tilespmem:v14+s21+$0x4060 ss:$0x1], $0xffff;
	v51 =	vmax.f32 v34, $0.0e+00;
	v37 =	vmax.f32 v37, $0.0e+00;
	v26 =	vmul.f32 v26, v5  }
0x1b0: {  	v62 =	vld.idx.msk [tilespmem:v16+s21+$0x4050 ss:$0x1], $0xffff;
	v38 =	vadd.f32 v50, v41;
	v53 =	vadd.f32 v35, v33;
	v35 =	vmax.f32 v58, $0.0e+00  }
0x1b1: {  	v63 =	vld.idx.msk [tilespmem:v16+s21+$0x4060 ss:$0x1], $0xffff;
	v32 =	vmul.f32 v51, v8;
	v26 =	vadd.f32 $0.0e+00, v26;
	v35 =	vmul.f32 v35, v6  }
0x1b2: {  	v14 =	vld.idx.msk [tilespmem:v14+s21+$0x4070 ss:$0x1], $0xffff;
	v30 =	vmax.f32 v30, $0.0e+00;
	v37 =	vmul.f32 v37, v9;
	v38 =	vmax.f32 v38, $0.0e+00  }
0x1b3: {  	v38 =	vmul.f32 v38, v7;
	v28 =	vadd.f32 v32, v53;
	v26 =	vadd.f32 v35, v26  }
0x1b4: {  	v27 =	vmax.f32 v27, $0.0e+00;
	v34 =	vadd.f32 v61, v60;
	v32 =	vadd.f32 v57, v54  }
0x1b5: {  	v30 =	vmul.f32 v30, v8;
	v28 =	vadd.f32 v37, v28;
	v37 =	vld.idx.msk [tilespmem:v16+s21+$0x4070 ss:$0x1], $0xffff;
	v26 =	vadd.f32 v38, v26  }
0x1b6: {  	v27 =	vmul.f32 v27, v9;
	v29 =	vadd.f32 v62, v54;
	v40 =	vadd.f32 v63, v60  }
0x1b7: {  	v14 =	vadd.f32 v14, v15;
	v32 =	vmax.f32 v32, $0.0e+00;
	v26 =	vadd.f32 v30, v26  }
0x1b8: {  	v29 =	vmax.f32 v29, $0.0e+00;
	v42 =	vmax.f32 v40, $0.0e+00;
	v32 =	vmul.f32 v32, v10  }
0x1b9: {  	v29 =	vmul.f32 v29, v10;
	v38 =	vmax.f32 v34, $0.0e+00;
	v26 =	vadd.f32 v27, v26  }
0x1ba: {  	v41 =	vmul.f32 v38, v11;
	v28 =	vadd.f32 v32, v28;
	v15 =	vadd.f32 v37, v15  }
0x1bb: {  	v14 =	vmax.f32 v14, $0.0e+00;
	v16 =	vmul.f32 v42, v11;
	v26 =	vadd.f32 v29, v26  }
0x1bc: {  	v14 =	vmul.f32 v14, v12;
	v27 =	vadd.f32 v41, v28;
	v15 =	vmax.f32 v15, $0.0e+00  }
0x1bd: {  	v22 =	vadd.f32 v22, v23;
	v15 =	vmul.f32 v15, v12;
	v16 =	vadd.f32 v16, v26  }
0x1be: {  	v59 =	vperm.xlane v31, v2;
	v24 =	vadd.f32 v24, v25;
	v14 =	vadd.f32 v14, v27  }
0x1bf: {  	v20 =	vadd.f32 v20, v21;
	v17 =	vsel vm1, v19, v17;
	v15 =	vadd.f32 v15, v16  }
0x1c0: {  	v43 =	vadd.f32 v59, v31;
	v45 =	vperm.xlane v24, v1;
	v46 =	vperm.xlane v14, v1  }
0x1c1: {  	vm0 =	vmmov vm0;
	v49 =	vperm.xlane v22, v3;
	v48 =	vperm.xlane v15, v1  }
0x1c2: {  	v44 =	vperm.xlane v43, v3;
	v16 =	vadd.f32 v24, v45;
	v14 =	vadd.f32 v46, v14  }
0x1c3: {  	vm2 =	vmmov vm2;
	v19 =	vadd.f32 v22, v49;
	v15 =	vadd.f32 v15, v48  }
0x1c4: {  	v47 =	vadd.f32 v44, v43;
	v51 =	vperm.xlane v16, v2;
	v52 =	vperm.xlane v14, v2  }
0x1c5: {  	v17 =	vsel vm0, v20, v17;
	v55 =	vperm.xlane v19, v4;
	v53 =	vperm.xlane v15, v2  }
0x1c6: {  	v50 =	vperm.xlane v47, v4;
	v14 =	vadd.f32 v52, v14;
	v16 =	vadd.f32 v16, v51  }
0x1c7: {  	vm2 =	vmmov vm2;
	v19 =	vadd.f32 v19, v55;
	v15 =	vadd.f32 v15, v53  }
0x1c8: {  	s0 =	sadd.s32 $0x1, s19;
	v23 =	vadd.f32 v50, v47;
	v56 =	vperm.xlane v14, v3;
	v57 =	vperm.xlane v16, v3  }
0x1c9: {  	v17 =	vsel vm2, v19, v17;
	v54 =	vmov s0;
	v58 =	vperm.xlane v15, v3  }
0x1ca: {  	s0 =	sadd.s32 $0x1, s0;
	vm13 =	veq.s32 v54, v0;
	v14 =	vadd.f32 v56, v14;
	v16 =	vadd.f32 v16, v57  }
0x1cb: {  	v59 =	vmov s0;
	vm3 =	vmmov vm13;
	v15 =	vadd.f32 v15, v58  }
0x1cc: {  	vm14 =	veq.s32 v59, v0;
	v60 =	vperm.xlane v14, v4;
	v61 =	vperm.xlane v16, v4  }
0x1cd: {  	v63 =	vsel vm13, v23, v18;
	vm3 =	vmmov vm3;
	v62 =	vperm.xlane v15, v4  }
0x1ce: {  	s31 =	sshll.u32 s18, $0x4;
	s18 =	sadd.s32 $0x1, s18;
	vm15 =	vmmov vm14;
	v16 =	vadd.f32 v16, v61;
	v14 =	vadd.f32 v60, v14  }
0x1cf: {  	p0 =	sne.s32 s18, $0x8;
	vm3 =	vmmov vm3;
	vm2 =	vmmov vm15;
	v15 =	vadd.f32 v15, v62  }
.Ltmp3:
0x1d0: {  	vm2 =	vmmov vm2;
	v16 =	vsel vm3, v16, v17;
	v14 =	vsel vm14, v14, v63;
	(pc) =	sbr.rel @p0 .LBB2_7-.Ltmp3, $4  }
0x1d1: {  	v14 =	vadd.f32 v14, v13;
	v15 =	vsel vm2, v15, v16  }
0x1d2: {  	v15 =	vadd.f32 v15, v13  }
0x1d3: {  	[tilespmem:s31+$0x18480] =	vst v14  }
0x1d4: {  	s16 =	sadd.s32 $0x800, s16;
	s17 =	sadd.s32 $0x800, s17;
	s26 =	sadd.s32 $0x800, s26;
	[tilespmem:s31+$0x18380] =	vst v15  }
0x1d5: {  	s14 =	sadd.s32 $0x1, s14  }
0x1d6: {  	s0 =	sadd.s32 s11, s25;
	p0 =	sne.s32 s14, s20  }
.Ltmp4:
0x1d7: {  	s0 =	sshll.u32 s0, $0x4;
	(pc) =	sbr.rel @p0 .LBB2_2-.Ltmp4, $4  }
0x1d8: {  	s7 =	sadd.s32 s10, s0  }
0x1d9: {  	[hbm4b:s7+s3] =	stream.linear.scatter [tilespmem:s29], [sflag:$0x6], $0x80, $0x38;
	[tilespmem:$0x18600] =	vst v63  }
0x1da: {  	s0 =	sadd.s32 s12, s0  }
0x1db: {  	[hbm4b:s0+s3] =	stream.linear.scatter [tilespmem:s30], [sflag:$0x6], $0x80, $0x38;
	[tilespmem:$0x18600] =	vst v63  }
0x1dc: {  	s0 =	simm.s32 $0x5  }
0x1dd: {  	_ =	swait.ge [sflag:s0], $0x80  }
0x1de: {  	[sflag:s0] =	ssyncset.done $0x0  }
0x1df: {  	[sflag:s0] =	ssyncadd.s32 $0xFFFFFF80  }
0x1e0: {  	_ =	swait.ge [sflag:s0], $0x80  }
0x1e1: {  	[sflag:s0] =	ssyncset.done $0x0  }
0x1e2: {  	s7 =	simm.s32 $0x6;
	[sflag:s0] =	ssyncadd.s32 $0xFFFFFF80  }
0x1e3: {  	_ =	swait.ge [sflag:s7], $0x80  }
0x1e4: {  	[sflag:s7] =	ssyncset.done $0x0  }
0x1e5: {  	[sflag:s7] =	ssyncadd.s32 $0xFFFFFF80  }
0x1e6: {  	_ =	swait.ge [sflag:s7], $0x80  }
0x1e7: {  	s14 =	rddreg [dreg:$0xb]  }
0x1e8: {  	s31 =	rddreg [dreg:$0xa];
	s14 =	sadd.s32 $0x1, s14  }
0x1e9: {  	p0 =	sne.s32 s14, s31  }
.Ltmp5:
0x1ea: {  	_ = 	snop;
	(pc) =	sbr.rel @p0 .LBB2_1-.Ltmp5, $3  }
0x1eb: {  	_ =	sdelay $0x1  }
0x1ec: {  	[sflag:s7] =	ssyncset.done $0x0  }
0x1ed: {  	[sflag:s7] =	ssyncadd.s32 $0xFFFFFF80  }
0x1ee: {  	_ =	sfence.sel $0x180000  }
0x1ef: {  	[bflag:$0x0] =	sbarrier.arrive $0xFFFF  }
0x1f0: {  	_ =	strace $0x9000004A  }
0x1f1: {  	s0 =	stileid.u32;
	[bflag:$0x2] =	sbarrier.arrive $0xFFFF  }
0x1f2: {  	p0 =	sne.s32 s0, $0x0;
	s0 =	rddreg [dreg:$0x3]  }
0x1f3: {  	s0 =	sadd.s32 @!p0 $0x100000, s0  }
0x1f4: {  	[sflag:s0] =	ssyncadd.tile.s32 @!p0 $0x1;
	_ =	shalt  }
.Lfunc_end2:
_tile_overlayer_lowered:
.L_overlay_start_2:
0x1f5: {  	(tag) =	ssettag $0x2  }
0x1f6: {  	s0 =	rddreg [dreg:$0x0];
	s2 =	stileid.u32  }
0x1f7: {  	s1 =	rddreg [dreg:$0x1];
	p0 =	sne.s32 s2, $0x0  }
0x1f8: {  	s3 =	rddreg [dreg:$0x2];
	[bflag:$0x3] =	sbarrier.arrive $0xFFFF;
	s2 =	simm.s32 @!p0 $0x1C07  }
0x1f9: {  	[timem:s3], [sflag:s2] =	dma.local @!p0 [hbm:s0], s1  }
0x1fa: {  	s0 =	simm.s32 @!p0 $0x7  }
0x1fb: {  	_ =	swait.ge @!p0 [sflag:s0], s1  }
0x1fc: {  	s1 =	ssub.s32 @!p0 $0x0, s1;
	[sflag:s0] =	ssyncset.done @!p0 $0x0  }
0x1fd: {  	[sflag:s0] =	ssyncadd.s32 @!p0 s1  }
0x1fe: {  	[bflag:$0x3] =	sbarrier.arrive $0xFFFF  }
0x1ff: {  	_ =	shalt  }

</sc_bundles>
